<compile_context>
chip_gen: v7x
topology: tpu7x:2x2x1
jax: 0.10.2.dev20260603
libtpu: 0.0.44.dev20260713+nightly
codegen_flags: <defaults>
</compile_context>

<pallas_src>
import functools

import jax
import jax.numpy as jnp
from jax import lax
from jax.experimental import pallas as pl
from jax.experimental.pallas import tpu as pltpu
from jax.experimental.pallas import tpu_sc as plsc

N = 10000
DEG = 16
E = 160000
EDEG = 4
DN = 128
DE = 16
H = 128

NTILES = 32

ECHUNK = 1000
E_CHUNKS_PER_TILE = E // ECHUNK // NTILES
E8 = E // 8

NCHUNK = 128
N_PAD = 10240
N_CHUNKS = N_PAD // NCHUNK

_mesh = plsc.VectorSubcoreMesh(core_axis_name="c", subcore_axis_name="s")


def _wid():
    return lax.axis_index("c") * 16 + lax.axis_index("s")


def _edge_gather_body(ef_hbm, enf_hbm, out_hbm, idxs, buf_v, own_v, acc_v,
                      isem, gsem, osem, wsem):
    wid = _wid()
    nc = E_CHUNKS_PER_TILE

    for c in range(nc):
        base = (wid * nc + c) * ECHUNK
        pltpu.async_copy(enf_hbm.at[pl.ds(base * EDEG, ECHUNK * EDEG)],
                         idxs[c], isem)

    def chunk_body(c, _):
        base = (wid * nc + c) * ECHUNK

        pltpu.make_async_copy(
            enf_hbm.at[pl.ds(0, ECHUNK * EDEG)], idxs[0], isem).wait()
        down = pltpu.async_copy(ef_hbm.at[pl.ds(base, ECHUNK)], own_v, wsem)
        for c2 in range(nc):
            @pl.when(c2 == c)
            def _fire(c2=c2):
                pltpu.async_copy(ef_hbm.at[idxs[c2]], buf_v, gsem)
        pltpu.make_async_copy(ef_hbm.at[idxs[0]], buf_v, gsem).wait()
        down.wait()

        def row_body(r, _):
            for u in range(8):
                e = r * 8 + u
                acc_v[e, :] = (own_v[e, :] + buf_v[4 * e, :]
                               + buf_v[4 * e + 1, :] + buf_v[4 * e + 2, :]
                               + buf_v[4 * e + 3, :])
            return _

        lax.fori_loop(0, ECHUNK // 8, row_body, None)
        g = wid * nc + c
        row0 = (g // 8) * ECHUNK
        col0 = pl.multiple_of((g % 8) * DE, DE)
        pltpu.async_copy(
            acc_v, out_hbm.at[pl.ds(row0, ECHUNK), pl.ds(col0, DE)], osem)
        pltpu.make_async_copy(
            acc_v, out_hbm.at[pl.ds(0, ECHUNK), pl.ds(0, DE)], osem).wait()
        return _

    lax.fori_loop(0, nc, chunk_body, None)


@functools.partial(
    pl.kernel,
    out_type=jax.ShapeDtypeStruct((E8, 128), jnp.float32),
    mesh=_mesh,
    scratch_types=[
        [pltpu.VMEM((ECHUNK * EDEG,), jnp.int32)
         for _ in range(E_CHUNKS_PER_TILE)],
        pltpu.VMEM((ECHUNK * EDEG, DE), jnp.float32),
        pltpu.VMEM((ECHUNK, DE), jnp.float32),
        pltpu.VMEM((ECHUNK, DE), jnp.float32),
        pltpu.SemaphoreType.DMA,
        pltpu.SemaphoreType.DMA,
        pltpu.SemaphoreType.DMA,
        pltpu.SemaphoreType.DMA,
    ],
    compiler_params=pltpu.CompilerParams(use_tc_tiling_on_sc=False),
)
def _edge_gather(ef_hbm, enf_hbm, out_hbm, idxs, buf_v, own_v, acc_v,
                 isem, gsem, osem, wsem):
    _edge_gather_body(ef_hbm, enf_hbm, out_hbm, idxs, buf_v, own_v, acc_v,
                      isem, gsem, osem, wsem)


NWN = (DEG + 1) * NCHUNK
NWE = DEG * NCHUNK


def _node_fire_idx(nnt, net, idxn, idxe, isem, c):
    pltpu.async_copy(nnt.at[pl.ds(c * NWN, NWN)], idxn, isem)
    pltpu.async_copy(net.at[pl.ds(c * NWE, NWE)], idxe, isem)


def _node_drain_idx(nnt, net, idxn, idxe, isem):
    pltpu.make_async_copy(nnt.at[pl.ds(0, NWN)], idxn, isem).wait()
    pltpu.make_async_copy(net.at[pl.ds(0, NWE)], idxe, isem).wait()


def _node_zero(accn, acce):
    zero16 = jnp.zeros((16,), jnp.float32)

    def zrow(r, _):
        for u in range(H // 16):
            s = pl.ds(u * 16, 16)
            accn[r, s] = zero16
            acce[r, s] = zero16
        return _

    lax.fori_loop(0, NCHUNK, zrow, None)


def _node_fire_adds(nf, ne_tab, idxn, idxe, accn, acce, gsem):
    for j in range(DEG + 1):
        pltpu.async_copy(nf.at[idxn.at[pl.ds(j * NCHUNK, NCHUNK)]], accn,
                         gsem, add=True)
    for j in range(DEG):
        pltpu.async_copy(ne_tab.at[idxe.at[pl.ds(j * NCHUNK, NCHUNK)]], acce,
                         gsem, add=True)


def _node_drain_adds(nf, ne_tab, idxn, idxe, accn, acce, gsem):
    for _ in range(DEG + 1):
        pltpu.make_async_copy(
            nf.at[idxn.at[pl.ds(0, NCHUNK)]], accn, gsem).wait()
    for _ in range(DEG):
        pltpu.make_async_copy(
            ne_tab.at[idxe.at[pl.ds(0, NCHUNK)]], acce, gsem).wait()


def _node_fire_outs(accn, acce, outn, oute, osem, base):
    pltpu.async_copy(accn, outn.at[pl.ds(base, NCHUNK)], osem)
    pltpu.async_copy(acce, oute.at[pl.ds(base, NCHUNK)], osem)


def _node_drain_outs(accn, acce, outn, oute, osem):
    pltpu.make_async_copy(accn, outn.at[pl.ds(0, NCHUNK)], osem).wait()
    pltpu.make_async_copy(acce, oute.at[pl.ds(0, NCHUNK)], osem).wait()


def _node_gather_body(nf, ne_tab, nnt, net, outn, oute,
                      idxns, idxes, accns, acces, isems, gsems, osems):
    wid = _wid()
    c0 = wid * 2
    c1 = wid * 2 + 1
    c2 = 64 + (wid // 16) * 8 + (wid % 16)
    has3 = (wid % 16) < 8

    _node_fire_idx(nnt, net, idxns[0], idxes[0], isems[0], c0)
    _node_fire_idx(nnt, net, idxns[1], idxes[1], isems[1], c1)
    _node_zero(accns[0], acces[0])
    _node_drain_idx(nnt, net, idxns[0], idxes[0], isems[0])
    _node_fire_adds(nf, ne_tab, idxns[0], idxes[0], accns[0], acces[0],
                    gsems[0])
    _node_zero(accns[1], acces[1])
    _node_drain_idx(nnt, net, idxns[1], idxes[1], isems[1])
    _node_fire_adds(nf, ne_tab, idxns[1], idxes[1], accns[1], acces[1],
                    gsems[1])

    _node_drain_adds(nf, ne_tab, idxns[0], idxes[0], accns[0], acces[0],
                     gsems[0])
    _node_fire_outs(accns[0], acces[0], outn, oute, osems[0], c0 * NCHUNK)

    @pl.when(has3)
    def _start_c2():
        _node_fire_idx(nnt, net, idxns[2], idxes[2], isems[0], c2)
        _node_drain_outs(accns[0], acces[0], outn, oute, osems[0])
        _node_zero(accns[0], acces[0])
        _node_drain_idx(nnt, net, idxns[2], idxes[2], isems[0])
        _node_fire_adds(nf, ne_tab, idxns[2], idxes[2], accns[0], acces[0],
                        gsems[0])

    _node_drain_adds(nf, ne_tab, idxns[1], idxes[1], accns[1], acces[1],
                     gsems[1])
    _node_fire_outs(accns[1], acces[1], outn, oute, osems[1], c1 * NCHUNK)

    @pl.when(has3)
    def _end_c2():
        _node_drain_adds(nf, ne_tab, idxns[2], idxes[2], accns[0], acces[0],
                         gsems[0])
        _node_fire_outs(accns[0], acces[0], outn, oute, osems[0], c2 * NCHUNK)
        _node_drain_outs(accns[0], acces[0], outn, oute, osems[0])

    _node_drain_outs(accns[1], acces[1], outn, oute, osems[1])


@functools.partial(
    pl.kernel,
    out_type=(jax.ShapeDtypeStruct((N_PAD, DN), jnp.float32),
              jax.ShapeDtypeStruct((N_PAD, H), jnp.float32)),
    mesh=_mesh,
    scratch_types=[
        [pltpu.VMEM((NWN,), jnp.int32) for _ in range(3)],
        [pltpu.VMEM((NWE,), jnp.int32) for _ in range(3)],
        [pltpu.VMEM((NCHUNK, DN), jnp.float32) for _ in range(2)],
        [pltpu.VMEM((NCHUNK, H), jnp.float32) for _ in range(2)],
        [pltpu.SemaphoreType.DMA for _ in range(2)],
        [pltpu.SemaphoreType.DMA for _ in range(2)],
        [pltpu.SemaphoreType.DMA for _ in range(2)],
    ],
)
def _node_gather(nf, ne_tab, nnt, net, outn, oute,
                 idxns, idxes, accns, acces, isems, gsems, osems):
    _node_gather_body(nf, ne_tab, nnt, net, outn, oute,
                      idxns, idxes, accns, acces, isems, gsems, osems)


def _edge_mlp_kernel(x8_ref, w1_ref, b1_ref, w2_ref, b2_ref, g_ref, b_ref,
                     o_ref):
    h1_all = jnp.dot(x8_ref[...].astype(jnp.bfloat16),
                     w1_ref[...].astype(jnp.bfloat16),
                     preferred_element_type=jnp.float32)
    h1_all = h1_all + float(EDEG + 1) * b1_ref[...]
    w2 = w2_ref[...].astype(jnp.bfloat16)
    b2 = b2_ref[...]
    g = g_ref[...]
    b = b_ref[...]
    blk = x8_ref.shape[0]
    for u in range(8):
        h1 = h1_all[:, u * H:(u + 1) * H]
        h2 = jax.nn.relu(
            jnp.dot(h1.astype(jnp.bfloat16), w2,
                    preferred_element_type=jnp.float32) + b2)
        m = jnp.mean(h2, axis=-1, keepdims=True)
        v = jnp.mean((h2 - m) ** 2, axis=-1, keepdims=True)
        o_ref[u * blk:(u + 1) * blk, :] = (h2 - m) / jnp.sqrt(v + 1e-5) * g + b


def _edge_mlp(agg8, W8, be8, WceT, bce2, g2, b2):
    blk = 1000
    grid = E8 // blk
    return pl.pallas_call(
        _edge_mlp_kernel,
        grid=(grid,),
        in_specs=[
            pl.BlockSpec((blk, 128), lambda i: (i, 0)),
            pl.BlockSpec((DN, 8 * H), lambda i: (0, 0)),
            pl.BlockSpec((1, 8 * H), lambda i: (0, 0)),
            pl.BlockSpec((H, H), lambda i: (0, 0)),
            pl.BlockSpec((1, H), lambda i: (0, 0)),
            pl.BlockSpec((1, H), lambda i: (0, 0)),
            pl.BlockSpec((1, H), lambda i: (0, 0)),
        ],
        out_specs=pl.BlockSpec((8 * blk, H), lambda i: (i, 0)),
        out_shape=jax.ShapeDtypeStruct((E, H), jnp.float32),
    )(agg8, W8, be8, WceT, bce2, g2, b2)


def _node_mlp_kernel(x_ref, e_ref, w1_ref, b1_ref, w2_ref, b2_ref, g_ref,
                     b_ref, o_ref):
    h1 = (jnp.dot(x_ref[...], w1_ref[...], preferred_element_type=jnp.float32)
          + float(DEG + 1) * b1_ref[...] + e_ref[...])
    h2 = jax.nn.relu(jnp.dot(h1, w2_ref[...],
                             preferred_element_type=jnp.float32) + b2_ref[...])
    m = jnp.mean(h2, axis=-1, keepdims=True)
    v = jnp.mean((h2 - m) ** 2, axis=-1, keepdims=True)
    o_ref[...] = (h2 - m) / jnp.sqrt(v + 1e-5) * g_ref[...] + b_ref[...]


def _node_mlp(agg_nf, agg_ne, WnT, bn2, WcnT, bcn2, g2, b2):
    blk = 1000
    grid = N // blk
    return pl.pallas_call(
        _node_mlp_kernel,
        grid=(grid,),
        in_specs=[
            pl.BlockSpec((blk, DN), lambda i: (i, 0)),
            pl.BlockSpec((blk, H), lambda i: (i, 0)),
            pl.BlockSpec((DN, H), lambda i: (0, 0)),
            pl.BlockSpec((1, H), lambda i: (0, 0)),
            pl.BlockSpec((H, H), lambda i: (0, 0)),
            pl.BlockSpec((1, H), lambda i: (0, 0)),
            pl.BlockSpec((1, H), lambda i: (0, 0)),
            pl.BlockSpec((1, H), lambda i: (0, 0)),
        ],
        out_specs=pl.BlockSpec((blk, H), lambda i: (i, 0)),
        out_shape=jax.ShapeDtypeStruct((N, H), jnp.float32),
    )(agg_nf, agg_ne, WnT, bn2, WcnT, bcn2, g2, b2)


def kernel(node_neighbors, edge_neighbors, node_feats, edge_feats,
           We, be, Wn, bn, Wce, bce, Wcn, bcn, ln_g, ln_b):
    en_flat = edge_neighbors.astype(jnp.int32).reshape(E * EDEG)
    nn_t = node_neighbors[:, :, 0].astype(jnp.int32).T
    ne_t = node_neighbors[:, :, 1].astype(jnp.int32).T
    nn_t = jnp.pad(nn_t, ((0, 0), (0, N_PAD - N)))
    nn_t = jnp.concatenate([nn_t, jnp.arange(N_PAD, dtype=jnp.int32)[None]])
    ne_t = jnp.pad(ne_t, ((0, 0), (0, N_PAD - N)))
    c_ids = jnp.arange(N_CHUNKS, dtype=jnp.int32)
    sc1 = jnp.where(c_ids < 64, (c_ids // 2) // 16, (c_ids - 64) // 8)
    off = (sc1 * N_PAD).astype(jnp.int32)[None, :, None]
    nn_flat = nn_t.reshape(DEG + 1, N_CHUNKS, NCHUNK) + off
    nn_flat = nn_flat.transpose(1, 0, 2).reshape(N_CHUNKS * NWN)
    ne_flat = ne_t.reshape(DEG, N_CHUNKS, NCHUNK) + off
    ne_flat = ne_flat.transpose(1, 0, 2).reshape(N_CHUNKS * NWE)
    nf_pad = jnp.pad(node_feats, ((0, N_PAD - N), (0, 0)))
    nf2 = jnp.concatenate([nf_pad, nf_pad])

    W8 = jnp.zeros((8, DE, 8, H), jnp.float32)
    W8 = W8.at[jnp.arange(8), :, jnp.arange(8), :].set(
        jnp.broadcast_to(We.T, (8, DE, H))).reshape(8 * DE, 8 * H)
    be8 = jnp.tile(be, 8).reshape(1, 8 * H)

    bn2 = bn.reshape(1, H)
    bce2 = bce.reshape(1, H)
    bcn2 = bcn.reshape(1, H)
    g2 = ln_g.reshape(1, H)
    b2 = ln_b.reshape(1, H)

    agg8 = _edge_gather(edge_feats, en_flat)

    new_edge = _edge_mlp(agg8, W8, be8, Wce.T, bce2, g2, b2)

    ne_tab2 = jnp.concatenate([new_edge[:N_PAD], new_edge[:N_PAD]])
    agg_nf, agg_ne = _node_gather(nf2, ne_tab2, nn_flat, ne_flat)

    new_node = _node_mlp(agg_nf[:N], agg_ne[:N], Wn.T, bn2, Wcn.T, bcn2,
                         g2, b2)

    return (new_node, new_edge)

# --- scband reference (transcript-rebuilt; emitter-appended) ---
"""Pipeline reference for scband-cagnnlayer-47090021433992 (READ-ONLY COPY).

The authoritative reference and input builder live on the scoring server;
editing this copy changes nothing except your own understanding.
"""

import jax, jax.numpy as jnp
import numpy as np

N = 10000
DEG = 16
E = 160000
EDEG = 4
DN = 128
DE = 16
H = 128


def layer_norm(x, g, b, eps=1e-5):
    m = jnp.mean(x, axis=-1, keepdims=True)
    v = jnp.mean((x - m) ** 2, axis=-1, keepdims=True)
    return (x - m) / jnp.sqrt(v + eps) * g + b


def setup_inputs(seed: int = 0):
    key = jax.random.key(seed)
    ks = jax.random.split(key, 10)
    node_neighbors = jax.random.randint(ks[0], (N, DEG, 2), 0, N)  # node ids < N, edge ids < N <= E, both valid
    edge_neighbors = jax.random.randint(ks[1], (E, EDEG), 0, E)
    node_feats = jax.random.normal(ks[2], (N, DN), dtype=jnp.float32)
    edge_feats = jax.random.normal(ks[3], (E, DE), dtype=jnp.float32)
    We = jax.random.normal(ks[4], (H, DE), dtype=jnp.float32) * 0.05
    be = jnp.zeros((H,), jnp.float32)
    Wn = jax.random.normal(ks[5], (H, DN), dtype=jnp.float32) * 0.05
    bn = jnp.zeros((H,), jnp.float32)
    Wce = jax.random.normal(ks[6], (H, H), dtype=jnp.float32) * 0.05
    bce = jnp.zeros((H,), jnp.float32)
    Wcn = jax.random.normal(ks[7], (H, H), dtype=jnp.float32) * 0.05
    bcn = jnp.zeros((H,), jnp.float32)
    ln_g = jnp.ones((H,), jnp.float32)
    ln_b = jnp.zeros((H,), jnp.float32)
    return {
        'node_neighbors': node_neighbors,
        'edge_neighbors': edge_neighbors,
        'node_feats': node_feats,
        'edge_feats': edge_feats,
        'We': We, 'be': be, 'Wn': Wn, 'bn': bn,
        'Wce': Wce, 'bce': bce, 'Wcn': Wcn, 'bcn': bcn,
        'ln_g': ln_g, 'ln_b': ln_b,
    }


def reference(node_neighbors, edge_neighbors, node_feats, edge_feats,
              We, be, Wn, bn, Wce, bce, Wcn, bcn, ln_g, ln_b):
    # --- edge aggregation (AGGEdgeGraph) ---
    eft = edge_feats @ We.T + be                       # [E, H]
    edge_agg = eft + jnp.sum(jnp.take(eft, edge_neighbors, axis=0), axis=1)
    # --- edge combine (COMEdgeGraph) + shared LayerNorm ---
    new_edge = layer_norm(jax.nn.relu(edge_agg @ Wce.T + bce), ln_g, ln_b)
    # --- node aggregation (AGGNodeGraph) using new edge feats ---
    nft = node_feats @ Wn.T + bn                       # [N, H]
    nn_idx = node_neighbors[:, :, 0]
    ne_idx = node_neighbors[:, :, 1]
    node_agg = nft + jnp.sum(jnp.take(nft, nn_idx, axis=0) + jnp.take(new_edge, ne_idx, axis=0), axis=1)
    # --- node combine (COMNodeGraph) + shared LayerNorm ---
    new_node = layer_norm(jax.nn.relu(node_agg @ Wcn.T + bcn), ln_g, ln_b)
    return (new_node, new_edge)

if __name__ == "__main__":
    import jax
    _d = setup_inputs()
    print(jax.jit(kernel)(*tuple(_d.values())))

</pallas_src>

<mosaic_0001>
#map = affine_map<(d0, d1) -> (0, 0)>
#map1 = affine_map<(d0, d1) -> (0)>
module attributes {stable_mosaic.version = 14 : i64} {
  func.func @_edge_gather(%arg0: i32, %arg1: i32, %arg2: memref<160000x16xf32, #tpu.memory_space<hbm>>, %arg3: memref<640000xi32, #tpu.memory_space<hbm>>, %arg4: memref<20000x128xf32, #tpu.memory_space<hbm>>, %arg5: memref<4000xi32, #tpu.memory_space<vmem>>, %arg6: memref<4000xi32, #tpu.memory_space<vmem>>, %arg7: memref<4000xi32, #tpu.memory_space<vmem>>, %arg8: memref<4000xi32, #tpu.memory_space<vmem>>, %arg9: memref<4000xi32, #tpu.memory_space<vmem>>, %arg10: memref<4000x16xf32, #tpu.memory_space<vmem>>, %arg11: memref<1000x16xf32, #tpu.memory_space<vmem>>, %arg12: memref<1000x16xf32, #tpu.memory_space<vmem>>, %arg13: memref<!tpu.dma_semaphore, #tpu.memory_space<semaphore_mem>>, %arg14: memref<!tpu.dma_semaphore, #tpu.memory_space<semaphore_mem>>, %arg15: memref<!tpu.dma_semaphore, #tpu.memory_space<semaphore_mem>>, %arg16: memref<!tpu.dma_semaphore, #tpu.memory_space<semaphore_mem>>) attributes {dimension_semantics = [#tpu.dimension_semantics<core_parallel>, #tpu.dimension_semantics<subcore_parallel>], iteration_bounds = array<i64: 2, 16>, scalar_prefetch = 0 : i64, scratch_operands = 12 : i64, tpu.core_type = #tpu.core_type<sc_vector_subcore>, window_params = [{transform_indices = #map}, {transform_indices = #map1}, {transform_indices = #map}]} {
    %mul3A = arith.constant 16 : i32
    %mul3A_0 = arith.muli %arg0, %mul3A : i32
    %add3A = arith.addi %mul3A_0, %arg1 : i32
    %mul3A_1 = arith.constant 5 : i32
    %mul3A_2 = arith.muli %add3A, %mul3A_1 : i32
    %add3A_3 = arith.constant 0 : i32
    %add3A_4 = arith.addi %mul3A_2, %add3A_3 : i32
    %mul3A_5 = arith.constant 1000 : i32
    %mul3A_6 = arith.muli %add3A_4, %mul3A_5 : i32
    %mul3A_7 = arith.constant 4 : i32
    %mul3A_8 = arith.muli %mul3A_6, %mul3A_7 : i32
    %dma_start3A = tpu.memref_slice %arg3[%mul3A_8] : memref<640000xi32, #tpu.memory_space<hbm>> -> memref<4000xi32, #tpu.memory_space<hbm>>
    %dma_start3A_9 = tpu.memref_slice %arg3[%mul3A_8] : memref<640000xi32, #tpu.memory_space<hbm>> -> memref<4000xi32, #tpu.memory_space<hbm>>
    tpu.enqueue_dma source(%dma_start3A_9 : memref<4000xi32, #tpu.memory_space<hbm>>) target(%arg5 : memref<4000xi32, #tpu.memory_space<vmem>>) target_semaphore(%arg13 : memref<!tpu.dma_semaphore, #tpu.memory_space<semaphore_mem>>)
    %mul3A_10 = arith.constant 5 : i32
    %mul3A_11 = arith.muli %add3A, %mul3A_10 : i32
    %add3A_12 = arith.constant 1 : i32
    %add3A_13 = arith.addi %mul3A_11, %add3A_12 : i32
    %mul3A_14 = arith.constant 1000 : i32
    %mul3A_15 = arith.muli %add3A_13, %mul3A_14 : i32
    %mul3A_16 = arith.constant 4 : i32
    %mul3A_17 = arith.muli %mul3A_15, %mul3A_16 : i32
    %dma_start3A_18 = tpu.memref_slice %arg3[%mul3A_17] : memref<640000xi32, #tpu.memory_space<hbm>> -> memref<4000xi32, #tpu.memory_space<hbm>>
    %dma_start3A_19 = tpu.memref_slice %arg3[%mul3A_17] : memref<640000xi32, #tpu.memory_space<hbm>> -> memref<4000xi32, #tpu.memory_space<hbm>>
    tpu.enqueue_dma source(%dma_start3A_19 : memref<4000xi32, #tpu.memory_space<hbm>>) target(%arg6 : memref<4000xi32, #tpu.memory_space<vmem>>) target_semaphore(%arg13 : memref<!tpu.dma_semaphore, #tpu.memory_space<semaphore_mem>>)
    %mul3A_20 = arith.constant 5 : i32
    %mul3A_21 = arith.muli %add3A, %mul3A_20 : i32
    %add3A_22 = arith.constant 2 : i32
    %add3A_23 = arith.addi %mul3A_21, %add3A_22 : i32
    %mul3A_24 = arith.constant 1000 : i32
    %mul3A_25 = arith.muli %add3A_23, %mul3A_24 : i32
    %mul3A_26 = arith.constant 4 : i32
    %mul3A_27 = arith.muli %mul3A_25, %mul3A_26 : i32
    %dma_start3A_28 = tpu.memref_slice %arg3[%mul3A_27] : memref<640000xi32, #tpu.memory_space<hbm>> -> memref<4000xi32, #tpu.memory_space<hbm>>
    %dma_start3A_29 = tpu.memref_slice %arg3[%mul3A_27] : memref<640000xi32, #tpu.memory_space<hbm>> -> memref<4000xi32, #tpu.memory_space<hbm>>
    tpu.enqueue_dma source(%dma_start3A_29 : memref<4000xi32, #tpu.memory_space<hbm>>) target(%arg7 : memref<4000xi32, #tpu.memory_space<vmem>>) target_semaphore(%arg13 : memref<!tpu.dma_semaphore, #tpu.memory_space<semaphore_mem>>)
    %mul3A_30 = arith.constant 5 : i32
    %mul3A_31 = arith.muli %add3A, %mul3A_30 : i32
    %add3A_32 = arith.constant 3 : i32
    %add3A_33 = arith.addi %mul3A_31, %add3A_32 : i32
    %mul3A_34 = arith.constant 1000 : i32
    %mul3A_35 = arith.muli %add3A_33, %mul3A_34 : i32
    %mul3A_36 = arith.constant 4 : i32
    %mul3A_37 = arith.muli %mul3A_35, %mul3A_36 : i32
    %dma_start3A_38 = tpu.memref_slice %arg3[%mul3A_37] : memref<640000xi32, #tpu.memory_space<hbm>> -> memref<4000xi32, #tpu.memory_space<hbm>>
    %dma_start3A_39 = tpu.memref_slice %arg3[%mul3A_37] : memref<640000xi32, #tpu.memory_space<hbm>> -> memref<4000xi32, #tpu.memory_space<hbm>>
    tpu.enqueue_dma source(%dma_start3A_39 : memref<4000xi32, #tpu.memory_space<hbm>>) target(%arg8 : memref<4000xi32, #tpu.memory_space<vmem>>) target_semaphore(%arg13 : memref<!tpu.dma_semaphore, #tpu.memory_space<semaphore_mem>>)
    %mul3A_40 = arith.constant 5 : i32
    %mul3A_41 = arith.muli %add3A, %mul3A_40 : i32
    %add3A_42 = arith.constant 4 : i32
    %add3A_43 = arith.addi %mul3A_41, %add3A_42 : i32
    %mul3A_44 = arith.constant 1000 : i32
    %mul3A_45 = arith.muli %add3A_43, %mul3A_44 : i32
    %mul3A_46 = arith.constant 4 : i32
    %mul3A_47 = arith.muli %mul3A_45, %mul3A_46 : i32
    %dma_start3A_48 = tpu.memref_slice %arg3[%mul3A_47] : memref<640000xi32, #tpu.memory_space<hbm>> -> memref<4000xi32, #tpu.memory_space<hbm>>
    %dma_start3A_49 = tpu.memref_slice %arg3[%mul3A_47] : memref<640000xi32, #tpu.memory_space<hbm>> -> memref<4000xi32, #tpu.memory_space<hbm>>
    tpu.enqueue_dma source(%dma_start3A_49 : memref<4000xi32, #tpu.memory_space<hbm>>) target(%arg9 : memref<4000xi32, #tpu.memory_space<vmem>>) target_semaphore(%arg13 : memref<!tpu.dma_semaphore, #tpu.memory_space<semaphore_mem>>)
    %scan3A = arith.constant 0 : i32
    %scan3A_50 = arith.constant 5 : i32
    %scan3A_51 = arith.addi %scan3A, %scan3A_50 : i32
    %scan3A_52 = arith.constant 1 : i32
    scf.for %scan3A_54 = %scan3A to %scan3A_51 step %scan3A_52  : i32 {
      %mul3A_55 = arith.constant 5 : i32
      %mul3A_56 = arith.muli %add3A, %mul3A_55 : i32
      %add3A_57 = arith.addi %mul3A_56, %scan3A_54 : i32
      %mul3A_58 = arith.constant 1000 : i32
      %mul3A_59 = arith.muli %add3A_57, %mul3A_58 : i32
      %dma_wait3A = arith.constant 0 : i32
      %dma_wait3A_60 = tpu.memref_slice %arg3[%dma_wait3A] : memref<640000xi32, #tpu.memory_space<hbm>> -> memref<4000xi32, #tpu.memory_space<hbm>>
      %dma_wait3A_61 = arith.constant 0 : i32
      %dma_wait3A_62 = tpu.memref_slice %arg3[%dma_wait3A_61] : memref<640000xi32, #tpu.memory_space<hbm>> -> memref<4000xi32, #tpu.memory_space<hbm>>
      tpu.wait_dma2 semaphore(%arg13 : memref<!tpu.dma_semaphore, #tpu.memory_space<semaphore_mem>>) src(%dma_wait3A_62 : memref<4000xi32, #tpu.memory_space<hbm>>) dst(%arg5 : memref<4000xi32, #tpu.memory_space<vmem>>)
      %dma_start3A_63 = arith.constant 0 : i32
      %dma_start3A_64 = tpu.memref_slice %arg2[%mul3A_59, %dma_start3A_63] : memref<160000x16xf32, #tpu.memory_space<hbm>> -> memref<1000x16xf32, #tpu.memory_space<hbm>>
      %dma_start3A_65 = arith.constant 0 : i32
      %dma_start3A_66 = tpu.memref_slice %arg2[%mul3A_59, %dma_start3A_65] : memref<160000x16xf32, #tpu.memory_space<hbm>> -> memref<1000x16xf32, #tpu.memory_space<hbm>>
      tpu.enqueue_dma source(%dma_start3A_66 : memref<1000x16xf32, #tpu.memory_space<hbm>>) target(%arg11 : memref<1000x16xf32, #tpu.memory_space<vmem>>) target_semaphore(%arg16 : memref<!tpu.dma_semaphore, #tpu.memory_space<semaphore_mem>>)
      %eq3A = arith.constant 0 : i32
      %eq3A_67 = arith.cmpi eq, %scan3A_54, %eq3A : i32
      %convert_element_type3A = arith.extui %eq3A_67 : i1 to i32
      %cond3A = arith.constant 0 : i32
      %cond3A_68 = arith.cmpi ne, %convert_element_type3A, %cond3A : i32
      scf.if %cond3A_68 {
        %dma_start3A_147 = arith.constant 0 : i32
        %dma_start3A_148 = arith.constant 0 : i32
        %dma_start3A_149 = tpu.memref_slice %arg2[%dma_start3A_147, %dma_start3A_148] : memref<160000x16xf32, #tpu.memory_space<hbm>> -> memref<160000x16xf32, #tpu.memory_space<hbm>>
        tpu.enqueue_indirect_dma source(%dma_start3A_149 : memref<160000x16xf32, #tpu.memory_space<hbm>>) target(%arg10 : memref<4000x16xf32, #tpu.memory_space<vmem>>) offsets(%arg5 : memref<4000xi32, #tpu.memory_space<vmem>>) semaphore(%arg14 : memref<!tpu.dma_semaphore, #tpu.memory_space<semaphore_mem>>)
      } else {
      }
      %eq3A_69 = arith.constant 1 : i32
      %eq3A_70 = arith.cmpi eq, %scan3A_54, %eq3A_69 : i32
      %convert_element_type3A_71 = arith.extui %eq3A_70 : i1 to i32
      %cond3A_72 = arith.constant 0 : i32
      %cond3A_73 = arith.cmpi ne, %convert_element_type3A_71, %cond3A_72 : i32
      scf.if %cond3A_73 {
        %dma_start3A_147 = arith.constant 0 : i32
        %dma_start3A_148 = arith.constant 0 : i32
        %dma_start3A_149 = tpu.memref_slice %arg2[%dma_start3A_147, %dma_start3A_148] : memref<160000x16xf32, #tpu.memory_space<hbm>> -> memref<160000x16xf32, #tpu.memory_space<hbm>>
        tpu.enqueue_indirect_dma source(%dma_start3A_149 : memref<160000x16xf32, #tpu.memory_space<hbm>>) target(%arg10 : memref<4000x16xf32, #tpu.memory_space<vmem>>) offsets(%arg6 : memref<4000xi32, #tpu.memory_space<vmem>>) semaphore(%arg14 : memref<!tpu.dma_semaphore, #tpu.memory_space<semaphore_mem>>)
      } else {
      }
      %eq3A_74 = arith.constant 2 : i32
      %eq3A_75 = arith.cmpi eq, %scan3A_54, %eq3A_74 : i32
      %convert_element_type3A_76 = arith.extui %eq3A_75 : i1 to i32
      %cond3A_77 = arith.constant 0 : i32
      %cond3A_78 = arith.cmpi ne, %convert_element_type3A_76, %cond3A_77 : i32
      scf.if %cond3A_78 {
        %dma_start3A_147 = arith.constant 0 : i32
        %dma_start3A_148 = arith.constant 0 : i32
        %dma_start3A_149 = tpu.memref_slice %arg2[%dma_start3A_147, %dma_start3A_148] : memref<160000x16xf32, #tpu.memory_space<hbm>> -> memref<160000x16xf32, #tpu.memory_space<hbm>>
        tpu.enqueue_indirect_dma source(%dma_start3A_149 : memref<160000x16xf32, #tpu.memory_space<hbm>>) target(%arg10 : memref<4000x16xf32, #tpu.memory_space<vmem>>) offsets(%arg7 : memref<4000xi32, #tpu.memory_space<vmem>>) semaphore(%arg14 : memref<!tpu.dma_semaphore, #tpu.memory_space<semaphore_mem>>)
      } else {
      }
      %eq3A_79 = arith.constant 3 : i32
      %eq3A_80 = arith.cmpi eq, %scan3A_54, %eq3A_79 : i32
      %convert_element_type3A_81 = arith.extui %eq3A_80 : i1 to i32
      %cond3A_82 = arith.constant 0 : i32
      %cond3A_83 = arith.cmpi ne, %convert_element_type3A_81, %cond3A_82 : i32
      scf.if %cond3A_83 {
        %dma_start3A_147 = arith.constant 0 : i32
        %dma_start3A_148 = arith.constant 0 : i32
        %dma_start3A_149 = tpu.memref_slice %arg2[%dma_start3A_147, %dma_start3A_148] : memref<160000x16xf32, #tpu.memory_space<hbm>> -> memref<160000x16xf32, #tpu.memory_space<hbm>>
        tpu.enqueue_indirect_dma source(%dma_start3A_149 : memref<160000x16xf32, #tpu.memory_space<hbm>>) target(%arg10 : memref<4000x16xf32, #tpu.memory_space<vmem>>) offsets(%arg8 : memref<4000xi32, #tpu.memory_space<vmem>>) semaphore(%arg14 : memref<!tpu.dma_semaphore, #tpu.memory_space<semaphore_mem>>)
      } else {
      }
      %eq3A_84 = arith.constant 4 : i32
      %eq3A_85 = arith.cmpi eq, %scan3A_54, %eq3A_84 : i32
      %convert_element_type3A_86 = arith.extui %eq3A_85 : i1 to i32
      %cond3A_87 = arith.constant 0 : i32
      %cond3A_88 = arith.cmpi ne, %convert_element_type3A_86, %cond3A_87 : i32
      scf.if %cond3A_88 {
        %dma_start3A_147 = arith.constant 0 : i32
        %dma_start3A_148 = arith.constant 0 : i32
        %dma_start3A_149 = tpu.memref_slice %arg2[%dma_start3A_147, %dma_start3A_148] : memref<160000x16xf32, #tpu.memory_space<hbm>> -> memref<160000x16xf32, #tpu.memory_space<hbm>>
        tpu.enqueue_indirect_dma source(%dma_start3A_149 : memref<160000x16xf32, #tpu.memory_space<hbm>>) target(%arg10 : memref<4000x16xf32, #tpu.memory_space<vmem>>) offsets(%arg9 : memref<4000xi32, #tpu.memory_space<vmem>>) semaphore(%arg14 : memref<!tpu.dma_semaphore, #tpu.memory_space<semaphore_mem>>)
      } else {
      }
      %dma_wait3A_89 = arith.constant 0 : i32
      %dma_wait3A_90 = arith.constant 0 : i32
      %dma_wait3A_91 = tpu.memref_slice %arg2[%dma_wait3A_89, %dma_wait3A_90] : memref<160000x16xf32, #tpu.memory_space<hbm>> -> memref<160000x16xf32, #tpu.memory_space<hbm>>
      tpu.wait_indirect_dma semaphore(%arg14 : memref<!tpu.dma_semaphore, #tpu.memory_space<semaphore_mem>>) src(%dma_wait3A_91 : memref<160000x16xf32, #tpu.memory_space<hbm>>) dst(%arg10 : memref<4000x16xf32, #tpu.memory_space<vmem>>)
      %dma_wait3A_92 = arith.constant 0 : i32
      %dma_wait3A_93 = tpu.memref_slice %arg2[%mul3A_59, %dma_wait3A_92] : memref<160000x16xf32, #tpu.memory_space<hbm>> -> memref<1000x16xf32, #tpu.memory_space<hbm>>
      %dma_wait3A_94 = arith.constant 0 : i32
      %dma_wait3A_95 = tpu.memref_slice %arg2[%mul3A_59, %dma_wait3A_94] : memref<160000x16xf32, #tpu.memory_space<hbm>> -> memref<1000x16xf32, #tpu.memory_space<hbm>>
      tpu.wait_dma2 semaphore(%arg16 : memref<!tpu.dma_semaphore, #tpu.memory_space<semaphore_mem>>) src(%dma_wait3A_95 : memref<1000x16xf32, #tpu.memory_space<hbm>>) dst(%arg11 : memref<1000x16xf32, #tpu.memory_space<vmem>>)
      %scan3A_96 = arith.constant 0 : i32
      %scan3A_97 = arith.constant 125 : i32
      %scan3A_98 = arith.addi %scan3A_96, %scan3A_97 : i32
      %scan3A_99 = arith.constant 1 : i32
      scf.for %scan3A_147 = %scan3A_96 to %scan3A_98 step %scan3A_99  : i32 {
        %mul3A_148 = arith.constant 8 : i32
        %mul3A_149 = arith.muli %scan3A_147, %mul3A_148 : i32
        %add3A_150 = arith.constant 0 : i32
        %add3A_151 = arith.addi %mul3A_149, %add3A_150 : i32
        %get3A = arith.index_cast %add3A_151 : i32 to index
        %get3A_152 = arith.constant 0 : index
        %get3A_153 = tpu.vector_load %arg11[%get3A, %get3A_152] {strides = array<i32>} : memref<1000x16xf32, #tpu.memory_space<vmem>>, vector<1x16xf32>,
        %get3A_154 = vector.shape_cast %get3A_153 : vector<1x16xf32> to vector<16xf32>
        %mul3A_155 = arith.constant 4 : i32
        %mul3A_156 = arith.muli %mul3A_155, %add3A_151 : i32
        %get3A_157 = arith.index_cast %mul3A_156 : i32 to index
        %get3A_158 = arith.constant 0 : index
        %get3A_159 = tpu.vector_load %arg10[%get3A_157, %get3A_158] {strides = array<i32>} : memref<4000x16xf32, #tpu.memory_space<vmem>>, vector<1x16xf32>,
        %get3A_160 = vector.shape_cast %get3A_159 : vector<1x16xf32> to vector<16xf32>
        %add3A_161 = arith.addf %get3A_154, %get3A_160 : vector<16xf32>
        %mul3A_162 = arith.constant 4 : i32
        %mul3A_163 = arith.muli %mul3A_162, %add3A_151 : i32
        %add3A_164 = arith.constant 1 : i32
        %add3A_165 = arith.addi %mul3A_163, %add3A_164 : i32
        %get3A_166 = arith.index_cast %add3A_165 : i32 to index
        %get3A_167 = arith.constant 0 : index
        %get3A_168 = tpu.vector_load %arg10[%get3A_166, %get3A_167] {strides = array<i32>} : memref<4000x16xf32, #tpu.memory_space<vmem>>, vector<1x16xf32>,
        %get3A_169 = vector.shape_cast %get3A_168 : vector<1x16xf32> to vector<16xf32>
        %add3A_170 = arith.addf %add3A_161, %get3A_169 : vector<16xf32>
        %mul3A_171 = arith.constant 4 : i32
        %mul3A_172 = arith.muli %mul3A_171, %add3A_151 : i32
        %add3A_173 = arith.constant 2 : i32
        %add3A_174 = arith.addi %mul3A_172, %add3A_173 : i32
        %get3A_175 = arith.index_cast %add3A_174 : i32 to index
        %get3A_176 = arith.constant 0 : index
        %get3A_177 = tpu.vector_load %arg10[%get3A_175, %get3A_176] {strides = array<i32>} : memref<4000x16xf32, #tpu.memory_space<vmem>>, vector<1x16xf32>,
        %get3A_178 = vector.shape_cast %get3A_177 : vector<1x16xf32> to vector<16xf32>
        %add3A_179 = arith.addf %add3A_170, %get3A_178 : vector<16xf32>
        %mul3A_180 = arith.constant 4 : i32
        %mul3A_181 = arith.muli %mul3A_180, %add3A_151 : i32
        %add3A_182 = arith.constant 3 : i32
        %add3A_183 = arith.addi %mul3A_181, %add3A_182 : i32
        %get3A_184 = arith.index_cast %add3A_183 : i32 to index
        %get3A_185 = arith.constant 0 : index
        %get3A_186 = tpu.vector_load %arg10[%get3A_184, %get3A_185] {strides = array<i32>} : memref<4000x16xf32, #tpu.memory_space<vmem>>, vector<1x16xf32>,
        %get3A_187 = vector.shape_cast %get3A_186 : vector<1x16xf32> to vector<16xf32>
        %add3A_188 = arith.addf %add3A_179, %get3A_187 : vector<16xf32>
        %swap3A = arith.index_cast %add3A_151 : i32 to index
        %swap3A_189 = arith.constant 0 : index
        %swap3A_190 = tpu.vector_load %arg12[%swap3A, %swap3A_189] {strides = array<i32>} : memref<1000x16xf32, #tpu.memory_space<vmem>>, vector<1x16xf32>,
        %swap3A_191 = vector.shape_cast %swap3A_190 : vector<1x16xf32> to vector<16xf32>
        %swap3A_192 = vector.shape_cast %add3A_188 : vector<16xf32> to vector<1x16xf32>
        tpu.vector_store %arg12[%swap3A, %swap3A_189], %swap3A_192 {strides = array<i32>} : memref<1000x16xf32, #tpu.memory_space<vmem>>, vector<1x16xf32>,
        %mul3A_193 = arith.constant 8 : i32
        %mul3A_194 = arith.muli %scan3A_147, %mul3A_193 : i32
        %add3A_195 = arith.constant 1 : i32
        %add3A_196 = arith.addi %mul3A_194, %add3A_195 : i32
        %get3A_197 = arith.index_cast %add3A_196 : i32 to index
        %get3A_198 = arith.constant 0 : index
        %get3A_199 = tpu.vector_load %arg11[%get3A_197, %get3A_198] {strides = array<i32>} : memref<1000x16xf32, #tpu.memory_space<vmem>>, vector<1x16xf32>,
        %get3A_200 = vector.shape_cast %get3A_199 : vector<1x16xf32> to vector<16xf32>
        %mul3A_201 = arith.constant 4 : i32
        %mul3A_202 = arith.muli %mul3A_201, %add3A_196 : i32
        %get3A_203 = arith.index_cast %mul3A_202 : i32 to index
        %get3A_204 = arith.constant 0 : index
        %get3A_205 = tpu.vector_load %arg10[%get3A_203, %get3A_204] {strides = array<i32>} : memref<4000x16xf32, #tpu.memory_space<vmem>>, vector<1x16xf32>,
        %get3A_206 = vector.shape_cast %get3A_205 : vector<1x16xf32> to vector<16xf32>
        %add3A_207 = arith.addf %get3A_200, %get3A_206 : vector<16xf32>
        %mul3A_208 = arith.constant 4 : i32
        %mul3A_209 = arith.muli %mul3A_208, %add3A_196 : i32
        %add3A_210 = arith.constant 1 : i32
        %add3A_211 = arith.addi %mul3A_209, %add3A_210 : i32
        %get3A_212 = arith.index_cast %add3A_211 : i32 to index
        %get3A_213 = arith.constant 0 : index
        %get3A_214 = tpu.vector_load %arg10[%get3A_212, %get3A_213] {strides = array<i32>} : memref<4000x16xf32, #tpu.memory_space<vmem>>, vector<1x16xf32>,
        %get3A_215 = vector.shape_cast %get3A_214 : vector<1x16xf32> to vector<16xf32>
        %add3A_216 = arith.addf %add3A_207, %get3A_215 : vector<16xf32>
        %mul3A_217 = arith.constant 4 : i32
        %mul3A_218 = arith.muli %mul3A_217, %add3A_196 : i32
        %add3A_219 = arith.constant 2 : i32
        %add3A_220 = arith.addi %mul3A_218, %add3A_219 : i32
        %get3A_221 = arith.index_cast %add3A_220 : i32 to index
        %get3A_222 = arith.constant 0 : index
        %get3A_223 = tpu.vector_load %arg10[%get3A_221, %get3A_222] {strides = array<i32>} : memref<4000x16xf32, #tpu.memory_space<vmem>>, vector<1x16xf32>,
        %get3A_224 = vector.shape_cast %get3A_223 : vector<1x16xf32> to vector<16xf32>
        %add3A_225 = arith.addf %add3A_216, %get3A_224 : vector<16xf32>
        %mul3A_226 = arith.constant 4 : i32
        %mul3A_227 = arith.muli %mul3A_226, %add3A_196 : i32
        %add3A_228 = arith.constant 3 : i32
        %add3A_229 = arith.addi %mul3A_227, %add3A_228 : i32
        %get3A_230 = arith.index_cast %add3A_229 : i32 to index
        %get3A_231 = arith.constant 0 : index
        %get3A_232 = tpu.vector_load %arg10[%get3A_230, %get3A_231] {strides = array<i32>} : memref<4000x16xf32, #tpu.memory_space<vmem>>, vector<1x16xf32>,
        %get3A_233 = vector.shape_cast %get3A_232 : vector<1x16xf32> to vector<16xf32>
        %add3A_234 = arith.addf %add3A_225, %get3A_233 : vector<16xf32>
        %swap3A_235 = arith.index_cast %add3A_196 : i32 to index
        %swap3A_236 = arith.constant 0 : index
        %swap3A_237 = tpu.vector_load %arg12[%swap3A_235, %swap3A_236] {strides = array<i32>} : memref<1000x16xf32, #tpu.memory_space<vmem>>, vector<1x16xf32>,
        %swap3A_238 = vector.shape_cast %swap3A_237 : vector<1x16xf32> to vector<16xf32>
        %swap3A_239 = vector.shape_cast %add3A_234 : vector<16xf32> to vector<1x16xf32>
        tpu.vector_store %arg12[%swap3A_235, %swap3A_236], %swap3A_239 {strides = array<i32>} : memref<1000x16xf32, #tpu.memory_space<vmem>>, vector<1x16xf32>,
        %mul3A_240 = arith.constant 8 : i32
        %mul3A_241 = arith.muli %scan3A_147, %mul3A_240 : i32
        %add3A_242 = arith.constant 2 : i32
        %add3A_243 = arith.addi %mul3A_241, %add3A_242 : i32
        %get3A_244 = arith.index_cast %add3A_243 : i32 to index
        %get3A_245 = arith.constant 0 : index
        %get3A_246 = tpu.vector_load %arg11[%get3A_244, %get3A_245] {strides = array<i32>} : memref<1000x16xf32, #tpu.memory_space<vmem>>, vector<1x16xf32>,
        %get3A_247 = vector.shape_cast %get3A_246 : vector<1x16xf32> to vector<16xf32>
        %mul3A_248 = arith.constant 4 : i32
        %mul3A_249 = arith.muli %mul3A_248, %add3A_243 : i32
        %get3A_250 = arith.index_cast %mul3A_249 : i32 to index
        %get3A_251 = arith.constant 0 : index
        %get3A_252 = tpu.vector_load %arg10[%get3A_250, %get3A_251] {strides = array<i32>} : memref<4000x16xf32, #tpu.memory_space<vmem>>, vector<1x16xf32>,
        %get3A_253 = vector.shape_cast %get3A_252 : vector<1x16xf32> to vector<16xf32>
        %add3A_254 = arith.addf %get3A_247, %get3A_253 : vector<16xf32>
        %mul3A_255 = arith.constant 4 : i32
        %mul3A_256 = arith.muli %mul3A_255, %add3A_243 : i32
        %add3A_257 = arith.constant 1 : i32
        %add3A_258 = arith.addi %mul3A_256, %add3A_257 : i32
        %get3A_259 = arith.index_cast %add3A_258 : i32 to index
        %get3A_260 = arith.constant 0 : index
        %get3A_261 = tpu.vector_load %arg10[%get3A_259, %get3A_260] {strides = array<i32>} : memref<4000x16xf32, #tpu.memory_space<vmem>>, vector<1x16xf32>,
        %get3A_262 = vector.shape_cast %get3A_261 : vector<1x16xf32> to vector<16xf32>
        %add3A_263 = arith.addf %add3A_254, %get3A_262 : vector<16xf32>
        %mul3A_264 = arith.constant 4 : i32
        %mul3A_265 = arith.muli %mul3A_264, %add3A_243 : i32
        %add3A_266 = arith.constant 2 : i32
        %add3A_267 = arith.addi %mul3A_265, %add3A_266 : i32
        %get3A_268 = arith.index_cast %add3A_267 : i32 to index
        %get3A_269 = arith.constant 0 : index
        %get3A_270 = tpu.vector_load %arg10[%get3A_268, %get3A_269] {strides = array<i32>} : memref<4000x16xf32, #tpu.memory_space<vmem>>, vector<1x16xf32>,
        %get3A_271 = vector.shape_cast %get3A_270 : vector<1x16xf32> to vector<16xf32>
        %add3A_272 = arith.addf %add3A_263, %get3A_271 : vector<16xf32>
        %mul3A_273 = arith.constant 4 : i32
        %mul3A_274 = arith.muli %mul3A_273, %add3A_243 : i32
        %add3A_275 = arith.constant 3 : i32
        %add3A_276 = arith.addi %mul3A_274, %add3A_275 : i32
        %get3A_277 = arith.index_cast %add3A_276 : i32 to index
        %get3A_278 = arith.constant 0 : index
        %get3A_279 = tpu.vector_load %arg10[%get3A_277, %get3A_278] {strides = array<i32>} : memref<4000x16xf32, #tpu.memory_space<vmem>>, vector<1x16xf32>,
        %get3A_280 = vector.shape_cast %get3A_279 : vector<1x16xf32> to vector<16xf32>
        %add3A_281 = arith.addf %add3A_272, %get3A_280 : vector<16xf32>
        %swap3A_282 = arith.index_cast %add3A_243 : i32 to index
        %swap3A_283 = arith.constant 0 : index
        %swap3A_284 = tpu.vector_load %arg12[%swap3A_282, %swap3A_283] {strides = array<i32>} : memref<1000x16xf32, #tpu.memory_space<vmem>>, vector<1x16xf32>,
        %swap3A_285 = vector.shape_cast %swap3A_284 : vector<1x16xf32> to vector<16xf32>
        %swap3A_286 = vector.shape_cast %add3A_281 : vector<16xf32> to vector<1x16xf32>
        tpu.vector_store %arg12[%swap3A_282, %swap3A_283], %swap3A_286 {strides = array<i32>} : memref<1000x16xf32, #tpu.memory_space<vmem>>, vector<1x16xf32>,
        %mul3A_287 = arith.constant 8 : i32
        %mul3A_288 = arith.muli %scan3A_147, %mul3A_287 : i32
        %add3A_289 = arith.constant 3 : i32
        %add3A_290 = arith.addi %mul3A_288, %add3A_289 : i32
        %get3A_291 = arith.index_cast %add3A_290 : i32 to index
        %get3A_292 = arith.constant 0 : index
        %get3A_293 = tpu.vector_load %arg11[%get3A_291, %get3A_292] {strides = array<i32>} : memref<1000x16xf32, #tpu.memory_space<vmem>>, vector<1x16xf32>,
        %get3A_294 = vector.shape_cast %get3A_293 : vector<1x16xf32> to vector<16xf32>
        %mul3A_295 = arith.constant 4 : i32
        %mul3A_296 = arith.muli %mul3A_295, %add3A_290 : i32
        %get3A_297 = arith.index_cast %mul3A_296 : i32 to index
        %get3A_298 = arith.constant 0 : index
        %get3A_299 = tpu.vector_load %arg10[%get3A_297, %get3A_298] {strides = array<i32>} : memref<4000x16xf32, #tpu.memory_space<vmem>>, vector<1x16xf32>,
        %get3A_300 = vector.shape_cast %get3A_299 : vector<1x16xf32> to vector<16xf32>
        %add3A_301 = arith.addf %get3A_294, %get3A_300 : vector<16xf32>
        %mul3A_302 = arith.constant 4 : i32
        %mul3A_303 = arith.muli %mul3A_302, %add3A_290 : i32
        %add3A_304 = arith.constant 1 : i32
        %add3A_305 = arith.addi %mul3A_303, %add3A_304 : i32
        %get3A_306 = arith.index_cast %add3A_305 : i32 to index
        %get3A_307 = arith.constant 0 : index
        %get3A_308 = tpu.vector_load %arg10[%get3A_306, %get3A_307] {strides = array<i32>} : memref<4000x16xf32, #tpu.memory_space<vmem>>, vector<1x16xf32>,
        %get3A_309 = vector.shape_cast %get3A_308 : vector<1x16xf32> to vector<16xf32>
        %add3A_310 = arith.addf %add3A_301, %get3A_309 : vector<16xf32>
        %mul3A_311 = arith.constant 4 : i32
        %mul3A_312 = arith.muli %mul3A_311, %add3A_290 : i32
        %add3A_313 = arith.constant 2 : i32
        %add3A_314 = arith.addi %mul3A_312, %add3A_313 : i32
        %get3A_315 = arith.index_cast %add3A_314 : i32 to index
        %get3A_316 = arith.constant 0 : index
        %get3A_317 = tpu.vector_load %arg10[%get3A_315, %get3A_316] {strides = array<i32>} : memref<4000x16xf32, #tpu.memory_space<vmem>>, vector<1x16xf32>,
        %get3A_318 = vector.shape_cast %get3A_317 : vector<1x16xf32> to vector<16xf32>
        %add3A_319 = arith.addf %add3A_310, %get3A_318 : vector<16xf32>
        %mul3A_320 = arith.constant 4 : i32
        %mul3A_321 = arith.muli %mul3A_320, %add3A_290 : i32
        %add3A_322 = arith.constant 3 : i32
        %add3A_323 = arith.addi %mul3A_321, %add3A_322 : i32
        %get3A_324 = arith.index_cast %add3A_323 : i32 to index
        %get3A_325 = arith.constant 0 : index
        %get3A_326 = tpu.vector_load %arg10[%get3A_324, %get3A_325] {strides = array<i32>} : memref<4000x16xf32, #tpu.memory_space<vmem>>, vector<1x16xf32>,
        %get3A_327 = vector.shape_cast %get3A_326 : vector<1x16xf32> to vector<16xf32>
        %add3A_328 = arith.addf %add3A_319, %get3A_327 : vector<16xf32>
        %swap3A_329 = arith.index_cast %add3A_290 : i32 to index
        %swap3A_330 = arith.constant 0 : index
        %swap3A_331 = tpu.vector_load %arg12[%swap3A_329, %swap3A_330] {strides = array<i32>} : memref<1000x16xf32, #tpu.memory_space<vmem>>, vector<1x16xf32>,
        %swap3A_332 = vector.shape_cast %swap3A_331 : vector<1x16xf32> to vector<16xf32>
        %swap3A_333 = vector.shape_cast %add3A_328 : vector<16xf32> to vector<1x16xf32>
        tpu.vector_store %arg12[%swap3A_329, %swap3A_330], %swap3A_333 {strides = array<i32>} : memref<1000x16xf32, #tpu.memory_space<vmem>>, vector<1x16xf32>,
        %mul3A_334 = arith.constant 8 : i32
        %mul3A_335 = arith.muli %scan3A_147, %mul3A_334 : i32
        %add3A_336 = arith.constant 4 : i32
        %add3A_337 = arith.addi %mul3A_335, %add3A_336 : i32
        %get3A_338 = arith.index_cast %add3A_337 : i32 to index
        %get3A_339 = arith.constant 0 : index
        %get3A_340 = tpu.vector_load %arg11[%get3A_338, %get3A_339] {strides = array<i32>} : memref<1000x16xf32, #tpu.memory_space<vmem>>, vector<1x16xf32>,
        %get3A_341 = vector.shape_cast %get3A_340 : vector<1x16xf32> to vector<16xf32>
        %mul3A_342 = arith.constant 4 : i32
        %mul3A_343 = arith.muli %mul3A_342, %add3A_337 : i32
        %get3A_344 = arith.index_cast %mul3A_343 : i32 to index
        %get3A_345 = arith.constant 0 : index
        %get3A_346 = tpu.vector_load %arg10[%get3A_344, %get3A_345] {strides = array<i32>} : memref<4000x16xf32, #tpu.memory_space<vmem>>, vector<1x16xf32>,
        %get3A_347 = vector.shape_cast %get3A_346 : vector<1x16xf32> to vector<16xf32>
        %add3A_348 = arith.addf %get3A_341, %get3A_347 : vector<16xf32>
        %mul3A_349 = arith.constant 4 : i32
        %mul3A_350 = arith.muli %mul3A_349, %add3A_337 : i32
        %add3A_351 = arith.constant 1 : i32
        %add3A_352 = arith.addi %mul3A_350, %add3A_351 : i32
        %get3A_353 = arith.index_cast %add3A_352 : i32 to index
        %get3A_354 = arith.constant 0 : index
        %get3A_355 = tpu.vector_load %arg10[%get3A_353, %get3A_354] {strides = array<i32>} : memref<4000x16xf32, #tpu.memory_space<vmem>>, vector<1x16xf32>,
        %get3A_356 = vector.shape_cast %get3A_355 : vector<1x16xf32> to vector<16xf32>
        %add3A_357 = arith.addf %add3A_348, %get3A_356 : vector<16xf32>
        %mul3A_358 = arith.constant 4 : i32
        %mul3A_359 = arith.muli %mul3A_358, %add3A_337 : i32
        %add3A_360 = arith.constant 2 : i32
        %add3A_361 = arith.addi %mul3A_359, %add3A_360 : i32
        %get3A_362 = arith.index_cast %add3A_361 : i32 to index
        %get3A_363 = arith.constant 0 : index
        %get3A_364 = tpu.vector_load %arg10[%get3A_362, %get3A_363] {strides = array<i32>} : memref<4000x16xf32, #tpu.memory_space<vmem>>, vector<1x16xf32>,
        %get3A_365 = vector.shape_cast %get3A_364 : vector<1x16xf32> to vector<16xf32>
        %add3A_366 = arith.addf %add3A_357, %get3A_365 : vector<16xf32>
        %mul3A_367 = arith.constant 4 : i32
        %mul3A_368 = arith.muli %mul3A_367, %add3A_337 : i32
        %add3A_369 = arith.constant 3 : i32
        %add3A_370 = arith.addi %mul3A_368, %add3A_369 : i32
        %get3A_371 = arith.index_cast %add3A_370 : i32 to index
        %get3A_372 = arith.constant 0 : index
        %get3A_373 = tpu.vector_load %arg10[%get3A_371, %get3A_372] {strides = array<i32>} : memref<4000x16xf32, #tpu.memory_space<vmem>>, vector<1x16xf32>,
        %get3A_374 = vector.shape_cast %get3A_373 : vector<1x16xf32> to vector<16xf32>
        %add3A_375 = arith.addf %add3A_366, %get3A_374 : vector<16xf32>
        %swap3A_376 = arith.index_cast %add3A_337 : i32 to index
        %swap3A_377 = arith.constant 0 : index
        %swap3A_378 = tpu.vector_load %arg12[%swap3A_376, %swap3A_377] {strides = array<i32>} : memref<1000x16xf32, #tpu.memory_space<vmem>>, vector<1x16xf32>,
        %swap3A_379 = vector.shape_cast %swap3A_378 : vector<1x16xf32> to vector<16xf32>
        %swap3A_380 = vector.shape_cast %add3A_375 : vector<16xf32> to vector<1x16xf32>
        tpu.vector_store %arg12[%swap3A_376, %swap3A_377], %swap3A_380 {strides = array<i32>} : memref<1000x16xf32, #tpu.memory_space<vmem>>, vector<1x16xf32>,
        %mul3A_381 = arith.constant 8 : i32
        %mul3A_382 = arith.muli %scan3A_147, %mul3A_381 : i32
        %add3A_383 = arith.constant 5 : i32
        %add3A_384 = arith.addi %mul3A_382, %add3A_383 : i32
        %get3A_385 = arith.index_cast %add3A_384 : i32 to index
        %get3A_386 = arith.constant 0 : index
        %get3A_387 = tpu.vector_load %arg11[%get3A_385, %get3A_386] {strides = array<i32>} : memref<1000x16xf32, #tpu.memory_space<vmem>>, vector<1x16xf32>,
        %get3A_388 = vector.shape_cast %get3A_387 : vector<1x16xf32> to vector<16xf32>
        %mul3A_389 = arith.constant 4 : i32
        %mul3A_390 = arith.muli %mul3A_389, %add3A_384 : i32
        %get3A_391 = arith.index_cast %mul3A_390 : i32 to index
        %get3A_392 = arith.constant 0 : index
        %get3A_393 = tpu.vector_load %arg10[%get3A_391, %get3A_392] {strides = array<i32>} : memref<4000x16xf32, #tpu.memory_space<vmem>>, vector<1x16xf32>,
        %get3A_394 = vector.shape_cast %get3A_393 : vector<1x16xf32> to vector<16xf32>
        %add3A_395 = arith.addf %get3A_388, %get3A_394 : vector<16xf32>
        %mul3A_396 = arith.constant 4 : i32
        %mul3A_397 = arith.muli %mul3A_396, %add3A_384 : i32
        %add3A_398 = arith.constant 1 : i32
        %add3A_399 = arith.addi %mul3A_397, %add3A_398 : i32
        %get3A_400 = arith.index_cast %add3A_399 : i32 to index
        %get3A_401 = arith.constant 0 : index
        %get3A_402 = tpu.vector_load %arg10[%get3A_400, %get3A_401] {strides = array<i32>} : memref<4000x16xf32, #tpu.memory_space<vmem>>, vector<1x16xf32>,
        %get3A_403 = vector.shape_cast %get3A_402 : vector<1x16xf32> to vector<16xf32>
        %add3A_404 = arith.addf %add3A_395, %get3A_403 : vector<16xf32>
        %mul3A_405 = arith.constant 4 : i32
        %mul3A_406 = arith.muli %mul3A_405, %add3A_384 : i32
        %add3A_407 = arith.constant 2 : i32
        %add3A_408 = arith.addi %mul3A_406, %add3A_407 : i32
        %get3A_409 = arith.index_cast %add3A_408 : i32 to index
        %get3A_410 = arith.constant 0 : index
        %get3A_411 = tpu.vector_load %arg10[%get3A_409, %get3A_410] {strides = array<i32>} : memref<4000x16xf32, #tpu.memory_space<vmem>>, vector<1x16xf32>,
        %get3A_412 = vector.shape_cast %get3A_411 : vector<1x16xf32> to vector<16xf32>
        %add3A_413 = arith.addf %add3A_404, %get3A_412 : vector<16xf32>
        %mul3A_414 = arith.constant 4 : i32
        %mul3A_415 = arith.muli %mul3A_414, %add3A_384 : i32
        %add3A_416 = arith.constant 3 : i32
        %add3A_417 = arith.addi %mul3A_415, %add3A_416 : i32
        %get3A_418 = arith.index_cast %add3A_417 : i32 to index
        %get3A_419 = arith.constant 0 : index
        %get3A_420 = tpu.vector_load %arg10[%get3A_418, %get3A_419] {strides = array<i32>} : memref<4000x16xf32, #tpu.memory_space<vmem>>, vector<1x16xf32>,
        %get3A_421 = vector.shape_cast %get3A_420 : vector<1x16xf32> to vector<16xf32>
        %add3A_422 = arith.addf %add3A_413, %get3A_421 : vector<16xf32>
        %swap3A_423 = arith.index_cast %add3A_384 : i32 to index
        %swap3A_424 = arith.constant 0 : index
        %swap3A_425 = tpu.vector_load %arg12[%swap3A_423, %swap3A_424] {strides = array<i32>} : memref<1000x16xf32, #tpu.memory_space<vmem>>, vector<1x16xf32>,
        %swap3A_426 = vector.shape_cast %swap3A_425 : vector<1x16xf32> to vector<16xf32>
        %swap3A_427 = vector.shape_cast %add3A_422 : vector<16xf32> to vector<1x16xf32>
        tpu.vector_store %arg12[%swap3A_423, %swap3A_424], %swap3A_427 {strides = array<i32>} : memref<1000x16xf32, #tpu.memory_space<vmem>>, vector<1x16xf32>,
        %mul3A_428 = arith.constant 8 : i32
        %mul3A_429 = arith.muli %scan3A_147, %mul3A_428 : i32
        %add3A_430 = arith.constant 6 : i32
        %add3A_431 = arith.addi %mul3A_429, %add3A_430 : i32
        %get3A_432 = arith.index_cast %add3A_431 : i32 to index
        %get3A_433 = arith.constant 0 : index
        %get3A_434 = tpu.vector_load %arg11[%get3A_432, %get3A_433] {strides = array<i32>} : memref<1000x16xf32, #tpu.memory_space<vmem>>, vector<1x16xf32>,
        %get3A_435 = vector.shape_cast %get3A_434 : vector<1x16xf32> to vector<16xf32>
        %mul3A_436 = arith.constant 4 : i32
        %mul3A_437 = arith.muli %mul3A_436, %add3A_431 : i32
        %get3A_438 = arith.index_cast %mul3A_437 : i32 to index
        %get3A_439 = arith.constant 0 : index
        %get3A_440 = tpu.vector_load %arg10[%get3A_438, %get3A_439] {strides = array<i32>} : memref<4000x16xf32, #tpu.memory_space<vmem>>, vector<1x16xf32>,
        %get3A_441 = vector.shape_cast %get3A_440 : vector<1x16xf32> to vector<16xf32>
        %add3A_442 = arith.addf %get3A_435, %get3A_441 : vector<16xf32>
        %mul3A_443 = arith.constant 4 : i32
        %mul3A_444 = arith.muli %mul3A_443, %add3A_431 : i32
        %add3A_445 = arith.constant 1 : i32
        %add3A_446 = arith.addi %mul3A_444, %add3A_445 : i32
        %get3A_447 = arith.index_cast %add3A_446 : i32 to index
        %get3A_448 = arith.constant 0 : index
        %get3A_449 = tpu.vector_load %arg10[%get3A_447, %get3A_448] {strides = array<i32>} : memref<4000x16xf32, #tpu.memory_space<vmem>>, vector<1x16xf32>,
        %get3A_450 = vector.shape_cast %get3A_449 : vector<1x16xf32> to vector<16xf32>
        %add3A_451 = arith.addf %add3A_442, %get3A_450 : vector<16xf32>
        %mul3A_452 = arith.constant 4 : i32
        %mul3A_453 = arith.muli %mul3A_452, %add3A_431 : i32
        %add3A_454 = arith.constant 2 : i32
        %add3A_455 = arith.addi %mul3A_453, %add3A_454 : i32
        %get3A_456 = arith.index_cast %add3A_455 : i32 to index
        %get3A_457 = arith.constant 0 : index
        %get3A_458 = tpu.vector_load %arg10[%get3A_456, %get3A_457] {strides = array<i32>} : memref<4000x16xf32, #tpu.memory_space<vmem>>, vector<1x16xf32>,
        %get3A_459 = vector.shape_cast %get3A_458 : vector<1x16xf32> to vector<16xf32>
        %add3A_460 = arith.addf %add3A_451, %get3A_459 : vector<16xf32>
        %mul3A_461 = arith.constant 4 : i32
        %mul3A_462 = arith.muli %mul3A_461, %add3A_431 : i32
        %add3A_463 = arith.constant 3 : i32
        %add3A_464 = arith.addi %mul3A_462, %add3A_463 : i32
        %get3A_465 = arith.index_cast %add3A_464 : i32 to index
        %get3A_466 = arith.constant 0 : index
        %get3A_467 = tpu.vector_load %arg10[%get3A_465, %get3A_466] {strides = array<i32>} : memref<4000x16xf32, #tpu.memory_space<vmem>>, vector<1x16xf32>,
        %get3A_468 = vector.shape_cast %get3A_467 : vector<1x16xf32> to vector<16xf32>
        %add3A_469 = arith.addf %add3A_460, %get3A_468 : vector<16xf32>
        %swap3A_470 = arith.index_cast %add3A_431 : i32 to index
        %swap3A_471 = arith.constant 0 : index
        %swap3A_472 = tpu.vector_load %arg12[%swap3A_470, %swap3A_471] {strides = array<i32>} : memref<1000x16xf32, #tpu.memory_space<vmem>>, vector<1x16xf32>,
        %swap3A_473 = vector.shape_cast %swap3A_472 : vector<1x16xf32> to vector<16xf32>
        %swap3A_474 = vector.shape_cast %add3A_469 : vector<16xf32> to vector<1x16xf32>
        tpu.vector_store %arg12[%swap3A_470, %swap3A_471], %swap3A_474 {strides = array<i32>} : memref<1000x16xf32, #tpu.memory_space<vmem>>, vector<1x16xf32>,
        %mul3A_475 = arith.constant 8 : i32
        %mul3A_476 = arith.muli %scan3A_147, %mul3A_475 : i32
        %add3A_477 = arith.constant 7 : i32
        %add3A_478 = arith.addi %mul3A_476, %add3A_477 : i32
        %get3A_479 = arith.index_cast %add3A_478 : i32 to index
        %get3A_480 = arith.constant 0 : index
        %get3A_481 = tpu.vector_load %arg11[%get3A_479, %get3A_480] {strides = array<i32>} : memref<1000x16xf32, #tpu.memory_space<vmem>>, vector<1x16xf32>,
        %get3A_482 = vector.shape_cast %get3A_481 : vector<1x16xf32> to vector<16xf32>
        %mul3A_483 = arith.constant 4 : i32
        %mul3A_484 = arith.muli %mul3A_483, %add3A_478 : i32
        %get3A_485 = arith.index_cast %mul3A_484 : i32 to index
        %get3A_486 = arith.constant 0 : index
        %get3A_487 = tpu.vector_load %arg10[%get3A_485, %get3A_486] {strides = array<i32>} : memref<4000x16xf32, #tpu.memory_space<vmem>>, vector<1x16xf32>,
        %get3A_488 = vector.shape_cast %get3A_487 : vector<1x16xf32> to vector<16xf32>
        %add3A_489 = arith.addf %get3A_482, %get3A_488 : vector<16xf32>
        %mul3A_490 = arith.constant 4 : i32
        %mul3A_491 = arith.muli %mul3A_490, %add3A_478 : i32
        %add3A_492 = arith.constant 1 : i32
        %add3A_493 = arith.addi %mul3A_491, %add3A_492 : i32
        %get3A_494 = arith.index_cast %add3A_493 : i32 to index
        %get3A_495 = arith.constant 0 : index
        %get3A_496 = tpu.vector_load %arg10[%get3A_494, %get3A_495] {strides = array<i32>} : memref<4000x16xf32, #tpu.memory_space<vmem>>, vector<1x16xf32>,
        %get3A_497 = vector.shape_cast %get3A_496 : vector<1x16xf32> to vector<16xf32>
        %add3A_498 = arith.addf %add3A_489, %get3A_497 : vector<16xf32>
        %mul3A_499 = arith.constant 4 : i32
        %mul3A_500 = arith.muli %mul3A_499, %add3A_478 : i32
        %add3A_501 = arith.constant 2 : i32
        %add3A_502 = arith.addi %mul3A_500, %add3A_501 : i32
        %get3A_503 = arith.index_cast %add3A_502 : i32 to index
        %get3A_504 = arith.constant 0 : index
        %get3A_505 = tpu.vector_load %arg10[%get3A_503, %get3A_504] {strides = array<i32>} : memref<4000x16xf32, #tpu.memory_space<vmem>>, vector<1x16xf32>,
        %get3A_506 = vector.shape_cast %get3A_505 : vector<1x16xf32> to vector<16xf32>
        %add3A_507 = arith.addf %add3A_498, %get3A_506 : vector<16xf32>
        %mul3A_508 = arith.constant 4 : i32
        %mul3A_509 = arith.muli %mul3A_508, %add3A_478 : i32
        %add3A_510 = arith.constant 3 : i32
        %add3A_511 = arith.addi %mul3A_509, %add3A_510 : i32
        %get3A_512 = arith.index_cast %add3A_511 : i32 to index
        %get3A_513 = arith.constant 0 : index
        %get3A_514 = tpu.vector_load %arg10[%get3A_512, %get3A_513] {strides = array<i32>} : memref<4000x16xf32, #tpu.memory_space<vmem>>, vector<1x16xf32>,
        %get3A_515 = vector.shape_cast %get3A_514 : vector<1x16xf32> to vector<16xf32>
        %add3A_516 = arith.addf %add3A_507, %get3A_515 : vector<16xf32>
        %swap3A_517 = arith.index_cast %add3A_478 : i32 to index
        %swap3A_518 = arith.constant 0 : index
        %swap3A_519 = tpu.vector_load %arg12[%swap3A_517, %swap3A_518] {strides = array<i32>} : memref<1000x16xf32, #tpu.memory_space<vmem>>, vector<1x16xf32>,
        %swap3A_520 = vector.shape_cast %swap3A_519 : vector<1x16xf32> to vector<16xf32>
        %swap3A_521 = vector.shape_cast %add3A_516 : vector<16xf32> to vector<1x16xf32>
        tpu.vector_store %arg12[%swap3A_517, %swap3A_518], %swap3A_521 {strides = array<i32>} : memref<1000x16xf32, #tpu.memory_space<vmem>>, vector<1x16xf32>,
      }
      %scan3A_100 = arith.constant 125 : i32
      %mul3A_101 = arith.constant 5 : i32
      %mul3A_102 = arith.muli %add3A, %mul3A_101 : i32
      %add3A_103 = arith.addi %mul3A_102, %scan3A_54 : i32
      %jit3A = arith.constant 8 : i32
      %div3A = arith.divsi %add3A_103, %jit3A : i32
      %sign3A = arith.constant 0 : i32
      %sign3A_104 = arith.cmpi sgt, %add3A_103, %sign3A : i32
      %sign3A_105 = arith.extui %sign3A_104 : i1 to i32
      %sign3A_106 = arith.constant 0 : i32
      %sign3A_107 = arith.cmpi slt, %add3A_103, %sign3A_106 : i32
      %sign3A_108 = arith.extui %sign3A_107 : i1 to i32
      %sign3A_109 = arith.subi %sign3A_105, %sign3A_108 : i32
      %sign3A_110 = arith.constant 0 : i32
      %sign3A_111 = arith.cmpi sgt, %jit3A, %sign3A_110 : i32
      %sign3A_112 = arith.extui %sign3A_111 : i1 to i32
      %sign3A_113 = arith.constant 0 : i32
      %sign3A_114 = arith.cmpi slt, %jit3A, %sign3A_113 : i32
      %sign3A_115 = arith.extui %sign3A_114 : i1 to i32
      %sign3A_116 = arith.subi %sign3A_112, %sign3A_115 : i32
      %ne3A = arith.cmpi ne, %sign3A_109, %sign3A_116 : i32
      %rem3A = arith.remsi %add3A_103, %jit3A : i32
      %ne3A_117 = arith.constant 0 : i32
      %ne3A_118 = arith.cmpi ne, %rem3A, %ne3A_117 : i32
      %and3A = arith.andi %ne3A, %ne3A_118 : i1
      %sub3A = arith.constant 1 : i32
      %sub3A_119 = arith.subi %div3A, %sub3A : i32
      %select_n3A = arith.select %and3A, %sub3A_119, %div3A : i32
      %mul3A_120 = arith.constant 1000 : i32
      %mul3A_121 = arith.muli %select_n3A, %mul3A_120 : i32
      %jit3A_122 = arith.constant 8 : i32
      %eq3A_123 = arith.constant 0 : i32
      %eq3A_124 = arith.cmpi eq, %jit3A_122, %eq3A_123 : i32
      %jit3A_125 = arith.constant 1 : i32
      %select_n3A_126 = arith.select %eq3A_124, %jit3A_125, %jit3A_122 : i32
      %rem3A_127 = arith.remsi %add3A_103, %select_n3A_126 : i32
      %ne3A_128 = arith.constant 0 : i32
      %ne3A_129 = arith.cmpi ne, %rem3A_127, %ne3A_128 : i32
      %lt3A = arith.constant 0 : i32
      %lt3A_130 = arith.cmpi slt, %rem3A_127, %lt3A : i32
      %lt3A_131 = arith.constant 0 : i32
      %lt3A_132 = arith.cmpi slt, %select_n3A_126, %lt3A_131 : i32
      %ne3A_133 = arith.xori %lt3A_130, %lt3A_132 : i1
      %and3A_134 = arith.andi %ne3A_133, %ne3A_129 : i1
      %add3A_135 = arith.addi %rem3A_127, %select_n3A_126 : i32
      %select_n3A_136 = arith.select %and3A_134, %add3A_135, %rem3A_127 : i32
      %mul3A_137 = arith.constant 16 : i32
      %mul3A_138 = arith.muli %select_n3A_136, %mul3A_137 : i32
      %multiple_of3A = tpu.assume_multiple %mul3A_138, 16 : i32
      %dma_start3A_139 = tpu.memref_slice %arg4[%mul3A_121, %multiple_of3A] : memref<20000x128xf32, #tpu.memory_space<hbm>> -> memref<1000x16xf32, #tpu.memory_space<hbm>>
      %dma_start3A_140 = tpu.memref_slice %arg4[%mul3A_121, %multiple_of3A] : memref<20000x128xf32, #tpu.memory_space<hbm>> -> memref<1000x16xf32, #tpu.memory_space<hbm>>
      tpu.enqueue_dma source(%arg12 : memref<1000x16xf32, #tpu.memory_space<vmem>>) target(%dma_start3A_140 : memref<1000x16xf32, #tpu.memory_space<hbm>>) target_semaphore(%arg15 : memref<!tpu.dma_semaphore, #tpu.memory_space<semaphore_mem>>)
      %dma_wait3A_141 = arith.constant 0 : i32
      %dma_wait3A_142 = arith.constant 0 : i32
      %dma_wait3A_143 = tpu.memref_slice %arg4[%dma_wait3A_141, %dma_wait3A_142] : memref<20000x128xf32, #tpu.memory_space<hbm>> -> memref<1000x16xf32, #tpu.memory_space<hbm>>
      %dma_wait3A_144 = arith.constant 0 : i32
      %dma_wait3A_145 = arith.constant 0 : i32
      %dma_wait3A_146 = tpu.memref_slice %arg4[%dma_wait3A_144, %dma_wait3A_145] : memref<20000x128xf32, #tpu.memory_space<hbm>> -> memref<1000x16xf32, #tpu.memory_space<hbm>>
      tpu.wait_dma2 semaphore(%arg15 : memref<!tpu.dma_semaphore, #tpu.memory_space<semaphore_mem>>) src(%arg12 : memref<1000x16xf32, #tpu.memory_space<vmem>>) dst(%dma_wait3A_146 : memref<1000x16xf32, #tpu.memory_space<hbm>>)
    }
    %scan3A_53 = arith.constant 5 : i32
    return
  }
}

#map = affine_map<(d0, d1) -> (0, 0)>
#map1 = affine_map<(d0, d1) -> (0)>
module attributes {stable_mosaic.version = 14 : i64} {
  func.func @_node_gather(%arg0: i32, %arg1: i32, %arg2: memref<20480x128xf32, #tpu.memory_space<hbm>>, %arg3: memref<20480x128xf32, #tpu.memory_space<hbm>>, %arg4: memref<174080xi32, #tpu.memory_space<hbm>>, %arg5: memref<163840xi32, #tpu.memory_space<hbm>>, %arg6: memref<10240x128xf32, #tpu.memory_space<hbm>>, %arg7: memref<10240x128xf32, #tpu.memory_space<hbm>>, %arg8: memref<2176xi32, #tpu.memory_space<vmem>>, %arg9: memref<2176xi32, #tpu.memory_space<vmem>>, %arg10: memref<2176xi32, #tpu.memory_space<vmem>>, %arg11: memref<2048xi32, #tpu.memory_space<vmem>>, %arg12: memref<2048xi32, #tpu.memory_space<vmem>>, %arg13: memref<2048xi32, #tpu.memory_space<vmem>>, %arg14: memref<128x128xf32, #tpu.memory_space<vmem>>, %arg15: memref<128x128xf32, #tpu.memory_space<vmem>>, %arg16: memref<128x128xf32, #tpu.memory_space<vmem>>, %arg17: memref<128x128xf32, #tpu.memory_space<vmem>>, %arg18: memref<!tpu.dma_semaphore, #tpu.memory_space<semaphore_mem>>, %arg19: memref<!tpu.dma_semaphore, #tpu.memory_space<semaphore_mem>>, %arg20: memref<!tpu.dma_semaphore, #tpu.memory_space<semaphore_mem>>, %arg21: memref<!tpu.dma_semaphore, #tpu.memory_space<semaphore_mem>>, %arg22: memref<!tpu.dma_semaphore, #tpu.memory_space<semaphore_mem>>, %arg23: memref<!tpu.dma_semaphore, #tpu.memory_space<semaphore_mem>>) attributes {dimension_semantics = [#tpu.dimension_semantics<core_parallel>, #tpu.dimension_semantics<subcore_parallel>], iteration_bounds = array<i64: 2, 16>, scalar_prefetch = 0 : i64, scratch_operands = 16 : i64, tpu.core_type = #tpu.core_type<sc_vector_subcore>, window_params = [{transform_indices = #map}, {transform_indices = #map}, {transform_indices = #map1}, {transform_indices = #map1}, {transform_indices = #map}, {transform_indices = #map}]} {
    %mul3A = arith.constant 16 : i32
    %mul3A_0 = arith.muli %arg0, %mul3A : i32
    %add3A = arith.addi %mul3A_0, %arg1 : i32
    %mul3A_1 = arith.constant 2 : i32
    %mul3A_2 = arith.muli %add3A, %mul3A_1 : i32
    %mul3A_3 = arith.constant 2 : i32
    %mul3A_4 = arith.muli %add3A, %mul3A_3 : i32
    %add3A_5 = arith.constant 1 : i32
    %add3A_6 = arith.addi %mul3A_4, %add3A_5 : i32
    %jit3A = arith.constant 16 : i32
    %div3A = arith.divsi %add3A, %jit3A : i32
    %sign3A = arith.constant 0 : i32
    %sign3A_7 = arith.cmpi sgt, %add3A, %sign3A : i32
    %sign3A_8 = arith.extui %sign3A_7 : i1 to i32
    %sign3A_9 = arith.constant 0 : i32
    %sign3A_10 = arith.cmpi slt, %add3A, %sign3A_9 : i32
    %sign3A_11 = arith.extui %sign3A_10 : i1 to i32
    %sign3A_12 = arith.subi %sign3A_8, %sign3A_11 : i32
    %sign3A_13 = arith.constant 0 : i32
    %sign3A_14 = arith.cmpi sgt, %jit3A, %sign3A_13 : i32
    %sign3A_15 = arith.extui %sign3A_14 : i1 to i32
    %sign3A_16 = arith.constant 0 : i32
    %sign3A_17 = arith.cmpi slt, %jit3A, %sign3A_16 : i32
    %sign3A_18 = arith.extui %sign3A_17 : i1 to i32
    %sign3A_19 = arith.subi %sign3A_15, %sign3A_18 : i32
    %ne3A = arith.cmpi ne, %sign3A_12, %sign3A_19 : i32
    %rem3A = arith.remsi %add3A, %jit3A : i32
    %ne3A_20 = arith.constant 0 : i32
    %ne3A_21 = arith.cmpi ne, %rem3A, %ne3A_20 : i32
    %and3A = arith.andi %ne3A, %ne3A_21 : i1
    %sub3A = arith.constant 1 : i32
    %sub3A_22 = arith.subi %div3A, %sub3A : i32
    %select_n3A = arith.select %and3A, %sub3A_22, %div3A : i32
    %mul3A_23 = arith.constant 8 : i32
    %mul3A_24 = arith.muli %select_n3A, %mul3A_23 : i32
    %add3A_25 = arith.constant 64 : i32
    %add3A_26 = arith.addi %add3A_25, %mul3A_24 : i32
    %jit3A_27 = arith.constant 16 : i32
    %eq3A = arith.constant 0 : i32
    %eq3A_28 = arith.cmpi eq, %jit3A_27, %eq3A : i32
    %jit3A_29 = arith.constant 1 : i32
    %select_n3A_30 = arith.select %eq3A_28, %jit3A_29, %jit3A_27 : i32
    %rem3A_31 = arith.remsi %add3A, %select_n3A_30 : i32
    %ne3A_32 = arith.constant 0 : i32
    %ne3A_33 = arith.cmpi ne, %rem3A_31, %ne3A_32 : i32
    %lt3A = arith.constant 0 : i32
    %lt3A_34 = arith.cmpi slt, %rem3A_31, %lt3A : i32
    %lt3A_35 = arith.constant 0 : i32
    %lt3A_36 = arith.cmpi slt, %select_n3A_30, %lt3A_35 : i32
    %ne3A_37 = arith.xori %lt3A_34, %lt3A_36 : i1
    %and3A_38 = arith.andi %ne3A_37, %ne3A_33 : i1
    %add3A_39 = arith.addi %rem3A_31, %select_n3A_30 : i32
    %select_n3A_40 = arith.select %and3A_38, %add3A_39, %rem3A_31 : i32
    %add3A_41 = arith.addi %add3A_26, %select_n3A_40 : i32
    %jit3A_42 = arith.constant 16 : i32
    %eq3A_43 = arith.constant 0 : i32
    %eq3A_44 = arith.cmpi eq, %jit3A_42, %eq3A_43 : i32
    %jit3A_45 = arith.constant 1 : i32
    %select_n3A_46 = arith.select %eq3A_44, %jit3A_45, %jit3A_42 : i32
    %rem3A_47 = arith.remsi %add3A, %select_n3A_46 : i32
    %ne3A_48 = arith.constant 0 : i32
    %ne3A_49 = arith.cmpi ne, %rem3A_47, %ne3A_48 : i32
    %lt3A_50 = arith.constant 0 : i32
    %lt3A_51 = arith.cmpi slt, %rem3A_47, %lt3A_50 : i32
    %lt3A_52 = arith.constant 0 : i32
    %lt3A_53 = arith.cmpi slt, %select_n3A_46, %lt3A_52 : i32
    %ne3A_54 = arith.xori %lt3A_51, %lt3A_53 : i1
    %and3A_55 = arith.andi %ne3A_54, %ne3A_49 : i1
    %add3A_56 = arith.addi %rem3A_47, %select_n3A_46 : i32
    %select_n3A_57 = arith.select %and3A_55, %add3A_56, %rem3A_47 : i32
    %lt3A_58 = arith.constant 8 : i32
    %lt3A_59 = arith.cmpi slt, %select_n3A_57, %lt3A_58 : i32
    %mul3A_60 = arith.constant 2176 : i32
    %mul3A_61 = arith.muli %mul3A_2, %mul3A_60 : i32
    %dma_start3A = tpu.memref_slice %arg4[%mul3A_61] : memref<174080xi32, #tpu.memory_space<hbm>> -> memref<2176xi32, #tpu.memory_space<hbm>>
    %dma_start3A_62 = tpu.memref_slice %arg4[%mul3A_61] : memref<174080xi32, #tpu.memory_space<hbm>> -> memref<2176xi32, #tpu.memory_space<hbm>>
    tpu.enqueue_dma source(%dma_start3A_62 : memref<2176xi32, #tpu.memory_space<hbm>>) target(%arg8 : memref<2176xi32, #tpu.memory_space<vmem>>) target_semaphore(%arg18 : memref<!tpu.dma_semaphore, #tpu.memory_space<semaphore_mem>>)
    %mul3A_63 = arith.constant 2048 : i32
    %mul3A_64 = arith.muli %mul3A_2, %mul3A_63 : i32
    %dma_start3A_65 = tpu.memref_slice %arg5[%mul3A_64] : memref<163840xi32, #tpu.memory_space<hbm>> -> memref<2048xi32, #tpu.memory_space<hbm>>
    %dma_start3A_66 = tpu.memref_slice %arg5[%mul3A_64] : memref<163840xi32, #tpu.memory_space<hbm>> -> memref<2048xi32, #tpu.memory_space<hbm>>
    tpu.enqueue_dma source(%dma_start3A_66 : memref<2048xi32, #tpu.memory_space<hbm>>) target(%arg11 : memref<2048xi32, #tpu.memory_space<vmem>>) target_semaphore(%arg18 : memref<!tpu.dma_semaphore, #tpu.memory_space<semaphore_mem>>)
    %mul3A_67 = arith.constant 2176 : i32
    %mul3A_68 = arith.muli %add3A_6, %mul3A_67 : i32
    %dma_start3A_69 = tpu.memref_slice %arg4[%mul3A_68] : memref<174080xi32, #tpu.memory_space<hbm>> -> memref<2176xi32, #tpu.memory_space<hbm>>
    %dma_start3A_70 = tpu.memref_slice %arg4[%mul3A_68] : memref<174080xi32, #tpu.memory_space<hbm>> -> memref<2176xi32, #tpu.memory_space<hbm>>
    tpu.enqueue_dma source(%dma_start3A_70 : memref<2176xi32, #tpu.memory_space<hbm>>) target(%arg9 : memref<2176xi32, #tpu.memory_space<vmem>>) target_semaphore(%arg19 : memref<!tpu.dma_semaphore, #tpu.memory_space<semaphore_mem>>)
    %mul3A_71 = arith.constant 2048 : i32
    %mul3A_72 = arith.muli %add3A_6, %mul3A_71 : i32
    %dma_start3A_73 = tpu.memref_slice %arg5[%mul3A_72] : memref<163840xi32, #tpu.memory_space<hbm>> -> memref<2048xi32, #tpu.memory_space<hbm>>
    %dma_start3A_74 = tpu.memref_slice %arg5[%mul3A_72] : memref<163840xi32, #tpu.memory_space<hbm>> -> memref<2048xi32, #tpu.memory_space<hbm>>
    tpu.enqueue_dma source(%dma_start3A_74 : memref<2048xi32, #tpu.memory_space<hbm>>) target(%arg12 : memref<2048xi32, #tpu.memory_space<vmem>>) target_semaphore(%arg19 : memref<!tpu.dma_semaphore, #tpu.memory_space<semaphore_mem>>)
    %broadcast_in_dim3A = arith.constant 0.000000e+00 : f32
    %broadcast_in_dim3A_75 = vector.broadcast %broadcast_in_dim3A : f32 to vector<16xf32>
    %scan3A = arith.constant 0 : i32
    %scan3A_76 = arith.constant 128 : i32
    %scan3A_77 = arith.addi %scan3A, %scan3A_76 : i32
    %scan3A_78 = arith.constant 1 : i32
    scf.for %scan3A_798 = %scan3A to %scan3A_77 step %scan3A_78  : i32 {
      %swap3A = arith.index_cast %scan3A_798 : i32 to index
      %swap3A_799 = arith.constant 0 : index
      %swap3A_800 = tpu.vector_load %arg14[%swap3A, %swap3A_799] {strides = array<i32>} : memref<128x128xf32, #tpu.memory_space<vmem>>, vector<1x16xf32>,
      %swap3A_801 = vector.shape_cast %swap3A_800 : vector<1x16xf32> to vector<16xf32>
      %swap3A_802 = vector.shape_cast %broadcast_in_dim3A_75 : vector<16xf32> to vector<1x16xf32>
      tpu.vector_store %arg14[%swap3A, %swap3A_799], %swap3A_802 {strides = array<i32>} : memref<128x128xf32, #tpu.memory_space<vmem>>, vector<1x16xf32>,
      %swap3A_803 = arith.index_cast %scan3A_798 : i32 to index
      %swap3A_804 = arith.constant 0 : index
      %swap3A_805 = tpu.vector_load %arg16[%swap3A_803, %swap3A_804] {strides = array<i32>} : memref<128x128xf32, #tpu.memory_space<vmem>>, vector<1x16xf32>,
      %swap3A_806 = vector.shape_cast %swap3A_805 : vector<1x16xf32> to vector<16xf32>
      %swap3A_807 = vector.shape_cast %broadcast_in_dim3A_75 : vector<16xf32> to vector<1x16xf32>
      tpu.vector_store %arg16[%swap3A_803, %swap3A_804], %swap3A_807 {strides = array<i32>} : memref<128x128xf32, #tpu.memory_space<vmem>>, vector<1x16xf32>,
      %swap3A_808 = arith.index_cast %scan3A_798 : i32 to index
      %swap3A_809 = arith.constant 16 : index
      %swap3A_810 = tpu.vector_load %arg14[%swap3A_808, %swap3A_809] {strides = array<i32>} : memref<128x128xf32, #tpu.memory_space<vmem>>, vector<1x16xf32>,
      %swap3A_811 = vector.shape_cast %swap3A_810 : vector<1x16xf32> to vector<16xf32>
      %swap3A_812 = vector.shape_cast %broadcast_in_dim3A_75 : vector<16xf32> to vector<1x16xf32>
      tpu.vector_store %arg14[%swap3A_808, %swap3A_809], %swap3A_812 {strides = array<i32>} : memref<128x128xf32, #tpu.memory_space<vmem>>, vector<1x16xf32>,
      %swap3A_813 = arith.index_cast %scan3A_798 : i32 to index
      %swap3A_814 = arith.constant 16 : index
      %swap3A_815 = tpu.vector_load %arg16[%swap3A_813, %swap3A_814] {strides = array<i32>} : memref<128x128xf32, #tpu.memory_space<vmem>>, vector<1x16xf32>,
      %swap3A_816 = vector.shape_cast %swap3A_815 : vector<1x16xf32> to vector<16xf32>
      %swap3A_817 = vector.shape_cast %broadcast_in_dim3A_75 : vector<16xf32> to vector<1x16xf32>
      tpu.vector_store %arg16[%swap3A_813, %swap3A_814], %swap3A_817 {strides = array<i32>} : memref<128x128xf32, #tpu.memory_space<vmem>>, vector<1x16xf32>,
      %swap3A_818 = arith.index_cast %scan3A_798 : i32 to index
      %swap3A_819 = arith.constant 32 : index
      %swap3A_820 = tpu.vector_load %arg14[%swap3A_818, %swap3A_819] {strides = array<i32>} : memref<128x128xf32, #tpu.memory_space<vmem>>, vector<1x16xf32>,
      %swap3A_821 = vector.shape_cast %swap3A_820 : vector<1x16xf32> to vector<16xf32>
      %swap3A_822 = vector.shape_cast %broadcast_in_dim3A_75 : vector<16xf32> to vector<1x16xf32>
      tpu.vector_store %arg14[%swap3A_818, %swap3A_819], %swap3A_822 {strides = array<i32>} : memref<128x128xf32, #tpu.memory_space<vmem>>, vector<1x16xf32>,
      %swap3A_823 = arith.index_cast %scan3A_798 : i32 to index
      %swap3A_824 = arith.constant 32 : index
      %swap3A_825 = tpu.vector_load %arg16[%swap3A_823, %swap3A_824] {strides = array<i32>} : memref<128x128xf32, #tpu.memory_space<vmem>>, vector<1x16xf32>,
      %swap3A_826 = vector.shape_cast %swap3A_825 : vector<1x16xf32> to vector<16xf32>
      %swap3A_827 = vector.shape_cast %broadcast_in_dim3A_75 : vector<16xf32> to vector<1x16xf32>
      tpu.vector_store %arg16[%swap3A_823, %swap3A_824], %swap3A_827 {strides = array<i32>} : memref<128x128xf32, #tpu.memory_space<vmem>>, vector<1x16xf32>,
      %swap3A_828 = arith.index_cast %scan3A_798 : i32 to index
      %swap3A_829 = arith.constant 48 : index
      %swap3A_830 = tpu.vector_load %arg14[%swap3A_828, %swap3A_829] {strides = array<i32>} : memref<128x128xf32, #tpu.memory_space<vmem>>, vector<1x16xf32>,
      %swap3A_831 = vector.shape_cast %swap3A_830 : vector<1x16xf32> to vector<16xf32>
      %swap3A_832 = vector.shape_cast %broadcast_in_dim3A_75 : vector<16xf32> to vector<1x16xf32>
      tpu.vector_store %arg14[%swap3A_828, %swap3A_829], %swap3A_832 {strides = array<i32>} : memref<128x128xf32, #tpu.memory_space<vmem>>, vector<1x16xf32>,
      %swap3A_833 = arith.index_cast %scan3A_798 : i32 to index
      %swap3A_834 = arith.constant 48 : index
      %swap3A_835 = tpu.vector_load %arg16[%swap3A_833, %swap3A_834] {strides = array<i32>} : memref<128x128xf32, #tpu.memory_space<vmem>>, vector<1x16xf32>,
      %swap3A_836 = vector.shape_cast %swap3A_835 : vector<1x16xf32> to vector<16xf32>
      %swap3A_837 = vector.shape_cast %broadcast_in_dim3A_75 : vector<16xf32> to vector<1x16xf32>
      tpu.vector_store %arg16[%swap3A_833, %swap3A_834], %swap3A_837 {strides = array<i32>} : memref<128x128xf32, #tpu.memory_space<vmem>>, vector<1x16xf32>,
      %swap3A_838 = arith.index_cast %scan3A_798 : i32 to index
      %swap3A_839 = arith.constant 64 : index
      %swap3A_840 = tpu.vector_load %arg14[%swap3A_838, %swap3A_839] {strides = array<i32>} : memref<128x128xf32, #tpu.memory_space<vmem>>, vector<1x16xf32>,
      %swap3A_841 = vector.shape_cast %swap3A_840 : vector<1x16xf32> to vector<16xf32>
      %swap3A_842 = vector.shape_cast %broadcast_in_dim3A_75 : vector<16xf32> to vector<1x16xf32>
      tpu.vector_store %arg14[%swap3A_838, %swap3A_839], %swap3A_842 {strides = array<i32>} : memref<128x128xf32, #tpu.memory_space<vmem>>, vector<1x16xf32>,
      %swap3A_843 = arith.index_cast %scan3A_798 : i32 to index
      %swap3A_844 = arith.constant 64 : index
      %swap3A_845 = tpu.vector_load %arg16[%swap3A_843, %swap3A_844] {strides = array<i32>} : memref<128x128xf32, #tpu.memory_space<vmem>>, vector<1x16xf32>,
      %swap3A_846 = vector.shape_cast %swap3A_845 : vector<1x16xf32> to vector<16xf32>
      %swap3A_847 = vector.shape_cast %broadcast_in_dim3A_75 : vector<16xf32> to vector<1x16xf32>
      tpu.vector_store %arg16[%swap3A_843, %swap3A_844], %swap3A_847 {strides = array<i32>} : memref<128x128xf32, #tpu.memory_space<vmem>>, vector<1x16xf32>,
      %swap3A_848 = arith.index_cast %scan3A_798 : i32 to index
      %swap3A_849 = arith.constant 80 : index
      %swap3A_850 = tpu.vector_load %arg14[%swap3A_848, %swap3A_849] {strides = array<i32>} : memref<128x128xf32, #tpu.memory_space<vmem>>, vector<1x16xf32>,
      %swap3A_851 = vector.shape_cast %swap3A_850 : vector<1x16xf32> to vector<16xf32>
      %swap3A_852 = vector.shape_cast %broadcast_in_dim3A_75 : vector<16xf32> to vector<1x16xf32>
      tpu.vector_store %arg14[%swap3A_848, %swap3A_849], %swap3A_852 {strides = array<i32>} : memref<128x128xf32, #tpu.memory_space<vmem>>, vector<1x16xf32>,
      %swap3A_853 = arith.index_cast %scan3A_798 : i32 to index
      %swap3A_854 = arith.constant 80 : index
      %swap3A_855 = tpu.vector_load %arg16[%swap3A_853, %swap3A_854] {strides = array<i32>} : memref<128x128xf32, #tpu.memory_space<vmem>>, vector<1x16xf32>,
      %swap3A_856 = vector.shape_cast %swap3A_855 : vector<1x16xf32> to vector<16xf32>
      %swap3A_857 = vector.shape_cast %broadcast_in_dim3A_75 : vector<16xf32> to vector<1x16xf32>
      tpu.vector_store %arg16[%swap3A_853, %swap3A_854], %swap3A_857 {strides = array<i32>} : memref<128x128xf32, #tpu.memory_space<vmem>>, vector<1x16xf32>,
      %swap3A_858 = arith.index_cast %scan3A_798 : i32 to index
      %swap3A_859 = arith.constant 96 : index
      %swap3A_860 = tpu.vector_load %arg14[%swap3A_858, %swap3A_859] {strides = array<i32>} : memref<128x128xf32, #tpu.memory_space<vmem>>, vector<1x16xf32>,
      %swap3A_861 = vector.shape_cast %swap3A_860 : vector<1x16xf32> to vector<16xf32>
      %swap3A_862 = vector.shape_cast %broadcast_in_dim3A_75 : vector<16xf32> to vector<1x16xf32>
      tpu.vector_store %arg14[%swap3A_858, %swap3A_859], %swap3A_862 {strides = array<i32>} : memref<128x128xf32, #tpu.memory_space<vmem>>, vector<1x16xf32>,
      %swap3A_863 = arith.index_cast %scan3A_798 : i32 to index
      %swap3A_864 = arith.constant 96 : index
      %swap3A_865 = tpu.vector_load %arg16[%swap3A_863, %swap3A_864] {strides = array<i32>} : memref<128x128xf32, #tpu.memory_space<vmem>>, vector<1x16xf32>,
      %swap3A_866 = vector.shape_cast %swap3A_865 : vector<1x16xf32> to vector<16xf32>
      %swap3A_867 = vector.shape_cast %broadcast_in_dim3A_75 : vector<16xf32> to vector<1x16xf32>
      tpu.vector_store %arg16[%swap3A_863, %swap3A_864], %swap3A_867 {strides = array<i32>} : memref<128x128xf32, #tpu.memory_space<vmem>>, vector<1x16xf32>,
      %swap3A_868 = arith.index_cast %scan3A_798 : i32 to index
      %swap3A_869 = arith.constant 112 : index
      %swap3A_870 = tpu.vector_load %arg14[%swap3A_868, %swap3A_869] {strides = array<i32>} : memref<128x128xf32, #tpu.memory_space<vmem>>, vector<1x16xf32>,
      %swap3A_871 = vector.shape_cast %swap3A_870 : vector<1x16xf32> to vector<16xf32>
      %swap3A_872 = vector.shape_cast %broadcast_in_dim3A_75 : vector<16xf32> to vector<1x16xf32>
      tpu.vector_store %arg14[%swap3A_868, %swap3A_869], %swap3A_872 {strides = array<i32>} : memref<128x128xf32, #tpu.memory_space<vmem>>, vector<1x16xf32>,
      %swap3A_873 = arith.index_cast %scan3A_798 : i32 to index
      %swap3A_874 = arith.constant 112 : index
      %swap3A_875 = tpu.vector_load %arg16[%swap3A_873, %swap3A_874] {strides = array<i32>} : memref<128x128xf32, #tpu.memory_space<vmem>>, vector<1x16xf32>,
      %swap3A_876 = vector.shape_cast %swap3A_875 : vector<1x16xf32> to vector<16xf32>
      %swap3A_877 = vector.shape_cast %broadcast_in_dim3A_75 : vector<16xf32> to vector<1x16xf32>
      tpu.vector_store %arg16[%swap3A_873, %swap3A_874], %swap3A_877 {strides = array<i32>} : memref<128x128xf32, #tpu.memory_space<vmem>>, vector<1x16xf32>,
    }
    %scan3A_79 = arith.constant 128 : i32
    %dma_wait3A = arith.constant 0 : i32
    %dma_wait3A_80 = tpu.memref_slice %arg4[%dma_wait3A] : memref<174080xi32, #tpu.memory_space<hbm>> -> memref<2176xi32, #tpu.memory_space<hbm>>
    %dma_wait3A_81 = arith.constant 0 : i32
    %dma_wait3A_82 = tpu.memref_slice %arg4[%dma_wait3A_81] : memref<174080xi32, #tpu.memory_space<hbm>> -> memref<2176xi32, #tpu.memory_space<hbm>>
    tpu.wait_dma2 semaphore(%arg18 : memref<!tpu.dma_semaphore, #tpu.memory_space<semaphore_mem>>) src(%dma_wait3A_82 : memref<2176xi32, #tpu.memory_space<hbm>>) dst(%arg8 : memref<2176xi32, #tpu.memory_space<vmem>>)
    %dma_wait3A_83 = arith.constant 0 : i32
    %dma_wait3A_84 = tpu.memref_slice %arg5[%dma_wait3A_83] : memref<163840xi32, #tpu.memory_space<hbm>> -> memref<2048xi32, #tpu.memory_space<hbm>>
    %dma_wait3A_85 = arith.constant 0 : i32
    %dma_wait3A_86 = tpu.memref_slice %arg5[%dma_wait3A_85] : memref<163840xi32, #tpu.memory_space<hbm>> -> memref<2048xi32, #tpu.memory_space<hbm>>
    tpu.wait_dma2 semaphore(%arg18 : memref<!tpu.dma_semaphore, #tpu.memory_space<semaphore_mem>>) src(%dma_wait3A_86 : memref<2048xi32, #tpu.memory_space<hbm>>) dst(%arg11 : memref<2048xi32, #tpu.memory_space<vmem>>)
    %dma_start3A_87 = arith.constant 0 : i32
    %dma_start3A_88 = tpu.memref_slice %arg8[%dma_start3A_87] : memref<2176xi32, #tpu.memory_space<vmem>> -> memref<128xi32, #tpu.memory_space<vmem>>
    %dma_start3A_89 = arith.constant 0 : i32
    %dma_start3A_90 = arith.constant 0 : i32
    %dma_start3A_91 = tpu.memref_slice %arg2[%dma_start3A_89, %dma_start3A_90] : memref<20480x128xf32, #tpu.memory_space<hbm>> -> memref<20480x128xf32, #tpu.memory_space<hbm>>
    tpu.enqueue_indirect_dma source(%dma_start3A_91 : memref<20480x128xf32, #tpu.memory_space<hbm>>) target(%arg14 : memref<128x128xf32, #tpu.memory_space<vmem>>) offsets(%dma_start3A_88 : memref<128xi32, #tpu.memory_space<vmem>>) semaphore(%arg20 : memref<!tpu.dma_semaphore, #tpu.memory_space<semaphore_mem>>) {add = true}
    %dma_start3A_92 = arith.constant 128 : i32
    %dma_start3A_93 = tpu.memref_slice %arg8[%dma_start3A_92] : memref<2176xi32, #tpu.memory_space<vmem>> -> memref<128xi32, #tpu.memory_space<vmem>>
    %dma_start3A_94 = arith.constant 0 : i32
    %dma_start3A_95 = arith.constant 0 : i32
    %dma_start3A_96 = tpu.memref_slice %arg2[%dma_start3A_94, %dma_start3A_95] : memref<20480x128xf32, #tpu.memory_space<hbm>> -> memref<20480x128xf32, #tpu.memory_space<hbm>>
    tpu.enqueue_indirect_dma source(%dma_start3A_96 : memref<20480x128xf32, #tpu.memory_space<hbm>>) target(%arg14 : memref<128x128xf32, #tpu.memory_space<vmem>>) offsets(%dma_start3A_93 : memref<128xi32, #tpu.memory_space<vmem>>) semaphore(%arg20 : memref<!tpu.dma_semaphore, #tpu.memory_space<semaphore_mem>>) {add = true}
    %dma_start3A_97 = arith.constant 256 : i32
    %dma_start3A_98 = tpu.memref_slice %arg8[%dma_start3A_97] : memref<2176xi32, #tpu.memory_space<vmem>> -> memref<128xi32, #tpu.memory_space<vmem>>
    %dma_start3A_99 = arith.constant 0 : i32
    %dma_start3A_100 = arith.constant 0 : i32
    %dma_start3A_101 = tpu.memref_slice %arg2[%dma_start3A_99, %dma_start3A_100] : memref<20480x128xf32, #tpu.memory_space<hbm>> -> memref<20480x128xf32, #tpu.memory_space<hbm>>
    tpu.enqueue_indirect_dma source(%dma_start3A_101 : memref<20480x128xf32, #tpu.memory_space<hbm>>) target(%arg14 : memref<128x128xf32, #tpu.memory_space<vmem>>) offsets(%dma_start3A_98 : memref<128xi32, #tpu.memory_space<vmem>>) semaphore(%arg20 : memref<!tpu.dma_semaphore, #tpu.memory_space<semaphore_mem>>) {add = true}
    %dma_start3A_102 = arith.constant 384 : i32
    %dma_start3A_103 = tpu.memref_slice %arg8[%dma_start3A_102] : memref<2176xi32, #tpu.memory_space<vmem>> -> memref<128xi32, #tpu.memory_space<vmem>>
    %dma_start3A_104 = arith.constant 0 : i32
    %dma_start3A_105 = arith.constant 0 : i32
    %dma_start3A_106 = tpu.memref_slice %arg2[%dma_start3A_104, %dma_start3A_105] : memref<20480x128xf32, #tpu.memory_space<hbm>> -> memref<20480x128xf32, #tpu.memory_space<hbm>>
    tpu.enqueue_indirect_dma source(%dma_start3A_106 : memref<20480x128xf32, #tpu.memory_space<hbm>>) target(%arg14 : memref<128x128xf32, #tpu.memory_space<vmem>>) offsets(%dma_start3A_103 : memref<128xi32, #tpu.memory_space<vmem>>) semaphore(%arg20 : memref<!tpu.dma_semaphore, #tpu.memory_space<semaphore_mem>>) {add = true}
    %dma_start3A_107 = arith.constant 512 : i32
    %dma_start3A_108 = tpu.memref_slice %arg8[%dma_start3A_107] : memref<2176xi32, #tpu.memory_space<vmem>> -> memref<128xi32, #tpu.memory_space<vmem>>
    %dma_start3A_109 = arith.constant 0 : i32
    %dma_start3A_110 = arith.constant 0 : i32
    %dma_start3A_111 = tpu.memref_slice %arg2[%dma_start3A_109, %dma_start3A_110] : memref<20480x128xf32, #tpu.memory_space<hbm>> -> memref<20480x128xf32, #tpu.memory_space<hbm>>
    tpu.enqueue_indirect_dma source(%dma_start3A_111 : memref<20480x128xf32, #tpu.memory_space<hbm>>) target(%arg14 : memref<128x128xf32, #tpu.memory_space<vmem>>) offsets(%dma_start3A_108 : memref<128xi32, #tpu.memory_space<vmem>>) semaphore(%arg20 : memref<!tpu.dma_semaphore, #tpu.memory_space<semaphore_mem>>) {add = true}
    %dma_start3A_112 = arith.constant 640 : i32
    %dma_start3A_113 = tpu.memref_slice %arg8[%dma_start3A_112] : memref<2176xi32, #tpu.memory_space<vmem>> -> memref<128xi32, #tpu.memory_space<vmem>>
    %dma_start3A_114 = arith.constant 0 : i32
    %dma_start3A_115 = arith.constant 0 : i32
    %dma_start3A_116 = tpu.memref_slice %arg2[%dma_start3A_114, %dma_start3A_115] : memref<20480x128xf32, #tpu.memory_space<hbm>> -> memref<20480x128xf32, #tpu.memory_space<hbm>>
    tpu.enqueue_indirect_dma source(%dma_start3A_116 : memref<20480x128xf32, #tpu.memory_space<hbm>>) target(%arg14 : memref<128x128xf32, #tpu.memory_space<vmem>>) offsets(%dma_start3A_113 : memref<128xi32, #tpu.memory_space<vmem>>) semaphore(%arg20 : memref<!tpu.dma_semaphore, #tpu.memory_space<semaphore_mem>>) {add = true}
    %dma_start3A_117 = arith.constant 768 : i32
    %dma_start3A_118 = tpu.memref_slice %arg8[%dma_start3A_117] : memref<2176xi32, #tpu.memory_space<vmem>> -> memref<128xi32, #tpu.memory_space<vmem>>
    %dma_start3A_119 = arith.constant 0 : i32
    %dma_start3A_120 = arith.constant 0 : i32
    %dma_start3A_121 = tpu.memref_slice %arg2[%dma_start3A_119, %dma_start3A_120] : memref<20480x128xf32, #tpu.memory_space<hbm>> -> memref<20480x128xf32, #tpu.memory_space<hbm>>
    tpu.enqueue_indirect_dma source(%dma_start3A_121 : memref<20480x128xf32, #tpu.memory_space<hbm>>) target(%arg14 : memref<128x128xf32, #tpu.memory_space<vmem>>) offsets(%dma_start3A_118 : memref<128xi32, #tpu.memory_space<vmem>>) semaphore(%arg20 : memref<!tpu.dma_semaphore, #tpu.memory_space<semaphore_mem>>) {add = true}
    %dma_start3A_122 = arith.constant 896 : i32
    %dma_start3A_123 = tpu.memref_slice %arg8[%dma_start3A_122] : memref<2176xi32, #tpu.memory_space<vmem>> -> memref<128xi32, #tpu.memory_space<vmem>>
    %dma_start3A_124 = arith.constant 0 : i32
    %dma_start3A_125 = arith.constant 0 : i32
    %dma_start3A_126 = tpu.memref_slice %arg2[%dma_start3A_124, %dma_start3A_125] : memref<20480x128xf32, #tpu.memory_space<hbm>> -> memref<20480x128xf32, #tpu.memory_space<hbm>>
    tpu.enqueue_indirect_dma source(%dma_start3A_126 : memref<20480x128xf32, #tpu.memory_space<hbm>>) target(%arg14 : memref<128x128xf32, #tpu.memory_space<vmem>>) offsets(%dma_start3A_123 : memref<128xi32, #tpu.memory_space<vmem>>) semaphore(%arg20 : memref<!tpu.dma_semaphore, #tpu.memory_space<semaphore_mem>>) {add = true}
    %dma_start3A_127 = arith.constant 1024 : i32
    %dma_start3A_128 = tpu.memref_slice %arg8[%dma_start3A_127] : memref<2176xi32, #tpu.memory_space<vmem>> -> memref<128xi32, #tpu.memory_space<vmem>>
    %dma_start3A_129 = arith.constant 0 : i32
    %dma_start3A_130 = arith.constant 0 : i32
    %dma_start3A_131 = tpu.memref_slice %arg2[%dma_start3A_129, %dma_start3A_130] : memref<20480x128xf32, #tpu.memory_space<hbm>> -> memref<20480x128xf32, #tpu.memory_space<hbm>>
    tpu.enqueue_indirect_dma source(%dma_start3A_131 : memref<20480x128xf32, #tpu.memory_space<hbm>>) target(%arg14 : memref<128x128xf32, #tpu.memory_space<vmem>>) offsets(%dma_start3A_128 : memref<128xi32, #tpu.memory_space<vmem>>) semaphore(%arg20 : memref<!tpu.dma_semaphore, #tpu.memory_space<semaphore_mem>>) {add = true}
    %dma_start3A_132 = arith.constant 1152 : i32
    %dma_start3A_133 = tpu.memref_slice %arg8[%dma_start3A_132] : memref<2176xi32, #tpu.memory_space<vmem>> -> memref<128xi32, #tpu.memory_space<vmem>>
    %dma_start3A_134 = arith.constant 0 : i32
    %dma_start3A_135 = arith.constant 0 : i32
    %dma_start3A_136 = tpu.memref_slice %arg2[%dma_start3A_134, %dma_start3A_135] : memref<20480x128xf32, #tpu.memory_space<hbm>> -> memref<20480x128xf32, #tpu.memory_space<hbm>>
    tpu.enqueue_indirect_dma source(%dma_start3A_136 : memref<20480x128xf32, #tpu.memory_space<hbm>>) target(%arg14 : memref<128x128xf32, #tpu.memory_space<vmem>>) offsets(%dma_start3A_133 : memref<128xi32, #tpu.memory_space<vmem>>) semaphore(%arg20 : memref<!tpu.dma_semaphore, #tpu.memory_space<semaphore_mem>>) {add = true}
    %dma_start3A_137 = arith.constant 1280 : i32
    %dma_start3A_138 = tpu.memref_slice %arg8[%dma_start3A_137] : memref<2176xi32, #tpu.memory_space<vmem>> -> memref<128xi32, #tpu.memory_space<vmem>>
    %dma_start3A_139 = arith.constant 0 : i32
    %dma_start3A_140 = arith.constant 0 : i32
    %dma_start3A_141 = tpu.memref_slice %arg2[%dma_start3A_139, %dma_start3A_140] : memref<20480x128xf32, #tpu.memory_space<hbm>> -> memref<20480x128xf32, #tpu.memory_space<hbm>>
    tpu.enqueue_indirect_dma source(%dma_start3A_141 : memref<20480x128xf32, #tpu.memory_space<hbm>>) target(%arg14 : memref<128x128xf32, #tpu.memory_space<vmem>>) offsets(%dma_start3A_138 : memref<128xi32, #tpu.memory_space<vmem>>) semaphore(%arg20 : memref<!tpu.dma_semaphore, #tpu.memory_space<semaphore_mem>>) {add = true}
    %dma_start3A_142 = arith.constant 1408 : i32
    %dma_start3A_143 = tpu.memref_slice %arg8[%dma_start3A_142] : memref<2176xi32, #tpu.memory_space<vmem>> -> memref<128xi32, #tpu.memory_space<vmem>>
    %dma_start3A_144 = arith.constant 0 : i32
    %dma_start3A_145 = arith.constant 0 : i32
    %dma_start3A_146 = tpu.memref_slice %arg2[%dma_start3A_144, %dma_start3A_145] : memref<20480x128xf32, #tpu.memory_space<hbm>> -> memref<20480x128xf32, #tpu.memory_space<hbm>>
    tpu.enqueue_indirect_dma source(%dma_start3A_146 : memref<20480x128xf32, #tpu.memory_space<hbm>>) target(%arg14 : memref<128x128xf32, #tpu.memory_space<vmem>>) offsets(%dma_start3A_143 : memref<128xi32, #tpu.memory_space<vmem>>) semaphore(%arg20 : memref<!tpu.dma_semaphore, #tpu.memory_space<semaphore_mem>>) {add = true}
    %dma_start3A_147 = arith.constant 1536 : i32
    %dma_start3A_148 = tpu.memref_slice %arg8[%dma_start3A_147] : memref<2176xi32, #tpu.memory_space<vmem>> -> memref<128xi32, #tpu.memory_space<vmem>>
    %dma_start3A_149 = arith.constant 0 : i32
    %dma_start3A_150 = arith.constant 0 : i32
    %dma_start3A_151 = tpu.memref_slice %arg2[%dma_start3A_149, %dma_start3A_150] : memref<20480x128xf32, #tpu.memory_space<hbm>> -> memref<20480x128xf32, #tpu.memory_space<hbm>>
    tpu.enqueue_indirect_dma source(%dma_start3A_151 : memref<20480x128xf32, #tpu.memory_space<hbm>>) target(%arg14 : memref<128x128xf32, #tpu.memory_space<vmem>>) offsets(%dma_start3A_148 : memref<128xi32, #tpu.memory_space<vmem>>) semaphore(%arg20 : memref<!tpu.dma_semaphore, #tpu.memory_space<semaphore_mem>>) {add = true}
    %dma_start3A_152 = arith.constant 1664 : i32
    %dma_start3A_153 = tpu.memref_slice %arg8[%dma_start3A_152] : memref<2176xi32, #tpu.memory_space<vmem>> -> memref<128xi32, #tpu.memory_space<vmem>>
    %dma_start3A_154 = arith.constant 0 : i32
    %dma_start3A_155 = arith.constant 0 : i32
    %dma_start3A_156 = tpu.memref_slice %arg2[%dma_start3A_154, %dma_start3A_155] : memref<20480x128xf32, #tpu.memory_space<hbm>> -> memref<20480x128xf32, #tpu.memory_space<hbm>>
    tpu.enqueue_indirect_dma source(%dma_start3A_156 : memref<20480x128xf32, #tpu.memory_space<hbm>>) target(%arg14 : memref<128x128xf32, #tpu.memory_space<vmem>>) offsets(%dma_start3A_153 : memref<128xi32, #tpu.memory_space<vmem>>) semaphore(%arg20 : memref<!tpu.dma_semaphore, #tpu.memory_space<semaphore_mem>>) {add = true}
    %dma_start3A_157 = arith.constant 1792 : i32
    %dma_start3A_158 = tpu.memref_slice %arg8[%dma_start3A_157] : memref<2176xi32, #tpu.memory_space<vmem>> -> memref<128xi32, #tpu.memory_space<vmem>>
    %dma_start3A_159 = arith.constant 0 : i32
    %dma_start3A_160 = arith.constant 0 : i32
    %dma_start3A_161 = tpu.memref_slice %arg2[%dma_start3A_159, %dma_start3A_160] : memref<20480x128xf32, #tpu.memory_space<hbm>> -> memref<20480x128xf32, #tpu.memory_space<hbm>>
    tpu.enqueue_indirect_dma source(%dma_start3A_161 : memref<20480x128xf32, #tpu.memory_space<hbm>>) target(%arg14 : memref<128x128xf32, #tpu.memory_space<vmem>>) offsets(%dma_start3A_158 : memref<128xi32, #tpu.memory_space<vmem>>) semaphore(%arg20 : memref<!tpu.dma_semaphore, #tpu.memory_space<semaphore_mem>>) {add = true}
    %dma_start3A_162 = arith.constant 1920 : i32
    %dma_start3A_163 = tpu.memref_slice %arg8[%dma_start3A_162] : memref<2176xi32, #tpu.memory_space<vmem>> -> memref<128xi32, #tpu.memory_space<vmem>>
    %dma_start3A_164 = arith.constant 0 : i32
    %dma_start3A_165 = arith.constant 0 : i32
    %dma_start3A_166 = tpu.memref_slice %arg2[%dma_start3A_164, %dma_start3A_165] : memref<20480x128xf32, #tpu.memory_space<hbm>> -> memref<20480x128xf32, #tpu.memory_space<hbm>>
    tpu.enqueue_indirect_dma source(%dma_start3A_166 : memref<20480x128xf32, #tpu.memory_space<hbm>>) target(%arg14 : memref<128x128xf32, #tpu.memory_space<vmem>>) offsets(%dma_start3A_163 : memref<128xi32, #tpu.memory_space<vmem>>) semaphore(%arg20 : memref<!tpu.dma_semaphore, #tpu.memory_space<semaphore_mem>>) {add = true}
    %dma_start3A_167 = arith.constant 2048 : i32
    %dma_start3A_168 = tpu.memref_slice %arg8[%dma_start3A_167] : memref<2176xi32, #tpu.memory_space<vmem>> -> memref<128xi32, #tpu.memory_space<vmem>>
    %dma_start3A_169 = arith.constant 0 : i32
    %dma_start3A_170 = arith.constant 0 : i32
    %dma_start3A_171 = tpu.memref_slice %arg2[%dma_start3A_169, %dma_start3A_170] : memref<20480x128xf32, #tpu.memory_space<hbm>> -> memref<20480x128xf32, #tpu.memory_space<hbm>>
    tpu.enqueue_indirect_dma source(%dma_start3A_171 : memref<20480x128xf32, #tpu.memory_space<hbm>>) target(%arg14 : memref<128x128xf32, #tpu.memory_space<vmem>>) offsets(%dma_start3A_168 : memref<128xi32, #tpu.memory_space<vmem>>) semaphore(%arg20 : memref<!tpu.dma_semaphore, #tpu.memory_space<semaphore_mem>>) {add = true}
    %dma_start3A_172 = arith.constant 0 : i32
    %dma_start3A_173 = tpu.memref_slice %arg11[%dma_start3A_172] : memref<2048xi32, #tpu.memory_space<vmem>> -> memref<128xi32, #tpu.memory_space<vmem>>
    %dma_start3A_174 = arith.constant 0 : i32
    %dma_start3A_175 = arith.constant 0 : i32
    %dma_start3A_176 = tpu.memref_slice %arg3[%dma_start3A_174, %dma_start3A_175] : memref<20480x128xf32, #tpu.memory_space<hbm>> -> memref<20480x128xf32, #tpu.memory_space<hbm>>
    tpu.enqueue_indirect_dma source(%dma_start3A_176 : memref<20480x128xf32, #tpu.memory_space<hbm>>) target(%arg16 : memref<128x128xf32, #tpu.memory_space<vmem>>) offsets(%dma_start3A_173 : memref<128xi32, #tpu.memory_space<vmem>>) semaphore(%arg20 : memref<!tpu.dma_semaphore, #tpu.memory_space<semaphore_mem>>) {add = true}
    %dma_start3A_177 = arith.constant 128 : i32
    %dma_start3A_178 = tpu.memref_slice %arg11[%dma_start3A_177] : memref<2048xi32, #tpu.memory_space<vmem>> -> memref<128xi32, #tpu.memory_space<vmem>>
    %dma_start3A_179 = arith.constant 0 : i32
    %dma_start3A_180 = arith.constant 0 : i32
    %dma_start3A_181 = tpu.memref_slice %arg3[%dma_start3A_179, %dma_start3A_180] : memref<20480x128xf32, #tpu.memory_space<hbm>> -> memref<20480x128xf32, #tpu.memory_space<hbm>>
    tpu.enqueue_indirect_dma source(%dma_start3A_181 : memref<20480x128xf32, #tpu.memory_space<hbm>>) target(%arg16 : memref<128x128xf32, #tpu.memory_space<vmem>>) offsets(%dma_start3A_178 : memref<128xi32, #tpu.memory_space<vmem>>) semaphore(%arg20 : memref<!tpu.dma_semaphore, #tpu.memory_space<semaphore_mem>>) {add = true}
    %dma_start3A_182 = arith.constant 256 : i32
    %dma_start3A_183 = tpu.memref_slice %arg11[%dma_start3A_182] : memref<2048xi32, #tpu.memory_space<vmem>> -> memref<128xi32, #tpu.memory_space<vmem>>
    %dma_start3A_184 = arith.constant 0 : i32
    %dma_start3A_185 = arith.constant 0 : i32
    %dma_start3A_186 = tpu.memref_slice %arg3[%dma_start3A_184, %dma_start3A_185] : memref<20480x128xf32, #tpu.memory_space<hbm>> -> memref<20480x128xf32, #tpu.memory_space<hbm>>
    tpu.enqueue_indirect_dma source(%dma_start3A_186 : memref<20480x128xf32, #tpu.memory_space<hbm>>) target(%arg16 : memref<128x128xf32, #tpu.memory_space<vmem>>) offsets(%dma_start3A_183 : memref<128xi32, #tpu.memory_space<vmem>>) semaphore(%arg20 : memref<!tpu.dma_semaphore, #tpu.memory_space<semaphore_mem>>) {add = true}
    %dma_start3A_187 = arith.constant 384 : i32
    %dma_start3A_188 = tpu.memref_slice %arg11[%dma_start3A_187] : memref<2048xi32, #tpu.memory_space<vmem>> -> memref<128xi32, #tpu.memory_space<vmem>>
    %dma_start3A_189 = arith.constant 0 : i32
    %dma_start3A_190 = arith.constant 0 : i32
    %dma_start3A_191 = tpu.memref_slice %arg3[%dma_start3A_189, %dma_start3A_190] : memref<20480x128xf32, #tpu.memory_space<hbm>> -> memref<20480x128xf32, #tpu.memory_space<hbm>>
    tpu.enqueue_indirect_dma source(%dma_start3A_191 : memref<20480x128xf32, #tpu.memory_space<hbm>>) target(%arg16 : memref<128x128xf32, #tpu.memory_space<vmem>>) offsets(%dma_start3A_188 : memref<128xi32, #tpu.memory_space<vmem>>) semaphore(%arg20 : memref<!tpu.dma_semaphore, #tpu.memory_space<semaphore_mem>>) {add = true}
    %dma_start3A_192 = arith.constant 512 : i32
    %dma_start3A_193 = tpu.memref_slice %arg11[%dma_start3A_192] : memref<2048xi32, #tpu.memory_space<vmem>> -> memref<128xi32, #tpu.memory_space<vmem>>
    %dma_start3A_194 = arith.constant 0 : i32
    %dma_start3A_195 = arith.constant 0 : i32
    %dma_start3A_196 = tpu.memref_slice %arg3[%dma_start3A_194, %dma_start3A_195] : memref<20480x128xf32, #tpu.memory_space<hbm>> -> memref<20480x128xf32, #tpu.memory_space<hbm>>
    tpu.enqueue_indirect_dma source(%dma_start3A_196 : memref<20480x128xf32, #tpu.memory_space<hbm>>) target(%arg16 : memref<128x128xf32, #tpu.memory_space<vmem>>) offsets(%dma_start3A_193 : memref<128xi32, #tpu.memory_space<vmem>>) semaphore(%arg20 : memref<!tpu.dma_semaphore, #tpu.memory_space<semaphore_mem>>) {add = true}
    %dma_start3A_197 = arith.constant 640 : i32
    %dma_start3A_198 = tpu.memref_slice %arg11[%dma_start3A_197] : memref<2048xi32, #tpu.memory_space<vmem>> -> memref<128xi32, #tpu.memory_space<vmem>>
    %dma_start3A_199 = arith.constant 0 : i32
    %dma_start3A_200 = arith.constant 0 : i32
    %dma_start3A_201 = tpu.memref_slice %arg3[%dma_start3A_199, %dma_start3A_200] : memref<20480x128xf32, #tpu.memory_space<hbm>> -> memref<20480x128xf32, #tpu.memory_space<hbm>>
    tpu.enqueue_indirect_dma source(%dma_start3A_201 : memref<20480x128xf32, #tpu.memory_space<hbm>>) target(%arg16 : memref<128x128xf32, #tpu.memory_space<vmem>>) offsets(%dma_start3A_198 : memref<128xi32, #tpu.memory_space<vmem>>) semaphore(%arg20 : memref<!tpu.dma_semaphore, #tpu.memory_space<semaphore_mem>>) {add = true}
    %dma_start3A_202 = arith.constant 768 : i32
    %dma_start3A_203 = tpu.memref_slice %arg11[%dma_start3A_202] : memref<2048xi32, #tpu.memory_space<vmem>> -> memref<128xi32, #tpu.memory_space<vmem>>
    %dma_start3A_204 = arith.constant 0 : i32
    %dma_start3A_205 = arith.constant 0 : i32
    %dma_start3A_206 = tpu.memref_slice %arg3[%dma_start3A_204, %dma_start3A_205] : memref<20480x128xf32, #tpu.memory_space<hbm>> -> memref<20480x128xf32, #tpu.memory_space<hbm>>
    tpu.enqueue_indirect_dma source(%dma_start3A_206 : memref<20480x128xf32, #tpu.memory_space<hbm>>) target(%arg16 : memref<128x128xf32, #tpu.memory_space<vmem>>) offsets(%dma_start3A_203 : memref<128xi32, #tpu.memory_space<vmem>>) semaphore(%arg20 : memref<!tpu.dma_semaphore, #tpu.memory_space<semaphore_mem>>) {add = true}
    %dma_start3A_207 = arith.constant 896 : i32
    %dma_start3A_208 = tpu.memref_slice %arg11[%dma_start3A_207] : memref<2048xi32, #tpu.memory_space<vmem>> -> memref<128xi32, #tpu.memory_space<vmem>>
    %dma_start3A_209 = arith.constant 0 : i32
    %dma_start3A_210 = arith.constant 0 : i32
    %dma_start3A_211 = tpu.memref_slice %arg3[%dma_start3A_209, %dma_start3A_210] : memref<20480x128xf32, #tpu.memory_space<hbm>> -> memref<20480x128xf32, #tpu.memory_space<hbm>>
    tpu.enqueue_indirect_dma source(%dma_start3A_211 : memref<20480x128xf32, #tpu.memory_space<hbm>>) target(%arg16 : memref<128x128xf32, #tpu.memory_space<vmem>>) offsets(%dma_start3A_208 : memref<128xi32, #tpu.memory_space<vmem>>) semaphore(%arg20 : memref<!tpu.dma_semaphore, #tpu.memory_space<semaphore_mem>>) {add = true}
    %dma_start3A_212 = arith.constant 1024 : i32
    %dma_start3A_213 = tpu.memref_slice %arg11[%dma_start3A_212] : memref<2048xi32, #tpu.memory_space<vmem>> -> memref<128xi32, #tpu.memory_space<vmem>>
    %dma_start3A_214 = arith.constant 0 : i32
    %dma_start3A_215 = arith.constant 0 : i32
    %dma_start3A_216 = tpu.memref_slice %arg3[%dma_start3A_214, %dma_start3A_215] : memref<20480x128xf32, #tpu.memory_space<hbm>> -> memref<20480x128xf32, #tpu.memory_space<hbm>>
    tpu.enqueue_indirect_dma source(%dma_start3A_216 : memref<20480x128xf32, #tpu.memory_space<hbm>>) target(%arg16 : memref<128x128xf32, #tpu.memory_space<vmem>>) offsets(%dma_start3A_213 : memref<128xi32, #tpu.memory_space<vmem>>) semaphore(%arg20 : memref<!tpu.dma_semaphore, #tpu.memory_space<semaphore_mem>>) {add = true}
    %dma_start3A_217 = arith.constant 1152 : i32
    %dma_start3A_218 = tpu.memref_slice %arg11[%dma_start3A_217] : memref<2048xi32, #tpu.memory_space<vmem>> -> memref<128xi32, #tpu.memory_space<vmem>>
    %dma_start3A_219 = arith.constant 0 : i32
    %dma_start3A_220 = arith.constant 0 : i32
    %dma_start3A_221 = tpu.memref_slice %arg3[%dma_start3A_219, %dma_start3A_220] : memref<20480x128xf32, #tpu.memory_space<hbm>> -> memref<20480x128xf32, #tpu.memory_space<hbm>>
    tpu.enqueue_indirect_dma source(%dma_start3A_221 : memref<20480x128xf32, #tpu.memory_space<hbm>>) target(%arg16 : memref<128x128xf32, #tpu.memory_space<vmem>>) offsets(%dma_start3A_218 : memref<128xi32, #tpu.memory_space<vmem>>) semaphore(%arg20 : memref<!tpu.dma_semaphore, #tpu.memory_space<semaphore_mem>>) {add = true}
    %dma_start3A_222 = arith.constant 1280 : i32
    %dma_start3A_223 = tpu.memref_slice %arg11[%dma_start3A_222] : memref<2048xi32, #tpu.memory_space<vmem>> -> memref<128xi32, #tpu.memory_space<vmem>>
    %dma_start3A_224 = arith.constant 0 : i32
    %dma_start3A_225 = arith.constant 0 : i32
    %dma_start3A_226 = tpu.memref_slice %arg3[%dma_start3A_224, %dma_start3A_225] : memref<20480x128xf32, #tpu.memory_space<hbm>> -> memref<20480x128xf32, #tpu.memory_space<hbm>>
    tpu.enqueue_indirect_dma source(%dma_start3A_226 : memref<20480x128xf32, #tpu.memory_space<hbm>>) target(%arg16 : memref<128x128xf32, #tpu.memory_space<vmem>>) offsets(%dma_start3A_223 : memref<128xi32, #tpu.memory_space<vmem>>) semaphore(%arg20 : memref<!tpu.dma_semaphore, #tpu.memory_space<semaphore_mem>>) {add = true}
    %dma_start3A_227 = arith.constant 1408 : i32
    %dma_start3A_228 = tpu.memref_slice %arg11[%dma_start3A_227] : memref<2048xi32, #tpu.memory_space<vmem>> -> memref<128xi32, #tpu.memory_space<vmem>>
    %dma_start3A_229 = arith.constant 0 : i32
    %dma_start3A_230 = arith.constant 0 : i32
    %dma_start3A_231 = tpu.memref_slice %arg3[%dma_start3A_229, %dma_start3A_230] : memref<20480x128xf32, #tpu.memory_space<hbm>> -> memref<20480x128xf32, #tpu.memory_space<hbm>>
    tpu.enqueue_indirect_dma source(%dma_start3A_231 : memref<20480x128xf32, #tpu.memory_space<hbm>>) target(%arg16 : memref<128x128xf32, #tpu.memory_space<vmem>>) offsets(%dma_start3A_228 : memref<128xi32, #tpu.memory_space<vmem>>) semaphore(%arg20 : memref<!tpu.dma_semaphore, #tpu.memory_space<semaphore_mem>>) {add = true}
    %dma_start3A_232 = arith.constant 1536 : i32
    %dma_start3A_233 = tpu.memref_slice %arg11[%dma_start3A_232] : memref<2048xi32, #tpu.memory_space<vmem>> -> memref<128xi32, #tpu.memory_space<vmem>>
    %dma_start3A_234 = arith.constant 0 : i32
    %dma_start3A_235 = arith.constant 0 : i32
    %dma_start3A_236 = tpu.memref_slice %arg3[%dma_start3A_234, %dma_start3A_235] : memref<20480x128xf32, #tpu.memory_space<hbm>> -> memref<20480x128xf32, #tpu.memory_space<hbm>>
    tpu.enqueue_indirect_dma source(%dma_start3A_236 : memref<20480x128xf32, #tpu.memory_space<hbm>>) target(%arg16 : memref<128x128xf32, #tpu.memory_space<vmem>>) offsets(%dma_start3A_233 : memref<128xi32, #tpu.memory_space<vmem>>) semaphore(%arg20 : memref<!tpu.dma_semaphore, #tpu.memory_space<semaphore_mem>>) {add = true}
    %dma_start3A_237 = arith.constant 1664 : i32
    %dma_start3A_238 = tpu.memref_slice %arg11[%dma_start3A_237] : memref<2048xi32, #tpu.memory_space<vmem>> -> memref<128xi32, #tpu.memory_space<vmem>>
    %dma_start3A_239 = arith.constant 0 : i32
    %dma_start3A_240 = arith.constant 0 : i32
    %dma_start3A_241 = tpu.memref_slice %arg3[%dma_start3A_239, %dma_start3A_240] : memref<20480x128xf32, #tpu.memory_space<hbm>> -> memref<20480x128xf32, #tpu.memory_space<hbm>>
    tpu.enqueue_indirect_dma source(%dma_start3A_241 : memref<20480x128xf32, #tpu.memory_space<hbm>>) target(%arg16 : memref<128x128xf32, #tpu.memory_space<vmem>>) offsets(%dma_start3A_238 : memref<128xi32, #tpu.memory_space<vmem>>) semaphore(%arg20 : memref<!tpu.dma_semaphore, #tpu.memory_space<semaphore_mem>>) {add = true}
    %dma_start3A_242 = arith.constant 1792 : i32
    %dma_start3A_243 = tpu.memref_slice %arg11[%dma_start3A_242] : memref<2048xi32, #tpu.memory_space<vmem>> -> memref<128xi32, #tpu.memory_space<vmem>>
    %dma_start3A_244 = arith.constant 0 : i32
    %dma_start3A_245 = arith.constant 0 : i32
    %dma_start3A_246 = tpu.memref_slice %arg3[%dma_start3A_244, %dma_start3A_245] : memref<20480x128xf32, #tpu.memory_space<hbm>> -> memref<20480x128xf32, #tpu.memory_space<hbm>>
    tpu.enqueue_indirect_dma source(%dma_start3A_246 : memref<20480x128xf32, #tpu.memory_space<hbm>>) target(%arg16 : memref<128x128xf32, #tpu.memory_space<vmem>>) offsets(%dma_start3A_243 : memref<128xi32, #tpu.memory_space<vmem>>) semaphore(%arg20 : memref<!tpu.dma_semaphore, #tpu.memory_space<semaphore_mem>>) {add = true}
    %dma_start3A_247 = arith.constant 1920 : i32
    %dma_start3A_248 = tpu.memref_slice %arg11[%dma_start3A_247] : memref<2048xi32, #tpu.memory_space<vmem>> -> memref<128xi32, #tpu.memory_space<vmem>>
    %dma_start3A_249 = arith.constant 0 : i32
    %dma_start3A_250 = arith.constant 0 : i32
    %dma_start3A_251 = tpu.memref_slice %arg3[%dma_start3A_249, %dma_start3A_250] : memref<20480x128xf32, #tpu.memory_space<hbm>> -> memref<20480x128xf32, #tpu.memory_space<hbm>>
    tpu.enqueue_indirect_dma source(%dma_start3A_251 : memref<20480x128xf32, #tpu.memory_space<hbm>>) target(%arg16 : memref<128x128xf32, #tpu.memory_space<vmem>>) offsets(%dma_start3A_248 : memref<128xi32, #tpu.memory_space<vmem>>) semaphore(%arg20 : memref<!tpu.dma_semaphore, #tpu.memory_space<semaphore_mem>>) {add = true}
    %broadcast_in_dim3A_252 = arith.constant 0.000000e+00 : f32
    %broadcast_in_dim3A_253 = vector.broadcast %broadcast_in_dim3A_252 : f32 to vector<16xf32>
    %scan3A_254 = arith.constant 0 : i32
    %scan3A_255 = arith.constant 128 : i32
    %scan3A_256 = arith.addi %scan3A_254, %scan3A_255 : i32
    %scan3A_257 = arith.constant 1 : i32
    scf.for %scan3A_798 = %scan3A_254 to %scan3A_256 step %scan3A_257  : i32 {
      %swap3A = arith.index_cast %scan3A_798 : i32 to index
      %swap3A_799 = arith.constant 0 : index
      %swap3A_800 = tpu.vector_load %arg15[%swap3A, %swap3A_799] {strides = array<i32>} : memref<128x128xf32, #tpu.memory_space<vmem>>, vector<1x16xf32>,
      %swap3A_801 = vector.shape_cast %swap3A_800 : vector<1x16xf32> to vector<16xf32>
      %swap3A_802 = vector.shape_cast %broadcast_in_dim3A_253 : vector<16xf32> to vector<1x16xf32>
      tpu.vector_store %arg15[%swap3A, %swap3A_799], %swap3A_802 {strides = array<i32>} : memref<128x128xf32, #tpu.memory_space<vmem>>, vector<1x16xf32>,
      %swap3A_803 = arith.index_cast %scan3A_798 : i32 to index
      %swap3A_804 = arith.constant 0 : index
      %swap3A_805 = tpu.vector_load %arg17[%swap3A_803, %swap3A_804] {strides = array<i32>} : memref<128x128xf32, #tpu.memory_space<vmem>>, vector<1x16xf32>,
      %swap3A_806 = vector.shape_cast %swap3A_805 : vector<1x16xf32> to vector<16xf32>
      %swap3A_807 = vector.shape_cast %broadcast_in_dim3A_253 : vector<16xf32> to vector<1x16xf32>
      tpu.vector_store %arg17[%swap3A_803, %swap3A_804], %swap3A_807 {strides = array<i32>} : memref<128x128xf32, #tpu.memory_space<vmem>>, vector<1x16xf32>,
      %swap3A_808 = arith.index_cast %scan3A_798 : i32 to index
      %swap3A_809 = arith.constant 16 : index
      %swap3A_810 = tpu.vector_load %arg15[%swap3A_808, %swap3A_809] {strides = array<i32>} : memref<128x128xf32, #tpu.memory_space<vmem>>, vector<1x16xf32>,
      %swap3A_811 = vector.shape_cast %swap3A_810 : vector<1x16xf32> to vector<16xf32>
      %swap3A_812 = vector.shape_cast %broadcast_in_dim3A_253 : vector<16xf32> to vector<1x16xf32>
      tpu.vector_store %arg15[%swap3A_808, %swap3A_809], %swap3A_812 {strides = array<i32>} : memref<128x128xf32, #tpu.memory_space<vmem>>, vector<1x16xf32>,
      %swap3A_813 = arith.index_cast %scan3A_798 : i32 to index
      %swap3A_814 = arith.constant 16 : index
      %swap3A_815 = tpu.vector_load %arg17[%swap3A_813, %swap3A_814] {strides = array<i32>} : memref<128x128xf32, #tpu.memory_space<vmem>>, vector<1x16xf32>,
      %swap3A_816 = vector.shape_cast %swap3A_815 : vector<1x16xf32> to vector<16xf32>
      %swap3A_817 = vector.shape_cast %broadcast_in_dim3A_253 : vector<16xf32> to vector<1x16xf32>
      tpu.vector_store %arg17[%swap3A_813, %swap3A_814], %swap3A_817 {strides = array<i32>} : memref<128x128xf32, #tpu.memory_space<vmem>>, vector<1x16xf32>,
      %swap3A_818 = arith.index_cast %scan3A_798 : i32 to index
      %swap3A_819 = arith.constant 32 : index
      %swap3A_820 = tpu.vector_load %arg15[%swap3A_818, %swap3A_819] {strides = array<i32>} : memref<128x128xf32, #tpu.memory_space<vmem>>, vector<1x16xf32>,
      %swap3A_821 = vector.shape_cast %swap3A_820 : vector<1x16xf32> to vector<16xf32>
      %swap3A_822 = vector.shape_cast %broadcast_in_dim3A_253 : vector<16xf32> to vector<1x16xf32>
      tpu.vector_store %arg15[%swap3A_818, %swap3A_819], %swap3A_822 {strides = array<i32>} : memref<128x128xf32, #tpu.memory_space<vmem>>, vector<1x16xf32>,
      %swap3A_823 = arith.index_cast %scan3A_798 : i32 to index
      %swap3A_824 = arith.constant 32 : index
      %swap3A_825 = tpu.vector_load %arg17[%swap3A_823, %swap3A_824] {strides = array<i32>} : memref<128x128xf32, #tpu.memory_space<vmem>>, vector<1x16xf32>,
      %swap3A_826 = vector.shape_cast %swap3A_825 : vector<1x16xf32> to vector<16xf32>
      %swap3A_827 = vector.shape_cast %broadcast_in_dim3A_253 : vector<16xf32> to vector<1x16xf32>
      tpu.vector_store %arg17[%swap3A_823, %swap3A_824], %swap3A_827 {strides = array<i32>} : memref<128x128xf32, #tpu.memory_space<vmem>>, vector<1x16xf32>,
      %swap3A_828 = arith.index_cast %scan3A_798 : i32 to index
      %swap3A_829 = arith.constant 48 : index
      %swap3A_830 = tpu.vector_load %arg15[%swap3A_828, %swap3A_829] {strides = array<i32>} : memref<128x128xf32, #tpu.memory_space<vmem>>, vector<1x16xf32>,
      %swap3A_831 = vector.shape_cast %swap3A_830 : vector<1x16xf32> to vector<16xf32>
      %swap3A_832 = vector.shape_cast %broadcast_in_dim3A_253 : vector<16xf32> to vector<1x16xf32>
      tpu.vector_store %arg15[%swap3A_828, %swap3A_829], %swap3A_832 {strides = array<i32>} : memref<128x128xf32, #tpu.memory_space<vmem>>, vector<1x16xf32>,
      %swap3A_833 = arith.index_cast %scan3A_798 : i32 to index
      %swap3A_834 = arith.constant 48 : index
      %swap3A_835 = tpu.vector_load %arg17[%swap3A_833, %swap3A_834] {strides = array<i32>} : memref<128x128xf32, #tpu.memory_space<vmem>>, vector<1x16xf32>,
      %swap3A_836 = vector.shape_cast %swap3A_835 : vector<1x16xf32> to vector<16xf32>
      %swap3A_837 = vector.shape_cast %broadcast_in_dim3A_253 : vector<16xf32> to vector<1x16xf32>
      tpu.vector_store %arg17[%swap3A_833, %swap3A_834], %swap3A_837 {strides = array<i32>} : memref<128x128xf32, #tpu.memory_space<vmem>>, vector<1x16xf32>,
      %swap3A_838 = arith.index_cast %scan3A_798 : i32 to index
      %swap3A_839 = arith.constant 64 : index
      %swap3A_840 = tpu.vector_load %arg15[%swap3A_838, %swap3A_839] {strides = array<i32>} : memref<128x128xf32, #tpu.memory_space<vmem>>, vector<1x16xf32>,
      %swap3A_841 = vector.shape_cast %swap3A_840 : vector<1x16xf32> to vector<16xf32>
      %swap3A_842 = vector.shape_cast %broadcast_in_dim3A_253 : vector<16xf32> to vector<1x16xf32>
      tpu.vector_store %arg15[%swap3A_838, %swap3A_839], %swap3A_842 {strides = array<i32>} : memref<128x128xf32, #tpu.memory_space<vmem>>, vector<1x16xf32>,
      %swap3A_843 = arith.index_cast %scan3A_798 : i32 to index
      %swap3A_844 = arith.constant 64 : index
      %swap3A_845 = tpu.vector_load %arg17[%swap3A_843, %swap3A_844] {strides = array<i32>} : memref<128x128xf32, #tpu.memory_space<vmem>>, vector<1x16xf32>,
      %swap3A_846 = vector.shape_cast %swap3A_845 : vector<1x16xf32> to vector<16xf32>
      %swap3A_847 = vector.shape_cast %broadcast_in_dim3A_253 : vector<16xf32> to vector<1x16xf32>
      tpu.vector_store %arg17[%swap3A_843, %swap3A_844], %swap3A_847 {strides = array<i32>} : memref<128x128xf32, #tpu.memory_space<vmem>>, vector<1x16xf32>,
      %swap3A_848 = arith.index_cast %scan3A_798 : i32 to index
      %swap3A_849 = arith.constant 80 : index
      %swap3A_850 = tpu.vector_load %arg15[%swap3A_848, %swap3A_849] {strides = array<i32>} : memref<128x128xf32, #tpu.memory_space<vmem>>, vector<1x16xf32>,
      %swap3A_851 = vector.shape_cast %swap3A_850 : vector<1x16xf32> to vector<16xf32>
      %swap3A_852 = vector.shape_cast %broadcast_in_dim3A_253 : vector<16xf32> to vector<1x16xf32>
      tpu.vector_store %arg15[%swap3A_848, %swap3A_849], %swap3A_852 {strides = array<i32>} : memref<128x128xf32, #tpu.memory_space<vmem>>, vector<1x16xf32>,
      %swap3A_853 = arith.index_cast %scan3A_798 : i32 to index
      %swap3A_854 = arith.constant 80 : index
      %swap3A_855 = tpu.vector_load %arg17[%swap3A_853, %swap3A_854] {strides = array<i32>} : memref<128x128xf32, #tpu.memory_space<vmem>>, vector<1x16xf32>,
      %swap3A_856 = vector.shape_cast %swap3A_855 : vector<1x16xf32> to vector<16xf32>
      %swap3A_857 = vector.shape_cast %broadcast_in_dim3A_253 : vector<16xf32> to vector<1x16xf32>
      tpu.vector_store %arg17[%swap3A_853, %swap3A_854], %swap3A_857 {strides = array<i32>} : memref<128x128xf32, #tpu.memory_space<vmem>>, vector<1x16xf32>,
      %swap3A_858 = arith.index_cast %scan3A_798 : i32 to index
      %swap3A_859 = arith.constant 96 : index
      %swap3A_860 = tpu.vector_load %arg15[%swap3A_858, %swap3A_859] {strides = array<i32>} : memref<128x128xf32, #tpu.memory_space<vmem>>, vector<1x16xf32>,
      %swap3A_861 = vector.shape_cast %swap3A_860 : vector<1x16xf32> to vector<16xf32>
      %swap3A_862 = vector.shape_cast %broadcast_in_dim3A_253 : vector<16xf32> to vector<1x16xf32>
      tpu.vector_store %arg15[%swap3A_858, %swap3A_859], %swap3A_862 {strides = array<i32>} : memref<128x128xf32, #tpu.memory_space<vmem>>, vector<1x16xf32>,
      %swap3A_863 = arith.index_cast %scan3A_798 : i32 to index
      %swap3A_864 = arith.constant 96 : index
      %swap3A_865 = tpu.vector_load %arg17[%swap3A_863, %swap3A_864] {strides = array<i32>} : memref<128x128xf32, #tpu.memory_space<vmem>>, vector<1x16xf32>,
      %swap3A_866 = vector.shape_cast %swap3A_865 : vector<1x16xf32> to vector<16xf32>
      %swap3A_867 = vector.shape_cast %broadcast_in_dim3A_253 : vector<16xf32> to vector<1x16xf32>
      tpu.vector_store %arg17[%swap3A_863, %swap3A_864], %swap3A_867 {strides = array<i32>} : memref<128x128xf32, #tpu.memory_space<vmem>>, vector<1x16xf32>,
      %swap3A_868 = arith.index_cast %scan3A_798 : i32 to index
      %swap3A_869 = arith.constant 112 : index
      %swap3A_870 = tpu.vector_load %arg15[%swap3A_868, %swap3A_869] {strides = array<i32>} : memref<128x128xf32, #tpu.memory_space<vmem>>, vector<1x16xf32>,
      %swap3A_871 = vector.shape_cast %swap3A_870 : vector<1x16xf32> to vector<16xf32>
      %swap3A_872 = vector.shape_cast %broadcast_in_dim3A_253 : vector<16xf32> to vector<1x16xf32>
      tpu.vector_store %arg15[%swap3A_868, %swap3A_869], %swap3A_872 {strides = array<i32>} : memref<128x128xf32, #tpu.memory_space<vmem>>, vector<1x16xf32>,
      %swap3A_873 = arith.index_cast %scan3A_798 : i32 to index
      %swap3A_874 = arith.constant 112 : index
      %swap3A_875 = tpu.vector_load %arg17[%swap3A_873, %swap3A_874] {strides = array<i32>} : memref<128x128xf32, #tpu.memory_space<vmem>>, vector<1x16xf32>,
      %swap3A_876 = vector.shape_cast %swap3A_875 : vector<1x16xf32> to vector<16xf32>
      %swap3A_877 = vector.shape_cast %broadcast_in_dim3A_253 : vector<16xf32> to vector<1x16xf32>
      tpu.vector_store %arg17[%swap3A_873, %swap3A_874], %swap3A_877 {strides = array<i32>} : memref<128x128xf32, #tpu.memory_space<vmem>>, vector<1x16xf32>,
    }
    %scan3A_258 = arith.constant 128 : i32
    %dma_wait3A_259 = arith.constant 0 : i32
    %dma_wait3A_260 = tpu.memref_slice %arg4[%dma_wait3A_259] : memref<174080xi32, #tpu.memory_space<hbm>> -> memref<2176xi32, #tpu.memory_space<hbm>>
    %dma_wait3A_261 = arith.constant 0 : i32
    %dma_wait3A_262 = tpu.memref_slice %arg4[%dma_wait3A_261] : memref<174080xi32, #tpu.memory_space<hbm>> -> memref<2176xi32, #tpu.memory_space<hbm>>
    tpu.wait_dma2 semaphore(%arg19 : memref<!tpu.dma_semaphore, #tpu.memory_space<semaphore_mem>>) src(%dma_wait3A_262 : memref<2176xi32, #tpu.memory_space<hbm>>) dst(%arg9 : memref<2176xi32, #tpu.memory_space<vmem>>)
    %dma_wait3A_263 = arith.constant 0 : i32
    %dma_wait3A_264 = tpu.memref_slice %arg5[%dma_wait3A_263] : memref<163840xi32, #tpu.memory_space<hbm>> -> memref<2048xi32, #tpu.memory_space<hbm>>
    %dma_wait3A_265 = arith.constant 0 : i32
    %dma_wait3A_266 = tpu.memref_slice %arg5[%dma_wait3A_265] : memref<163840xi32, #tpu.memory_space<hbm>> -> memref<2048xi32, #tpu.memory_space<hbm>>
    tpu.wait_dma2 semaphore(%arg19 : memref<!tpu.dma_semaphore, #tpu.memory_space<semaphore_mem>>) src(%dma_wait3A_266 : memref<2048xi32, #tpu.memory_space<hbm>>) dst(%arg12 : memref<2048xi32, #tpu.memory_space<vmem>>)
    %dma_start3A_267 = arith.constant 0 : i32
    %dma_start3A_268 = tpu.memref_slice %arg9[%dma_start3A_267] : memref<2176xi32, #tpu.memory_space<vmem>> -> memref<128xi32, #tpu.memory_space<vmem>>
    %dma_start3A_269 = arith.constant 0 : i32
    %dma_start3A_270 = arith.constant 0 : i32
    %dma_start3A_271 = tpu.memref_slice %arg2[%dma_start3A_269, %dma_start3A_270] : memref<20480x128xf32, #tpu.memory_space<hbm>> -> memref<20480x128xf32, #tpu.memory_space<hbm>>
    tpu.enqueue_indirect_dma source(%dma_start3A_271 : memref<20480x128xf32, #tpu.memory_space<hbm>>) target(%arg15 : memref<128x128xf32, #tpu.memory_space<vmem>>) offsets(%dma_start3A_268 : memref<128xi32, #tpu.memory_space<vmem>>) semaphore(%arg21 : memref<!tpu.dma_semaphore, #tpu.memory_space<semaphore_mem>>) {add = true}
    %dma_start3A_272 = arith.constant 128 : i32
    %dma_start3A_273 = tpu.memref_slice %arg9[%dma_start3A_272] : memref<2176xi32, #tpu.memory_space<vmem>> -> memref<128xi32, #tpu.memory_space<vmem>>
    %dma_start3A_274 = arith.constant 0 : i32
    %dma_start3A_275 = arith.constant 0 : i32
    %dma_start3A_276 = tpu.memref_slice %arg2[%dma_start3A_274, %dma_start3A_275] : memref<20480x128xf32, #tpu.memory_space<hbm>> -> memref<20480x128xf32, #tpu.memory_space<hbm>>
    tpu.enqueue_indirect_dma source(%dma_start3A_276 : memref<20480x128xf32, #tpu.memory_space<hbm>>) target(%arg15 : memref<128x128xf32, #tpu.memory_space<vmem>>) offsets(%dma_start3A_273 : memref<128xi32, #tpu.memory_space<vmem>>) semaphore(%arg21 : memref<!tpu.dma_semaphore, #tpu.memory_space<semaphore_mem>>) {add = true}
    %dma_start3A_277 = arith.constant 256 : i32
    %dma_start3A_278 = tpu.memref_slice %arg9[%dma_start3A_277] : memref<2176xi32, #tpu.memory_space<vmem>> -> memref<128xi32, #tpu.memory_space<vmem>>
    %dma_start3A_279 = arith.constant 0 : i32
    %dma_start3A_280 = arith.constant 0 : i32
    %dma_start3A_281 = tpu.memref_slice %arg2[%dma_start3A_279, %dma_start3A_280] : memref<20480x128xf32, #tpu.memory_space<hbm>> -> memref<20480x128xf32, #tpu.memory_space<hbm>>
    tpu.enqueue_indirect_dma source(%dma_start3A_281 : memref<20480x128xf32, #tpu.memory_space<hbm>>) target(%arg15 : memref<128x128xf32, #tpu.memory_space<vmem>>) offsets(%dma_start3A_278 : memref<128xi32, #tpu.memory_space<vmem>>) semaphore(%arg21 : memref<!tpu.dma_semaphore, #tpu.memory_space<semaphore_mem>>) {add = true}
    %dma_start3A_282 = arith.constant 384 : i32
    %dma_start3A_283 = tpu.memref_slice %arg9[%dma_start3A_282] : memref<2176xi32, #tpu.memory_space<vmem>> -> memref<128xi32, #tpu.memory_space<vmem>>
    %dma_start3A_284 = arith.constant 0 : i32
    %dma_start3A_285 = arith.constant 0 : i32
    %dma_start3A_286 = tpu.memref_slice %arg2[%dma_start3A_284, %dma_start3A_285] : memref<20480x128xf32, #tpu.memory_space<hbm>> -> memref<20480x128xf32, #tpu.memory_space<hbm>>
    tpu.enqueue_indirect_dma source(%dma_start3A_286 : memref<20480x128xf32, #tpu.memory_space<hbm>>) target(%arg15 : memref<128x128xf32, #tpu.memory_space<vmem>>) offsets(%dma_start3A_283 : memref<128xi32, #tpu.memory_space<vmem>>) semaphore(%arg21 : memref<!tpu.dma_semaphore, #tpu.memory_space<semaphore_mem>>) {add = true}
    %dma_start3A_287 = arith.constant 512 : i32
    %dma_start3A_288 = tpu.memref_slice %arg9[%dma_start3A_287] : memref<2176xi32, #tpu.memory_space<vmem>> -> memref<128xi32, #tpu.memory_space<vmem>>
    %dma_start3A_289 = arith.constant 0 : i32
    %dma_start3A_290 = arith.constant 0 : i32
    %dma_start3A_291 = tpu.memref_slice %arg2[%dma_start3A_289, %dma_start3A_290] : memref<20480x128xf32, #tpu.memory_space<hbm>> -> memref<20480x128xf32, #tpu.memory_space<hbm>>
    tpu.enqueue_indirect_dma source(%dma_start3A_291 : memref<20480x128xf32, #tpu.memory_space<hbm>>) target(%arg15 : memref<128x128xf32, #tpu.memory_space<vmem>>) offsets(%dma_start3A_288 : memref<128xi32, #tpu.memory_space<vmem>>) semaphore(%arg21 : memref<!tpu.dma_semaphore, #tpu.memory_space<semaphore_mem>>) {add = true}
    %dma_start3A_292 = arith.constant 640 : i32
    %dma_start3A_293 = tpu.memref_slice %arg9[%dma_start3A_292] : memref<2176xi32, #tpu.memory_space<vmem>> -> memref<128xi32, #tpu.memory_space<vmem>>
    %dma_start3A_294 = arith.constant 0 : i32
    %dma_start3A_295 = arith.constant 0 : i32
    %dma_start3A_296 = tpu.memref_slice %arg2[%dma_start3A_294, %dma_start3A_295] : memref<20480x128xf32, #tpu.memory_space<hbm>> -> memref<20480x128xf32, #tpu.memory_space<hbm>>
    tpu.enqueue_indirect_dma source(%dma_start3A_296 : memref<20480x128xf32, #tpu.memory_space<hbm>>) target(%arg15 : memref<128x128xf32, #tpu.memory_space<vmem>>) offsets(%dma_start3A_293 : memref<128xi32, #tpu.memory_space<vmem>>) semaphore(%arg21 : memref<!tpu.dma_semaphore, #tpu.memory_space<semaphore_mem>>) {add = true}
    %dma_start3A_297 = arith.constant 768 : i32
    %dma_start3A_298 = tpu.memref_slice %arg9[%dma_start3A_297] : memref<2176xi32, #tpu.memory_space<vmem>> -> memref<128xi32, #tpu.memory_space<vmem>>
    %dma_start3A_299 = arith.constant 0 : i32
    %dma_start3A_300 = arith.constant 0 : i32
    %dma_start3A_301 = tpu.memref_slice %arg2[%dma_start3A_299, %dma_start3A_300] : memref<20480x128xf32, #tpu.memory_space<hbm>> -> memref<20480x128xf32, #tpu.memory_space<hbm>>
    tpu.enqueue_indirect_dma source(%dma_start3A_301 : memref<20480x128xf32, #tpu.memory_space<hbm>>) target(%arg15 : memref<128x128xf32, #tpu.memory_space<vmem>>) offsets(%dma_start3A_298 : memref<128xi32, #tpu.memory_space<vmem>>) semaphore(%arg21 : memref<!tpu.dma_semaphore, #tpu.memory_space<semaphore_mem>>) {add = true}
    %dma_start3A_302 = arith.constant 896 : i32
    %dma_start3A_303 = tpu.memref_slice %arg9[%dma_start3A_302] : memref<2176xi32, #tpu.memory_space<vmem>> -> memref<128xi32, #tpu.memory_space<vmem>>
    %dma_start3A_304 = arith.constant 0 : i32
    %dma_start3A_305 = arith.constant 0 : i32
    %dma_start3A_306 = tpu.memref_slice %arg2[%dma_start3A_304, %dma_start3A_305] : memref<20480x128xf32, #tpu.memory_space<hbm>> -> memref<20480x128xf32, #tpu.memory_space<hbm>>
    tpu.enqueue_indirect_dma source(%dma_start3A_306 : memref<20480x128xf32, #tpu.memory_space<hbm>>) target(%arg15 : memref<128x128xf32, #tpu.memory_space<vmem>>) offsets(%dma_start3A_303 : memref<128xi32, #tpu.memory_space<vmem>>) semaphore(%arg21 : memref<!tpu.dma_semaphore, #tpu.memory_space<semaphore_mem>>) {add = true}
    %dma_start3A_307 = arith.constant 1024 : i32
    %dma_start3A_308 = tpu.memref_slice %arg9[%dma_start3A_307] : memref<2176xi32, #tpu.memory_space<vmem>> -> memref<128xi32, #tpu.memory_space<vmem>>
    %dma_start3A_309 = arith.constant 0 : i32
    %dma_start3A_310 = arith.constant 0 : i32
    %dma_start3A_311 = tpu.memref_slice %arg2[%dma_start3A_309, %dma_start3A_310] : memref<20480x128xf32, #tpu.memory_space<hbm>> -> memref<20480x128xf32, #tpu.memory_space<hbm>>
    tpu.enqueue_indirect_dma source(%dma_start3A_311 : memref<20480x128xf32, #tpu.memory_space<hbm>>) target(%arg15 : memref<128x128xf32, #tpu.memory_space<vmem>>) offsets(%dma_start3A_308 : memref<128xi32, #tpu.memory_space<vmem>>) semaphore(%arg21 : memref<!tpu.dma_semaphore, #tpu.memory_space<semaphore_mem>>) {add = true}
    %dma_start3A_312 = arith.constant 1152 : i32
    %dma_start3A_313 = tpu.memref_slice %arg9[%dma_start3A_312] : memref<2176xi32, #tpu.memory_space<vmem>> -> memref<128xi32, #tpu.memory_space<vmem>>
    %dma_start3A_314 = arith.constant 0 : i32
    %dma_start3A_315 = arith.constant 0 : i32
    %dma_start3A_316 = tpu.memref_slice %arg2[%dma_start3A_314, %dma_start3A_315] : memref<20480x128xf32, #tpu.memory_space<hbm>> -> memref<20480x128xf32, #tpu.memory_space<hbm>>
    tpu.enqueue_indirect_dma source(%dma_start3A_316 : memref<20480x128xf32, #tpu.memory_space<hbm>>) target(%arg15 : memref<128x128xf32, #tpu.memory_space<vmem>>) offsets(%dma_start3A_313 : memref<128xi32, #tpu.memory_space<vmem>>) semaphore(%arg21 : memref<!tpu.dma_semaphore, #tpu.memory_space<semaphore_mem>>) {add = true}
    %dma_start3A_317 = arith.constant 1280 : i32
    %dma_start3A_318 = tpu.memref_slice %arg9[%dma_start3A_317] : memref<2176xi32, #tpu.memory_space<vmem>> -> memref<128xi32, #tpu.memory_space<vmem>>
    %dma_start3A_319 = arith.constant 0 : i32
    %dma_start3A_320 = arith.constant 0 : i32
    %dma_start3A_321 = tpu.memref_slice %arg2[%dma_start3A_319, %dma_start3A_320] : memref<20480x128xf32, #tpu.memory_space<hbm>> -> memref<20480x128xf32, #tpu.memory_space<hbm>>
    tpu.enqueue_indirect_dma source(%dma_start3A_321 : memref<20480x128xf32, #tpu.memory_space<hbm>>) target(%arg15 : memref<128x128xf32, #tpu.memory_space<vmem>>) offsets(%dma_start3A_318 : memref<128xi32, #tpu.memory_space<vmem>>) semaphore(%arg21 : memref<!tpu.dma_semaphore, #tpu.memory_space<semaphore_mem>>) {add = true}
    %dma_start3A_322 = arith.constant 1408 : i32
    %dma_start3A_323 = tpu.memref_slice %arg9[%dma_start3A_322] : memref<2176xi32, #tpu.memory_space<vmem>> -> memref<128xi32, #tpu.memory_space<vmem>>
    %dma_start3A_324 = arith.constant 0 : i32
    %dma_start3A_325 = arith.constant 0 : i32
    %dma_start3A_326 = tpu.memref_slice %arg2[%dma_start3A_324, %dma_start3A_325] : memref<20480x128xf32, #tpu.memory_space<hbm>> -> memref<20480x128xf32, #tpu.memory_space<hbm>>
    tpu.enqueue_indirect_dma source(%dma_start3A_326 : memref<20480x128xf32, #tpu.memory_space<hbm>>) target(%arg15 : memref<128x128xf32, #tpu.memory_space<vmem>>) offsets(%dma_start3A_323 : memref<128xi32, #tpu.memory_space<vmem>>) semaphore(%arg21 : memref<!tpu.dma_semaphore, #tpu.memory_space<semaphore_mem>>) {add = true}
    %dma_start3A_327 = arith.constant 1536 : i32
    %dma_start3A_328 = tpu.memref_slice %arg9[%dma_start3A_327] : memref<2176xi32, #tpu.memory_space<vmem>> -> memref<128xi32, #tpu.memory_space<vmem>>
    %dma_start3A_329 = arith.constant 0 : i32
    %dma_start3A_330 = arith.constant 0 : i32
    %dma_start3A_331 = tpu.memref_slice %arg2[%dma_start3A_329, %dma_start3A_330] : memref<20480x128xf32, #tpu.memory_space<hbm>> -> memref<20480x128xf32, #tpu.memory_space<hbm>>
    tpu.enqueue_indirect_dma source(%dma_start3A_331 : memref<20480x128xf32, #tpu.memory_space<hbm>>) target(%arg15 : memref<128x128xf32, #tpu.memory_space<vmem>>) offsets(%dma_start3A_328 : memref<128xi32, #tpu.memory_space<vmem>>) semaphore(%arg21 : memref<!tpu.dma_semaphore, #tpu.memory_space<semaphore_mem>>) {add = true}
    %dma_start3A_332 = arith.constant 1664 : i32
    %dma_start3A_333 = tpu.memref_slice %arg9[%dma_start3A_332] : memref<2176xi32, #tpu.memory_space<vmem>> -> memref<128xi32, #tpu.memory_space<vmem>>
    %dma_start3A_334 = arith.constant 0 : i32
    %dma_start3A_335 = arith.constant 0 : i32
    %dma_start3A_336 = tpu.memref_slice %arg2[%dma_start3A_334, %dma_start3A_335] : memref<20480x128xf32, #tpu.memory_space<hbm>> -> memref<20480x128xf32, #tpu.memory_space<hbm>>
    tpu.enqueue_indirect_dma source(%dma_start3A_336 : memref<20480x128xf32, #tpu.memory_space<hbm>>) target(%arg15 : memref<128x128xf32, #tpu.memory_space<vmem>>) offsets(%dma_start3A_333 : memref<128xi32, #tpu.memory_space<vmem>>) semaphore(%arg21 : memref<!tpu.dma_semaphore, #tpu.memory_space<semaphore_mem>>) {add = true}
    %dma_start3A_337 = arith.constant 1792 : i32
    %dma_start3A_338 = tpu.memref_slice %arg9[%dma_start3A_337] : memref<2176xi32, #tpu.memory_space<vmem>> -> memref<128xi32, #tpu.memory_space<vmem>>
    %dma_start3A_339 = arith.constant 0 : i32
    %dma_start3A_340 = arith.constant 0 : i32
    %dma_start3A_341 = tpu.memref_slice %arg2[%dma_start3A_339, %dma_start3A_340] : memref<20480x128xf32, #tpu.memory_space<hbm>> -> memref<20480x128xf32, #tpu.memory_space<hbm>>
    tpu.enqueue_indirect_dma source(%dma_start3A_341 : memref<20480x128xf32, #tpu.memory_space<hbm>>) target(%arg15 : memref<128x128xf32, #tpu.memory_space<vmem>>) offsets(%dma_start3A_338 : memref<128xi32, #tpu.memory_space<vmem>>) semaphore(%arg21 : memref<!tpu.dma_semaphore, #tpu.memory_space<semaphore_mem>>) {add = true}
    %dma_start3A_342 = arith.constant 1920 : i32
    %dma_start3A_343 = tpu.memref_slice %arg9[%dma_start3A_342] : memref<2176xi32, #tpu.memory_space<vmem>> -> memref<128xi32, #tpu.memory_space<vmem>>
    %dma_start3A_344 = arith.constant 0 : i32
    %dma_start3A_345 = arith.constant 0 : i32
    %dma_start3A_346 = tpu.memref_slice %arg2[%dma_start3A_344, %dma_start3A_345] : memref<20480x128xf32, #tpu.memory_space<hbm>> -> memref<20480x128xf32, #tpu.memory_space<hbm>>
    tpu.enqueue_indirect_dma source(%dma_start3A_346 : memref<20480x128xf32, #tpu.memory_space<hbm>>) target(%arg15 : memref<128x128xf32, #tpu.memory_space<vmem>>) offsets(%dma_start3A_343 : memref<128xi32, #tpu.memory_space<vmem>>) semaphore(%arg21 : memref<!tpu.dma_semaphore, #tpu.memory_space<semaphore_mem>>) {add = true}
    %dma_start3A_347 = arith.constant 2048 : i32
    %dma_start3A_348 = tpu.memref_slice %arg9[%dma_start3A_347] : memref<2176xi32, #tpu.memory_space<vmem>> -> memref<128xi32, #tpu.memory_space<vmem>>
    %dma_start3A_349 = arith.constant 0 : i32
    %dma_start3A_350 = arith.constant 0 : i32
    %dma_start3A_351 = tpu.memref_slice %arg2[%dma_start3A_349, %dma_start3A_350] : memref<20480x128xf32, #tpu.memory_space<hbm>> -> memref<20480x128xf32, #tpu.memory_space<hbm>>
    tpu.enqueue_indirect_dma source(%dma_start3A_351 : memref<20480x128xf32, #tpu.memory_space<hbm>>) target(%arg15 : memref<128x128xf32, #tpu.memory_space<vmem>>) offsets(%dma_start3A_348 : memref<128xi32, #tpu.memory_space<vmem>>) semaphore(%arg21 : memref<!tpu.dma_semaphore, #tpu.memory_space<semaphore_mem>>) {add = true}
    %dma_start3A_352 = arith.constant 0 : i32
    %dma_start3A_353 = tpu.memref_slice %arg12[%dma_start3A_352] : memref<2048xi32, #tpu.memory_space<vmem>> -> memref<128xi32, #tpu.memory_space<vmem>>
    %dma_start3A_354 = arith.constant 0 : i32
    %dma_start3A_355 = arith.constant 0 : i32
    %dma_start3A_356 = tpu.memref_slice %arg3[%dma_start3A_354, %dma_start3A_355] : memref<20480x128xf32, #tpu.memory_space<hbm>> -> memref<20480x128xf32, #tpu.memory_space<hbm>>
    tpu.enqueue_indirect_dma source(%dma_start3A_356 : memref<20480x128xf32, #tpu.memory_space<hbm>>) target(%arg17 : memref<128x128xf32, #tpu.memory_space<vmem>>) offsets(%dma_start3A_353 : memref<128xi32, #tpu.memory_space<vmem>>) semaphore(%arg21 : memref<!tpu.dma_semaphore, #tpu.memory_space<semaphore_mem>>) {add = true}
    %dma_start3A_357 = arith.constant 128 : i32
    %dma_start3A_358 = tpu.memref_slice %arg12[%dma_start3A_357] : memref<2048xi32, #tpu.memory_space<vmem>> -> memref<128xi32, #tpu.memory_space<vmem>>
    %dma_start3A_359 = arith.constant 0 : i32
    %dma_start3A_360 = arith.constant 0 : i32
    %dma_start3A_361 = tpu.memref_slice %arg3[%dma_start3A_359, %dma_start3A_360] : memref<20480x128xf32, #tpu.memory_space<hbm>> -> memref<20480x128xf32, #tpu.memory_space<hbm>>
    tpu.enqueue_indirect_dma source(%dma_start3A_361 : memref<20480x128xf32, #tpu.memory_space<hbm>>) target(%arg17 : memref<128x128xf32, #tpu.memory_space<vmem>>) offsets(%dma_start3A_358 : memref<128xi32, #tpu.memory_space<vmem>>) semaphore(%arg21 : memref<!tpu.dma_semaphore, #tpu.memory_space<semaphore_mem>>) {add = true}
    %dma_start3A_362 = arith.constant 256 : i32
    %dma_start3A_363 = tpu.memref_slice %arg12[%dma_start3A_362] : memref<2048xi32, #tpu.memory_space<vmem>> -> memref<128xi32, #tpu.memory_space<vmem>>
    %dma_start3A_364 = arith.constant 0 : i32
    %dma_start3A_365 = arith.constant 0 : i32
    %dma_start3A_366 = tpu.memref_slice %arg3[%dma_start3A_364, %dma_start3A_365] : memref<20480x128xf32, #tpu.memory_space<hbm>> -> memref<20480x128xf32, #tpu.memory_space<hbm>>
    tpu.enqueue_indirect_dma source(%dma_start3A_366 : memref<20480x128xf32, #tpu.memory_space<hbm>>) target(%arg17 : memref<128x128xf32, #tpu.memory_space<vmem>>) offsets(%dma_start3A_363 : memref<128xi32, #tpu.memory_space<vmem>>) semaphore(%arg21 : memref<!tpu.dma_semaphore, #tpu.memory_space<semaphore_mem>>) {add = true}
    %dma_start3A_367 = arith.constant 384 : i32
    %dma_start3A_368 = tpu.memref_slice %arg12[%dma_start3A_367] : memref<2048xi32, #tpu.memory_space<vmem>> -> memref<128xi32, #tpu.memory_space<vmem>>
    %dma_start3A_369 = arith.constant 0 : i32
    %dma_start3A_370 = arith.constant 0 : i32
    %dma_start3A_371 = tpu.memref_slice %arg3[%dma_start3A_369, %dma_start3A_370] : memref<20480x128xf32, #tpu.memory_space<hbm>> -> memref<20480x128xf32, #tpu.memory_space<hbm>>
    tpu.enqueue_indirect_dma source(%dma_start3A_371 : memref<20480x128xf32, #tpu.memory_space<hbm>>) target(%arg17 : memref<128x128xf32, #tpu.memory_space<vmem>>) offsets(%dma_start3A_368 : memref<128xi32, #tpu.memory_space<vmem>>) semaphore(%arg21 : memref<!tpu.dma_semaphore, #tpu.memory_space<semaphore_mem>>) {add = true}
    %dma_start3A_372 = arith.constant 512 : i32
    %dma_start3A_373 = tpu.memref_slice %arg12[%dma_start3A_372] : memref<2048xi32, #tpu.memory_space<vmem>> -> memref<128xi32, #tpu.memory_space<vmem>>
    %dma_start3A_374 = arith.constant 0 : i32
    %dma_start3A_375 = arith.constant 0 : i32
    %dma_start3A_376 = tpu.memref_slice %arg3[%dma_start3A_374, %dma_start3A_375] : memref<20480x128xf32, #tpu.memory_space<hbm>> -> memref<20480x128xf32, #tpu.memory_space<hbm>>
    tpu.enqueue_indirect_dma source(%dma_start3A_376 : memref<20480x128xf32, #tpu.memory_space<hbm>>) target(%arg17 : memref<128x128xf32, #tpu.memory_space<vmem>>) offsets(%dma_start3A_373 : memref<128xi32, #tpu.memory_space<vmem>>) semaphore(%arg21 : memref<!tpu.dma_semaphore, #tpu.memory_space<semaphore_mem>>) {add = true}
    %dma_start3A_377 = arith.constant 640 : i32
    %dma_start3A_378 = tpu.memref_slice %arg12[%dma_start3A_377] : memref<2048xi32, #tpu.memory_space<vmem>> -> memref<128xi32, #tpu.memory_space<vmem>>
    %dma_start3A_379 = arith.constant 0 : i32
    %dma_start3A_380 = arith.constant 0 : i32
    %dma_start3A_381 = tpu.memref_slice %arg3[%dma_start3A_379, %dma_start3A_380] : memref<20480x128xf32, #tpu.memory_space<hbm>> -> memref<20480x128xf32, #tpu.memory_space<hbm>>
    tpu.enqueue_indirect_dma source(%dma_start3A_381 : memref<20480x128xf32, #tpu.memory_space<hbm>>) target(%arg17 : memref<128x128xf32, #tpu.memory_space<vmem>>) offsets(%dma_start3A_378 : memref<128xi32, #tpu.memory_space<vmem>>) semaphore(%arg21 : memref<!tpu.dma_semaphore, #tpu.memory_space<semaphore_mem>>) {add = true}
    %dma_start3A_382 = arith.constant 768 : i32
    %dma_start3A_383 = tpu.memref_slice %arg12[%dma_start3A_382] : memref<2048xi32, #tpu.memory_space<vmem>> -> memref<128xi32, #tpu.memory_space<vmem>>
    %dma_start3A_384 = arith.constant 0 : i32
    %dma_start3A_385 = arith.constant 0 : i32
    %dma_start3A_386 = tpu.memref_slice %arg3[%dma_start3A_384, %dma_start3A_385] : memref<20480x128xf32, #tpu.memory_space<hbm>> -> memref<20480x128xf32, #tpu.memory_space<hbm>>
    tpu.enqueue_indirect_dma source(%dma_start3A_386 : memref<20480x128xf32, #tpu.memory_space<hbm>>) target(%arg17 : memref<128x128xf32, #tpu.memory_space<vmem>>) offsets(%dma_start3A_383 : memref<128xi32, #tpu.memory_space<vmem>>) semaphore(%arg21 : memref<!tpu.dma_semaphore, #tpu.memory_space<semaphore_mem>>) {add = true}
    %dma_start3A_387 = arith.constant 896 : i32
    %dma_start3A_388 = tpu.memref_slice %arg12[%dma_start3A_387] : memref<2048xi32, #tpu.memory_space<vmem>> -> memref<128xi32, #tpu.memory_space<vmem>>
    %dma_start3A_389 = arith.constant 0 : i32
    %dma_start3A_390 = arith.constant 0 : i32
    %dma_start3A_391 = tpu.memref_slice %arg3[%dma_start3A_389, %dma_start3A_390] : memref<20480x128xf32, #tpu.memory_space<hbm>> -> memref<20480x128xf32, #tpu.memory_space<hbm>>
    tpu.enqueue_indirect_dma source(%dma_start3A_391 : memref<20480x128xf32, #tpu.memory_space<hbm>>) target(%arg17 : memref<128x128xf32, #tpu.memory_space<vmem>>) offsets(%dma_start3A_388 : memref<128xi32, #tpu.memory_space<vmem>>) semaphore(%arg21 : memref<!tpu.dma_semaphore, #tpu.memory_space<semaphore_mem>>) {add = true}
    %dma_start3A_392 = arith.constant 1024 : i32
    %dma_start3A_393 = tpu.memref_slice %arg12[%dma_start3A_392] : memref<2048xi32, #tpu.memory_space<vmem>> -> memref<128xi32, #tpu.memory_space<vmem>>
    %dma_start3A_394 = arith.constant 0 : i32
    %dma_start3A_395 = arith.constant 0 : i32
    %dma_start3A_396 = tpu.memref_slice %arg3[%dma_start3A_394, %dma_start3A_395] : memref<20480x128xf32, #tpu.memory_space<hbm>> -> memref<20480x128xf32, #tpu.memory_space<hbm>>
    tpu.enqueue_indirect_dma source(%dma_start3A_396 : memref<20480x128xf32, #tpu.memory_space<hbm>>) target(%arg17 : memref<128x128xf32, #tpu.memory_space<vmem>>) offsets(%dma_start3A_393 : memref<128xi32, #tpu.memory_space<vmem>>) semaphore(%arg21 : memref<!tpu.dma_semaphore, #tpu.memory_space<semaphore_mem>>) {add = true}
    %dma_start3A_397 = arith.constant 1152 : i32
    %dma_start3A_398 = tpu.memref_slice %arg12[%dma_start3A_397] : memref<2048xi32, #tpu.memory_space<vmem>> -> memref<128xi32, #tpu.memory_space<vmem>>
    %dma_start3A_399 = arith.constant 0 : i32
    %dma_start3A_400 = arith.constant 0 : i32
    %dma_start3A_401 = tpu.memref_slice %arg3[%dma_start3A_399, %dma_start3A_400] : memref<20480x128xf32, #tpu.memory_space<hbm>> -> memref<20480x128xf32, #tpu.memory_space<hbm>>
    tpu.enqueue_indirect_dma source(%dma_start3A_401 : memref<20480x128xf32, #tpu.memory_space<hbm>>) target(%arg17 : memref<128x128xf32, #tpu.memory_space<vmem>>) offsets(%dma_start3A_398 : memref<128xi32, #tpu.memory_space<vmem>>) semaphore(%arg21 : memref<!tpu.dma_semaphore, #tpu.memory_space<semaphore_mem>>) {add = true}
    %dma_start3A_402 = arith.constant 1280 : i32
    %dma_start3A_403 = tpu.memref_slice %arg12[%dma_start3A_402] : memref<2048xi32, #tpu.memory_space<vmem>> -> memref<128xi32, #tpu.memory_space<vmem>>
    %dma_start3A_404 = arith.constant 0 : i32
    %dma_start3A_405 = arith.constant 0 : i32
    %dma_start3A_406 = tpu.memref_slice %arg3[%dma_start3A_404, %dma_start3A_405] : memref<20480x128xf32, #tpu.memory_space<hbm>> -> memref<20480x128xf32, #tpu.memory_space<hbm>>
    tpu.enqueue_indirect_dma source(%dma_start3A_406 : memref<20480x128xf32, #tpu.memory_space<hbm>>) target(%arg17 : memref<128x128xf32, #tpu.memory_space<vmem>>) offsets(%dma_start3A_403 : memref<128xi32, #tpu.memory_space<vmem>>) semaphore(%arg21 : memref<!tpu.dma_semaphore, #tpu.memory_space<semaphore_mem>>) {add = true}
    %dma_start3A_407 = arith.constant 1408 : i32
    %dma_start3A_408 = tpu.memref_slice %arg12[%dma_start3A_407] : memref<2048xi32, #tpu.memory_space<vmem>> -> memref<128xi32, #tpu.memory_space<vmem>>
    %dma_start3A_409 = arith.constant 0 : i32
    %dma_start3A_410 = arith.constant 0 : i32
    %dma_start3A_411 = tpu.memref_slice %arg3[%dma_start3A_409, %dma_start3A_410] : memref<20480x128xf32, #tpu.memory_space<hbm>> -> memref<20480x128xf32, #tpu.memory_space<hbm>>
    tpu.enqueue_indirect_dma source(%dma_start3A_411 : memref<20480x128xf32, #tpu.memory_space<hbm>>) target(%arg17 : memref<128x128xf32, #tpu.memory_space<vmem>>) offsets(%dma_start3A_408 : memref<128xi32, #tpu.memory_space<vmem>>) semaphore(%arg21 : memref<!tpu.dma_semaphore, #tpu.memory_space<semaphore_mem>>) {add = true}
    %dma_start3A_412 = arith.constant 1536 : i32
    %dma_start3A_413 = tpu.memref_slice %arg12[%dma_start3A_412] : memref<2048xi32, #tpu.memory_space<vmem>> -> memref<128xi32, #tpu.memory_space<vmem>>
    %dma_start3A_414 = arith.constant 0 : i32
    %dma_start3A_415 = arith.constant 0 : i32
    %dma_start3A_416 = tpu.memref_slice %arg3[%dma_start3A_414, %dma_start3A_415] : memref<20480x128xf32, #tpu.memory_space<hbm>> -> memref<20480x128xf32, #tpu.memory_space<hbm>>
    tpu.enqueue_indirect_dma source(%dma_start3A_416 : memref<20480x128xf32, #tpu.memory_space<hbm>>) target(%arg17 : memref<128x128xf32, #tpu.memory_space<vmem>>) offsets(%dma_start3A_413 : memref<128xi32, #tpu.memory_space<vmem>>) semaphore(%arg21 : memref<!tpu.dma_semaphore, #tpu.memory_space<semaphore_mem>>) {add = true}
    %dma_start3A_417 = arith.constant 1664 : i32
    %dma_start3A_418 = tpu.memref_slice %arg12[%dma_start3A_417] : memref<2048xi32, #tpu.memory_space<vmem>> -> memref<128xi32, #tpu.memory_space<vmem>>
    %dma_start3A_419 = arith.constant 0 : i32
    %dma_start3A_420 = arith.constant 0 : i32
    %dma_start3A_421 = tpu.memref_slice %arg3[%dma_start3A_419, %dma_start3A_420] : memref<20480x128xf32, #tpu.memory_space<hbm>> -> memref<20480x128xf32, #tpu.memory_space<hbm>>
    tpu.enqueue_indirect_dma source(%dma_start3A_421 : memref<20480x128xf32, #tpu.memory_space<hbm>>) target(%arg17 : memref<128x128xf32, #tpu.memory_space<vmem>>) offsets(%dma_start3A_418 : memref<128xi32, #tpu.memory_space<vmem>>) semaphore(%arg21 : memref<!tpu.dma_semaphore, #tpu.memory_space<semaphore_mem>>) {add = true}
    %dma_start3A_422 = arith.constant 1792 : i32
    %dma_start3A_423 = tpu.memref_slice %arg12[%dma_start3A_422] : memref<2048xi32, #tpu.memory_space<vmem>> -> memref<128xi32, #tpu.memory_space<vmem>>
    %dma_start3A_424 = arith.constant 0 : i32
    %dma_start3A_425 = arith.constant 0 : i32
    %dma_start3A_426 = tpu.memref_slice %arg3[%dma_start3A_424, %dma_start3A_425] : memref<20480x128xf32, #tpu.memory_space<hbm>> -> memref<20480x128xf32, #tpu.memory_space<hbm>>
    tpu.enqueue_indirect_dma source(%dma_start3A_426 : memref<20480x128xf32, #tpu.memory_space<hbm>>) target(%arg17 : memref<128x128xf32, #tpu.memory_space<vmem>>) offsets(%dma_start3A_423 : memref<128xi32, #tpu.memory_space<vmem>>) semaphore(%arg21 : memref<!tpu.dma_semaphore, #tpu.memory_space<semaphore_mem>>) {add = true}
    %dma_start3A_427 = arith.constant 1920 : i32
    %dma_start3A_428 = tpu.memref_slice %arg12[%dma_start3A_427] : memref<2048xi32, #tpu.memory_space<vmem>> -> memref<128xi32, #tpu.memory_space<vmem>>
    %dma_start3A_429 = arith.constant 0 : i32
    %dma_start3A_430 = arith.constant 0 : i32
    %dma_start3A_431 = tpu.memref_slice %arg3[%dma_start3A_429, %dma_start3A_430] : memref<20480x128xf32, #tpu.memory_space<hbm>> -> memref<20480x128xf32, #tpu.memory_space<hbm>>
    tpu.enqueue_indirect_dma source(%dma_start3A_431 : memref<20480x128xf32, #tpu.memory_space<hbm>>) target(%arg17 : memref<128x128xf32, #tpu.memory_space<vmem>>) offsets(%dma_start3A_428 : memref<128xi32, #tpu.memory_space<vmem>>) semaphore(%arg21 : memref<!tpu.dma_semaphore, #tpu.memory_space<semaphore_mem>>) {add = true}
    %dma_wait3A_432 = arith.constant 0 : i32
    %dma_wait3A_433 = tpu.memref_slice %arg8[%dma_wait3A_432] : memref<2176xi32, #tpu.memory_space<vmem>> -> memref<128xi32, #tpu.memory_space<vmem>>
    %dma_wait3A_434 = arith.constant 0 : i32
    %dma_wait3A_435 = arith.constant 0 : i32
    %dma_wait3A_436 = tpu.memref_slice %arg2[%dma_wait3A_434, %dma_wait3A_435] : memref<20480x128xf32, #tpu.memory_space<hbm>> -> memref<20480x128xf32, #tpu.memory_space<hbm>>
    tpu.wait_indirect_dma semaphore(%arg20 : memref<!tpu.dma_semaphore, #tpu.memory_space<semaphore_mem>>) src(%dma_wait3A_436 : memref<20480x128xf32, #tpu.memory_space<hbm>>) dst(%arg14 : memref<128x128xf32, #tpu.memory_space<vmem>>)
    %dma_wait3A_437 = arith.constant 0 : i32
    %dma_wait3A_438 = tpu.memref_slice %arg8[%dma_wait3A_437] : memref<2176xi32, #tpu.memory_space<vmem>> -> memref<128xi32, #tpu.memory_space<vmem>>
    %dma_wait3A_439 = arith.constant 0 : i32
    %dma_wait3A_440 = arith.constant 0 : i32
    %dma_wait3A_441 = tpu.memref_slice %arg2[%dma_wait3A_439, %dma_wait3A_440] : memref<20480x128xf32, #tpu.memory_space<hbm>> -> memref<20480x128xf32, #tpu.memory_space<hbm>>
    tpu.wait_indirect_dma semaphore(%arg20 : memref<!tpu.dma_semaphore, #tpu.memory_space<semaphore_mem>>) src(%dma_wait3A_441 : memref<20480x128xf32, #tpu.memory_space<hbm>>) dst(%arg14 : memref<128x128xf32, #tpu.memory_space<vmem>>)
    %dma_wait3A_442 = arith.constant 0 : i32
    %dma_wait3A_443 = tpu.memref_slice %arg8[%dma_wait3A_442] : memref<2176xi32, #tpu.memory_space<vmem>> -> memref<128xi32, #tpu.memory_space<vmem>>
    %dma_wait3A_444 = arith.constant 0 : i32
    %dma_wait3A_445 = arith.constant 0 : i32
    %dma_wait3A_446 = tpu.memref_slice %arg2[%dma_wait3A_444, %dma_wait3A_445] : memref<20480x128xf32, #tpu.memory_space<hbm>> -> memref<20480x128xf32, #tpu.memory_space<hbm>>
    tpu.wait_indirect_dma semaphore(%arg20 : memref<!tpu.dma_semaphore, #tpu.memory_space<semaphore_mem>>) src(%dma_wait3A_446 : memref<20480x128xf32, #tpu.memory_space<hbm>>) dst(%arg14 : memref<128x128xf32, #tpu.memory_space<vmem>>)
    %dma_wait3A_447 = arith.constant 0 : i32
    %dma_wait3A_448 = tpu.memref_slice %arg8[%dma_wait3A_447] : memref<2176xi32, #tpu.memory_space<vmem>> -> memref<128xi32, #tpu.memory_space<vmem>>
    %dma_wait3A_449 = arith.constant 0 : i32
    %dma_wait3A_450 = arith.constant 0 : i32
    %dma_wait3A_451 = tpu.memref_slice %arg2[%dma_wait3A_449, %dma_wait3A_450] : memref<20480x128xf32, #tpu.memory_space<hbm>> -> memref<20480x128xf32, #tpu.memory_space<hbm>>
    tpu.wait_indirect_dma semaphore(%arg20 : memref<!tpu.dma_semaphore, #tpu.memory_space<semaphore_mem>>) src(%dma_wait3A_451 : memref<20480x128xf32, #tpu.memory_space<hbm>>) dst(%arg14 : memref<128x128xf32, #tpu.memory_space<vmem>>)
    %dma_wait3A_452 = arith.constant 0 : i32
    %dma_wait3A_453 = tpu.memref_slice %arg8[%dma_wait3A_452] : memref<2176xi32, #tpu.memory_space<vmem>> -> memref<128xi32, #tpu.memory_space<vmem>>
    %dma_wait3A_454 = arith.constant 0 : i32
    %dma_wait3A_455 = arith.constant 0 : i32
    %dma_wait3A_456 = tpu.memref_slice %arg2[%dma_wait3A_454, %dma_wait3A_455] : memref<20480x128xf32, #tpu.memory_space<hbm>> -> memref<20480x128xf32, #tpu.memory_space<hbm>>
    tpu.wait_indirect_dma semaphore(%arg20 : memref<!tpu.dma_semaphore, #tpu.memory_space<semaphore_mem>>) src(%dma_wait3A_456 : memref<20480x128xf32, #tpu.memory_space<hbm>>) dst(%arg14 : memref<128x128xf32, #tpu.memory_space<vmem>>)
    %dma_wait3A_457 = arith.constant 0 : i32
    %dma_wait3A_458 = tpu.memref_slice %arg8[%dma_wait3A_457] : memref<2176xi32, #tpu.memory_space<vmem>> -> memref<128xi32, #tpu.memory_space<vmem>>
    %dma_wait3A_459 = arith.constant 0 : i32
    %dma_wait3A_460 = arith.constant 0 : i32
    %dma_wait3A_461 = tpu.memref_slice %arg2[%dma_wait3A_459, %dma_wait3A_460] : memref<20480x128xf32, #tpu.memory_space<hbm>> -> memref<20480x128xf32, #tpu.memory_space<hbm>>
    tpu.wait_indirect_dma semaphore(%arg20 : memref<!tpu.dma_semaphore, #tpu.memory_space<semaphore_mem>>) src(%dma_wait3A_461 : memref<20480x128xf32, #tpu.memory_space<hbm>>) dst(%arg14 : memref<128x128xf32, #tpu.memory_space<vmem>>)
    %dma_wait3A_462 = arith.constant 0 : i32
    %dma_wait3A_463 = tpu.memref_slice %arg8[%dma_wait3A_462] : memref<2176xi32, #tpu.memory_space<vmem>> -> memref<128xi32, #tpu.memory_space<vmem>>
    %dma_wait3A_464 = arith.constant 0 : i32
    %dma_wait3A_465 = arith.constant 0 : i32
    %dma_wait3A_466 = tpu.memref_slice %arg2[%dma_wait3A_464, %dma_wait3A_465] : memref<20480x128xf32, #tpu.memory_space<hbm>> -> memref<20480x128xf32, #tpu.memory_space<hbm>>
    tpu.wait_indirect_dma semaphore(%arg20 : memref<!tpu.dma_semaphore, #tpu.memory_space<semaphore_mem>>) src(%dma_wait3A_466 : memref<20480x128xf32, #tpu.memory_space<hbm>>) dst(%arg14 : memref<128x128xf32, #tpu.memory_space<vmem>>)
    %dma_wait3A_467 = arith.constant 0 : i32
    %dma_wait3A_468 = tpu.memref_slice %arg8[%dma_wait3A_467] : memref<2176xi32, #tpu.memory_space<vmem>> -> memref<128xi32, #tpu.memory_space<vmem>>
    %dma_wait3A_469 = arith.constant 0 : i32
    %dma_wait3A_470 = arith.constant 0 : i32
    %dma_wait3A_471 = tpu.memref_slice %arg2[%dma_wait3A_469, %dma_wait3A_470] : memref<20480x128xf32, #tpu.memory_space<hbm>> -> memref<20480x128xf32, #tpu.memory_space<hbm>>
    tpu.wait_indirect_dma semaphore(%arg20 : memref<!tpu.dma_semaphore, #tpu.memory_space<semaphore_mem>>) src(%dma_wait3A_471 : memref<20480x128xf32, #tpu.memory_space<hbm>>) dst(%arg14 : memref<128x128xf32, #tpu.memory_space<vmem>>)
    %dma_wait3A_472 = arith.constant 0 : i32
    %dma_wait3A_473 = tpu.memref_slice %arg8[%dma_wait3A_472] : memref<2176xi32, #tpu.memory_space<vmem>> -> memref<128xi32, #tpu.memory_space<vmem>>
    %dma_wait3A_474 = arith.constant 0 : i32
    %dma_wait3A_475 = arith.constant 0 : i32
    %dma_wait3A_476 = tpu.memref_slice %arg2[%dma_wait3A_474, %dma_wait3A_475] : memref<20480x128xf32, #tpu.memory_space<hbm>> -> memref<20480x128xf32, #tpu.memory_space<hbm>>
    tpu.wait_indirect_dma semaphore(%arg20 : memref<!tpu.dma_semaphore, #tpu.memory_space<semaphore_mem>>) src(%dma_wait3A_476 : memref<20480x128xf32, #tpu.memory_space<hbm>>) dst(%arg14 : memref<128x128xf32, #tpu.memory_space<vmem>>)
    %dma_wait3A_477 = arith.constant 0 : i32
    %dma_wait3A_478 = tpu.memref_slice %arg8[%dma_wait3A_477] : memref<2176xi32, #tpu.memory_space<vmem>> -> memref<128xi32, #tpu.memory_space<vmem>>
    %dma_wait3A_479 = arith.constant 0 : i32
    %dma_wait3A_480 = arith.constant 0 : i32
    %dma_wait3A_481 = tpu.memref_slice %arg2[%dma_wait3A_479, %dma_wait3A_480] : memref<20480x128xf32, #tpu.memory_space<hbm>> -> memref<20480x128xf32, #tpu.memory_space<hbm>>
    tpu.wait_indirect_dma semaphore(%arg20 : memref<!tpu.dma_semaphore, #tpu.memory_space<semaphore_mem>>) src(%dma_wait3A_481 : memref<20480x128xf32, #tpu.memory_space<hbm>>) dst(%arg14 : memref<128x128xf32, #tpu.memory_space<vmem>>)
    %dma_wait3A_482 = arith.constant 0 : i32
    %dma_wait3A_483 = tpu.memref_slice %arg8[%dma_wait3A_482] : memref<2176xi32, #tpu.memory_space<vmem>> -> memref<128xi32, #tpu.memory_space<vmem>>
    %dma_wait3A_484 = arith.constant 0 : i32
    %dma_wait3A_485 = arith.constant 0 : i32
    %dma_wait3A_486 = tpu.memref_slice %arg2[%dma_wait3A_484, %dma_wait3A_485] : memref<20480x128xf32, #tpu.memory_space<hbm>> -> memref<20480x128xf32, #tpu.memory_space<hbm>>
    tpu.wait_indirect_dma semaphore(%arg20 : memref<!tpu.dma_semaphore, #tpu.memory_space<semaphore_mem>>) src(%dma_wait3A_486 : memref<20480x128xf32, #tpu.memory_space<hbm>>) dst(%arg14 : memref<128x128xf32, #tpu.memory_space<vmem>>)
    %dma_wait3A_487 = arith.constant 0 : i32
    %dma_wait3A_488 = tpu.memref_slice %arg8[%dma_wait3A_487] : memref<2176xi32, #tpu.memory_space<vmem>> -> memref<128xi32, #tpu.memory_space<vmem>>
    %dma_wait3A_489 = arith.constant 0 : i32
    %dma_wait3A_490 = arith.constant 0 : i32
    %dma_wait3A_491 = tpu.memref_slice %arg2[%dma_wait3A_489, %dma_wait3A_490] : memref<20480x128xf32, #tpu.memory_space<hbm>> -> memref<20480x128xf32, #tpu.memory_space<hbm>>
    tpu.wait_indirect_dma semaphore(%arg20 : memref<!tpu.dma_semaphore, #tpu.memory_space<semaphore_mem>>) src(%dma_wait3A_491 : memref<20480x128xf32, #tpu.memory_space<hbm>>) dst(%arg14 : memref<128x128xf32, #tpu.memory_space<vmem>>)
    %dma_wait3A_492 = arith.constant 0 : i32
    %dma_wait3A_493 = tpu.memref_slice %arg8[%dma_wait3A_492] : memref<2176xi32, #tpu.memory_space<vmem>> -> memref<128xi32, #tpu.memory_space<vmem>>
    %dma_wait3A_494 = arith.constant 0 : i32
    %dma_wait3A_495 = arith.constant 0 : i32
    %dma_wait3A_496 = tpu.memref_slice %arg2[%dma_wait3A_494, %dma_wait3A_495] : memref<20480x128xf32, #tpu.memory_space<hbm>> -> memref<20480x128xf32, #tpu.memory_space<hbm>>
    tpu.wait_indirect_dma semaphore(%arg20 : memref<!tpu.dma_semaphore, #tpu.memory_space<semaphore_mem>>) src(%dma_wait3A_496 : memref<20480x128xf32, #tpu.memory_space<hbm>>) dst(%arg14 : memref<128x128xf32, #tpu.memory_space<vmem>>)
    %dma_wait3A_497 = arith.constant 0 : i32
    %dma_wait3A_498 = tpu.memref_slice %arg8[%dma_wait3A_497] : memref<2176xi32, #tpu.memory_space<vmem>> -> memref<128xi32, #tpu.memory_space<vmem>>
    %dma_wait3A_499 = arith.constant 0 : i32
    %dma_wait3A_500 = arith.constant 0 : i32
    %dma_wait3A_501 = tpu.memref_slice %arg2[%dma_wait3A_499, %dma_wait3A_500] : memref<20480x128xf32, #tpu.memory_space<hbm>> -> memref<20480x128xf32, #tpu.memory_space<hbm>>
    tpu.wait_indirect_dma semaphore(%arg20 : memref<!tpu.dma_semaphore, #tpu.memory_space<semaphore_mem>>) src(%dma_wait3A_501 : memref<20480x128xf32, #tpu.memory_space<hbm>>) dst(%arg14 : memref<128x128xf32, #tpu.memory_space<vmem>>)
    %dma_wait3A_502 = arith.constant 0 : i32
    %dma_wait3A_503 = tpu.memref_slice %arg8[%dma_wait3A_502] : memref<2176xi32, #tpu.memory_space<vmem>> -> memref<128xi32, #tpu.memory_space<vmem>>
    %dma_wait3A_504 = arith.constant 0 : i32
    %dma_wait3A_505 = arith.constant 0 : i32
    %dma_wait3A_506 = tpu.memref_slice %arg2[%dma_wait3A_504, %dma_wait3A_505] : memref<20480x128xf32, #tpu.memory_space<hbm>> -> memref<20480x128xf32, #tpu.memory_space<hbm>>
    tpu.wait_indirect_dma semaphore(%arg20 : memref<!tpu.dma_semaphore, #tpu.memory_space<semaphore_mem>>) src(%dma_wait3A_506 : memref<20480x128xf32, #tpu.memory_space<hbm>>) dst(%arg14 : memref<128x128xf32, #tpu.memory_space<vmem>>)
    %dma_wait3A_507 = arith.constant 0 : i32
    %dma_wait3A_508 = tpu.memref_slice %arg8[%dma_wait3A_507] : memref<2176xi32, #tpu.memory_space<vmem>> -> memref<128xi32, #tpu.memory_space<vmem>>
    %dma_wait3A_509 = arith.constant 0 : i32
    %dma_wait3A_510 = arith.constant 0 : i32
    %dma_wait3A_511 = tpu.memref_slice %arg2[%dma_wait3A_509, %dma_wait3A_510] : memref<20480x128xf32, #tpu.memory_space<hbm>> -> memref<20480x128xf32, #tpu.memory_space<hbm>>
    tpu.wait_indirect_dma semaphore(%arg20 : memref<!tpu.dma_semaphore, #tpu.memory_space<semaphore_mem>>) src(%dma_wait3A_511 : memref<20480x128xf32, #tpu.memory_space<hbm>>) dst(%arg14 : memref<128x128xf32, #tpu.memory_space<vmem>>)
    %dma_wait3A_512 = arith.constant 0 : i32
    %dma_wait3A_513 = tpu.memref_slice %arg8[%dma_wait3A_512] : memref<2176xi32, #tpu.memory_space<vmem>> -> memref<128xi32, #tpu.memory_space<vmem>>
    %dma_wait3A_514 = arith.constant 0 : i32
    %dma_wait3A_515 = arith.constant 0 : i32
    %dma_wait3A_516 = tpu.memref_slice %arg2[%dma_wait3A_514, %dma_wait3A_515] : memref<20480x128xf32, #tpu.memory_space<hbm>> -> memref<20480x128xf32, #tpu.memory_space<hbm>>
    tpu.wait_indirect_dma semaphore(%arg20 : memref<!tpu.dma_semaphore, #tpu.memory_space<semaphore_mem>>) src(%dma_wait3A_516 : memref<20480x128xf32, #tpu.memory_space<hbm>>) dst(%arg14 : memref<128x128xf32, #tpu.memory_space<vmem>>)
    %dma_wait3A_517 = arith.constant 0 : i32
    %dma_wait3A_518 = tpu.memref_slice %arg11[%dma_wait3A_517] : memref<2048xi32, #tpu.memory_space<vmem>> -> memref<128xi32, #tpu.memory_space<vmem>>
    %dma_wait3A_519 = arith.constant 0 : i32
    %dma_wait3A_520 = arith.constant 0 : i32
    %dma_wait3A_521 = tpu.memref_slice %arg3[%dma_wait3A_519, %dma_wait3A_520] : memref<20480x128xf32, #tpu.memory_space<hbm>> -> memref<20480x128xf32, #tpu.memory_space<hbm>>
    tpu.wait_indirect_dma semaphore(%arg20 : memref<!tpu.dma_semaphore, #tpu.memory_space<semaphore_mem>>) src(%dma_wait3A_521 : memref<20480x128xf32, #tpu.memory_space<hbm>>) dst(%arg16 : memref<128x128xf32, #tpu.memory_space<vmem>>)
    %dma_wait3A_522 = arith.constant 0 : i32
    %dma_wait3A_523 = tpu.memref_slice %arg11[%dma_wait3A_522] : memref<2048xi32, #tpu.memory_space<vmem>> -> memref<128xi32, #tpu.memory_space<vmem>>
    %dma_wait3A_524 = arith.constant 0 : i32
    %dma_wait3A_525 = arith.constant 0 : i32
    %dma_wait3A_526 = tpu.memref_slice %arg3[%dma_wait3A_524, %dma_wait3A_525] : memref<20480x128xf32, #tpu.memory_space<hbm>> -> memref<20480x128xf32, #tpu.memory_space<hbm>>
    tpu.wait_indirect_dma semaphore(%arg20 : memref<!tpu.dma_semaphore, #tpu.memory_space<semaphore_mem>>) src(%dma_wait3A_526 : memref<20480x128xf32, #tpu.memory_space<hbm>>) dst(%arg16 : memref<128x128xf32, #tpu.memory_space<vmem>>)
    %dma_wait3A_527 = arith.constant 0 : i32
    %dma_wait3A_528 = tpu.memref_slice %arg11[%dma_wait3A_527] : memref<2048xi32, #tpu.memory_space<vmem>> -> memref<128xi32, #tpu.memory_space<vmem>>
    %dma_wait3A_529 = arith.constant 0 : i32
    %dma_wait3A_530 = arith.constant 0 : i32
    %dma_wait3A_531 = tpu.memref_slice %arg3[%dma_wait3A_529, %dma_wait3A_530] : memref<20480x128xf32, #tpu.memory_space<hbm>> -> memref<20480x128xf32, #tpu.memory_space<hbm>>
    tpu.wait_indirect_dma semaphore(%arg20 : memref<!tpu.dma_semaphore, #tpu.memory_space<semaphore_mem>>) src(%dma_wait3A_531 : memref<20480x128xf32, #tpu.memory_space<hbm>>) dst(%arg16 : memref<128x128xf32, #tpu.memory_space<vmem>>)
    %dma_wait3A_532 = arith.constant 0 : i32
    %dma_wait3A_533 = tpu.memref_slice %arg11[%dma_wait3A_532] : memref<2048xi32, #tpu.memory_space<vmem>> -> memref<128xi32, #tpu.memory_space<vmem>>
    %dma_wait3A_534 = arith.constant 0 : i32
    %dma_wait3A_535 = arith.constant 0 : i32
    %dma_wait3A_536 = tpu.memref_slice %arg3[%dma_wait3A_534, %dma_wait3A_535] : memref<20480x128xf32, #tpu.memory_space<hbm>> -> memref<20480x128xf32, #tpu.memory_space<hbm>>
    tpu.wait_indirect_dma semaphore(%arg20 : memref<!tpu.dma_semaphore, #tpu.memory_space<semaphore_mem>>) src(%dma_wait3A_536 : memref<20480x128xf32, #tpu.memory_space<hbm>>) dst(%arg16 : memref<128x128xf32, #tpu.memory_space<vmem>>)
    %dma_wait3A_537 = arith.constant 0 : i32
    %dma_wait3A_538 = tpu.memref_slice %arg11[%dma_wait3A_537] : memref<2048xi32, #tpu.memory_space<vmem>> -> memref<128xi32, #tpu.memory_space<vmem>>
    %dma_wait3A_539 = arith.constant 0 : i32
    %dma_wait3A_540 = arith.constant 0 : i32
    %dma_wait3A_541 = tpu.memref_slice %arg3[%dma_wait3A_539, %dma_wait3A_540] : memref<20480x128xf32, #tpu.memory_space<hbm>> -> memref<20480x128xf32, #tpu.memory_space<hbm>>
    tpu.wait_indirect_dma semaphore(%arg20 : memref<!tpu.dma_semaphore, #tpu.memory_space<semaphore_mem>>) src(%dma_wait3A_541 : memref<20480x128xf32, #tpu.memory_space<hbm>>) dst(%arg16 : memref<128x128xf32, #tpu.memory_space<vmem>>)
    %dma_wait3A_542 = arith.constant 0 : i32
    %dma_wait3A_543 = tpu.memref_slice %arg11[%dma_wait3A_542] : memref<2048xi32, #tpu.memory_space<vmem>> -> memref<128xi32, #tpu.memory_space<vmem>>
    %dma_wait3A_544 = arith.constant 0 : i32
    %dma_wait3A_545 = arith.constant 0 : i32
    %dma_wait3A_546 = tpu.memref_slice %arg3[%dma_wait3A_544, %dma_wait3A_545] : memref<20480x128xf32, #tpu.memory_space<hbm>> -> memref<20480x128xf32, #tpu.memory_space<hbm>>
    tpu.wait_indirect_dma semaphore(%arg20 : memref<!tpu.dma_semaphore, #tpu.memory_space<semaphore_mem>>) src(%dma_wait3A_546 : memref<20480x128xf32, #tpu.memory_space<hbm>>) dst(%arg16 : memref<128x128xf32, #tpu.memory_space<vmem>>)
    %dma_wait3A_547 = arith.constant 0 : i32
    %dma_wait3A_548 = tpu.memref_slice %arg11[%dma_wait3A_547] : memref<2048xi32, #tpu.memory_space<vmem>> -> memref<128xi32, #tpu.memory_space<vmem>>
    %dma_wait3A_549 = arith.constant 0 : i32
    %dma_wait3A_550 = arith.constant 0 : i32
    %dma_wait3A_551 = tpu.memref_slice %arg3[%dma_wait3A_549, %dma_wait3A_550] : memref<20480x128xf32, #tpu.memory_space<hbm>> -> memref<20480x128xf32, #tpu.memory_space<hbm>>
    tpu.wait_indirect_dma semaphore(%arg20 : memref<!tpu.dma_semaphore, #tpu.memory_space<semaphore_mem>>) src(%dma_wait3A_551 : memref<20480x128xf32, #tpu.memory_space<hbm>>) dst(%arg16 : memref<128x128xf32, #tpu.memory_space<vmem>>)
    %dma_wait3A_552 = arith.constant 0 : i32
    %dma_wait3A_553 = tpu.memref_slice %arg11[%dma_wait3A_552] : memref<2048xi32, #tpu.memory_space<vmem>> -> memref<128xi32, #tpu.memory_space<vmem>>
    %dma_wait3A_554 = arith.constant 0 : i32
    %dma_wait3A_555 = arith.constant 0 : i32
    %dma_wait3A_556 = tpu.memref_slice %arg3[%dma_wait3A_554, %dma_wait3A_555] : memref<20480x128xf32, #tpu.memory_space<hbm>> -> memref<20480x128xf32, #tpu.memory_space<hbm>>
    tpu.wait_indirect_dma semaphore(%arg20 : memref<!tpu.dma_semaphore, #tpu.memory_space<semaphore_mem>>) src(%dma_wait3A_556 : memref<20480x128xf32, #tpu.memory_space<hbm>>) dst(%arg16 : memref<128x128xf32, #tpu.memory_space<vmem>>)
    %dma_wait3A_557 = arith.constant 0 : i32
    %dma_wait3A_558 = tpu.memref_slice %arg11[%dma_wait3A_557] : memref<2048xi32, #tpu.memory_space<vmem>> -> memref<128xi32, #tpu.memory_space<vmem>>
    %dma_wait3A_559 = arith.constant 0 : i32
    %dma_wait3A_560 = arith.constant 0 : i32
    %dma_wait3A_561 = tpu.memref_slice %arg3[%dma_wait3A_559, %dma_wait3A_560] : memref<20480x128xf32, #tpu.memory_space<hbm>> -> memref<20480x128xf32, #tpu.memory_space<hbm>>
    tpu.wait_indirect_dma semaphore(%arg20 : memref<!tpu.dma_semaphore, #tpu.memory_space<semaphore_mem>>) src(%dma_wait3A_561 : memref<20480x128xf32, #tpu.memory_space<hbm>>) dst(%arg16 : memref<128x128xf32, #tpu.memory_space<vmem>>)
    %dma_wait3A_562 = arith.constant 0 : i32
    %dma_wait3A_563 = tpu.memref_slice %arg11[%dma_wait3A_562] : memref<2048xi32, #tpu.memory_space<vmem>> -> memref<128xi32, #tpu.memory_space<vmem>>
    %dma_wait3A_564 = arith.constant 0 : i32
    %dma_wait3A_565 = arith.constant 0 : i32
    %dma_wait3A_566 = tpu.memref_slice %arg3[%dma_wait3A_564, %dma_wait3A_565] : memref<20480x128xf32, #tpu.memory_space<hbm>> -> memref<20480x128xf32, #tpu.memory_space<hbm>>
    tpu.wait_indirect_dma semaphore(%arg20 : memref<!tpu.dma_semaphore, #tpu.memory_space<semaphore_mem>>) src(%dma_wait3A_566 : memref<20480x128xf32, #tpu.memory_space<hbm>>) dst(%arg16 : memref<128x128xf32, #tpu.memory_space<vmem>>)
    %dma_wait3A_567 = arith.constant 0 : i32
    %dma_wait3A_568 = tpu.memref_slice %arg11[%dma_wait3A_567] : memref<2048xi32, #tpu.memory_space<vmem>> -> memref<128xi32, #tpu.memory_space<vmem>>
    %dma_wait3A_569 = arith.constant 0 : i32
    %dma_wait3A_570 = arith.constant 0 : i32
    %dma_wait3A_571 = tpu.memref_slice %arg3[%dma_wait3A_569, %dma_wait3A_570] : memref<20480x128xf32, #tpu.memory_space<hbm>> -> memref<20480x128xf32, #tpu.memory_space<hbm>>
    tpu.wait_indirect_dma semaphore(%arg20 : memref<!tpu.dma_semaphore, #tpu.memory_space<semaphore_mem>>) src(%dma_wait3A_571 : memref<20480x128xf32, #tpu.memory_space<hbm>>) dst(%arg16 : memref<128x128xf32, #tpu.memory_space<vmem>>)
    %dma_wait3A_572 = arith.constant 0 : i32
    %dma_wait3A_573 = tpu.memref_slice %arg11[%dma_wait3A_572] : memref<2048xi32, #tpu.memory_space<vmem>> -> memref<128xi32, #tpu.memory_space<vmem>>
    %dma_wait3A_574 = arith.constant 0 : i32
    %dma_wait3A_575 = arith.constant 0 : i32
    %dma_wait3A_576 = tpu.memref_slice %arg3[%dma_wait3A_574, %dma_wait3A_575] : memref<20480x128xf32, #tpu.memory_space<hbm>> -> memref<20480x128xf32, #tpu.memory_space<hbm>>
    tpu.wait_indirect_dma semaphore(%arg20 : memref<!tpu.dma_semaphore, #tpu.memory_space<semaphore_mem>>) src(%dma_wait3A_576 : memref<20480x128xf32, #tpu.memory_space<hbm>>) dst(%arg16 : memref<128x128xf32, #tpu.memory_space<vmem>>)
    %dma_wait3A_577 = arith.constant 0 : i32
    %dma_wait3A_578 = tpu.memref_slice %arg11[%dma_wait3A_577] : memref<2048xi32, #tpu.memory_space<vmem>> -> memref<128xi32, #tpu.memory_space<vmem>>
    %dma_wait3A_579 = arith.constant 0 : i32
    %dma_wait3A_580 = arith.constant 0 : i32
    %dma_wait3A_581 = tpu.memref_slice %arg3[%dma_wait3A_579, %dma_wait3A_580] : memref<20480x128xf32, #tpu.memory_space<hbm>> -> memref<20480x128xf32, #tpu.memory_space<hbm>>
    tpu.wait_indirect_dma semaphore(%arg20 : memref<!tpu.dma_semaphore, #tpu.memory_space<semaphore_mem>>) src(%dma_wait3A_581 : memref<20480x128xf32, #tpu.memory_space<hbm>>) dst(%arg16 : memref<128x128xf32, #tpu.memory_space<vmem>>)
    %dma_wait3A_582 = arith.constant 0 : i32
    %dma_wait3A_583 = tpu.memref_slice %arg11[%dma_wait3A_582] : memref<2048xi32, #tpu.memory_space<vmem>> -> memref<128xi32, #tpu.memory_space<vmem>>
    %dma_wait3A_584 = arith.constant 0 : i32
    %dma_wait3A_585 = arith.constant 0 : i32
    %dma_wait3A_586 = tpu.memref_slice %arg3[%dma_wait3A_584, %dma_wait3A_585] : memref<20480x128xf32, #tpu.memory_space<hbm>> -> memref<20480x128xf32, #tpu.memory_space<hbm>>
    tpu.wait_indirect_dma semaphore(%arg20 : memref<!tpu.dma_semaphore, #tpu.memory_space<semaphore_mem>>) src(%dma_wait3A_586 : memref<20480x128xf32, #tpu.memory_space<hbm>>) dst(%arg16 : memref<128x128xf32, #tpu.memory_space<vmem>>)
    %dma_wait3A_587 = arith.constant 0 : i32
    %dma_wait3A_588 = tpu.memref_slice %arg11[%dma_wait3A_587] : memref<2048xi32, #tpu.memory_space<vmem>> -> memref<128xi32, #tpu.memory_space<vmem>>
    %dma_wait3A_589 = arith.constant 0 : i32
    %dma_wait3A_590 = arith.constant 0 : i32
    %dma_wait3A_591 = tpu.memref_slice %arg3[%dma_wait3A_589, %dma_wait3A_590] : memref<20480x128xf32, #tpu.memory_space<hbm>> -> memref<20480x128xf32, #tpu.memory_space<hbm>>
    tpu.wait_indirect_dma semaphore(%arg20 : memref<!tpu.dma_semaphore, #tpu.memory_space<semaphore_mem>>) src(%dma_wait3A_591 : memref<20480x128xf32, #tpu.memory_space<hbm>>) dst(%arg16 : memref<128x128xf32, #tpu.memory_space<vmem>>)
    %dma_wait3A_592 = arith.constant 0 : i32
    %dma_wait3A_593 = tpu.memref_slice %arg11[%dma_wait3A_592] : memref<2048xi32, #tpu.memory_space<vmem>> -> memref<128xi32, #tpu.memory_space<vmem>>
    %dma_wait3A_594 = arith.constant 0 : i32
    %dma_wait3A_595 = arith.constant 0 : i32
    %dma_wait3A_596 = tpu.memref_slice %arg3[%dma_wait3A_594, %dma_wait3A_595] : memref<20480x128xf32, #tpu.memory_space<hbm>> -> memref<20480x128xf32, #tpu.memory_space<hbm>>
    tpu.wait_indirect_dma semaphore(%arg20 : memref<!tpu.dma_semaphore, #tpu.memory_space<semaphore_mem>>) src(%dma_wait3A_596 : memref<20480x128xf32, #tpu.memory_space<hbm>>) dst(%arg16 : memref<128x128xf32, #tpu.memory_space<vmem>>)
    %mul3A_597 = arith.constant 128 : i32
    %mul3A_598 = arith.muli %mul3A_2, %mul3A_597 : i32
    %dma_start3A_599 = arith.constant 0 : i32
    %dma_start3A_600 = tpu.memref_slice %arg6[%mul3A_598, %dma_start3A_599] : memref<10240x128xf32, #tpu.memory_space<hbm>> -> memref<128x128xf32, #tpu.memory_space<hbm>>
    %dma_start3A_601 = arith.constant 0 : i32
    %dma_start3A_602 = tpu.memref_slice %arg6[%mul3A_598, %dma_start3A_601] : memref<10240x128xf32, #tpu.memory_space<hbm>> -> memref<128x128xf32, #tpu.memory_space<hbm>>
    tpu.enqueue_dma source(%arg14 : memref<128x128xf32, #tpu.memory_space<vmem>>) target(%dma_start3A_602 : memref<128x128xf32, #tpu.memory_space<hbm>>) target_semaphore(%arg22 : memref<!tpu.dma_semaphore, #tpu.memory_space<semaphore_mem>>)
    %dma_start3A_603 = arith.constant 0 : i32
    %dma_start3A_604 = tpu.memref_slice %arg7[%mul3A_598, %dma_start3A_603] : memref<10240x128xf32, #tpu.memory_space<hbm>> -> memref<128x128xf32, #tpu.memory_space<hbm>>
    %dma_start3A_605 = arith.constant 0 : i32
    %dma_start3A_606 = tpu.memref_slice %arg7[%mul3A_598, %dma_start3A_605] : memref<10240x128xf32, #tpu.memory_space<hbm>> -> memref<128x128xf32, #tpu.memory_space<hbm>>
    tpu.enqueue_dma source(%arg16 : memref<128x128xf32, #tpu.memory_space<vmem>>) target(%dma_start3A_606 : memref<128x128xf32, #tpu.memory_space<hbm>>) target_semaphore(%arg22 : memref<!tpu.dma_semaphore, #tpu.memory_space<semaphore_mem>>)
    %convert_element_type3A = arith.extui %lt3A_59 : i1 to i32
    %cond3A = arith.constant 0 : i32
    %cond3A_607 = arith.cmpi ne, %convert_element_type3A, %cond3A : i32
    scf.if %cond3A_607 {
      %mul3A_798 = arith.constant 2176 : i32
      %mul3A_799 = arith.muli %add3A_41, %mul3A_798 : i32
      %dma_start3A_800 = tpu.memref_slice %arg4[%mul3A_799] : memref<174080xi32, #tpu.memory_space<hbm>> -> memref<2176xi32, #tpu.memory_space<hbm>>
      %dma_start3A_801 = tpu.memref_slice %arg4[%mul3A_799] : memref<174080xi32, #tpu.memory_space<hbm>> -> memref<2176xi32, #tpu.memory_space<hbm>>
      tpu.enqueue_dma source(%dma_start3A_801 : memref<2176xi32, #tpu.memory_space<hbm>>) target(%arg10 : memref<2176xi32, #tpu.memory_space<vmem>>) target_semaphore(%arg18 : memref<!tpu.dma_semaphore, #tpu.memory_space<semaphore_mem>>)
      %mul3A_802 = arith.constant 2048 : i32
      %mul3A_803 = arith.muli %add3A_41, %mul3A_802 : i32
      %dma_start3A_804 = tpu.memref_slice %arg5[%mul3A_803] : memref<163840xi32, #tpu.memory_space<hbm>> -> memref<2048xi32, #tpu.memory_space<hbm>>
      %dma_start3A_805 = tpu.memref_slice %arg5[%mul3A_803] : memref<163840xi32, #tpu.memory_space<hbm>> -> memref<2048xi32, #tpu.memory_space<hbm>>
      tpu.enqueue_dma source(%dma_start3A_805 : memref<2048xi32, #tpu.memory_space<hbm>>) target(%arg13 : memref<2048xi32, #tpu.memory_space<vmem>>) target_semaphore(%arg18 : memref<!tpu.dma_semaphore, #tpu.memory_space<semaphore_mem>>)
      %dma_wait3A_806 = arith.constant 0 : i32
      %dma_wait3A_807 = arith.constant 0 : i32
      %dma_wait3A_808 = tpu.memref_slice %arg6[%dma_wait3A_806, %dma_wait3A_807] : memref<10240x128xf32, #tpu.memory_space<hbm>> -> memref<128x128xf32, #tpu.memory_space<hbm>>
      %dma_wait3A_809 = arith.constant 0 : i32
      %dma_wait3A_810 = arith.constant 0 : i32
      %dma_wait3A_811 = tpu.memref_slice %arg6[%dma_wait3A_809, %dma_wait3A_810] : memref<10240x128xf32, #tpu.memory_space<hbm>> -> memref<128x128xf32, #tpu.memory_space<hbm>>
      tpu.wait_dma2 semaphore(%arg22 : memref<!tpu.dma_semaphore, #tpu.memory_space<semaphore_mem>>) src(%arg14 : memref<128x128xf32, #tpu.memory_space<vmem>>) dst(%dma_wait3A_811 : memref<128x128xf32, #tpu.memory_space<hbm>>)
      %dma_wait3A_812 = arith.constant 0 : i32
      %dma_wait3A_813 = arith.constant 0 : i32
      %dma_wait3A_814 = tpu.memref_slice %arg7[%dma_wait3A_812, %dma_wait3A_813] : memref<10240x128xf32, #tpu.memory_space<hbm>> -> memref<128x128xf32, #tpu.memory_space<hbm>>
      %dma_wait3A_815 = arith.constant 0 : i32
      %dma_wait3A_816 = arith.constant 0 : i32
      %dma_wait3A_817 = tpu.memref_slice %arg7[%dma_wait3A_815, %dma_wait3A_816] : memref<10240x128xf32, #tpu.memory_space<hbm>> -> memref<128x128xf32, #tpu.memory_space<hbm>>
      tpu.wait_dma2 semaphore(%arg22 : memref<!tpu.dma_semaphore, #tpu.memory_space<semaphore_mem>>) src(%arg16 : memref<128x128xf32, #tpu.memory_space<vmem>>) dst(%dma_wait3A_817 : memref<128x128xf32, #tpu.memory_space<hbm>>)
      %broadcast_in_dim3A_818 = arith.constant 0.000000e+00 : f32
      %broadcast_in_dim3A_819 = vector.broadcast %broadcast_in_dim3A_818 : f32 to vector<16xf32>
      %scan3A_820 = arith.constant 0 : i32
      %scan3A_821 = arith.constant 128 : i32
      %scan3A_822 = arith.addi %scan3A_820, %scan3A_821 : i32
      %scan3A_823 = arith.constant 1 : i32
      scf.for %scan3A_998 = %scan3A_820 to %scan3A_822 step %scan3A_823  : i32 {
        %swap3A = arith.index_cast %scan3A_998 : i32 to index
        %swap3A_999 = arith.constant 0 : index
        %swap3A_1000 = tpu.vector_load %arg14[%swap3A, %swap3A_999] {strides = array<i32>} : memref<128x128xf32, #tpu.memory_space<vmem>>, vector<1x16xf32>,
        %swap3A_1001 = vector.shape_cast %swap3A_1000 : vector<1x16xf32> to vector<16xf32>
        %swap3A_1002 = vector.shape_cast %broadcast_in_dim3A_819 : vector<16xf32> to vector<1x16xf32>
        tpu.vector_store %arg14[%swap3A, %swap3A_999], %swap3A_1002 {strides = array<i32>} : memref<128x128xf32, #tpu.memory_space<vmem>>, vector<1x16xf32>,
        %swap3A_1003 = arith.index_cast %scan3A_998 : i32 to index
        %swap3A_1004 = arith.constant 0 : index
        %swap3A_1005 = tpu.vector_load %arg16[%swap3A_1003, %swap3A_1004] {strides = array<i32>} : memref<128x128xf32, #tpu.memory_space<vmem>>, vector<1x16xf32>,
        %swap3A_1006 = vector.shape_cast %swap3A_1005 : vector<1x16xf32> to vector<16xf32>
        %swap3A_1007 = vector.shape_cast %broadcast_in_dim3A_819 : vector<16xf32> to vector<1x16xf32>
        tpu.vector_store %arg16[%swap3A_1003, %swap3A_1004], %swap3A_1007 {strides = array<i32>} : memref<128x128xf32, #tpu.memory_space<vmem>>, vector<1x16xf32>,
        %swap3A_1008 = arith.index_cast %scan3A_998 : i32 to index
        %swap3A_1009 = arith.constant 16 : index
        %swap3A_1010 = tpu.vector_load %arg14[%swap3A_1008, %swap3A_1009] {strides = array<i32>} : memref<128x128xf32, #tpu.memory_space<vmem>>, vector<1x16xf32>,
        %swap3A_1011 = vector.shape_cast %swap3A_1010 : vector<1x16xf32> to vector<16xf32>
        %swap3A_1012 = vector.shape_cast %broadcast_in_dim3A_819 : vector<16xf32> to vector<1x16xf32>
        tpu.vector_store %arg14[%swap3A_1008, %swap3A_1009], %swap3A_1012 {strides = array<i32>} : memref<128x128xf32, #tpu.memory_space<vmem>>, vector<1x16xf32>,
        %swap3A_1013 = arith.index_cast %scan3A_998 : i32 to index
        %swap3A_1014 = arith.constant 16 : index
        %swap3A_1015 = tpu.vector_load %arg16[%swap3A_1013, %swap3A_1014] {strides = array<i32>} : memref<128x128xf32, #tpu.memory_space<vmem>>, vector<1x16xf32>,
        %swap3A_1016 = vector.shape_cast %swap3A_1015 : vector<1x16xf32> to vector<16xf32>
        %swap3A_1017 = vector.shape_cast %broadcast_in_dim3A_819 : vector<16xf32> to vector<1x16xf32>
        tpu.vector_store %arg16[%swap3A_1013, %swap3A_1014], %swap3A_1017 {strides = array<i32>} : memref<128x128xf32, #tpu.memory_space<vmem>>, vector<1x16xf32>,
        %swap3A_1018 = arith.index_cast %scan3A_998 : i32 to index
        %swap3A_1019 = arith.constant 32 : index
        %swap3A_1020 = tpu.vector_load %arg14[%swap3A_1018, %swap3A_1019] {strides = array<i32>} : memref<128x128xf32, #tpu.memory_space<vmem>>, vector<1x16xf32>,
        %swap3A_1021 = vector.shape_cast %swap3A_1020 : vector<1x16xf32> to vector<16xf32>
        %swap3A_1022 = vector.shape_cast %broadcast_in_dim3A_819 : vector<16xf32> to vector<1x16xf32>
        tpu.vector_store %arg14[%swap3A_1018, %swap3A_1019], %swap3A_1022 {strides = array<i32>} : memref<128x128xf32, #tpu.memory_space<vmem>>, vector<1x16xf32>,
        %swap3A_1023 = arith.index_cast %scan3A_998 : i32 to index
        %swap3A_1024 = arith.constant 32 : index
        %swap3A_1025 = tpu.vector_load %arg16[%swap3A_1023, %swap3A_1024] {strides = array<i32>} : memref<128x128xf32, #tpu.memory_space<vmem>>, vector<1x16xf32>,
        %swap3A_1026 = vector.shape_cast %swap3A_1025 : vector<1x16xf32> to vector<16xf32>
        %swap3A_1027 = vector.shape_cast %broadcast_in_dim3A_819 : vector<16xf32> to vector<1x16xf32>
        tpu.vector_store %arg16[%swap3A_1023, %swap3A_1024], %swap3A_1027 {strides = array<i32>} : memref<128x128xf32, #tpu.memory_space<vmem>>, vector<1x16xf32>,
        %swap3A_1028 = arith.index_cast %scan3A_998 : i32 to index
        %swap3A_1029 = arith.constant 48 : index
        %swap3A_1030 = tpu.vector_load %arg14[%swap3A_1028, %swap3A_1029] {strides = array<i32>} : memref<128x128xf32, #tpu.memory_space<vmem>>, vector<1x16xf32>,
        %swap3A_1031 = vector.shape_cast %swap3A_1030 : vector<1x16xf32> to vector<16xf32>
        %swap3A_1032 = vector.shape_cast %broadcast_in_dim3A_819 : vector<16xf32> to vector<1x16xf32>
        tpu.vector_store %arg14[%swap3A_1028, %swap3A_1029], %swap3A_1032 {strides = array<i32>} : memref<128x128xf32, #tpu.memory_space<vmem>>, vector<1x16xf32>,
        %swap3A_1033 = arith.index_cast %scan3A_998 : i32 to index
        %swap3A_1034 = arith.constant 48 : index
        %swap3A_1035 = tpu.vector_load %arg16[%swap3A_1033, %swap3A_1034] {strides = array<i32>} : memref<128x128xf32, #tpu.memory_space<vmem>>, vector<1x16xf32>,
        %swap3A_1036 = vector.shape_cast %swap3A_1035 : vector<1x16xf32> to vector<16xf32>
        %swap3A_1037 = vector.shape_cast %broadcast_in_dim3A_819 : vector<16xf32> to vector<1x16xf32>
        tpu.vector_store %arg16[%swap3A_1033, %swap3A_1034], %swap3A_1037 {strides = array<i32>} : memref<128x128xf32, #tpu.memory_space<vmem>>, vector<1x16xf32>,
        %swap3A_1038 = arith.index_cast %scan3A_998 : i32 to index
        %swap3A_1039 = arith.constant 64 : index
        %swap3A_1040 = tpu.vector_load %arg14[%swap3A_1038, %swap3A_1039] {strides = array<i32>} : memref<128x128xf32, #tpu.memory_space<vmem>>, vector<1x16xf32>,
        %swap3A_1041 = vector.shape_cast %swap3A_1040 : vector<1x16xf32> to vector<16xf32>
        %swap3A_1042 = vector.shape_cast %broadcast_in_dim3A_819 : vector<16xf32> to vector<1x16xf32>
        tpu.vector_store %arg14[%swap3A_1038, %swap3A_1039], %swap3A_1042 {strides = array<i32>} : memref<128x128xf32, #tpu.memory_space<vmem>>, vector<1x16xf32>,
        %swap3A_1043 = arith.index_cast %scan3A_998 : i32 to index
        %swap3A_1044 = arith.constant 64 : index
        %swap3A_1045 = tpu.vector_load %arg16[%swap3A_1043, %swap3A_1044] {strides = array<i32>} : memref<128x128xf32, #tpu.memory_space<vmem>>, vector<1x16xf32>,
        %swap3A_1046 = vector.shape_cast %swap3A_1045 : vector<1x16xf32> to vector<16xf32>
        %swap3A_1047 = vector.shape_cast %broadcast_in_dim3A_819 : vector<16xf32> to vector<1x16xf32>
        tpu.vector_store %arg16[%swap3A_1043, %swap3A_1044], %swap3A_1047 {strides = array<i32>} : memref<128x128xf32, #tpu.memory_space<vmem>>, vector<1x16xf32>,
        %swap3A_1048 = arith.index_cast %scan3A_998 : i32 to index
        %swap3A_1049 = arith.constant 80 : index
        %swap3A_1050 = tpu.vector_load %arg14[%swap3A_1048, %swap3A_1049] {strides = array<i32>} : memref<128x128xf32, #tpu.memory_space<vmem>>, vector<1x16xf32>,
        %swap3A_1051 = vector.shape_cast %swap3A_1050 : vector<1x16xf32> to vector<16xf32>
        %swap3A_1052 = vector.shape_cast %broadcast_in_dim3A_819 : vector<16xf32> to vector<1x16xf32>
        tpu.vector_store %arg14[%swap3A_1048, %swap3A_1049], %swap3A_1052 {strides = array<i32>} : memref<128x128xf32, #tpu.memory_space<vmem>>, vector<1x16xf32>,
        %swap3A_1053 = arith.index_cast %scan3A_998 : i32 to index
        %swap3A_1054 = arith.constant 80 : index
        %swap3A_1055 = tpu.vector_load %arg16[%swap3A_1053, %swap3A_1054] {strides = array<i32>} : memref<128x128xf32, #tpu.memory_space<vmem>>, vector<1x16xf32>,
        %swap3A_1056 = vector.shape_cast %swap3A_1055 : vector<1x16xf32> to vector<16xf32>
        %swap3A_1057 = vector.shape_cast %broadcast_in_dim3A_819 : vector<16xf32> to vector<1x16xf32>
        tpu.vector_store %arg16[%swap3A_1053, %swap3A_1054], %swap3A_1057 {strides = array<i32>} : memref<128x128xf32, #tpu.memory_space<vmem>>, vector<1x16xf32>,
        %swap3A_1058 = arith.index_cast %scan3A_998 : i32 to index
        %swap3A_1059 = arith.constant 96 : index
        %swap3A_1060 = tpu.vector_load %arg14[%swap3A_1058, %swap3A_1059] {strides = array<i32>} : memref<128x128xf32, #tpu.memory_space<vmem>>, vector<1x16xf32>,
        %swap3A_1061 = vector.shape_cast %swap3A_1060 : vector<1x16xf32> to vector<16xf32>
        %swap3A_1062 = vector.shape_cast %broadcast_in_dim3A_819 : vector<16xf32> to vector<1x16xf32>
        tpu.vector_store %arg14[%swap3A_1058, %swap3A_1059], %swap3A_1062 {strides = array<i32>} : memref<128x128xf32, #tpu.memory_space<vmem>>, vector<1x16xf32>,
        %swap3A_1063 = arith.index_cast %scan3A_998 : i32 to index
        %swap3A_1064 = arith.constant 96 : index
        %swap3A_1065 = tpu.vector_load %arg16[%swap3A_1063, %swap3A_1064] {strides = array<i32>} : memref<128x128xf32, #tpu.memory_space<vmem>>, vector<1x16xf32>,
        %swap3A_1066 = vector.shape_cast %swap3A_1065 : vector<1x16xf32> to vector<16xf32>
        %swap3A_1067 = vector.shape_cast %broadcast_in_dim3A_819 : vector<16xf32> to vector<1x16xf32>
        tpu.vector_store %arg16[%swap3A_1063, %swap3A_1064], %swap3A_1067 {strides = array<i32>} : memref<128x128xf32, #tpu.memory_space<vmem>>, vector<1x16xf32>,
        %swap3A_1068 = arith.index_cast %scan3A_998 : i32 to index
        %swap3A_1069 = arith.constant 112 : index
        %swap3A_1070 = tpu.vector_load %arg14[%swap3A_1068, %swap3A_1069] {strides = array<i32>} : memref<128x128xf32, #tpu.memory_space<vmem>>, vector<1x16xf32>,
        %swap3A_1071 = vector.shape_cast %swap3A_1070 : vector<1x16xf32> to vector<16xf32>
        %swap3A_1072 = vector.shape_cast %broadcast_in_dim3A_819 : vector<16xf32> to vector<1x16xf32>
        tpu.vector_store %arg14[%swap3A_1068, %swap3A_1069], %swap3A_1072 {strides = array<i32>} : memref<128x128xf32, #tpu.memory_space<vmem>>, vector<1x16xf32>,
        %swap3A_1073 = arith.index_cast %scan3A_998 : i32 to index
        %swap3A_1074 = arith.constant 112 : index
        %swap3A_1075 = tpu.vector_load %arg16[%swap3A_1073, %swap3A_1074] {strides = array<i32>} : memref<128x128xf32, #tpu.memory_space<vmem>>, vector<1x16xf32>,
        %swap3A_1076 = vector.shape_cast %swap3A_1075 : vector<1x16xf32> to vector<16xf32>
        %swap3A_1077 = vector.shape_cast %broadcast_in_dim3A_819 : vector<16xf32> to vector<1x16xf32>
        tpu.vector_store %arg16[%swap3A_1073, %swap3A_1074], %swap3A_1077 {strides = array<i32>} : memref<128x128xf32, #tpu.memory_space<vmem>>, vector<1x16xf32>,
      }
      %scan3A_824 = arith.constant 128 : i32
      %dma_wait3A_825 = arith.constant 0 : i32
      %dma_wait3A_826 = tpu.memref_slice %arg4[%dma_wait3A_825] : memref<174080xi32, #tpu.memory_space<hbm>> -> memref<2176xi32, #tpu.memory_space<hbm>>
      %dma_wait3A_827 = arith.constant 0 : i32
      %dma_wait3A_828 = tpu.memref_slice %arg4[%dma_wait3A_827] : memref<174080xi32, #tpu.memory_space<hbm>> -> memref<2176xi32, #tpu.memory_space<hbm>>
      tpu.wait_dma2 semaphore(%arg18 : memref<!tpu.dma_semaphore, #tpu.memory_space<semaphore_mem>>) src(%dma_wait3A_828 : memref<2176xi32, #tpu.memory_space<hbm>>) dst(%arg10 : memref<2176xi32, #tpu.memory_space<vmem>>)
      %dma_wait3A_829 = arith.constant 0 : i32
      %dma_wait3A_830 = tpu.memref_slice %arg5[%dma_wait3A_829] : memref<163840xi32, #tpu.memory_space<hbm>> -> memref<2048xi32, #tpu.memory_space<hbm>>
      %dma_wait3A_831 = arith.constant 0 : i32
      %dma_wait3A_832 = tpu.memref_slice %arg5[%dma_wait3A_831] : memref<163840xi32, #tpu.memory_space<hbm>> -> memref<2048xi32, #tpu.memory_space<hbm>>
      tpu.wait_dma2 semaphore(%arg18 : memref<!tpu.dma_semaphore, #tpu.memory_space<semaphore_mem>>) src(%dma_wait3A_832 : memref<2048xi32, #tpu.memory_space<hbm>>) dst(%arg13 : memref<2048xi32, #tpu.memory_space<vmem>>)
      %dma_start3A_833 = arith.constant 0 : i32
      %dma_start3A_834 = tpu.memref_slice %arg10[%dma_start3A_833] : memref<2176xi32, #tpu.memory_space<vmem>> -> memref<128xi32, #tpu.memory_space<vmem>>
      %dma_start3A_835 = arith.constant 0 : i32
      %dma_start3A_836 = arith.constant 0 : i32
      %dma_start3A_837 = tpu.memref_slice %arg2[%dma_start3A_835, %dma_start3A_836] : memref<20480x128xf32, #tpu.memory_space<hbm>> -> memref<20480x128xf32, #tpu.memory_space<hbm>>
      tpu.enqueue_indirect_dma source(%dma_start3A_837 : memref<20480x128xf32, #tpu.memory_space<hbm>>) target(%arg14 : memref<128x128xf32, #tpu.memory_space<vmem>>) offsets(%dma_start3A_834 : memref<128xi32, #tpu.memory_space<vmem>>) semaphore(%arg20 : memref<!tpu.dma_semaphore, #tpu.memory_space<semaphore_mem>>) {add = true}
      %dma_start3A_838 = arith.constant 128 : i32
      %dma_start3A_839 = tpu.memref_slice %arg10[%dma_start3A_838] : memref<2176xi32, #tpu.memory_space<vmem>> -> memref<128xi32, #tpu.memory_space<vmem>>
      %dma_start3A_840 = arith.constant 0 : i32
      %dma_start3A_841 = arith.constant 0 : i32
      %dma_start3A_842 = tpu.memref_slice %arg2[%dma_start3A_840, %dma_start3A_841] : memref<20480x128xf32, #tpu.memory_space<hbm>> -> memref<20480x128xf32, #tpu.memory_space<hbm>>
      tpu.enqueue_indirect_dma source(%dma_start3A_842 : memref<20480x128xf32, #tpu.memory_space<hbm>>) target(%arg14 : memref<128x128xf32, #tpu.memory_space<vmem>>) offsets(%dma_start3A_839 : memref<128xi32, #tpu.memory_space<vmem>>) semaphore(%arg20 : memref<!tpu.dma_semaphore, #tpu.memory_space<semaphore_mem>>) {add = true}
      %dma_start3A_843 = arith.constant 256 : i32
      %dma_start3A_844 = tpu.memref_slice %arg10[%dma_start3A_843] : memref<2176xi32, #tpu.memory_space<vmem>> -> memref<128xi32, #tpu.memory_space<vmem>>
      %dma_start3A_845 = arith.constant 0 : i32
      %dma_start3A_846 = arith.constant 0 : i32
      %dma_start3A_847 = tpu.memref_slice %arg2[%dma_start3A_845, %dma_start3A_846] : memref<20480x128xf32, #tpu.memory_space<hbm>> -> memref<20480x128xf32, #tpu.memory_space<hbm>>
      tpu.enqueue_indirect_dma source(%dma_start3A_847 : memref<20480x128xf32, #tpu.memory_space<hbm>>) target(%arg14 : memref<128x128xf32, #tpu.memory_space<vmem>>) offsets(%dma_start3A_844 : memref<128xi32, #tpu.memory_space<vmem>>) semaphore(%arg20 : memref<!tpu.dma_semaphore, #tpu.memory_space<semaphore_mem>>) {add = true}
      %dma_start3A_848 = arith.constant 384 : i32
      %dma_start3A_849 = tpu.memref_slice %arg10[%dma_start3A_848] : memref<2176xi32, #tpu.memory_space<vmem>> -> memref<128xi32, #tpu.memory_space<vmem>>
      %dma_start3A_850 = arith.constant 0 : i32
      %dma_start3A_851 = arith.constant 0 : i32
      %dma_start3A_852 = tpu.memref_slice %arg2[%dma_start3A_850, %dma_start3A_851] : memref<20480x128xf32, #tpu.memory_space<hbm>> -> memref<20480x128xf32, #tpu.memory_space<hbm>>
      tpu.enqueue_indirect_dma source(%dma_start3A_852 : memref<20480x128xf32, #tpu.memory_space<hbm>>) target(%arg14 : memref<128x128xf32, #tpu.memory_space<vmem>>) offsets(%dma_start3A_849 : memref<128xi32, #tpu.memory_space<vmem>>) semaphore(%arg20 : memref<!tpu.dma_semaphore, #tpu.memory_space<semaphore_mem>>) {add = true}
      %dma_start3A_853 = arith.constant 512 : i32
      %dma_start3A_854 = tpu.memref_slice %arg10[%dma_start3A_853] : memref<2176xi32, #tpu.memory_space<vmem>> -> memref<128xi32, #tpu.memory_space<vmem>>
      %dma_start3A_855 = arith.constant 0 : i32
      %dma_start3A_856 = arith.constant 0 : i32
      %dma_start3A_857 = tpu.memref_slice %arg2[%dma_start3A_855, %dma_start3A_856] : memref<20480x128xf32, #tpu.memory_space<hbm>> -> memref<20480x128xf32, #tpu.memory_space<hbm>>
      tpu.enqueue_indirect_dma source(%dma_start3A_857 : memref<20480x128xf32, #tpu.memory_space<hbm>>) target(%arg14 : memref<128x128xf32, #tpu.memory_space<vmem>>) offsets(%dma_start3A_854 : memref<128xi32, #tpu.memory_space<vmem>>) semaphore(%arg20 : memref<!tpu.dma_semaphore, #tpu.memory_space<semaphore_mem>>) {add = true}
      %dma_start3A_858 = arith.constant 640 : i32
      %dma_start3A_859 = tpu.memref_slice %arg10[%dma_start3A_858] : memref<2176xi32, #tpu.memory_space<vmem>> -> memref<128xi32, #tpu.memory_space<vmem>>
      %dma_start3A_860 = arith.constant 0 : i32
      %dma_start3A_861 = arith.constant 0 : i32
      %dma_start3A_862 = tpu.memref_slice %arg2[%dma_start3A_860, %dma_start3A_861] : memref<20480x128xf32, #tpu.memory_space<hbm>> -> memref<20480x128xf32, #tpu.memory_space<hbm>>
      tpu.enqueue_indirect_dma source(%dma_start3A_862 : memref<20480x128xf32, #tpu.memory_space<hbm>>) target(%arg14 : memref<128x128xf32, #tpu.memory_space<vmem>>) offsets(%dma_start3A_859 : memref<128xi32, #tpu.memory_space<vmem>>) semaphore(%arg20 : memref<!tpu.dma_semaphore, #tpu.memory_space<semaphore_mem>>) {add = true}
      %dma_start3A_863 = arith.constant 768 : i32
      %dma_start3A_864 = tpu.memref_slice %arg10[%dma_start3A_863] : memref<2176xi32, #tpu.memory_space<vmem>> -> memref<128xi32, #tpu.memory_space<vmem>>
      %dma_start3A_865 = arith.constant 0 : i32
      %dma_start3A_866 = arith.constant 0 : i32
      %dma_start3A_867 = tpu.memref_slice %arg2[%dma_start3A_865, %dma_start3A_866] : memref<20480x128xf32, #tpu.memory_space<hbm>> -> memref<20480x128xf32, #tpu.memory_space<hbm>>
      tpu.enqueue_indirect_dma source(%dma_start3A_867 : memref<20480x128xf32, #tpu.memory_space<hbm>>) target(%arg14 : memref<128x128xf32, #tpu.memory_space<vmem>>) offsets(%dma_start3A_864 : memref<128xi32, #tpu.memory_space<vmem>>) semaphore(%arg20 : memref<!tpu.dma_semaphore, #tpu.memory_space<semaphore_mem>>) {add = true}
      %dma_start3A_868 = arith.constant 896 : i32
      %dma_start3A_869 = tpu.memref_slice %arg10[%dma_start3A_868] : memref<2176xi32, #tpu.memory_space<vmem>> -> memref<128xi32, #tpu.memory_space<vmem>>
      %dma_start3A_870 = arith.constant 0 : i32
      %dma_start3A_871 = arith.constant 0 : i32
      %dma_start3A_872 = tpu.memref_slice %arg2[%dma_start3A_870, %dma_start3A_871] : memref<20480x128xf32, #tpu.memory_space<hbm>> -> memref<20480x128xf32, #tpu.memory_space<hbm>>
      tpu.enqueue_indirect_dma source(%dma_start3A_872 : memref<20480x128xf32, #tpu.memory_space<hbm>>) target(%arg14 : memref<128x128xf32, #tpu.memory_space<vmem>>) offsets(%dma_start3A_869 : memref<128xi32, #tpu.memory_space<vmem>>) semaphore(%arg20 : memref<!tpu.dma_semaphore, #tpu.memory_space<semaphore_mem>>) {add = true}
      %dma_start3A_873 = arith.constant 1024 : i32
      %dma_start3A_874 = tpu.memref_slice %arg10[%dma_start3A_873] : memref<2176xi32, #tpu.memory_space<vmem>> -> memref<128xi32, #tpu.memory_space<vmem>>
      %dma_start3A_875 = arith.constant 0 : i32
      %dma_start3A_876 = arith.constant 0 : i32
      %dma_start3A_877 = tpu.memref_slice %arg2[%dma_start3A_875, %dma_start3A_876] : memref<20480x128xf32, #tpu.memory_space<hbm>> -> memref<20480x128xf32, #tpu.memory_space<hbm>>
      tpu.enqueue_indirect_dma source(%dma_start3A_877 : memref<20480x128xf32, #tpu.memory_space<hbm>>) target(%arg14 : memref<128x128xf32, #tpu.memory_space<vmem>>) offsets(%dma_start3A_874 : memref<128xi32, #tpu.memory_space<vmem>>) semaphore(%arg20 : memref<!tpu.dma_semaphore, #tpu.memory_space<semaphore_mem>>) {add = true}
      %dma_start3A_878 = arith.constant 1152 : i32
      %dma_start3A_879 = tpu.memref_slice %arg10[%dma_start3A_878] : memref<2176xi32, #tpu.memory_space<vmem>> -> memref<128xi32, #tpu.memory_space<vmem>>
      %dma_start3A_880 = arith.constant 0 : i32
      %dma_start3A_881 = arith.constant 0 : i32
      %dma_start3A_882 = tpu.memref_slice %arg2[%dma_start3A_880, %dma_start3A_881] : memref<20480x128xf32, #tpu.memory_space<hbm>> -> memref<20480x128xf32, #tpu.memory_space<hbm>>
      tpu.enqueue_indirect_dma source(%dma_start3A_882 : memref<20480x128xf32, #tpu.memory_space<hbm>>) target(%arg14 : memref<128x128xf32, #tpu.memory_space<vmem>>) offsets(%dma_start3A_879 : memref<128xi32, #tpu.memory_space<vmem>>) semaphore(%arg20 : memref<!tpu.dma_semaphore, #tpu.memory_space<semaphore_mem>>) {add = true}
      %dma_start3A_883 = arith.constant 1280 : i32
      %dma_start3A_884 = tpu.memref_slice %arg10[%dma_start3A_883] : memref<2176xi32, #tpu.memory_space<vmem>> -> memref<128xi32, #tpu.memory_space<vmem>>
      %dma_start3A_885 = arith.constant 0 : i32
      %dma_start3A_886 = arith.constant 0 : i32
      %dma_start3A_887 = tpu.memref_slice %arg2[%dma_start3A_885, %dma_start3A_886] : memref<20480x128xf32, #tpu.memory_space<hbm>> -> memref<20480x128xf32, #tpu.memory_space<hbm>>
      tpu.enqueue_indirect_dma source(%dma_start3A_887 : memref<20480x128xf32, #tpu.memory_space<hbm>>) target(%arg14 : memref<128x128xf32, #tpu.memory_space<vmem>>) offsets(%dma_start3A_884 : memref<128xi32, #tpu.memory_space<vmem>>) semaphore(%arg20 : memref<!tpu.dma_semaphore, #tpu.memory_space<semaphore_mem>>) {add = true}
      %dma_start3A_888 = arith.constant 1408 : i32
      %dma_start3A_889 = tpu.memref_slice %arg10[%dma_start3A_888] : memref<2176xi32, #tpu.memory_space<vmem>> -> memref<128xi32, #tpu.memory_space<vmem>>
      %dma_start3A_890 = arith.constant 0 : i32
      %dma_start3A_891 = arith.constant 0 : i32
      %dma_start3A_892 = tpu.memref_slice %arg2[%dma_start3A_890, %dma_start3A_891] : memref<20480x128xf32, #tpu.memory_space<hbm>> -> memref<20480x128xf32, #tpu.memory_space<hbm>>
      tpu.enqueue_indirect_dma source(%dma_start3A_892 : memref<20480x128xf32, #tpu.memory_space<hbm>>) target(%arg14 : memref<128x128xf32, #tpu.memory_space<vmem>>) offsets(%dma_start3A_889 : memref<128xi32, #tpu.memory_space<vmem>>) semaphore(%arg20 : memref<!tpu.dma_semaphore, #tpu.memory_space<semaphore_mem>>) {add = true}
      %dma_start3A_893 = arith.constant 1536 : i32
      %dma_start3A_894 = tpu.memref_slice %arg10[%dma_start3A_893] : memref<2176xi32, #tpu.memory_space<vmem>> -> memref<128xi32, #tpu.memory_space<vmem>>
      %dma_start3A_895 = arith.constant 0 : i32
      %dma_start3A_896 = arith.constant 0 : i32
      %dma_start3A_897 = tpu.memref_slice %arg2[%dma_start3A_895, %dma_start3A_896] : memref<20480x128xf32, #tpu.memory_space<hbm>> -> memref<20480x128xf32, #tpu.memory_space<hbm>>
      tpu.enqueue_indirect_dma source(%dma_start3A_897 : memref<20480x128xf32, #tpu.memory_space<hbm>>) target(%arg14 : memref<128x128xf32, #tpu.memory_space<vmem>>) offsets(%dma_start3A_894 : memref<128xi32, #tpu.memory_space<vmem>>) semaphore(%arg20 : memref<!tpu.dma_semaphore, #tpu.memory_space<semaphore_mem>>) {add = true}
      %dma_start3A_898 = arith.constant 1664 : i32
      %dma_start3A_899 = tpu.memref_slice %arg10[%dma_start3A_898] : memref<2176xi32, #tpu.memory_space<vmem>> -> memref<128xi32, #tpu.memory_space<vmem>>
      %dma_start3A_900 = arith.constant 0 : i32
      %dma_start3A_901 = arith.constant 0 : i32
      %dma_start3A_902 = tpu.memref_slice %arg2[%dma_start3A_900, %dma_start3A_901] : memref<20480x128xf32, #tpu.memory_space<hbm>> -> memref<20480x128xf32, #tpu.memory_space<hbm>>
      tpu.enqueue_indirect_dma source(%dma_start3A_902 : memref<20480x128xf32, #tpu.memory_space<hbm>>) target(%arg14 : memref<128x128xf32, #tpu.memory_space<vmem>>) offsets(%dma_start3A_899 : memref<128xi32, #tpu.memory_space<vmem>>) semaphore(%arg20 : memref<!tpu.dma_semaphore, #tpu.memory_space<semaphore_mem>>) {add = true}
      %dma_start3A_903 = arith.constant 1792 : i32
      %dma_start3A_904 = tpu.memref_slice %arg10[%dma_start3A_903] : memref<2176xi32, #tpu.memory_space<vmem>> -> memref<128xi32, #tpu.memory_space<vmem>>
      %dma_start3A_905 = arith.constant 0 : i32
      %dma_start3A_906 = arith.constant 0 : i32
      %dma_start3A_907 = tpu.memref_slice %arg2[%dma_start3A_905, %dma_start3A_906] : memref<20480x128xf32, #tpu.memory_space<hbm>> -> memref<20480x128xf32, #tpu.memory_space<hbm>>
      tpu.enqueue_indirect_dma source(%dma_start3A_907 : memref<20480x128xf32, #tpu.memory_space<hbm>>) target(%arg14 : memref<128x128xf32, #tpu.memory_space<vmem>>) offsets(%dma_start3A_904 : memref<128xi32, #tpu.memory_space<vmem>>) semaphore(%arg20 : memref<!tpu.dma_semaphore, #tpu.memory_space<semaphore_mem>>) {add = true}
      %dma_start3A_908 = arith.constant 1920 : i32
      %dma_start3A_909 = tpu.memref_slice %arg10[%dma_start3A_908] : memref<2176xi32, #tpu.memory_space<vmem>> -> memref<128xi32, #tpu.memory_space<vmem>>
      %dma_start3A_910 = arith.constant 0 : i32
      %dma_start3A_911 = arith.constant 0 : i32
      %dma_start3A_912 = tpu.memref_slice %arg2[%dma_start3A_910, %dma_start3A_911] : memref<20480x128xf32, #tpu.memory_space<hbm>> -> memref<20480x128xf32, #tpu.memory_space<hbm>>
      tpu.enqueue_indirect_dma source(%dma_start3A_912 : memref<20480x128xf32, #tpu.memory_space<hbm>>) target(%arg14 : memref<128x128xf32, #tpu.memory_space<vmem>>) offsets(%dma_start3A_909 : memref<128xi32, #tpu.memory_space<vmem>>) semaphore(%arg20 : memref<!tpu.dma_semaphore, #tpu.memory_space<semaphore_mem>>) {add = true}
      %dma_start3A_913 = arith.constant 2048 : i32
      %dma_start3A_914 = tpu.memref_slice %arg10[%dma_start3A_913] : memref<2176xi32, #tpu.memory_space<vmem>> -> memref<128xi32, #tpu.memory_space<vmem>>
      %dma_start3A_915 = arith.constant 0 : i32
      %dma_start3A_916 = arith.constant 0 : i32
      %dma_start3A_917 = tpu.memref_slice %arg2[%dma_start3A_915, %dma_start3A_916] : memref<20480x128xf32, #tpu.memory_space<hbm>> -> memref<20480x128xf32, #tpu.memory_space<hbm>>
      tpu.enqueue_indirect_dma source(%dma_start3A_917 : memref<20480x128xf32, #tpu.memory_space<hbm>>) target(%arg14 : memref<128x128xf32, #tpu.memory_space<vmem>>) offsets(%dma_start3A_914 : memref<128xi32, #tpu.memory_space<vmem>>) semaphore(%arg20 : memref<!tpu.dma_semaphore, #tpu.memory_space<semaphore_mem>>) {add = true}
      %dma_start3A_918 = arith.constant 0 : i32
      %dma_start3A_919 = tpu.memref_slice %arg13[%dma_start3A_918] : memref<2048xi32, #tpu.memory_space<vmem>> -> memref<128xi32, #tpu.memory_space<vmem>>
      %dma_start3A_920 = arith.constant 0 : i32
      %dma_start3A_921 = arith.constant 0 : i32
      %dma_start3A_922 = tpu.memref_slice %arg3[%dma_start3A_920, %dma_start3A_921] : memref<20480x128xf32, #tpu.memory_space<hbm>> -> memref<20480x128xf32, #tpu.memory_space<hbm>>
      tpu.enqueue_indirect_dma source(%dma_start3A_922 : memref<20480x128xf32, #tpu.memory_space<hbm>>) target(%arg16 : memref<128x128xf32, #tpu.memory_space<vmem>>) offsets(%dma_start3A_919 : memref<128xi32, #tpu.memory_space<vmem>>) semaphore(%arg20 : memref<!tpu.dma_semaphore, #tpu.memory_space<semaphore_mem>>) {add = true}
      %dma_start3A_923 = arith.constant 128 : i32
      %dma_start3A_924 = tpu.memref_slice %arg13[%dma_start3A_923] : memref<2048xi32, #tpu.memory_space<vmem>> -> memref<128xi32, #tpu.memory_space<vmem>>
      %dma_start3A_925 = arith.constant 0 : i32
      %dma_start3A_926 = arith.constant 0 : i32
      %dma_start3A_927 = tpu.memref_slice %arg3[%dma_start3A_925, %dma_start3A_926] : memref<20480x128xf32, #tpu.memory_space<hbm>> -> memref<20480x128xf32, #tpu.memory_space<hbm>>
      tpu.enqueue_indirect_dma source(%dma_start3A_927 : memref<20480x128xf32, #tpu.memory_space<hbm>>) target(%arg16 : memref<128x128xf32, #tpu.memory_space<vmem>>) offsets(%dma_start3A_924 : memref<128xi32, #tpu.memory_space<vmem>>) semaphore(%arg20 : memref<!tpu.dma_semaphore, #tpu.memory_space<semaphore_mem>>) {add = true}
      %dma_start3A_928 = arith.constant 256 : i32
      %dma_start3A_929 = tpu.memref_slice %arg13[%dma_start3A_928] : memref<2048xi32, #tpu.memory_space<vmem>> -> memref<128xi32, #tpu.memory_space<vmem>>
      %dma_start3A_930 = arith.constant 0 : i32
      %dma_start3A_931 = arith.constant 0 : i32
      %dma_start3A_932 = tpu.memref_slice %arg3[%dma_start3A_930, %dma_start3A_931] : memref<20480x128xf32, #tpu.memory_space<hbm>> -> memref<20480x128xf32, #tpu.memory_space<hbm>>
      tpu.enqueue_indirect_dma source(%dma_start3A_932 : memref<20480x128xf32, #tpu.memory_space<hbm>>) target(%arg16 : memref<128x128xf32, #tpu.memory_space<vmem>>) offsets(%dma_start3A_929 : memref<128xi32, #tpu.memory_space<vmem>>) semaphore(%arg20 : memref<!tpu.dma_semaphore, #tpu.memory_space<semaphore_mem>>) {add = true}
      %dma_start3A_933 = arith.constant 384 : i32
      %dma_start3A_934 = tpu.memref_slice %arg13[%dma_start3A_933] : memref<2048xi32, #tpu.memory_space<vmem>> -> memref<128xi32, #tpu.memory_space<vmem>>
      %dma_start3A_935 = arith.constant 0 : i32
      %dma_start3A_936 = arith.constant 0 : i32
      %dma_start3A_937 = tpu.memref_slice %arg3[%dma_start3A_935, %dma_start3A_936] : memref<20480x128xf32, #tpu.memory_space<hbm>> -> memref<20480x128xf32, #tpu.memory_space<hbm>>
      tpu.enqueue_indirect_dma source(%dma_start3A_937 : memref<20480x128xf32, #tpu.memory_space<hbm>>) target(%arg16 : memref<128x128xf32, #tpu.memory_space<vmem>>) offsets(%dma_start3A_934 : memref<128xi32, #tpu.memory_space<vmem>>) semaphore(%arg20 : memref<!tpu.dma_semaphore, #tpu.memory_space<semaphore_mem>>) {add = true}
      %dma_start3A_938 = arith.constant 512 : i32
      %dma_start3A_939 = tpu.memref_slice %arg13[%dma_start3A_938] : memref<2048xi32, #tpu.memory_space<vmem>> -> memref<128xi32, #tpu.memory_space<vmem>>
      %dma_start3A_940 = arith.constant 0 : i32
      %dma_start3A_941 = arith.constant 0 : i32
      %dma_start3A_942 = tpu.memref_slice %arg3[%dma_start3A_940, %dma_start3A_941] : memref<20480x128xf32, #tpu.memory_space<hbm>> -> memref<20480x128xf32, #tpu.memory_space<hbm>>
      tpu.enqueue_indirect_dma source(%dma_start3A_942 : memref<20480x128xf32, #tpu.memory_space<hbm>>) target(%arg16 : memref<128x128xf32, #tpu.memory_space<vmem>>) offsets(%dma_start3A_939 : memref<128xi32, #tpu.memory_space<vmem>>) semaphore(%arg20 : memref<!tpu.dma_semaphore, #tpu.memory_space<semaphore_mem>>) {add = true}
      %dma_start3A_943 = arith.constant 640 : i32
      %dma_start3A_944 = tpu.memref_slice %arg13[%dma_start3A_943] : memref<2048xi32, #tpu.memory_space<vmem>> -> memref<128xi32, #tpu.memory_space<vmem>>
      %dma_start3A_945 = arith.constant 0 : i32
      %dma_start3A_946 = arith.constant 0 : i32
      %dma_start3A_947 = tpu.memref_slice %arg3[%dma_start3A_945, %dma_start3A_946] : memref<20480x128xf32, #tpu.memory_space<hbm>> -> memref<20480x128xf32, #tpu.memory_space<hbm>>
      tpu.enqueue_indirect_dma source(%dma_start3A_947 : memref<20480x128xf32, #tpu.memory_space<hbm>>) target(%arg16 : memref<128x128xf32, #tpu.memory_space<vmem>>) offsets(%dma_start3A_944 : memref<128xi32, #tpu.memory_space<vmem>>) semaphore(%arg20 : memref<!tpu.dma_semaphore, #tpu.memory_space<semaphore_mem>>) {add = true}
      %dma_start3A_948 = arith.constant 768 : i32
      %dma_start3A_949 = tpu.memref_slice %arg13[%dma_start3A_948] : memref<2048xi32, #tpu.memory_space<vmem>> -> memref<128xi32, #tpu.memory_space<vmem>>
      %dma_start3A_950 = arith.constant 0 : i32
      %dma_start3A_951 = arith.constant 0 : i32
      %dma_start3A_952 = tpu.memref_slice %arg3[%dma_start3A_950, %dma_start3A_951] : memref<20480x128xf32, #tpu.memory_space<hbm>> -> memref<20480x128xf32, #tpu.memory_space<hbm>>
      tpu.enqueue_indirect_dma source(%dma_start3A_952 : memref<20480x128xf32, #tpu.memory_space<hbm>>) target(%arg16 : memref<128x128xf32, #tpu.memory_space<vmem>>) offsets(%dma_start3A_949 : memref<128xi32, #tpu.memory_space<vmem>>) semaphore(%arg20 : memref<!tpu.dma_semaphore, #tpu.memory_space<semaphore_mem>>) {add = true}
      %dma_start3A_953 = arith.constant 896 : i32
      %dma_start3A_954 = tpu.memref_slice %arg13[%dma_start3A_953] : memref<2048xi32, #tpu.memory_space<vmem>> -> memref<128xi32, #tpu.memory_space<vmem>>
      %dma_start3A_955 = arith.constant 0 : i32
      %dma_start3A_956 = arith.constant 0 : i32
      %dma_start3A_957 = tpu.memref_slice %arg3[%dma_start3A_955, %dma_start3A_956] : memref<20480x128xf32, #tpu.memory_space<hbm>> -> memref<20480x128xf32, #tpu.memory_space<hbm>>
      tpu.enqueue_indirect_dma source(%dma_start3A_957 : memref<20480x128xf32, #tpu.memory_space<hbm>>) target(%arg16 : memref<128x128xf32, #tpu.memory_space<vmem>>) offsets(%dma_start3A_954 : memref<128xi32, #tpu.memory_space<vmem>>) semaphore(%arg20 : memref<!tpu.dma_semaphore, #tpu.memory_space<semaphore_mem>>) {add = true}
      %dma_start3A_958 = arith.constant 1024 : i32
      %dma_start3A_959 = tpu.memref_slice %arg13[%dma_start3A_958] : memref<2048xi32, #tpu.memory_space<vmem>> -> memref<128xi32, #tpu.memory_space<vmem>>
      %dma_start3A_960 = arith.constant 0 : i32
      %dma_start3A_961 = arith.constant 0 : i32
      %dma_start3A_962 = tpu.memref_slice %arg3[%dma_start3A_960, %dma_start3A_961] : memref<20480x128xf32, #tpu.memory_space<hbm>> -> memref<20480x128xf32, #tpu.memory_space<hbm>>
      tpu.enqueue_indirect_dma source(%dma_start3A_962 : memref<20480x128xf32, #tpu.memory_space<hbm>>) target(%arg16 : memref<128x128xf32, #tpu.memory_space<vmem>>) offsets(%dma_start3A_959 : memref<128xi32, #tpu.memory_space<vmem>>) semaphore(%arg20 : memref<!tpu.dma_semaphore, #tpu.memory_space<semaphore_mem>>) {add = true}
      %dma_start3A_963 = arith.constant 1152 : i32
      %dma_start3A_964 = tpu.memref_slice %arg13[%dma_start3A_963] : memref<2048xi32, #tpu.memory_space<vmem>> -> memref<128xi32, #tpu.memory_space<vmem>>
      %dma_start3A_965 = arith.constant 0 : i32
      %dma_start3A_966 = arith.constant 0 : i32
      %dma_start3A_967 = tpu.memref_slice %arg3[%dma_start3A_965, %dma_start3A_966] : memref<20480x128xf32, #tpu.memory_space<hbm>> -> memref<20480x128xf32, #tpu.memory_space<hbm>>
      tpu.enqueue_indirect_dma source(%dma_start3A_967 : memref<20480x128xf32, #tpu.memory_space<hbm>>) target(%arg16 : memref<128x128xf32, #tpu.memory_space<vmem>>) offsets(%dma_start3A_964 : memref<128xi32, #tpu.memory_space<vmem>>) semaphore(%arg20 : memref<!tpu.dma_semaphore, #tpu.memory_space<semaphore_mem>>) {add = true}
      %dma_start3A_968 = arith.constant 1280 : i32
      %dma_start3A_969 = tpu.memref_slice %arg13[%dma_start3A_968] : memref<2048xi32, #tpu.memory_space<vmem>> -> memref<128xi32, #tpu.memory_space<vmem>>
      %dma_start3A_970 = arith.constant 0 : i32
      %dma_start3A_971 = arith.constant 0 : i32
      %dma_start3A_972 = tpu.memref_slice %arg3[%dma_start3A_970, %dma_start3A_971] : memref<20480x128xf32, #tpu.memory_space<hbm>> -> memref<20480x128xf32, #tpu.memory_space<hbm>>
      tpu.enqueue_indirect_dma source(%dma_start3A_972 : memref<20480x128xf32, #tpu.memory_space<hbm>>) target(%arg16 : memref<128x128xf32, #tpu.memory_space<vmem>>) offsets(%dma_start3A_969 : memref<128xi32, #tpu.memory_space<vmem>>) semaphore(%arg20 : memref<!tpu.dma_semaphore, #tpu.memory_space<semaphore_mem>>) {add = true}
      %dma_start3A_973 = arith.constant 1408 : i32
      %dma_start3A_974 = tpu.memref_slice %arg13[%dma_start3A_973] : memref<2048xi32, #tpu.memory_space<vmem>> -> memref<128xi32, #tpu.memory_space<vmem>>
      %dma_start3A_975 = arith.constant 0 : i32
      %dma_start3A_976 = arith.constant 0 : i32
      %dma_start3A_977 = tpu.memref_slice %arg3[%dma_start3A_975, %dma_start3A_976] : memref<20480x128xf32, #tpu.memory_space<hbm>> -> memref<20480x128xf32, #tpu.memory_space<hbm>>
      tpu.enqueue_indirect_dma source(%dma_start3A_977 : memref<20480x128xf32, #tpu.memory_space<hbm>>) target(%arg16 : memref<128x128xf32, #tpu.memory_space<vmem>>) offsets(%dma_start3A_974 : memref<128xi32, #tpu.memory_space<vmem>>) semaphore(%arg20 : memref<!tpu.dma_semaphore, #tpu.memory_space<semaphore_mem>>) {add = true}
      %dma_start3A_978 = arith.constant 1536 : i32
      %dma_start3A_979 = tpu.memref_slice %arg13[%dma_start3A_978] : memref<2048xi32, #tpu.memory_space<vmem>> -> memref<128xi32, #tpu.memory_space<vmem>>
      %dma_start3A_980 = arith.constant 0 : i32
      %dma_start3A_981 = arith.constant 0 : i32
      %dma_start3A_982 = tpu.memref_slice %arg3[%dma_start3A_980, %dma_start3A_981] : memref<20480x128xf32, #tpu.memory_space<hbm>> -> memref<20480x128xf32, #tpu.memory_space<hbm>>
      tpu.enqueue_indirect_dma source(%dma_start3A_982 : memref<20480x128xf32, #tpu.memory_space<hbm>>) target(%arg16 : memref<128x128xf32, #tpu.memory_space<vmem>>) offsets(%dma_start3A_979 : memref<128xi32, #tpu.memory_space<vmem>>) semaphore(%arg20 : memref<!tpu.dma_semaphore, #tpu.memory_space<semaphore_mem>>) {add = true}
      %dma_start3A_983 = arith.constant 1664 : i32
      %dma_start3A_984 = tpu.memref_slice %arg13[%dma_start3A_983] : memref<2048xi32, #tpu.memory_space<vmem>> -> memref<128xi32, #tpu.memory_space<vmem>>
      %dma_start3A_985 = arith.constant 0 : i32
      %dma_start3A_986 = arith.constant 0 : i32
      %dma_start3A_987 = tpu.memref_slice %arg3[%dma_start3A_985, %dma_start3A_986] : memref<20480x128xf32, #tpu.memory_space<hbm>> -> memref<20480x128xf32, #tpu.memory_space<hbm>>
      tpu.enqueue_indirect_dma source(%dma_start3A_987 : memref<20480x128xf32, #tpu.memory_space<hbm>>) target(%arg16 : memref<128x128xf32, #tpu.memory_space<vmem>>) offsets(%dma_start3A_984 : memref<128xi32, #tpu.memory_space<vmem>>) semaphore(%arg20 : memref<!tpu.dma_semaphore, #tpu.memory_space<semaphore_mem>>) {add = true}
      %dma_start3A_988 = arith.constant 1792 : i32
      %dma_start3A_989 = tpu.memref_slice %arg13[%dma_start3A_988] : memref<2048xi32, #tpu.memory_space<vmem>> -> memref<128xi32, #tpu.memory_space<vmem>>
      %dma_start3A_990 = arith.constant 0 : i32
      %dma_start3A_991 = arith.constant 0 : i32
      %dma_start3A_992 = tpu.memref_slice %arg3[%dma_start3A_990, %dma_start3A_991] : memref<20480x128xf32, #tpu.memory_space<hbm>> -> memref<20480x128xf32, #tpu.memory_space<hbm>>
      tpu.enqueue_indirect_dma source(%dma_start3A_992 : memref<20480x128xf32, #tpu.memory_space<hbm>>) target(%arg16 : memref<128x128xf32, #tpu.memory_space<vmem>>) offsets(%dma_start3A_989 : memref<128xi32, #tpu.memory_space<vmem>>) semaphore(%arg20 : memref<!tpu.dma_semaphore, #tpu.memory_space<semaphore_mem>>) {add = true}
      %dma_start3A_993 = arith.constant 1920 : i32
      %dma_start3A_994 = tpu.memref_slice %arg13[%dma_start3A_993] : memref<2048xi32, #tpu.memory_space<vmem>> -> memref<128xi32, #tpu.memory_space<vmem>>
      %dma_start3A_995 = arith.constant 0 : i32
      %dma_start3A_996 = arith.constant 0 : i32
      %dma_start3A_997 = tpu.memref_slice %arg3[%dma_start3A_995, %dma_start3A_996] : memref<20480x128xf32, #tpu.memory_space<hbm>> -> memref<20480x128xf32, #tpu.memory_space<hbm>>
      tpu.enqueue_indirect_dma source(%dma_start3A_997 : memref<20480x128xf32, #tpu.memory_space<hbm>>) target(%arg16 : memref<128x128xf32, #tpu.memory_space<vmem>>) offsets(%dma_start3A_994 : memref<128xi32, #tpu.memory_space<vmem>>) semaphore(%arg20 : memref<!tpu.dma_semaphore, #tpu.memory_space<semaphore_mem>>) {add = true}
    } else {
    }
    %dma_wait3A_608 = arith.constant 0 : i32
    %dma_wait3A_609 = tpu.memref_slice %arg9[%dma_wait3A_608] : memref<2176xi32, #tpu.memory_space<vmem>> -> memref<128xi32, #tpu.memory_space<vmem>>
    %dma_wait3A_610 = arith.constant 0 : i32
    %dma_wait3A_611 = arith.constant 0 : i32
    %dma_wait3A_612 = tpu.memref_slice %arg2[%dma_wait3A_610, %dma_wait3A_611] : memref<20480x128xf32, #tpu.memory_space<hbm>> -> memref<20480x128xf32, #tpu.memory_space<hbm>>
    tpu.wait_indirect_dma semaphore(%arg21 : memref<!tpu.dma_semaphore, #tpu.memory_space<semaphore_mem>>) src(%dma_wait3A_612 : memref<20480x128xf32, #tpu.memory_space<hbm>>) dst(%arg15 : memref<128x128xf32, #tpu.memory_space<vmem>>)
    %dma_wait3A_613 = arith.constant 0 : i32
    %dma_wait3A_614 = tpu.memref_slice %arg9[%dma_wait3A_613] : memref<2176xi32, #tpu.memory_space<vmem>> -> memref<128xi32, #tpu.memory_space<vmem>>
    %dma_wait3A_615 = arith.constant 0 : i32
    %dma_wait3A_616 = arith.constant 0 : i32
    %dma_wait3A_617 = tpu.memref_slice %arg2[%dma_wait3A_615, %dma_wait3A_616] : memref<20480x128xf32, #tpu.memory_space<hbm>> -> memref<20480x128xf32, #tpu.memory_space<hbm>>
    tpu.wait_indirect_dma semaphore(%arg21 : memref<!tpu.dma_semaphore, #tpu.memory_space<semaphore_mem>>) src(%dma_wait3A_617 : memref<20480x128xf32, #tpu.memory_space<hbm>>) dst(%arg15 : memref<128x128xf32, #tpu.memory_space<vmem>>)
    %dma_wait3A_618 = arith.constant 0 : i32
    %dma_wait3A_619 = tpu.memref_slice %arg9[%dma_wait3A_618] : memref<2176xi32, #tpu.memory_space<vmem>> -> memref<128xi32, #tpu.memory_space<vmem>>
    %dma_wait3A_620 = arith.constant 0 : i32
    %dma_wait3A_621 = arith.constant 0 : i32
    %dma_wait3A_622 = tpu.memref_slice %arg2[%dma_wait3A_620, %dma_wait3A_621] : memref<20480x128xf32, #tpu.memory_space<hbm>> -> memref<20480x128xf32, #tpu.memory_space<hbm>>
    tpu.wait_indirect_dma semaphore(%arg21 : memref<!tpu.dma_semaphore, #tpu.memory_space<semaphore_mem>>) src(%dma_wait3A_622 : memref<20480x128xf32, #tpu.memory_space<hbm>>) dst(%arg15 : memref<128x128xf32, #tpu.memory_space<vmem>>)
    %dma_wait3A_623 = arith.constant 0 : i32
    %dma_wait3A_624 = tpu.memref_slice %arg9[%dma_wait3A_623] : memref<2176xi32, #tpu.memory_space<vmem>> -> memref<128xi32, #tpu.memory_space<vmem>>
    %dma_wait3A_625 = arith.constant 0 : i32
    %dma_wait3A_626 = arith.constant 0 : i32
    %dma_wait3A_627 = tpu.memref_slice %arg2[%dma_wait3A_625, %dma_wait3A_626] : memref<20480x128xf32, #tpu.memory_space<hbm>> -> memref<20480x128xf32, #tpu.memory_space<hbm>>
    tpu.wait_indirect_dma semaphore(%arg21 : memref<!tpu.dma_semaphore, #tpu.memory_space<semaphore_mem>>) src(%dma_wait3A_627 : memref<20480x128xf32, #tpu.memory_space<hbm>>) dst(%arg15 : memref<128x128xf32, #tpu.memory_space<vmem>>)
    %dma_wait3A_628 = arith.constant 0 : i32
    %dma_wait3A_629 = tpu.memref_slice %arg9[%dma_wait3A_628] : memref<2176xi32, #tpu.memory_space<vmem>> -> memref<128xi32, #tpu.memory_space<vmem>>
    %dma_wait3A_630 = arith.constant 0 : i32
    %dma_wait3A_631 = arith.constant 0 : i32
    %dma_wait3A_632 = tpu.memref_slice %arg2[%dma_wait3A_630, %dma_wait3A_631] : memref<20480x128xf32, #tpu.memory_space<hbm>> -> memref<20480x128xf32, #tpu.memory_space<hbm>>
    tpu.wait_indirect_dma semaphore(%arg21 : memref<!tpu.dma_semaphore, #tpu.memory_space<semaphore_mem>>) src(%dma_wait3A_632 : memref<20480x128xf32, #tpu.memory_space<hbm>>) dst(%arg15 : memref<128x128xf32, #tpu.memory_space<vmem>>)
    %dma_wait3A_633 = arith.constant 0 : i32
    %dma_wait3A_634 = tpu.memref_slice %arg9[%dma_wait3A_633] : memref<2176xi32, #tpu.memory_space<vmem>> -> memref<128xi32, #tpu.memory_space<vmem>>
    %dma_wait3A_635 = arith.constant 0 : i32
    %dma_wait3A_636 = arith.constant 0 : i32
    %dma_wait3A_637 = tpu.memref_slice %arg2[%dma_wait3A_635, %dma_wait3A_636] : memref<20480x128xf32, #tpu.memory_space<hbm>> -> memref<20480x128xf32, #tpu.memory_space<hbm>>
    tpu.wait_indirect_dma semaphore(%arg21 : memref<!tpu.dma_semaphore, #tpu.memory_space<semaphore_mem>>) src(%dma_wait3A_637 : memref<20480x128xf32, #tpu.memory_space<hbm>>) dst(%arg15 : memref<128x128xf32, #tpu.memory_space<vmem>>)
    %dma_wait3A_638 = arith.constant 0 : i32
    %dma_wait3A_639 = tpu.memref_slice %arg9[%dma_wait3A_638] : memref<2176xi32, #tpu.memory_space<vmem>> -> memref<128xi32, #tpu.memory_space<vmem>>
    %dma_wait3A_640 = arith.constant 0 : i32
    %dma_wait3A_641 = arith.constant 0 : i32
    %dma_wait3A_642 = tpu.memref_slice %arg2[%dma_wait3A_640, %dma_wait3A_641] : memref<20480x128xf32, #tpu.memory_space<hbm>> -> memref<20480x128xf32, #tpu.memory_space<hbm>>
    tpu.wait_indirect_dma semaphore(%arg21 : memref<!tpu.dma_semaphore, #tpu.memory_space<semaphore_mem>>) src(%dma_wait3A_642 : memref<20480x128xf32, #tpu.memory_space<hbm>>) dst(%arg15 : memref<128x128xf32, #tpu.memory_space<vmem>>)
    %dma_wait3A_643 = arith.constant 0 : i32
    %dma_wait3A_644 = tpu.memref_slice %arg9[%dma_wait3A_643] : memref<2176xi32, #tpu.memory_space<vmem>> -> memref<128xi32, #tpu.memory_space<vmem>>
    %dma_wait3A_645 = arith.constant 0 : i32
    %dma_wait3A_646 = arith.constant 0 : i32
    %dma_wait3A_647 = tpu.memref_slice %arg2[%dma_wait3A_645, %dma_wait3A_646] : memref<20480x128xf32, #tpu.memory_space<hbm>> -> memref<20480x128xf32, #tpu.memory_space<hbm>>
    tpu.wait_indirect_dma semaphore(%arg21 : memref<!tpu.dma_semaphore, #tpu.memory_space<semaphore_mem>>) src(%dma_wait3A_647 : memref<20480x128xf32, #tpu.memory_space<hbm>>) dst(%arg15 : memref<128x128xf32, #tpu.memory_space<vmem>>)
    %dma_wait3A_648 = arith.constant 0 : i32
    %dma_wait3A_649 = tpu.memref_slice %arg9[%dma_wait3A_648] : memref<2176xi32, #tpu.memory_space<vmem>> -> memref<128xi32, #tpu.memory_space<vmem>>
    %dma_wait3A_650 = arith.constant 0 : i32
    %dma_wait3A_651 = arith.constant 0 : i32
    %dma_wait3A_652 = tpu.memref_slice %arg2[%dma_wait3A_650, %dma_wait3A_651] : memref<20480x128xf32, #tpu.memory_space<hbm>> -> memref<20480x128xf32, #tpu.memory_space<hbm>>
    tpu.wait_indirect_dma semaphore(%arg21 : memref<!tpu.dma_semaphore, #tpu.memory_space<semaphore_mem>>) src(%dma_wait3A_652 : memref<20480x128xf32, #tpu.memory_space<hbm>>) dst(%arg15 : memref<128x128xf32, #tpu.memory_space<vmem>>)
    %dma_wait3A_653 = arith.constant 0 : i32
    %dma_wait3A_654 = tpu.memref_slice %arg9[%dma_wait3A_653] : memref<2176xi32, #tpu.memory_space<vmem>> -> memref<128xi32, #tpu.memory_space<vmem>>
    %dma_wait3A_655 = arith.constant 0 : i32
    %dma_wait3A_656 = arith.constant 0 : i32
    %dma_wait3A_657 = tpu.memref_slice %arg2[%dma_wait3A_655, %dma_wait3A_656] : memref<20480x128xf32, #tpu.memory_space<hbm>> -> memref<20480x128xf32, #tpu.memory_space<hbm>>
    tpu.wait_indirect_dma semaphore(%arg21 : memref<!tpu.dma_semaphore, #tpu.memory_space<semaphore_mem>>) src(%dma_wait3A_657 : memref<20480x128xf32, #tpu.memory_space<hbm>>) dst(%arg15 : memref<128x128xf32, #tpu.memory_space<vmem>>)
    %dma_wait3A_658 = arith.constant 0 : i32
    %dma_wait3A_659 = tpu.memref_slice %arg9[%dma_wait3A_658] : memref<2176xi32, #tpu.memory_space<vmem>> -> memref<128xi32, #tpu.memory_space<vmem>>
    %dma_wait3A_660 = arith.constant 0 : i32
    %dma_wait3A_661 = arith.constant 0 : i32
    %dma_wait3A_662 = tpu.memref_slice %arg2[%dma_wait3A_660, %dma_wait3A_661] : memref<20480x128xf32, #tpu.memory_space<hbm>> -> memref<20480x128xf32, #tpu.memory_space<hbm>>
    tpu.wait_indirect_dma semaphore(%arg21 : memref<!tpu.dma_semaphore, #tpu.memory_space<semaphore_mem>>) src(%dma_wait3A_662 : memref<20480x128xf32, #tpu.memory_space<hbm>>) dst(%arg15 : memref<128x128xf32, #tpu.memory_space<vmem>>)
    %dma_wait3A_663 = arith.constant 0 : i32
    %dma_wait3A_664 = tpu.memref_slice %arg9[%dma_wait3A_663] : memref<2176xi32, #tpu.memory_space<vmem>> -> memref<128xi32, #tpu.memory_space<vmem>>
    %dma_wait3A_665 = arith.constant 0 : i32
    %dma_wait3A_666 = arith.constant 0 : i32
    %dma_wait3A_667 = tpu.memref_slice %arg2[%dma_wait3A_665, %dma_wait3A_666] : memref<20480x128xf32, #tpu.memory_space<hbm>> -> memref<20480x128xf32, #tpu.memory_space<hbm>>
    tpu.wait_indirect_dma semaphore(%arg21 : memref<!tpu.dma_semaphore, #tpu.memory_space<semaphore_mem>>) src(%dma_wait3A_667 : memref<20480x128xf32, #tpu.memory_space<hbm>>) dst(%arg15 : memref<128x128xf32, #tpu.memory_space<vmem>>)
    %dma_wait3A_668 = arith.constant 0 : i32
    %dma_wait3A_669 = tpu.memref_slice %arg9[%dma_wait3A_668] : memref<2176xi32, #tpu.memory_space<vmem>> -> memref<128xi32, #tpu.memory_space<vmem>>
    %dma_wait3A_670 = arith.constant 0 : i32
    %dma_wait3A_671 = arith.constant 0 : i32
    %dma_wait3A_672 = tpu.memref_slice %arg2[%dma_wait3A_670, %dma_wait3A_671] : memref<20480x128xf32, #tpu.memory_space<hbm>> -> memref<20480x128xf32, #tpu.memory_space<hbm>>
    tpu.wait_indirect_dma semaphore(%arg21 : memref<!tpu.dma_semaphore, #tpu.memory_space<semaphore_mem>>) src(%dma_wait3A_672 : memref<20480x128xf32, #tpu.memory_space<hbm>>) dst(%arg15 : memref<128x128xf32, #tpu.memory_space<vmem>>)
    %dma_wait3A_673 = arith.constant 0 : i32
    %dma_wait3A_674 = tpu.memref_slice %arg9[%dma_wait3A_673] : memref<2176xi32, #tpu.memory_space<vmem>> -> memref<128xi32, #tpu.memory_space<vmem>>
    %dma_wait3A_675 = arith.constant 0 : i32
    %dma_wait3A_676 = arith.constant 0 : i32
    %dma_wait3A_677 = tpu.memref_slice %arg2[%dma_wait3A_675, %dma_wait3A_676] : memref<20480x128xf32, #tpu.memory_space<hbm>> -> memref<20480x128xf32, #tpu.memory_space<hbm>>
    tpu.wait_indirect_dma semaphore(%arg21 : memref<!tpu.dma_semaphore, #tpu.memory_space<semaphore_mem>>) src(%dma_wait3A_677 : memref<20480x128xf32, #tpu.memory_space<hbm>>) dst(%arg15 : memref<128x128xf32, #tpu.memory_space<vmem>>)
    %dma_wait3A_678 = arith.constant 0 : i32
    %dma_wait3A_679 = tpu.memref_slice %arg9[%dma_wait3A_678] : memref<2176xi32, #tpu.memory_space<vmem>> -> memref<128xi32, #tpu.memory_space<vmem>>
    %dma_wait3A_680 = arith.constant 0 : i32
    %dma_wait3A_681 = arith.constant 0 : i32
    %dma_wait3A_682 = tpu.memref_slice %arg2[%dma_wait3A_680, %dma_wait3A_681] : memref<20480x128xf32, #tpu.memory_space<hbm>> -> memref<20480x128xf32, #tpu.memory_space<hbm>>
    tpu.wait_indirect_dma semaphore(%arg21 : memref<!tpu.dma_semaphore, #tpu.memory_space<semaphore_mem>>) src(%dma_wait3A_682 : memref<20480x128xf32, #tpu.memory_space<hbm>>) dst(%arg15 : memref<128x128xf32, #tpu.memory_space<vmem>>)
    %dma_wait3A_683 = arith.constant 0 : i32
    %dma_wait3A_684 = tpu.memref_slice %arg9[%dma_wait3A_683] : memref<2176xi32, #tpu.memory_space<vmem>> -> memref<128xi32, #tpu.memory_space<vmem>>
    %dma_wait3A_685 = arith.constant 0 : i32
    %dma_wait3A_686 = arith.constant 0 : i32
    %dma_wait3A_687 = tpu.memref_slice %arg2[%dma_wait3A_685, %dma_wait3A_686] : memref<20480x128xf32, #tpu.memory_space<hbm>> -> memref<20480x128xf32, #tpu.memory_space<hbm>>
    tpu.wait_indirect_dma semaphore(%arg21 : memref<!tpu.dma_semaphore, #tpu.memory_space<semaphore_mem>>) src(%dma_wait3A_687 : memref<20480x128xf32, #tpu.memory_space<hbm>>) dst(%arg15 : memref<128x128xf32, #tpu.memory_space<vmem>>)
    %dma_wait3A_688 = arith.constant 0 : i32
    %dma_wait3A_689 = tpu.memref_slice %arg9[%dma_wait3A_688] : memref<2176xi32, #tpu.memory_space<vmem>> -> memref<128xi32, #tpu.memory_space<vmem>>
    %dma_wait3A_690 = arith.constant 0 : i32
    %dma_wait3A_691 = arith.constant 0 : i32
    %dma_wait3A_692 = tpu.memref_slice %arg2[%dma_wait3A_690, %dma_wait3A_691] : memref<20480x128xf32, #tpu.memory_space<hbm>> -> memref<20480x128xf32, #tpu.memory_space<hbm>>
    tpu.wait_indirect_dma semaphore(%arg21 : memref<!tpu.dma_semaphore, #tpu.memory_space<semaphore_mem>>) src(%dma_wait3A_692 : memref<20480x128xf32, #tpu.memory_space<hbm>>) dst(%arg15 : memref<128x128xf32, #tpu.memory_space<vmem>>)
    %dma_wait3A_693 = arith.constant 0 : i32
    %dma_wait3A_694 = tpu.memref_slice %arg12[%dma_wait3A_693] : memref<2048xi32, #tpu.memory_space<vmem>> -> memref<128xi32, #tpu.memory_space<vmem>>
    %dma_wait3A_695 = arith.constant 0 : i32
    %dma_wait3A_696 = arith.constant 0 : i32
    %dma_wait3A_697 = tpu.memref_slice %arg3[%dma_wait3A_695, %dma_wait3A_696] : memref<20480x128xf32, #tpu.memory_space<hbm>> -> memref<20480x128xf32, #tpu.memory_space<hbm>>
    tpu.wait_indirect_dma semaphore(%arg21 : memref<!tpu.dma_semaphore, #tpu.memory_space<semaphore_mem>>) src(%dma_wait3A_697 : memref<20480x128xf32, #tpu.memory_space<hbm>>) dst(%arg17 : memref<128x128xf32, #tpu.memory_space<vmem>>)
    %dma_wait3A_698 = arith.constant 0 : i32
    %dma_wait3A_699 = tpu.memref_slice %arg12[%dma_wait3A_698] : memref<2048xi32, #tpu.memory_space<vmem>> -> memref<128xi32, #tpu.memory_space<vmem>>
    %dma_wait3A_700 = arith.constant 0 : i32
    %dma_wait3A_701 = arith.constant 0 : i32
    %dma_wait3A_702 = tpu.memref_slice %arg3[%dma_wait3A_700, %dma_wait3A_701] : memref<20480x128xf32, #tpu.memory_space<hbm>> -> memref<20480x128xf32, #tpu.memory_space<hbm>>
    tpu.wait_indirect_dma semaphore(%arg21 : memref<!tpu.dma_semaphore, #tpu.memory_space<semaphore_mem>>) src(%dma_wait3A_702 : memref<20480x128xf32, #tpu.memory_space<hbm>>) dst(%arg17 : memref<128x128xf32, #tpu.memory_space<vmem>>)
    %dma_wait3A_703 = arith.constant 0 : i32
    %dma_wait3A_704 = tpu.memref_slice %arg12[%dma_wait3A_703] : memref<2048xi32, #tpu.memory_space<vmem>> -> memref<128xi32, #tpu.memory_space<vmem>>
    %dma_wait3A_705 = arith.constant 0 : i32
    %dma_wait3A_706 = arith.constant 0 : i32
    %dma_wait3A_707 = tpu.memref_slice %arg3[%dma_wait3A_705, %dma_wait3A_706] : memref<20480x128xf32, #tpu.memory_space<hbm>> -> memref<20480x128xf32, #tpu.memory_space<hbm>>
    tpu.wait_indirect_dma semaphore(%arg21 : memref<!tpu.dma_semaphore, #tpu.memory_space<semaphore_mem>>) src(%dma_wait3A_707 : memref<20480x128xf32, #tpu.memory_space<hbm>>) dst(%arg17 : memref<128x128xf32, #tpu.memory_space<vmem>>)
    %dma_wait3A_708 = arith.constant 0 : i32
    %dma_wait3A_709 = tpu.memref_slice %arg12[%dma_wait3A_708] : memref<2048xi32, #tpu.memory_space<vmem>> -> memref<128xi32, #tpu.memory_space<vmem>>
    %dma_wait3A_710 = arith.constant 0 : i32
    %dma_wait3A_711 = arith.constant 0 : i32
    %dma_wait3A_712 = tpu.memref_slice %arg3[%dma_wait3A_710, %dma_wait3A_711] : memref<20480x128xf32, #tpu.memory_space<hbm>> -> memref<20480x128xf32, #tpu.memory_space<hbm>>
    tpu.wait_indirect_dma semaphore(%arg21 : memref<!tpu.dma_semaphore, #tpu.memory_space<semaphore_mem>>) src(%dma_wait3A_712 : memref<20480x128xf32, #tpu.memory_space<hbm>>) dst(%arg17 : memref<128x128xf32, #tpu.memory_space<vmem>>)
    %dma_wait3A_713 = arith.constant 0 : i32
    %dma_wait3A_714 = tpu.memref_slice %arg12[%dma_wait3A_713] : memref<2048xi32, #tpu.memory_space<vmem>> -> memref<128xi32, #tpu.memory_space<vmem>>
    %dma_wait3A_715 = arith.constant 0 : i32
    %dma_wait3A_716 = arith.constant 0 : i32
    %dma_wait3A_717 = tpu.memref_slice %arg3[%dma_wait3A_715, %dma_wait3A_716] : memref<20480x128xf32, #tpu.memory_space<hbm>> -> memref<20480x128xf32, #tpu.memory_space<hbm>>
    tpu.wait_indirect_dma semaphore(%arg21 : memref<!tpu.dma_semaphore, #tpu.memory_space<semaphore_mem>>) src(%dma_wait3A_717 : memref<20480x128xf32, #tpu.memory_space<hbm>>) dst(%arg17 : memref<128x128xf32, #tpu.memory_space<vmem>>)
    %dma_wait3A_718 = arith.constant 0 : i32
    %dma_wait3A_719 = tpu.memref_slice %arg12[%dma_wait3A_718] : memref<2048xi32, #tpu.memory_space<vmem>> -> memref<128xi32, #tpu.memory_space<vmem>>
    %dma_wait3A_720 = arith.constant 0 : i32
    %dma_wait3A_721 = arith.constant 0 : i32
    %dma_wait3A_722 = tpu.memref_slice %arg3[%dma_wait3A_720, %dma_wait3A_721] : memref<20480x128xf32, #tpu.memory_space<hbm>> -> memref<20480x128xf32, #tpu.memory_space<hbm>>
    tpu.wait_indirect_dma semaphore(%arg21 : memref<!tpu.dma_semaphore, #tpu.memory_space<semaphore_mem>>) src(%dma_wait3A_722 : memref<20480x128xf32, #tpu.memory_space<hbm>>) dst(%arg17 : memref<128x128xf32, #tpu.memory_space<vmem>>)
    %dma_wait3A_723 = arith.constant 0 : i32
    %dma_wait3A_724 = tpu.memref_slice %arg12[%dma_wait3A_723] : memref<2048xi32, #tpu.memory_space<vmem>> -> memref<128xi32, #tpu.memory_space<vmem>>
    %dma_wait3A_725 = arith.constant 0 : i32
    %dma_wait3A_726 = arith.constant 0 : i32
    %dma_wait3A_727 = tpu.memref_slice %arg3[%dma_wait3A_725, %dma_wait3A_726] : memref<20480x128xf32, #tpu.memory_space<hbm>> -> memref<20480x128xf32, #tpu.memory_space<hbm>>
    tpu.wait_indirect_dma semaphore(%arg21 : memref<!tpu.dma_semaphore, #tpu.memory_space<semaphore_mem>>) src(%dma_wait3A_727 : memref<20480x128xf32, #tpu.memory_space<hbm>>) dst(%arg17 : memref<128x128xf32, #tpu.memory_space<vmem>>)
    %dma_wait3A_728 = arith.constant 0 : i32
    %dma_wait3A_729 = tpu.memref_slice %arg12[%dma_wait3A_728] : memref<2048xi32, #tpu.memory_space<vmem>> -> memref<128xi32, #tpu.memory_space<vmem>>
    %dma_wait3A_730 = arith.constant 0 : i32
    %dma_wait3A_731 = arith.constant 0 : i32
    %dma_wait3A_732 = tpu.memref_slice %arg3[%dma_wait3A_730, %dma_wait3A_731] : memref<20480x128xf32, #tpu.memory_space<hbm>> -> memref<20480x128xf32, #tpu.memory_space<hbm>>
    tpu.wait_indirect_dma semaphore(%arg21 : memref<!tpu.dma_semaphore, #tpu.memory_space<semaphore_mem>>) src(%dma_wait3A_732 : memref<20480x128xf32, #tpu.memory_space<hbm>>) dst(%arg17 : memref<128x128xf32, #tpu.memory_space<vmem>>)
    %dma_wait3A_733 = arith.constant 0 : i32
    %dma_wait3A_734 = tpu.memref_slice %arg12[%dma_wait3A_733] : memref<2048xi32, #tpu.memory_space<vmem>> -> memref<128xi32, #tpu.memory_space<vmem>>
    %dma_wait3A_735 = arith.constant 0 : i32
    %dma_wait3A_736 = arith.constant 0 : i32
    %dma_wait3A_737 = tpu.memref_slice %arg3[%dma_wait3A_735, %dma_wait3A_736] : memref<20480x128xf32, #tpu.memory_space<hbm>> -> memref<20480x128xf32, #tpu.memory_space<hbm>>
    tpu.wait_indirect_dma semaphore(%arg21 : memref<!tpu.dma_semaphore, #tpu.memory_space<semaphore_mem>>) src(%dma_wait3A_737 : memref<20480x128xf32, #tpu.memory_space<hbm>>) dst(%arg17 : memref<128x128xf32, #tpu.memory_space<vmem>>)
    %dma_wait3A_738 = arith.constant 0 : i32
    %dma_wait3A_739 = tpu.memref_slice %arg12[%dma_wait3A_738] : memref<2048xi32, #tpu.memory_space<vmem>> -> memref<128xi32, #tpu.memory_space<vmem>>
    %dma_wait3A_740 = arith.constant 0 : i32
    %dma_wait3A_741 = arith.constant 0 : i32
    %dma_wait3A_742 = tpu.memref_slice %arg3[%dma_wait3A_740, %dma_wait3A_741] : memref<20480x128xf32, #tpu.memory_space<hbm>> -> memref<20480x128xf32, #tpu.memory_space<hbm>>
    tpu.wait_indirect_dma semaphore(%arg21 : memref<!tpu.dma_semaphore, #tpu.memory_space<semaphore_mem>>) src(%dma_wait3A_742 : memref<20480x128xf32, #tpu.memory_space<hbm>>) dst(%arg17 : memref<128x128xf32, #tpu.memory_space<vmem>>)
    %dma_wait3A_743 = arith.constant 0 : i32
    %dma_wait3A_744 = tpu.memref_slice %arg12[%dma_wait3A_743] : memref<2048xi32, #tpu.memory_space<vmem>> -> memref<128xi32, #tpu.memory_space<vmem>>
    %dma_wait3A_745 = arith.constant 0 : i32
    %dma_wait3A_746 = arith.constant 0 : i32
    %dma_wait3A_747 = tpu.memref_slice %arg3[%dma_wait3A_745, %dma_wait3A_746] : memref<20480x128xf32, #tpu.memory_space<hbm>> -> memref<20480x128xf32, #tpu.memory_space<hbm>>
    tpu.wait_indirect_dma semaphore(%arg21 : memref<!tpu.dma_semaphore, #tpu.memory_space<semaphore_mem>>) src(%dma_wait3A_747 : memref<20480x128xf32, #tpu.memory_space<hbm>>) dst(%arg17 : memref<128x128xf32, #tpu.memory_space<vmem>>)
    %dma_wait3A_748 = arith.constant 0 : i32
    %dma_wait3A_749 = tpu.memref_slice %arg12[%dma_wait3A_748] : memref<2048xi32, #tpu.memory_space<vmem>> -> memref<128xi32, #tpu.memory_space<vmem>>
    %dma_wait3A_750 = arith.constant 0 : i32
    %dma_wait3A_751 = arith.constant 0 : i32
    %dma_wait3A_752 = tpu.memref_slice %arg3[%dma_wait3A_750, %dma_wait3A_751] : memref<20480x128xf32, #tpu.memory_space<hbm>> -> memref<20480x128xf32, #tpu.memory_space<hbm>>
    tpu.wait_indirect_dma semaphore(%arg21 : memref<!tpu.dma_semaphore, #tpu.memory_space<semaphore_mem>>) src(%dma_wait3A_752 : memref<20480x128xf32, #tpu.memory_space<hbm>>) dst(%arg17 : memref<128x128xf32, #tpu.memory_space<vmem>>)
    %dma_wait3A_753 = arith.constant 0 : i32
    %dma_wait3A_754 = tpu.memref_slice %arg12[%dma_wait3A_753] : memref<2048xi32, #tpu.memory_space<vmem>> -> memref<128xi32, #tpu.memory_space<vmem>>
    %dma_wait3A_755 = arith.constant 0 : i32
    %dma_wait3A_756 = arith.constant 0 : i32
    %dma_wait3A_757 = tpu.memref_slice %arg3[%dma_wait3A_755, %dma_wait3A_756] : memref<20480x128xf32, #tpu.memory_space<hbm>> -> memref<20480x128xf32, #tpu.memory_space<hbm>>
    tpu.wait_indirect_dma semaphore(%arg21 : memref<!tpu.dma_semaphore, #tpu.memory_space<semaphore_mem>>) src(%dma_wait3A_757 : memref<20480x128xf32, #tpu.memory_space<hbm>>) dst(%arg17 : memref<128x128xf32, #tpu.memory_space<vmem>>)
    %dma_wait3A_758 = arith.constant 0 : i32
    %dma_wait3A_759 = tpu.memref_slice %arg12[%dma_wait3A_758] : memref<2048xi32, #tpu.memory_space<vmem>> -> memref<128xi32, #tpu.memory_space<vmem>>
    %dma_wait3A_760 = arith.constant 0 : i32
    %dma_wait3A_761 = arith.constant 0 : i32
    %dma_wait3A_762 = tpu.memref_slice %arg3[%dma_wait3A_760, %dma_wait3A_761] : memref<20480x128xf32, #tpu.memory_space<hbm>> -> memref<20480x128xf32, #tpu.memory_space<hbm>>
    tpu.wait_indirect_dma semaphore(%arg21 : memref<!tpu.dma_semaphore, #tpu.memory_space<semaphore_mem>>) src(%dma_wait3A_762 : memref<20480x128xf32, #tpu.memory_space<hbm>>) dst(%arg17 : memref<128x128xf32, #tpu.memory_space<vmem>>)
    %dma_wait3A_763 = arith.constant 0 : i32
    %dma_wait3A_764 = tpu.memref_slice %arg12[%dma_wait3A_763] : memref<2048xi32, #tpu.memory_space<vmem>> -> memref<128xi32, #tpu.memory_space<vmem>>
    %dma_wait3A_765 = arith.constant 0 : i32
    %dma_wait3A_766 = arith.constant 0 : i32
    %dma_wait3A_767 = tpu.memref_slice %arg3[%dma_wait3A_765, %dma_wait3A_766] : memref<20480x128xf32, #tpu.memory_space<hbm>> -> memref<20480x128xf32, #tpu.memory_space<hbm>>
    tpu.wait_indirect_dma semaphore(%arg21 : memref<!tpu.dma_semaphore, #tpu.memory_space<semaphore_mem>>) src(%dma_wait3A_767 : memref<20480x128xf32, #tpu.memory_space<hbm>>) dst(%arg17 : memref<128x128xf32, #tpu.memory_space<vmem>>)
    %dma_wait3A_768 = arith.constant 0 : i32
    %dma_wait3A_769 = tpu.memref_slice %arg12[%dma_wait3A_768] : memref<2048xi32, #tpu.memory_space<vmem>> -> memref<128xi32, #tpu.memory_space<vmem>>
    %dma_wait3A_770 = arith.constant 0 : i32
    %dma_wait3A_771 = arith.constant 0 : i32
    %dma_wait3A_772 = tpu.memref_slice %arg3[%dma_wait3A_770, %dma_wait3A_771] : memref<20480x128xf32, #tpu.memory_space<hbm>> -> memref<20480x128xf32, #tpu.memory_space<hbm>>
    tpu.wait_indirect_dma semaphore(%arg21 : memref<!tpu.dma_semaphore, #tpu.memory_space<semaphore_mem>>) src(%dma_wait3A_772 : memref<20480x128xf32, #tpu.memory_space<hbm>>) dst(%arg17 : memref<128x128xf32, #tpu.memory_space<vmem>>)
    %mul3A_773 = arith.constant 128 : i32
    %mul3A_774 = arith.muli %add3A_6, %mul3A_773 : i32
    %dma_start3A_775 = arith.constant 0 : i32
    %dma_start3A_776 = tpu.memref_slice %arg6[%mul3A_774, %dma_start3A_775] : memref<10240x128xf32, #tpu.memory_space<hbm>> -> memref<128x128xf32, #tpu.memory_space<hbm>>
    %dma_start3A_777 = arith.constant 0 : i32
    %dma_start3A_778 = tpu.memref_slice %arg6[%mul3A_774, %dma_start3A_777] : memref<10240x128xf32, #tpu.memory_space<hbm>> -> memref<128x128xf32, #tpu.memory_space<hbm>>
    tpu.enqueue_dma source(%arg15 : memref<128x128xf32, #tpu.memory_space<vmem>>) target(%dma_start3A_778 : memref<128x128xf32, #tpu.memory_space<hbm>>) target_semaphore(%arg23 : memref<!tpu.dma_semaphore, #tpu.memory_space<semaphore_mem>>)
    %dma_start3A_779 = arith.constant 0 : i32
    %dma_start3A_780 = tpu.memref_slice %arg7[%mul3A_774, %dma_start3A_779] : memref<10240x128xf32, #tpu.memory_space<hbm>> -> memref<128x128xf32, #tpu.memory_space<hbm>>
    %dma_start3A_781 = arith.constant 0 : i32
    %dma_start3A_782 = tpu.memref_slice %arg7[%mul3A_774, %dma_start3A_781] : memref<10240x128xf32, #tpu.memory_space<hbm>> -> memref<128x128xf32, #tpu.memory_space<hbm>>
    tpu.enqueue_dma source(%arg17 : memref<128x128xf32, #tpu.memory_space<vmem>>) target(%dma_start3A_782 : memref<128x128xf32, #tpu.memory_space<hbm>>) target_semaphore(%arg23 : memref<!tpu.dma_semaphore, #tpu.memory_space<semaphore_mem>>)
    %convert_element_type3A_783 = arith.extui %lt3A_59 : i1 to i32
    %cond3A_784 = arith.constant 0 : i32
    %cond3A_785 = arith.cmpi ne, %convert_element_type3A_783, %cond3A_784 : i32
    scf.if %cond3A_785 {
      %dma_wait3A_798 = arith.constant 0 : i32
      %dma_wait3A_799 = tpu.memref_slice %arg10[%dma_wait3A_798] : memref<2176xi32, #tpu.memory_space<vmem>> -> memref<128xi32, #tpu.memory_space<vmem>>
      %dma_wait3A_800 = arith.constant 0 : i32
      %dma_wait3A_801 = arith.constant 0 : i32
      %dma_wait3A_802 = tpu.memref_slice %arg2[%dma_wait3A_800, %dma_wait3A_801] : memref<20480x128xf32, #tpu.memory_space<hbm>> -> memref<20480x128xf32, #tpu.memory_space<hbm>>
      tpu.wait_indirect_dma semaphore(%arg20 : memref<!tpu.dma_semaphore, #tpu.memory_space<semaphore_mem>>) src(%dma_wait3A_802 : memref<20480x128xf32, #tpu.memory_space<hbm>>) dst(%arg14 : memref<128x128xf32, #tpu.memory_space<vmem>>)
      %dma_wait3A_803 = arith.constant 0 : i32
      %dma_wait3A_804 = tpu.memref_slice %arg10[%dma_wait3A_803] : memref<2176xi32, #tpu.memory_space<vmem>> -> memref<128xi32, #tpu.memory_space<vmem>>
      %dma_wait3A_805 = arith.constant 0 : i32
      %dma_wait3A_806 = arith.constant 0 : i32
      %dma_wait3A_807 = tpu.memref_slice %arg2[%dma_wait3A_805, %dma_wait3A_806] : memref<20480x128xf32, #tpu.memory_space<hbm>> -> memref<20480x128xf32, #tpu.memory_space<hbm>>
      tpu.wait_indirect_dma semaphore(%arg20 : memref<!tpu.dma_semaphore, #tpu.memory_space<semaphore_mem>>) src(%dma_wait3A_807 : memref<20480x128xf32, #tpu.memory_space<hbm>>) dst(%arg14 : memref<128x128xf32, #tpu.memory_space<vmem>>)
      %dma_wait3A_808 = arith.constant 0 : i32
      %dma_wait3A_809 = tpu.memref_slice %arg10[%dma_wait3A_808] : memref<2176xi32, #tpu.memory_space<vmem>> -> memref<128xi32, #tpu.memory_space<vmem>>
      %dma_wait3A_810 = arith.constant 0 : i32
      %dma_wait3A_811 = arith.constant 0 : i32
      %dma_wait3A_812 = tpu.memref_slice %arg2[%dma_wait3A_810, %dma_wait3A_811] : memref<20480x128xf32, #tpu.memory_space<hbm>> -> memref<20480x128xf32, #tpu.memory_space<hbm>>
      tpu.wait_indirect_dma semaphore(%arg20 : memref<!tpu.dma_semaphore, #tpu.memory_space<semaphore_mem>>) src(%dma_wait3A_812 : memref<20480x128xf32, #tpu.memory_space<hbm>>) dst(%arg14 : memref<128x128xf32, #tpu.memory_space<vmem>>)
      %dma_wait3A_813 = arith.constant 0 : i32
      %dma_wait3A_814 = tpu.memref_slice %arg10[%dma_wait3A_813] : memref<2176xi32, #tpu.memory_space<vmem>> -> memref<128xi32, #tpu.memory_space<vmem>>
      %dma_wait3A_815 = arith.constant 0 : i32
      %dma_wait3A_816 = arith.constant 0 : i32
      %dma_wait3A_817 = tpu.memref_slice %arg2[%dma_wait3A_815, %dma_wait3A_816] : memref<20480x128xf32, #tpu.memory_space<hbm>> -> memref<20480x128xf32, #tpu.memory_space<hbm>>
      tpu.wait_indirect_dma semaphore(%arg20 : memref<!tpu.dma_semaphore, #tpu.memory_space<semaphore_mem>>) src(%dma_wait3A_817 : memref<20480x128xf32, #tpu.memory_space<hbm>>) dst(%arg14 : memref<128x128xf32, #tpu.memory_space<vmem>>)
      %dma_wait3A_818 = arith.constant 0 : i32
      %dma_wait3A_819 = tpu.memref_slice %arg10[%dma_wait3A_818] : memref<2176xi32, #tpu.memory_space<vmem>> -> memref<128xi32, #tpu.memory_space<vmem>>
      %dma_wait3A_820 = arith.constant 0 : i32
      %dma_wait3A_821 = arith.constant 0 : i32
      %dma_wait3A_822 = tpu.memref_slice %arg2[%dma_wait3A_820, %dma_wait3A_821] : memref<20480x128xf32, #tpu.memory_space<hbm>> -> memref<20480x128xf32, #tpu.memory_space<hbm>>
      tpu.wait_indirect_dma semaphore(%arg20 : memref<!tpu.dma_semaphore, #tpu.memory_space<semaphore_mem>>) src(%dma_wait3A_822 : memref<20480x128xf32, #tpu.memory_space<hbm>>) dst(%arg14 : memref<128x128xf32, #tpu.memory_space<vmem>>)
      %dma_wait3A_823 = arith.constant 0 : i32
      %dma_wait3A_824 = tpu.memref_slice %arg10[%dma_wait3A_823] : memref<2176xi32, #tpu.memory_space<vmem>> -> memref<128xi32, #tpu.memory_space<vmem>>
      %dma_wait3A_825 = arith.constant 0 : i32
      %dma_wait3A_826 = arith.constant 0 : i32
      %dma_wait3A_827 = tpu.memref_slice %arg2[%dma_wait3A_825, %dma_wait3A_826] : memref<20480x128xf32, #tpu.memory_space<hbm>> -> memref<20480x128xf32, #tpu.memory_space<hbm>>
      tpu.wait_indirect_dma semaphore(%arg20 : memref<!tpu.dma_semaphore, #tpu.memory_space<semaphore_mem>>) src(%dma_wait3A_827 : memref<20480x128xf32, #tpu.memory_space<hbm>>) dst(%arg14 : memref<128x128xf32, #tpu.memory_space<vmem>>)
      %dma_wait3A_828 = arith.constant 0 : i32
      %dma_wait3A_829 = tpu.memref_slice %arg10[%dma_wait3A_828] : memref<2176xi32, #tpu.memory_space<vmem>> -> memref<128xi32, #tpu.memory_space<vmem>>
      %dma_wait3A_830 = arith.constant 0 : i32
      %dma_wait3A_831 = arith.constant 0 : i32
      %dma_wait3A_832 = tpu.memref_slice %arg2[%dma_wait3A_830, %dma_wait3A_831] : memref<20480x128xf32, #tpu.memory_space<hbm>> -> memref<20480x128xf32, #tpu.memory_space<hbm>>
      tpu.wait_indirect_dma semaphore(%arg20 : memref<!tpu.dma_semaphore, #tpu.memory_space<semaphore_mem>>) src(%dma_wait3A_832 : memref<20480x128xf32, #tpu.memory_space<hbm>>) dst(%arg14 : memref<128x128xf32, #tpu.memory_space<vmem>>)
      %dma_wait3A_833 = arith.constant 0 : i32
      %dma_wait3A_834 = tpu.memref_slice %arg10[%dma_wait3A_833] : memref<2176xi32, #tpu.memory_space<vmem>> -> memref<128xi32, #tpu.memory_space<vmem>>
      %dma_wait3A_835 = arith.constant 0 : i32
      %dma_wait3A_836 = arith.constant 0 : i32
      %dma_wait3A_837 = tpu.memref_slice %arg2[%dma_wait3A_835, %dma_wait3A_836] : memref<20480x128xf32, #tpu.memory_space<hbm>> -> memref<20480x128xf32, #tpu.memory_space<hbm>>
      tpu.wait_indirect_dma semaphore(%arg20 : memref<!tpu.dma_semaphore, #tpu.memory_space<semaphore_mem>>) src(%dma_wait3A_837 : memref<20480x128xf32, #tpu.memory_space<hbm>>) dst(%arg14 : memref<128x128xf32, #tpu.memory_space<vmem>>)
      %dma_wait3A_838 = arith.constant 0 : i32
      %dma_wait3A_839 = tpu.memref_slice %arg10[%dma_wait3A_838] : memref<2176xi32, #tpu.memory_space<vmem>> -> memref<128xi32, #tpu.memory_space<vmem>>
      %dma_wait3A_840 = arith.constant 0 : i32
      %dma_wait3A_841 = arith.constant 0 : i32
      %dma_wait3A_842 = tpu.memref_slice %arg2[%dma_wait3A_840, %dma_wait3A_841] : memref<20480x128xf32, #tpu.memory_space<hbm>> -> memref<20480x128xf32, #tpu.memory_space<hbm>>
      tpu.wait_indirect_dma semaphore(%arg20 : memref<!tpu.dma_semaphore, #tpu.memory_space<semaphore_mem>>) src(%dma_wait3A_842 : memref<20480x128xf32, #tpu.memory_space<hbm>>) dst(%arg14 : memref<128x128xf32, #tpu.memory_space<vmem>>)
      %dma_wait3A_843 = arith.constant 0 : i32
      %dma_wait3A_844 = tpu.memref_slice %arg10[%dma_wait3A_843] : memref<2176xi32, #tpu.memory_space<vmem>> -> memref<128xi32, #tpu.memory_space<vmem>>
      %dma_wait3A_845 = arith.constant 0 : i32
      %dma_wait3A_846 = arith.constant 0 : i32
      %dma_wait3A_847 = tpu.memref_slice %arg2[%dma_wait3A_845, %dma_wait3A_846] : memref<20480x128xf32, #tpu.memory_space<hbm>> -> memref<20480x128xf32, #tpu.memory_space<hbm>>
      tpu.wait_indirect_dma semaphore(%arg20 : memref<!tpu.dma_semaphore, #tpu.memory_space<semaphore_mem>>) src(%dma_wait3A_847 : memref<20480x128xf32, #tpu.memory_space<hbm>>) dst(%arg14 : memref<128x128xf32, #tpu.memory_space<vmem>>)
      %dma_wait3A_848 = arith.constant 0 : i32
      %dma_wait3A_849 = tpu.memref_slice %arg10[%dma_wait3A_848] : memref<2176xi32, #tpu.memory_space<vmem>> -> memref<128xi32, #tpu.memory_space<vmem>>
      %dma_wait3A_850 = arith.constant 0 : i32
      %dma_wait3A_851 = arith.constant 0 : i32
      %dma_wait3A_852 = tpu.memref_slice %arg2[%dma_wait3A_850, %dma_wait3A_851] : memref<20480x128xf32, #tpu.memory_space<hbm>> -> memref<20480x128xf32, #tpu.memory_space<hbm>>
      tpu.wait_indirect_dma semaphore(%arg20 : memref<!tpu.dma_semaphore, #tpu.memory_space<semaphore_mem>>) src(%dma_wait3A_852 : memref<20480x128xf32, #tpu.memory_space<hbm>>) dst(%arg14 : memref<128x128xf32, #tpu.memory_space<vmem>>)
      %dma_wait3A_853 = arith.constant 0 : i32
      %dma_wait3A_854 = tpu.memref_slice %arg10[%dma_wait3A_853] : memref<2176xi32, #tpu.memory_space<vmem>> -> memref<128xi32, #tpu.memory_space<vmem>>
      %dma_wait3A_855 = arith.constant 0 : i32
      %dma_wait3A_856 = arith.constant 0 : i32
      %dma_wait3A_857 = tpu.memref_slice %arg2[%dma_wait3A_855, %dma_wait3A_856] : memref<20480x128xf32, #tpu.memory_space<hbm>> -> memref<20480x128xf32, #tpu.memory_space<hbm>>
      tpu.wait_indirect_dma semaphore(%arg20 : memref<!tpu.dma_semaphore, #tpu.memory_space<semaphore_mem>>) src(%dma_wait3A_857 : memref<20480x128xf32, #tpu.memory_space<hbm>>) dst(%arg14 : memref<128x128xf32, #tpu.memory_space<vmem>>)
      %dma_wait3A_858 = arith.constant 0 : i32
      %dma_wait3A_859 = tpu.memref_slice %arg10[%dma_wait3A_858] : memref<2176xi32, #tpu.memory_space<vmem>> -> memref<128xi32, #tpu.memory_space<vmem>>
      %dma_wait3A_860 = arith.constant 0 : i32
      %dma_wait3A_861 = arith.constant 0 : i32
      %dma_wait3A_862 = tpu.memref_slice %arg2[%dma_wait3A_860, %dma_wait3A_861] : memref<20480x128xf32, #tpu.memory_space<hbm>> -> memref<20480x128xf32, #tpu.memory_space<hbm>>
      tpu.wait_indirect_dma semaphore(%arg20 : memref<!tpu.dma_semaphore, #tpu.memory_space<semaphore_mem>>) src(%dma_wait3A_862 : memref<20480x128xf32, #tpu.memory_space<hbm>>) dst(%arg14 : memref<128x128xf32, #tpu.memory_space<vmem>>)
      %dma_wait3A_863 = arith.constant 0 : i32
      %dma_wait3A_864 = tpu.memref_slice %arg10[%dma_wait3A_863] : memref<2176xi32, #tpu.memory_space<vmem>> -> memref<128xi32, #tpu.memory_space<vmem>>
      %dma_wait3A_865 = arith.constant 0 : i32
      %dma_wait3A_866 = arith.constant 0 : i32
      %dma_wait3A_867 = tpu.memref_slice %arg2[%dma_wait3A_865, %dma_wait3A_866] : memref<20480x128xf32, #tpu.memory_space<hbm>> -> memref<20480x128xf32, #tpu.memory_space<hbm>>
      tpu.wait_indirect_dma semaphore(%arg20 : memref<!tpu.dma_semaphore, #tpu.memory_space<semaphore_mem>>) src(%dma_wait3A_867 : memref<20480x128xf32, #tpu.memory_space<hbm>>) dst(%arg14 : memref<128x128xf32, #tpu.memory_space<vmem>>)
      %dma_wait3A_868 = arith.constant 0 : i32
      %dma_wait3A_869 = tpu.memref_slice %arg10[%dma_wait3A_868] : memref<2176xi32, #tpu.memory_space<vmem>> -> memref<128xi32, #tpu.memory_space<vmem>>
      %dma_wait3A_870 = arith.constant 0 : i32
      %dma_wait3A_871 = arith.constant 0 : i32
      %dma_wait3A_872 = tpu.memref_slice %arg2[%dma_wait3A_870, %dma_wait3A_871] : memref<20480x128xf32, #tpu.memory_space<hbm>> -> memref<20480x128xf32, #tpu.memory_space<hbm>>
      tpu.wait_indirect_dma semaphore(%arg20 : memref<!tpu.dma_semaphore, #tpu.memory_space<semaphore_mem>>) src(%dma_wait3A_872 : memref<20480x128xf32, #tpu.memory_space<hbm>>) dst(%arg14 : memref<128x128xf32, #tpu.memory_space<vmem>>)
      %dma_wait3A_873 = arith.constant 0 : i32
      %dma_wait3A_874 = tpu.memref_slice %arg10[%dma_wait3A_873] : memref<2176xi32, #tpu.memory_space<vmem>> -> memref<128xi32, #tpu.memory_space<vmem>>
      %dma_wait3A_875 = arith.constant 0 : i32
      %dma_wait3A_876 = arith.constant 0 : i32
      %dma_wait3A_877 = tpu.memref_slice %arg2[%dma_wait3A_875, %dma_wait3A_876] : memref<20480x128xf32, #tpu.memory_space<hbm>> -> memref<20480x128xf32, #tpu.memory_space<hbm>>
      tpu.wait_indirect_dma semaphore(%arg20 : memref<!tpu.dma_semaphore, #tpu.memory_space<semaphore_mem>>) src(%dma_wait3A_877 : memref<20480x128xf32, #tpu.memory_space<hbm>>) dst(%arg14 : memref<128x128xf32, #tpu.memory_space<vmem>>)
      %dma_wait3A_878 = arith.constant 0 : i32
      %dma_wait3A_879 = tpu.memref_slice %arg10[%dma_wait3A_878] : memref<2176xi32, #tpu.memory_space<vmem>> -> memref<128xi32, #tpu.memory_space<vmem>>
      %dma_wait3A_880 = arith.constant 0 : i32
      %dma_wait3A_881 = arith.constant 0 : i32
      %dma_wait3A_882 = tpu.memref_slice %arg2[%dma_wait3A_880, %dma_wait3A_881] : memref<20480x128xf32, #tpu.memory_space<hbm>> -> memref<20480x128xf32, #tpu.memory_space<hbm>>
      tpu.wait_indirect_dma semaphore(%arg20 : memref<!tpu.dma_semaphore, #tpu.memory_space<semaphore_mem>>) src(%dma_wait3A_882 : memref<20480x128xf32, #tpu.memory_space<hbm>>) dst(%arg14 : memref<128x128xf32, #tpu.memory_space<vmem>>)
      %dma_wait3A_883 = arith.constant 0 : i32
      %dma_wait3A_884 = tpu.memref_slice %arg13[%dma_wait3A_883] : memref<2048xi32, #tpu.memory_space<vmem>> -> memref<128xi32, #tpu.memory_space<vmem>>
      %dma_wait3A_885 = arith.constant 0 : i32
      %dma_wait3A_886 = arith.constant 0 : i32
      %dma_wait3A_887 = tpu.memref_slice %arg3[%dma_wait3A_885, %dma_wait3A_886] : memref<20480x128xf32, #tpu.memory_space<hbm>> -> memref<20480x128xf32, #tpu.memory_space<hbm>>
      tpu.wait_indirect_dma semaphore(%arg20 : memref<!tpu.dma_semaphore, #tpu.memory_space<semaphore_mem>>) src(%dma_wait3A_887 : memref<20480x128xf32, #tpu.memory_space<hbm>>) dst(%arg16 : memref<128x128xf32, #tpu.memory_space<vmem>>)
      %dma_wait3A_888 = arith.constant 0 : i32
      %dma_wait3A_889 = tpu.memref_slice %arg13[%dma_wait3A_888] : memref<2048xi32, #tpu.memory_space<vmem>> -> memref<128xi32, #tpu.memory_space<vmem>>
      %dma_wait3A_890 = arith.constant 0 : i32
      %dma_wait3A_891 = arith.constant 0 : i32
      %dma_wait3A_892 = tpu.memref_slice %arg3[%dma_wait3A_890, %dma_wait3A_891] : memref<20480x128xf32, #tpu.memory_space<hbm>> -> memref<20480x128xf32, #tpu.memory_space<hbm>>
      tpu.wait_indirect_dma semaphore(%arg20 : memref<!tpu.dma_semaphore, #tpu.memory_space<semaphore_mem>>) src(%dma_wait3A_892 : memref<20480x128xf32, #tpu.memory_space<hbm>>) dst(%arg16 : memref<128x128xf32, #tpu.memory_space<vmem>>)
      %dma_wait3A_893 = arith.constant 0 : i32
      %dma_wait3A_894 = tpu.memref_slice %arg13[%dma_wait3A_893] : memref<2048xi32, #tpu.memory_space<vmem>> -> memref<128xi32, #tpu.memory_space<vmem>>
      %dma_wait3A_895 = arith.constant 0 : i32
      %dma_wait3A_896 = arith.constant 0 : i32
      %dma_wait3A_897 = tpu.memref_slice %arg3[%dma_wait3A_895, %dma_wait3A_896] : memref<20480x128xf32, #tpu.memory_space<hbm>> -> memref<20480x128xf32, #tpu.memory_space<hbm>>
      tpu.wait_indirect_dma semaphore(%arg20 : memref<!tpu.dma_semaphore, #tpu.memory_space<semaphore_mem>>) src(%dma_wait3A_897 : memref<20480x128xf32, #tpu.memory_space<hbm>>) dst(%arg16 : memref<128x128xf32, #tpu.memory_space<vmem>>)
      %dma_wait3A_898 = arith.constant 0 : i32
      %dma_wait3A_899 = tpu.memref_slice %arg13[%dma_wait3A_898] : memref<2048xi32, #tpu.memory_space<vmem>> -> memref<128xi32, #tpu.memory_space<vmem>>
      %dma_wait3A_900 = arith.constant 0 : i32
      %dma_wait3A_901 = arith.constant 0 : i32
      %dma_wait3A_902 = tpu.memref_slice %arg3[%dma_wait3A_900, %dma_wait3A_901] : memref<20480x128xf32, #tpu.memory_space<hbm>> -> memref<20480x128xf32, #tpu.memory_space<hbm>>
      tpu.wait_indirect_dma semaphore(%arg20 : memref<!tpu.dma_semaphore, #tpu.memory_space<semaphore_mem>>) src(%dma_wait3A_902 : memref<20480x128xf32, #tpu.memory_space<hbm>>) dst(%arg16 : memref<128x128xf32, #tpu.memory_space<vmem>>)
      %dma_wait3A_903 = arith.constant 0 : i32
      %dma_wait3A_904 = tpu.memref_slice %arg13[%dma_wait3A_903] : memref<2048xi32, #tpu.memory_space<vmem>> -> memref<128xi32, #tpu.memory_space<vmem>>
      %dma_wait3A_905 = arith.constant 0 : i32
      %dma_wait3A_906 = arith.constant 0 : i32
      %dma_wait3A_907 = tpu.memref_slice %arg3[%dma_wait3A_905, %dma_wait3A_906] : memref<20480x128xf32, #tpu.memory_space<hbm>> -> memref<20480x128xf32, #tpu.memory_space<hbm>>
      tpu.wait_indirect_dma semaphore(%arg20 : memref<!tpu.dma_semaphore, #tpu.memory_space<semaphore_mem>>) src(%dma_wait3A_907 : memref<20480x128xf32, #tpu.memory_space<hbm>>) dst(%arg16 : memref<128x128xf32, #tpu.memory_space<vmem>>)
      %dma_wait3A_908 = arith.constant 0 : i32
      %dma_wait3A_909 = tpu.memref_slice %arg13[%dma_wait3A_908] : memref<2048xi32, #tpu.memory_space<vmem>> -> memref<128xi32, #tpu.memory_space<vmem>>
      %dma_wait3A_910 = arith.constant 0 : i32
      %dma_wait3A_911 = arith.constant 0 : i32
      %dma_wait3A_912 = tpu.memref_slice %arg3[%dma_wait3A_910, %dma_wait3A_911] : memref<20480x128xf32, #tpu.memory_space<hbm>> -> memref<20480x128xf32, #tpu.memory_space<hbm>>
      tpu.wait_indirect_dma semaphore(%arg20 : memref<!tpu.dma_semaphore, #tpu.memory_space<semaphore_mem>>) src(%dma_wait3A_912 : memref<20480x128xf32, #tpu.memory_space<hbm>>) dst(%arg16 : memref<128x128xf32, #tpu.memory_space<vmem>>)
      %dma_wait3A_913 = arith.constant 0 : i32
      %dma_wait3A_914 = tpu.memref_slice %arg13[%dma_wait3A_913] : memref<2048xi32, #tpu.memory_space<vmem>> -> memref<128xi32, #tpu.memory_space<vmem>>
      %dma_wait3A_915 = arith.constant 0 : i32
      %dma_wait3A_916 = arith.constant 0 : i32
      %dma_wait3A_917 = tpu.memref_slice %arg3[%dma_wait3A_915, %dma_wait3A_916] : memref<20480x128xf32, #tpu.memory_space<hbm>> -> memref<20480x128xf32, #tpu.memory_space<hbm>>
      tpu.wait_indirect_dma semaphore(%arg20 : memref<!tpu.dma_semaphore, #tpu.memory_space<semaphore_mem>>) src(%dma_wait3A_917 : memref<20480x128xf32, #tpu.memory_space<hbm>>) dst(%arg16 : memref<128x128xf32, #tpu.memory_space<vmem>>)
      %dma_wait3A_918 = arith.constant 0 : i32
      %dma_wait3A_919 = tpu.memref_slice %arg13[%dma_wait3A_918] : memref<2048xi32, #tpu.memory_space<vmem>> -> memref<128xi32, #tpu.memory_space<vmem>>
      %dma_wait3A_920 = arith.constant 0 : i32
      %dma_wait3A_921 = arith.constant 0 : i32
      %dma_wait3A_922 = tpu.memref_slice %arg3[%dma_wait3A_920, %dma_wait3A_921] : memref<20480x128xf32, #tpu.memory_space<hbm>> -> memref<20480x128xf32, #tpu.memory_space<hbm>>
      tpu.wait_indirect_dma semaphore(%arg20 : memref<!tpu.dma_semaphore, #tpu.memory_space<semaphore_mem>>) src(%dma_wait3A_922 : memref<20480x128xf32, #tpu.memory_space<hbm>>) dst(%arg16 : memref<128x128xf32, #tpu.memory_space<vmem>>)
      %dma_wait3A_923 = arith.constant 0 : i32
      %dma_wait3A_924 = tpu.memref_slice %arg13[%dma_wait3A_923] : memref<2048xi32, #tpu.memory_space<vmem>> -> memref<128xi32, #tpu.memory_space<vmem>>
      %dma_wait3A_925 = arith.constant 0 : i32
      %dma_wait3A_926 = arith.constant 0 : i32
      %dma_wait3A_927 = tpu.memref_slice %arg3[%dma_wait3A_925, %dma_wait3A_926] : memref<20480x128xf32, #tpu.memory_space<hbm>> -> memref<20480x128xf32, #tpu.memory_space<hbm>>
      tpu.wait_indirect_dma semaphore(%arg20 : memref<!tpu.dma_semaphore, #tpu.memory_space<semaphore_mem>>) src(%dma_wait3A_927 : memref<20480x128xf32, #tpu.memory_space<hbm>>) dst(%arg16 : memref<128x128xf32, #tpu.memory_space<vmem>>)
      %dma_wait3A_928 = arith.constant 0 : i32
      %dma_wait3A_929 = tpu.memref_slice %arg13[%dma_wait3A_928] : memref<2048xi32, #tpu.memory_space<vmem>> -> memref<128xi32, #tpu.memory_space<vmem>>
      %dma_wait3A_930 = arith.constant 0 : i32
      %dma_wait3A_931 = arith.constant 0 : i32
      %dma_wait3A_932 = tpu.memref_slice %arg3[%dma_wait3A_930, %dma_wait3A_931] : memref<20480x128xf32, #tpu.memory_space<hbm>> -> memref<20480x128xf32, #tpu.memory_space<hbm>>
      tpu.wait_indirect_dma semaphore(%arg20 : memref<!tpu.dma_semaphore, #tpu.memory_space<semaphore_mem>>) src(%dma_wait3A_932 : memref<20480x128xf32, #tpu.memory_space<hbm>>) dst(%arg16 : memref<128x128xf32, #tpu.memory_space<vmem>>)
      %dma_wait3A_933 = arith.constant 0 : i32
      %dma_wait3A_934 = tpu.memref_slice %arg13[%dma_wait3A_933] : memref<2048xi32, #tpu.memory_space<vmem>> -> memref<128xi32, #tpu.memory_space<vmem>>
      %dma_wait3A_935 = arith.constant 0 : i32
      %dma_wait3A_936 = arith.constant 0 : i32
      %dma_wait3A_937 = tpu.memref_slice %arg3[%dma_wait3A_935, %dma_wait3A_936] : memref<20480x128xf32, #tpu.memory_space<hbm>> -> memref<20480x128xf32, #tpu.memory_space<hbm>>
      tpu.wait_indirect_dma semaphore(%arg20 : memref<!tpu.dma_semaphore, #tpu.memory_space<semaphore_mem>>) src(%dma_wait3A_937 : memref<20480x128xf32, #tpu.memory_space<hbm>>) dst(%arg16 : memref<128x128xf32, #tpu.memory_space<vmem>>)
      %dma_wait3A_938 = arith.constant 0 : i32
      %dma_wait3A_939 = tpu.memref_slice %arg13[%dma_wait3A_938] : memref<2048xi32, #tpu.memory_space<vmem>> -> memref<128xi32, #tpu.memory_space<vmem>>
      %dma_wait3A_940 = arith.constant 0 : i32
      %dma_wait3A_941 = arith.constant 0 : i32
      %dma_wait3A_942 = tpu.memref_slice %arg3[%dma_wait3A_940, %dma_wait3A_941] : memref<20480x128xf32, #tpu.memory_space<hbm>> -> memref<20480x128xf32, #tpu.memory_space<hbm>>
      tpu.wait_indirect_dma semaphore(%arg20 : memref<!tpu.dma_semaphore, #tpu.memory_space<semaphore_mem>>) src(%dma_wait3A_942 : memref<20480x128xf32, #tpu.memory_space<hbm>>) dst(%arg16 : memref<128x128xf32, #tpu.memory_space<vmem>>)
      %dma_wait3A_943 = arith.constant 0 : i32
      %dma_wait3A_944 = tpu.memref_slice %arg13[%dma_wait3A_943] : memref<2048xi32, #tpu.memory_space<vmem>> -> memref<128xi32, #tpu.memory_space<vmem>>
      %dma_wait3A_945 = arith.constant 0 : i32
      %dma_wait3A_946 = arith.constant 0 : i32
      %dma_wait3A_947 = tpu.memref_slice %arg3[%dma_wait3A_945, %dma_wait3A_946] : memref<20480x128xf32, #tpu.memory_space<hbm>> -> memref<20480x128xf32, #tpu.memory_space<hbm>>
      tpu.wait_indirect_dma semaphore(%arg20 : memref<!tpu.dma_semaphore, #tpu.memory_space<semaphore_mem>>) src(%dma_wait3A_947 : memref<20480x128xf32, #tpu.memory_space<hbm>>) dst(%arg16 : memref<128x128xf32, #tpu.memory_space<vmem>>)
      %dma_wait3A_948 = arith.constant 0 : i32
      %dma_wait3A_949 = tpu.memref_slice %arg13[%dma_wait3A_948] : memref<2048xi32, #tpu.memory_space<vmem>> -> memref<128xi32, #tpu.memory_space<vmem>>
      %dma_wait3A_950 = arith.constant 0 : i32
      %dma_wait3A_951 = arith.constant 0 : i32
      %dma_wait3A_952 = tpu.memref_slice %arg3[%dma_wait3A_950, %dma_wait3A_951] : memref<20480x128xf32, #tpu.memory_space<hbm>> -> memref<20480x128xf32, #tpu.memory_space<hbm>>
      tpu.wait_indirect_dma semaphore(%arg20 : memref<!tpu.dma_semaphore, #tpu.memory_space<semaphore_mem>>) src(%dma_wait3A_952 : memref<20480x128xf32, #tpu.memory_space<hbm>>) dst(%arg16 : memref<128x128xf32, #tpu.memory_space<vmem>>)
      %dma_wait3A_953 = arith.constant 0 : i32
      %dma_wait3A_954 = tpu.memref_slice %arg13[%dma_wait3A_953] : memref<2048xi32, #tpu.memory_space<vmem>> -> memref<128xi32, #tpu.memory_space<vmem>>
      %dma_wait3A_955 = arith.constant 0 : i32
      %dma_wait3A_956 = arith.constant 0 : i32
      %dma_wait3A_957 = tpu.memref_slice %arg3[%dma_wait3A_955, %dma_wait3A_956] : memref<20480x128xf32, #tpu.memory_space<hbm>> -> memref<20480x128xf32, #tpu.memory_space<hbm>>
      tpu.wait_indirect_dma semaphore(%arg20 : memref<!tpu.dma_semaphore, #tpu.memory_space<semaphore_mem>>) src(%dma_wait3A_957 : memref<20480x128xf32, #tpu.memory_space<hbm>>) dst(%arg16 : memref<128x128xf32, #tpu.memory_space<vmem>>)
      %dma_wait3A_958 = arith.constant 0 : i32
      %dma_wait3A_959 = tpu.memref_slice %arg13[%dma_wait3A_958] : memref<2048xi32, #tpu.memory_space<vmem>> -> memref<128xi32, #tpu.memory_space<vmem>>
      %dma_wait3A_960 = arith.constant 0 : i32
      %dma_wait3A_961 = arith.constant 0 : i32
      %dma_wait3A_962 = tpu.memref_slice %arg3[%dma_wait3A_960, %dma_wait3A_961] : memref<20480x128xf32, #tpu.memory_space<hbm>> -> memref<20480x128xf32, #tpu.memory_space<hbm>>
      tpu.wait_indirect_dma semaphore(%arg20 : memref<!tpu.dma_semaphore, #tpu.memory_space<semaphore_mem>>) src(%dma_wait3A_962 : memref<20480x128xf32, #tpu.memory_space<hbm>>) dst(%arg16 : memref<128x128xf32, #tpu.memory_space<vmem>>)
      %mul3A_963 = arith.constant 128 : i32
      %mul3A_964 = arith.muli %add3A_41, %mul3A_963 : i32
      %dma_start3A_965 = arith.constant 0 : i32
      %dma_start3A_966 = tpu.memref_slice %arg6[%mul3A_964, %dma_start3A_965] : memref<10240x128xf32, #tpu.memory_space<hbm>> -> memref<128x128xf32, #tpu.memory_space<hbm>>
      %dma_start3A_967 = arith.constant 0 : i32
      %dma_start3A_968 = tpu.memref_slice %arg6[%mul3A_964, %dma_start3A_967] : memref<10240x128xf32, #tpu.memory_space<hbm>> -> memref<128x128xf32, #tpu.memory_space<hbm>>
      tpu.enqueue_dma source(%arg14 : memref<128x128xf32, #tpu.memory_space<vmem>>) target(%dma_start3A_968 : memref<128x128xf32, #tpu.memory_space<hbm>>) target_semaphore(%arg22 : memref<!tpu.dma_semaphore, #tpu.memory_space<semaphore_mem>>)
      %dma_start3A_969 = arith.constant 0 : i32
      %dma_start3A_970 = tpu.memref_slice %arg7[%mul3A_964, %dma_start3A_969] : memref<10240x128xf32, #tpu.memory_space<hbm>> -> memref<128x128xf32, #tpu.memory_space<hbm>>
      %dma_start3A_971 = arith.constant 0 : i32
      %dma_start3A_972 = tpu.memref_slice %arg7[%mul3A_964, %dma_start3A_971] : memref<10240x128xf32, #tpu.memory_space<hbm>> -> memref<128x128xf32, #tpu.memory_space<hbm>>
      tpu.enqueue_dma source(%arg16 : memref<128x128xf32, #tpu.memory_space<vmem>>) target(%dma_start3A_972 : memref<128x128xf32, #tpu.memory_space<hbm>>) target_semaphore(%arg22 : memref<!tpu.dma_semaphore, #tpu.memory_space<semaphore_mem>>)
      %dma_wait3A_973 = arith.constant 0 : i32
      %dma_wait3A_974 = arith.constant 0 : i32
      %dma_wait3A_975 = tpu.memref_slice %arg6[%dma_wait3A_973, %dma_wait3A_974] : memref<10240x128xf32, #tpu.memory_space<hbm>> -> memref<128x128xf32, #tpu.memory_space<hbm>>
      %dma_wait3A_976 = arith.constant 0 : i32
      %dma_wait3A_977 = arith.constant 0 : i32
      %dma_wait3A_978 = tpu.memref_slice %arg6[%dma_wait3A_976, %dma_wait3A_977] : memref<10240x128xf32, #tpu.memory_space<hbm>> -> memref<128x128xf32, #tpu.memory_space<hbm>>
      tpu.wait_dma2 semaphore(%arg22 : memref<!tpu.dma_semaphore, #tpu.memory_space<semaphore_mem>>) src(%arg14 : memref<128x128xf32, #tpu.memory_space<vmem>>) dst(%dma_wait3A_978 : memref<128x128xf32, #tpu.memory_space<hbm>>)
      %dma_wait3A_979 = arith.constant 0 : i32
      %dma_wait3A_980 = arith.constant 0 : i32
      %dma_wait3A_981 = tpu.memref_slice %arg7[%dma_wait3A_979, %dma_wait3A_980] : memref<10240x128xf32, #tpu.memory_space<hbm>> -> memref<128x128xf32, #tpu.memory_space<hbm>>
      %dma_wait3A_982 = arith.constant 0 : i32
      %dma_wait3A_983 = arith.constant 0 : i32
      %dma_wait3A_984 = tpu.memref_slice %arg7[%dma_wait3A_982, %dma_wait3A_983] : memref<10240x128xf32, #tpu.memory_space<hbm>> -> memref<128x128xf32, #tpu.memory_space<hbm>>
      tpu.wait_dma2 semaphore(%arg22 : memref<!tpu.dma_semaphore, #tpu.memory_space<semaphore_mem>>) src(%arg16 : memref<128x128xf32, #tpu.memory_space<vmem>>) dst(%dma_wait3A_984 : memref<128x128xf32, #tpu.memory_space<hbm>>)
    } else {
    }
    %dma_wait3A_786 = arith.constant 0 : i32
    %dma_wait3A_787 = arith.constant 0 : i32
    %dma_wait3A_788 = tpu.memref_slice %arg6[%dma_wait3A_786, %dma_wait3A_787] : memref<10240x128xf32, #tpu.memory_space<hbm>> -> memref<128x128xf32, #tpu.memory_space<hbm>>
    %dma_wait3A_789 = arith.constant 0 : i32
    %dma_wait3A_790 = arith.constant 0 : i32
    %dma_wait3A_791 = tpu.memref_slice %arg6[%dma_wait3A_789, %dma_wait3A_790] : memref<10240x128xf32, #tpu.memory_space<hbm>> -> memref<128x128xf32, #tpu.memory_space<hbm>>
    tpu.wait_dma2 semaphore(%arg23 : memref<!tpu.dma_semaphore, #tpu.memory_space<semaphore_mem>>) src(%arg15 : memref<128x128xf32, #tpu.memory_space<vmem>>) dst(%dma_wait3A_791 : memref<128x128xf32, #tpu.memory_space<hbm>>)
    %dma_wait3A_792 = arith.constant 0 : i32
    %dma_wait3A_793 = arith.constant 0 : i32
    %dma_wait3A_794 = tpu.memref_slice %arg7[%dma_wait3A_792, %dma_wait3A_793] : memref<10240x128xf32, #tpu.memory_space<hbm>> -> memref<128x128xf32, #tpu.memory_space<hbm>>
    %dma_wait3A_795 = arith.constant 0 : i32
    %dma_wait3A_796 = arith.constant 0 : i32
    %dma_wait3A_797 = tpu.memref_slice %arg7[%dma_wait3A_795, %dma_wait3A_796] : memref<10240x128xf32, #tpu.memory_space<hbm>> -> memref<128x128xf32, #tpu.memory_space<hbm>>
    tpu.wait_dma2 semaphore(%arg23 : memref<!tpu.dma_semaphore, #tpu.memory_space<semaphore_mem>>) src(%arg17 : memref<128x128xf32, #tpu.memory_space<vmem>>) dst(%dma_wait3A_797 : memref<128x128xf32, #tpu.memory_space<hbm>>)
    return
  }
}

module attributes {stable_mosaic.version = 14 : i64} {
  func.func @_edge_mlp_kernel(%arg0: i32, %arg1: memref<1000x128xf32, #tpu.memory_space<vmem>>, %arg2: memref<128x1024xf32, #tpu.memory_space<vmem>>, %arg3: memref<1x1024xf32, #tpu.memory_space<vmem>>, %arg4: memref<128x128xf32, #tpu.memory_space<vmem>>, %arg5: memref<1x128xf32, #tpu.memory_space<vmem>>, %arg6: memref<1x128xf32, #tpu.memory_space<vmem>>, %arg7: memref<1x128xf32, #tpu.memory_space<vmem>>, %arg8: memref<8000x128xf32, #tpu.memory_space<vmem>>) attributes {dimension_semantics = [#tpu.dimension_semantics<arbitrary>], iteration_bounds = array<i64: 20>, scalar_prefetch = 0 : i64, scratch_operands = 0 : i64, tpu.core_type = #tpu.core_type<tc>, window_params = [{transform_indices = @transform_0, window_bounds = array<i64: 1000, 128>}, {pipeline_mode = #tpu.pipeline_mode<synchronous>, transform_indices = @transform_1, window_bounds = array<i64: 128, 1024>}, {pipeline_mode = #tpu.pipeline_mode<synchronous>, transform_indices = @transform_2, window_bounds = array<i64: 1, 1024>}, {pipeline_mode = #tpu.pipeline_mode<synchronous>, transform_indices = @transform_3, window_bounds = array<i64: 128, 128>}, {pipeline_mode = #tpu.pipeline_mode<synchronous>, transform_indices = @transform_4, window_bounds = array<i64: 1, 128>}, {pipeline_mode = #tpu.pipeline_mode<synchronous>, transform_indices = @transform_5, window_bounds = array<i64: 1, 128>}, {pipeline_mode = #tpu.pipeline_mode<synchronous>, transform_indices = @transform_6, window_bounds = array<i64: 1, 128>}, {transform_indices = @transform_7, window_bounds = array<i64: 8000, 128>}]} {
    %get3A = arith.constant 0 : index
    %get3A_0 = arith.constant 0 : index
    %get3A_1 = vector.load %arg1[%get3A, %get3A_0] : memref<1000x128xf32, #tpu.memory_space<vmem>>, vector<1000x128xf32>
    %convert_element_type3A = arith.truncf %get3A_1 : vector<1000x128xf32> to vector<1000x128xbf16>
    %get3A_2 = arith.constant 0 : index
    %get3A_3 = arith.constant 0 : index
    %get3A_4 = vector.load %arg2[%get3A_2, %get3A_3] : memref<128x1024xf32, #tpu.memory_space<vmem>>, vector<128x1024xf32>
    %convert_element_type3A_5 = arith.truncf %get3A_4 : vector<128x1024xf32> to vector<128x1024xbf16>
    %dot_general3A = arith.constant dense<0.000000e+00> : vector<1000x1024xf32>
    %dot_general3A_6 = tpu.matmul %convert_element_type3A, %convert_element_type3A_5, %dot_general3A {dimension_numbers = #tpu.dot_dimension_numbers<[1], [0], [0], [1], [0, 0, 1, 1], [], []>, transpose_lhs_hint = false} : vector<1000x128xbf16>, vector<128x1024xbf16>, vector<1000x1024xf32> -> vector<1000x1024xf32>
    %get3A_7 = arith.constant 0 : index
    %get3A_8 = arith.constant 0 : index
    %get3A_9 = vector.load %arg3[%get3A_7, %get3A_8] : memref<1x1024xf32, #tpu.memory_space<vmem>>, vector<1x1024xf32>
    %mul3A = arith.constant 5.000000e+00 : f32
    %mul3A_10 = vector.broadcast %mul3A : f32 to vector<1x1024xf32>
    %mul3A_11 = arith.mulf %mul3A_10, %get3A_9 : vector<1x1024xf32>
    %add3A = vector.broadcast %mul3A_11 : vector<1x1024xf32> to vector<1000x1024xf32>
    %add3A_12 = arith.addf %dot_general3A_6, %add3A : vector<1000x1024xf32>
    %get3A_13 = arith.constant 0 : index
    %get3A_14 = arith.constant 0 : index
    %get3A_15 = vector.load %arg4[%get3A_13, %get3A_14] : memref<128x128xf32, #tpu.memory_space<vmem>>, vector<128x128xf32>
    %convert_element_type3A_16 = arith.truncf %get3A_15 : vector<128x128xf32> to vector<128x128xbf16>
    %get3A_17 = arith.constant 0 : index
    %get3A_18 = arith.constant 0 : index
    %get3A_19 = vector.load %arg5[%get3A_17, %get3A_18] : memref<1x128xf32, #tpu.memory_space<vmem>>, vector<1x128xf32>
    %get3A_20 = arith.constant 0 : index
    %get3A_21 = arith.constant 0 : index
    %get3A_22 = vector.load %arg6[%get3A_20, %get3A_21] : memref<1x128xf32, #tpu.memory_space<vmem>>, vector<1x128xf32>
    %get3A_23 = arith.constant 0 : index
    %get3A_24 = arith.constant 0 : index
    %get3A_25 = vector.load %arg7[%get3A_23, %get3A_24] : memref<1x128xf32, #tpu.memory_space<vmem>>, vector<1x128xf32>
    %slice3A = vector.extract_strided_slice %add3A_12 {offsets = [0, 0], sizes = [1000, 128], strides = [1, 1]} : vector<1000x1024xf32> to vector<1000x128xf32>
    %convert_element_type3A_26 = arith.truncf %slice3A : vector<1000x128xf32> to vector<1000x128xbf16>
    %dot_general3A_27 = arith.constant dense<0.000000e+00> : vector<1000x128xf32>
    %dot_general3A_28 = tpu.matmul %convert_element_type3A_26, %convert_element_type3A_16, %dot_general3A_27 {dimension_numbers = #tpu.dot_dimension_numbers<[1], [0], [0], [1], [0, 0, 1, 1], [], []>, transpose_lhs_hint = false} : vector<1000x128xbf16>, vector<128x128xbf16>, vector<1000x128xf32> -> vector<1000x128xf32>
    %add3A_29 = vector.broadcast %get3A_19 : vector<1x128xf32> to vector<1000x128xf32>
    %add3A_30 = arith.addf %dot_general3A_28, %add3A_29 : vector<1000x128xf32>
    %max3A = arith.constant 0.000000e+00 : f32
    %max3A_31 = vector.broadcast %max3A : f32 to vector<1000x128xf32>
    %max3A_32 = arith.maximumf %add3A_30, %max3A_31 : vector<1000x128xf32>
    %reduce_sum3A = arith.constant dense<0.000000e+00> : vector<1000xf32>
    %reduce_sum3A_33 = vector.multi_reduction <add>, %max3A_32, %reduce_sum3A [1] : vector<1000x128xf32> to vector<1000xf32>
    %broadcast_in_dim3A = vector.shape_cast %reduce_sum3A_33 : vector<1000xf32> to vector<1000x1xf32>
    %div3A = arith.constant 1.280000e+02 : f32
    %div3A_34 = vector.broadcast %div3A : f32 to vector<1000x1xf32>
    %div3A_35 = arith.divf %broadcast_in_dim3A, %div3A_34 : vector<1000x1xf32>
    %sub3A = vector.broadcast %div3A_35 : vector<1000x1xf32> to vector<1000x128xf32>
    %sub3A_36 = arith.subf %max3A_32, %sub3A : vector<1000x128xf32>
    %integer_pow3A = arith.mulf %sub3A_36, %sub3A_36 : vector<1000x128xf32>
    %reduce_sum3A_37 = arith.constant dense<0.000000e+00> : vector<1000xf32>
    %reduce_sum3A_38 = vector.multi_reduction <add>, %integer_pow3A, %reduce_sum3A_37 [1] : vector<1000x128xf32> to vector<1000xf32>
    %broadcast_in_dim3A_39 = vector.shape_cast %reduce_sum3A_38 : vector<1000xf32> to vector<1000x1xf32>
    %div3A_40 = arith.constant 1.280000e+02 : f32
    %div3A_41 = vector.broadcast %div3A_40 : f32 to vector<1000x1xf32>
    %div3A_42 = arith.divf %broadcast_in_dim3A_39, %div3A_41 : vector<1000x1xf32>
    %sub3A_43 = vector.broadcast %div3A_35 : vector<1000x1xf32> to vector<1000x128xf32>
    %sub3A_44 = arith.subf %max3A_32, %sub3A_43 : vector<1000x128xf32>
    %add3A_45 = arith.constant 9.99999974E-6 : f32
    %add3A_46 = vector.broadcast %add3A_45 : f32 to vector<1000x1xf32>
    %add3A_47 = arith.addf %div3A_42, %add3A_46 : vector<1000x1xf32>
    %sqrt3A = math.sqrt %add3A_47 : vector<1000x1xf32>
    %div3A_48 = vector.broadcast %sqrt3A : vector<1000x1xf32> to vector<1000x128xf32>
    %div3A_49 = arith.divf %sub3A_44, %div3A_48 : vector<1000x128xf32>
    %mul3A_50 = vector.broadcast %get3A_22 : vector<1x128xf32> to vector<1000x128xf32>
    %mul3A_51 = arith.mulf %div3A_49, %mul3A_50 : vector<1000x128xf32>
    %add3A_52 = vector.broadcast %get3A_25 : vector<1x128xf32> to vector<1000x128xf32>
    %add3A_53 = arith.addf %mul3A_51, %add3A_52 : vector<1000x128xf32>
    %swap3A = arith.constant 0 : index
    %swap3A_54 = arith.constant 0 : index
    %swap3A_55 = vector.load %arg8[%swap3A, %swap3A_54] : memref<8000x128xf32, #tpu.memory_space<vmem>>, vector<1000x128xf32>
    tpu.vector_store %arg8[%swap3A, %swap3A_54], %add3A_53 {strides = array<i32>} : memref<8000x128xf32, #tpu.memory_space<vmem>>, vector<1000x128xf32>,
    %slice3A_56 = vector.extract_strided_slice %add3A_12 {offsets = [0, 128], sizes = [1000, 128], strides = [1, 1]} : vector<1000x1024xf32> to vector<1000x128xf32>
    %convert_element_type3A_57 = arith.truncf %slice3A_56 : vector<1000x128xf32> to vector<1000x128xbf16>
    %dot_general3A_58 = arith.constant dense<0.000000e+00> : vector<1000x128xf32>
    %dot_general3A_59 = tpu.matmul %convert_element_type3A_57, %convert_element_type3A_16, %dot_general3A_58 {dimension_numbers = #tpu.dot_dimension_numbers<[1], [0], [0], [1], [0, 0, 1, 1], [], []>, transpose_lhs_hint = false} : vector<1000x128xbf16>, vector<128x128xbf16>, vector<1000x128xf32> -> vector<1000x128xf32>
    %add3A_60 = vector.broadcast %get3A_19 : vector<1x128xf32> to vector<1000x128xf32>
    %add3A_61 = arith.addf %dot_general3A_59, %add3A_60 : vector<1000x128xf32>
    %max3A_62 = arith.constant 0.000000e+00 : f32
    %max3A_63 = vector.broadcast %max3A_62 : f32 to vector<1000x128xf32>
    %max3A_64 = arith.maximumf %add3A_61, %max3A_63 : vector<1000x128xf32>
    %reduce_sum3A_65 = arith.constant dense<0.000000e+00> : vector<1000xf32>
    %reduce_sum3A_66 = vector.multi_reduction <add>, %max3A_64, %reduce_sum3A_65 [1] : vector<1000x128xf32> to vector<1000xf32>
    %broadcast_in_dim3A_67 = vector.shape_cast %reduce_sum3A_66 : vector<1000xf32> to vector<1000x1xf32>
    %div3A_68 = arith.constant 1.280000e+02 : f32
    %div3A_69 = vector.broadcast %div3A_68 : f32 to vector<1000x1xf32>
    %div3A_70 = arith.divf %broadcast_in_dim3A_67, %div3A_69 : vector<1000x1xf32>
    %sub3A_71 = vector.broadcast %div3A_70 : vector<1000x1xf32> to vector<1000x128xf32>
    %sub3A_72 = arith.subf %max3A_64, %sub3A_71 : vector<1000x128xf32>
    %integer_pow3A_73 = arith.mulf %sub3A_72, %sub3A_72 : vector<1000x128xf32>
    %reduce_sum3A_74 = arith.constant dense<0.000000e+00> : vector<1000xf32>
    %reduce_sum3A_75 = vector.multi_reduction <add>, %integer_pow3A_73, %reduce_sum3A_74 [1] : vector<1000x128xf32> to vector<1000xf32>
    %broadcast_in_dim3A_76 = vector.shape_cast %reduce_sum3A_75 : vector<1000xf32> to vector<1000x1xf32>
    %div3A_77 = arith.constant 1.280000e+02 : f32
    %div3A_78 = vector.broadcast %div3A_77 : f32 to vector<1000x1xf32>
    %div3A_79 = arith.divf %broadcast_in_dim3A_76, %div3A_78 : vector<1000x1xf32>
    %sub3A_80 = vector.broadcast %div3A_70 : vector<1000x1xf32> to vector<1000x128xf32>
    %sub3A_81 = arith.subf %max3A_64, %sub3A_80 : vector<1000x128xf32>
    %add3A_82 = arith.constant 9.99999974E-6 : f32
    %add3A_83 = vector.broadcast %add3A_82 : f32 to vector<1000x1xf32>
    %add3A_84 = arith.addf %div3A_79, %add3A_83 : vector<1000x1xf32>
    %sqrt3A_85 = math.sqrt %add3A_84 : vector<1000x1xf32>
    %div3A_86 = vector.broadcast %sqrt3A_85 : vector<1000x1xf32> to vector<1000x128xf32>
    %div3A_87 = arith.divf %sub3A_81, %div3A_86 : vector<1000x128xf32>
    %mul3A_88 = vector.broadcast %get3A_22 : vector<1x128xf32> to vector<1000x128xf32>
    %mul3A_89 = arith.mulf %div3A_87, %mul3A_88 : vector<1000x128xf32>
    %add3A_90 = vector.broadcast %get3A_25 : vector<1x128xf32> to vector<1000x128xf32>
    %add3A_91 = arith.addf %mul3A_89, %add3A_90 : vector<1000x128xf32>
    %swap3A_92 = arith.constant 1000 : index
    %swap3A_93 = arith.constant 0 : index
    %swap3A_94 = vector.load %arg8[%swap3A_92, %swap3A_93] : memref<8000x128xf32, #tpu.memory_space<vmem>>, vector<1000x128xf32>
    tpu.vector_store %arg8[%swap3A_92, %swap3A_93], %add3A_91 {strides = array<i32>} : memref<8000x128xf32, #tpu.memory_space<vmem>>, vector<1000x128xf32>,
    %slice3A_95 = vector.extract_strided_slice %add3A_12 {offsets = [0, 256], sizes = [1000, 128], strides = [1, 1]} : vector<1000x1024xf32> to vector<1000x128xf32>
    %convert_element_type3A_96 = arith.truncf %slice3A_95 : vector<1000x128xf32> to vector<1000x128xbf16>
    %dot_general3A_97 = arith.constant dense<0.000000e+00> : vector<1000x128xf32>
    %dot_general3A_98 = tpu.matmul %convert_element_type3A_96, %convert_element_type3A_16, %dot_general3A_97 {dimension_numbers = #tpu.dot_dimension_numbers<[1], [0], [0], [1], [0, 0, 1, 1], [], []>, transpose_lhs_hint = false} : vector<1000x128xbf16>, vector<128x128xbf16>, vector<1000x128xf32> -> vector<1000x128xf32>
    %add3A_99 = vector.broadcast %get3A_19 : vector<1x128xf32> to vector<1000x128xf32>
    %add3A_100 = arith.addf %dot_general3A_98, %add3A_99 : vector<1000x128xf32>
    %max3A_101 = arith.constant 0.000000e+00 : f32
    %max3A_102 = vector.broadcast %max3A_101 : f32 to vector<1000x128xf32>
    %max3A_103 = arith.maximumf %add3A_100, %max3A_102 : vector<1000x128xf32>
    %reduce_sum3A_104 = arith.constant dense<0.000000e+00> : vector<1000xf32>
    %reduce_sum3A_105 = vector.multi_reduction <add>, %max3A_103, %reduce_sum3A_104 [1] : vector<1000x128xf32> to vector<1000xf32>
    %broadcast_in_dim3A_106 = vector.shape_cast %reduce_sum3A_105 : vector<1000xf32> to vector<1000x1xf32>
    %div3A_107 = arith.constant 1.280000e+02 : f32
    %div3A_108 = vector.broadcast %div3A_107 : f32 to vector<1000x1xf32>
    %div3A_109 = arith.divf %broadcast_in_dim3A_106, %div3A_108 : vector<1000x1xf32>
    %sub3A_110 = vector.broadcast %div3A_109 : vector<1000x1xf32> to vector<1000x128xf32>
    %sub3A_111 = arith.subf %max3A_103, %sub3A_110 : vector<1000x128xf32>
    %integer_pow3A_112 = arith.mulf %sub3A_111, %sub3A_111 : vector<1000x128xf32>
    %reduce_sum3A_113 = arith.constant dense<0.000000e+00> : vector<1000xf32>
    %reduce_sum3A_114 = vector.multi_reduction <add>, %integer_pow3A_112, %reduce_sum3A_113 [1] : vector<1000x128xf32> to vector<1000xf32>
    %broadcast_in_dim3A_115 = vector.shape_cast %reduce_sum3A_114 : vector<1000xf32> to vector<1000x1xf32>
    %div3A_116 = arith.constant 1.280000e+02 : f32
    %div3A_117 = vector.broadcast %div3A_116 : f32 to vector<1000x1xf32>
    %div3A_118 = arith.divf %broadcast_in_dim3A_115, %div3A_117 : vector<1000x1xf32>
    %sub3A_119 = vector.broadcast %div3A_109 : vector<1000x1xf32> to vector<1000x128xf32>
    %sub3A_120 = arith.subf %max3A_103, %sub3A_119 : vector<1000x128xf32>
    %add3A_121 = arith.constant 9.99999974E-6 : f32
    %add3A_122 = vector.broadcast %add3A_121 : f32 to vector<1000x1xf32>
    %add3A_123 = arith.addf %div3A_118, %add3A_122 : vector<1000x1xf32>
    %sqrt3A_124 = math.sqrt %add3A_123 : vector<1000x1xf32>
    %div3A_125 = vector.broadcast %sqrt3A_124 : vector<1000x1xf32> to vector<1000x128xf32>
    %div3A_126 = arith.divf %sub3A_120, %div3A_125 : vector<1000x128xf32>
    %mul3A_127 = vector.broadcast %get3A_22 : vector<1x128xf32> to vector<1000x128xf32>
    %mul3A_128 = arith.mulf %div3A_126, %mul3A_127 : vector<1000x128xf32>
    %add3A_129 = vector.broadcast %get3A_25 : vector<1x128xf32> to vector<1000x128xf32>
    %add3A_130 = arith.addf %mul3A_128, %add3A_129 : vector<1000x128xf32>
    %swap3A_131 = arith.constant 2000 : index
    %swap3A_132 = arith.constant 0 : index
    %swap3A_133 = vector.load %arg8[%swap3A_131, %swap3A_132] : memref<8000x128xf32, #tpu.memory_space<vmem>>, vector<1000x128xf32>
    tpu.vector_store %arg8[%swap3A_131, %swap3A_132], %add3A_130 {strides = array<i32>} : memref<8000x128xf32, #tpu.memory_space<vmem>>, vector<1000x128xf32>,
    %slice3A_134 = vector.extract_strided_slice %add3A_12 {offsets = [0, 384], sizes = [1000, 128], strides = [1, 1]} : vector<1000x1024xf32> to vector<1000x128xf32>
    %convert_element_type3A_135 = arith.truncf %slice3A_134 : vector<1000x128xf32> to vector<1000x128xbf16>
    %dot_general3A_136 = arith.constant dense<0.000000e+00> : vector<1000x128xf32>
    %dot_general3A_137 = tpu.matmul %convert_element_type3A_135, %convert_element_type3A_16, %dot_general3A_136 {dimension_numbers = #tpu.dot_dimension_numbers<[1], [0], [0], [1], [0, 0, 1, 1], [], []>, transpose_lhs_hint = false} : vector<1000x128xbf16>, vector<128x128xbf16>, vector<1000x128xf32> -> vector<1000x128xf32>
    %add3A_138 = vector.broadcast %get3A_19 : vector<1x128xf32> to vector<1000x128xf32>
    %add3A_139 = arith.addf %dot_general3A_137, %add3A_138 : vector<1000x128xf32>
    %max3A_140 = arith.constant 0.000000e+00 : f32
    %max3A_141 = vector.broadcast %max3A_140 : f32 to vector<1000x128xf32>
    %max3A_142 = arith.maximumf %add3A_139, %max3A_141 : vector<1000x128xf32>
    %reduce_sum3A_143 = arith.constant dense<0.000000e+00> : vector<1000xf32>
    %reduce_sum3A_144 = vector.multi_reduction <add>, %max3A_142, %reduce_sum3A_143 [1] : vector<1000x128xf32> to vector<1000xf32>
    %broadcast_in_dim3A_145 = vector.shape_cast %reduce_sum3A_144 : vector<1000xf32> to vector<1000x1xf32>
    %div3A_146 = arith.constant 1.280000e+02 : f32
    %div3A_147 = vector.broadcast %div3A_146 : f32 to vector<1000x1xf32>
    %div3A_148 = arith.divf %broadcast_in_dim3A_145, %div3A_147 : vector<1000x1xf32>
    %sub3A_149 = vector.broadcast %div3A_148 : vector<1000x1xf32> to vector<1000x128xf32>
    %sub3A_150 = arith.subf %max3A_142, %sub3A_149 : vector<1000x128xf32>
    %integer_pow3A_151 = arith.mulf %sub3A_150, %sub3A_150 : vector<1000x128xf32>
    %reduce_sum3A_152 = arith.constant dense<0.000000e+00> : vector<1000xf32>
    %reduce_sum3A_153 = vector.multi_reduction <add>, %integer_pow3A_151, %reduce_sum3A_152 [1] : vector<1000x128xf32> to vector<1000xf32>
    %broadcast_in_dim3A_154 = vector.shape_cast %reduce_sum3A_153 : vector<1000xf32> to vector<1000x1xf32>
    %div3A_155 = arith.constant 1.280000e+02 : f32
    %div3A_156 = vector.broadcast %div3A_155 : f32 to vector<1000x1xf32>
    %div3A_157 = arith.divf %broadcast_in_dim3A_154, %div3A_156 : vector<1000x1xf32>
    %sub3A_158 = vector.broadcast %div3A_148 : vector<1000x1xf32> to vector<1000x128xf32>
    %sub3A_159 = arith.subf %max3A_142, %sub3A_158 : vector<1000x128xf32>
    %add3A_160 = arith.constant 9.99999974E-6 : f32
    %add3A_161 = vector.broadcast %add3A_160 : f32 to vector<1000x1xf32>
    %add3A_162 = arith.addf %div3A_157, %add3A_161 : vector<1000x1xf32>
    %sqrt3A_163 = math.sqrt %add3A_162 : vector<1000x1xf32>
    %div3A_164 = vector.broadcast %sqrt3A_163 : vector<1000x1xf32> to vector<1000x128xf32>
    %div3A_165 = arith.divf %sub3A_159, %div3A_164 : vector<1000x128xf32>
    %mul3A_166 = vector.broadcast %get3A_22 : vector<1x128xf32> to vector<1000x128xf32>
    %mul3A_167 = arith.mulf %div3A_165, %mul3A_166 : vector<1000x128xf32>
    %add3A_168 = vector.broadcast %get3A_25 : vector<1x128xf32> to vector<1000x128xf32>
    %add3A_169 = arith.addf %mul3A_167, %add3A_168 : vector<1000x128xf32>
    %swap3A_170 = arith.constant 3000 : index
    %swap3A_171 = arith.constant 0 : index
    %swap3A_172 = vector.load %arg8[%swap3A_170, %swap3A_171] : memref<8000x128xf32, #tpu.memory_space<vmem>>, vector<1000x128xf32>
    tpu.vector_store %arg8[%swap3A_170, %swap3A_171], %add3A_169 {strides = array<i32>} : memref<8000x128xf32, #tpu.memory_space<vmem>>, vector<1000x128xf32>,
    %slice3A_173 = vector.extract_strided_slice %add3A_12 {offsets = [0, 512], sizes = [1000, 128], strides = [1, 1]} : vector<1000x1024xf32> to vector<1000x128xf32>
    %convert_element_type3A_174 = arith.truncf %slice3A_173 : vector<1000x128xf32> to vector<1000x128xbf16>
    %dot_general3A_175 = arith.constant dense<0.000000e+00> : vector<1000x128xf32>
    %dot_general3A_176 = tpu.matmul %convert_element_type3A_174, %convert_element_type3A_16, %dot_general3A_175 {dimension_numbers = #tpu.dot_dimension_numbers<[1], [0], [0], [1], [0, 0, 1, 1], [], []>, transpose_lhs_hint = false} : vector<1000x128xbf16>, vector<128x128xbf16>, vector<1000x128xf32> -> vector<1000x128xf32>
    %add3A_177 = vector.broadcast %get3A_19 : vector<1x128xf32> to vector<1000x128xf32>
    %add3A_178 = arith.addf %dot_general3A_176, %add3A_177 : vector<1000x128xf32>
    %max3A_179 = arith.constant 0.000000e+00 : f32
    %max3A_180 = vector.broadcast %max3A_179 : f32 to vector<1000x128xf32>
    %max3A_181 = arith.maximumf %add3A_178, %max3A_180 : vector<1000x128xf32>
    %reduce_sum3A_182 = arith.constant dense<0.000000e+00> : vector<1000xf32>
    %reduce_sum3A_183 = vector.multi_reduction <add>, %max3A_181, %reduce_sum3A_182 [1] : vector<1000x128xf32> to vector<1000xf32>
    %broadcast_in_dim3A_184 = vector.shape_cast %reduce_sum3A_183 : vector<1000xf32> to vector<1000x1xf32>
    %div3A_185 = arith.constant 1.280000e+02 : f32
    %div3A_186 = vector.broadcast %div3A_185 : f32 to vector<1000x1xf32>
    %div3A_187 = arith.divf %broadcast_in_dim3A_184, %div3A_186 : vector<1000x1xf32>
    %sub3A_188 = vector.broadcast %div3A_187 : vector<1000x1xf32> to vector<1000x128xf32>
    %sub3A_189 = arith.subf %max3A_181, %sub3A_188 : vector<1000x128xf32>
    %integer_pow3A_190 = arith.mulf %sub3A_189, %sub3A_189 : vector<1000x128xf32>
    %reduce_sum3A_191 = arith.constant dense<0.000000e+00> : vector<1000xf32>
    %reduce_sum3A_192 = vector.multi_reduction <add>, %integer_pow3A_190, %reduce_sum3A_191 [1] : vector<1000x128xf32> to vector<1000xf32>
    %broadcast_in_dim3A_193 = vector.shape_cast %reduce_sum3A_192 : vector<1000xf32> to vector<1000x1xf32>
    %div3A_194 = arith.constant 1.280000e+02 : f32
    %div3A_195 = vector.broadcast %div3A_194 : f32 to vector<1000x1xf32>
    %div3A_196 = arith.divf %broadcast_in_dim3A_193, %div3A_195 : vector<1000x1xf32>
    %sub3A_197 = vector.broadcast %div3A_187 : vector<1000x1xf32> to vector<1000x128xf32>
    %sub3A_198 = arith.subf %max3A_181, %sub3A_197 : vector<1000x128xf32>
    %add3A_199 = arith.constant 9.99999974E-6 : f32
    %add3A_200 = vector.broadcast %add3A_199 : f32 to vector<1000x1xf32>
    %add3A_201 = arith.addf %div3A_196, %add3A_200 : vector<1000x1xf32>
    %sqrt3A_202 = math.sqrt %add3A_201 : vector<1000x1xf32>
    %div3A_203 = vector.broadcast %sqrt3A_202 : vector<1000x1xf32> to vector<1000x128xf32>
    %div3A_204 = arith.divf %sub3A_198, %div3A_203 : vector<1000x128xf32>
    %mul3A_205 = vector.broadcast %get3A_22 : vector<1x128xf32> to vector<1000x128xf32>
    %mul3A_206 = arith.mulf %div3A_204, %mul3A_205 : vector<1000x128xf32>
    %add3A_207 = vector.broadcast %get3A_25 : vector<1x128xf32> to vector<1000x128xf32>
    %add3A_208 = arith.addf %mul3A_206, %add3A_207 : vector<1000x128xf32>
    %swap3A_209 = arith.constant 4000 : index
    %swap3A_210 = arith.constant 0 : index
    %swap3A_211 = vector.load %arg8[%swap3A_209, %swap3A_210] : memref<8000x128xf32, #tpu.memory_space<vmem>>, vector<1000x128xf32>
    tpu.vector_store %arg8[%swap3A_209, %swap3A_210], %add3A_208 {strides = array<i32>} : memref<8000x128xf32, #tpu.memory_space<vmem>>, vector<1000x128xf32>,
    %slice3A_212 = vector.extract_strided_slice %add3A_12 {offsets = [0, 640], sizes = [1000, 128], strides = [1, 1]} : vector<1000x1024xf32> to vector<1000x128xf32>
    %convert_element_type3A_213 = arith.truncf %slice3A_212 : vector<1000x128xf32> to vector<1000x128xbf16>
    %dot_general3A_214 = arith.constant dense<0.000000e+00> : vector<1000x128xf32>
    %dot_general3A_215 = tpu.matmul %convert_element_type3A_213, %convert_element_type3A_16, %dot_general3A_214 {dimension_numbers = #tpu.dot_dimension_numbers<[1], [0], [0], [1], [0, 0, 1, 1], [], []>, transpose_lhs_hint = false} : vector<1000x128xbf16>, vector<128x128xbf16>, vector<1000x128xf32> -> vector<1000x128xf32>
    %add3A_216 = vector.broadcast %get3A_19 : vector<1x128xf32> to vector<1000x128xf32>
    %add3A_217 = arith.addf %dot_general3A_215, %add3A_216 : vector<1000x128xf32>
    %max3A_218 = arith.constant 0.000000e+00 : f32
    %max3A_219 = vector.broadcast %max3A_218 : f32 to vector<1000x128xf32>
    %max3A_220 = arith.maximumf %add3A_217, %max3A_219 : vector<1000x128xf32>
    %reduce_sum3A_221 = arith.constant dense<0.000000e+00> : vector<1000xf32>
    %reduce_sum3A_222 = vector.multi_reduction <add>, %max3A_220, %reduce_sum3A_221 [1] : vector<1000x128xf32> to vector<1000xf32>
    %broadcast_in_dim3A_223 = vector.shape_cast %reduce_sum3A_222 : vector<1000xf32> to vector<1000x1xf32>
    %div3A_224 = arith.constant 1.280000e+02 : f32
    %div3A_225 = vector.broadcast %div3A_224 : f32 to vector<1000x1xf32>
    %div3A_226 = arith.divf %broadcast_in_dim3A_223, %div3A_225 : vector<1000x1xf32>
    %sub3A_227 = vector.broadcast %div3A_226 : vector<1000x1xf32> to vector<1000x128xf32>
    %sub3A_228 = arith.subf %max3A_220, %sub3A_227 : vector<1000x128xf32>
    %integer_pow3A_229 = arith.mulf %sub3A_228, %sub3A_228 : vector<1000x128xf32>
    %reduce_sum3A_230 = arith.constant dense<0.000000e+00> : vector<1000xf32>
    %reduce_sum3A_231 = vector.multi_reduction <add>, %integer_pow3A_229, %reduce_sum3A_230 [1] : vector<1000x128xf32> to vector<1000xf32>
    %broadcast_in_dim3A_232 = vector.shape_cast %reduce_sum3A_231 : vector<1000xf32> to vector<1000x1xf32>
    %div3A_233 = arith.constant 1.280000e+02 : f32
    %div3A_234 = vector.broadcast %div3A_233 : f32 to vector<1000x1xf32>
    %div3A_235 = arith.divf %broadcast_in_dim3A_232, %div3A_234 : vector<1000x1xf32>
    %sub3A_236 = vector.broadcast %div3A_226 : vector<1000x1xf32> to vector<1000x128xf32>
    %sub3A_237 = arith.subf %max3A_220, %sub3A_236 : vector<1000x128xf32>
    %add3A_238 = arith.constant 9.99999974E-6 : f32
    %add3A_239 = vector.broadcast %add3A_238 : f32 to vector<1000x1xf32>
    %add3A_240 = arith.addf %div3A_235, %add3A_239 : vector<1000x1xf32>
    %sqrt3A_241 = math.sqrt %add3A_240 : vector<1000x1xf32>
    %div3A_242 = vector.broadcast %sqrt3A_241 : vector<1000x1xf32> to vector<1000x128xf32>
    %div3A_243 = arith.divf %sub3A_237, %div3A_242 : vector<1000x128xf32>
    %mul3A_244 = vector.broadcast %get3A_22 : vector<1x128xf32> to vector<1000x128xf32>
    %mul3A_245 = arith.mulf %div3A_243, %mul3A_244 : vector<1000x128xf32>
    %add3A_246 = vector.broadcast %get3A_25 : vector<1x128xf32> to vector<1000x128xf32>
    %add3A_247 = arith.addf %mul3A_245, %add3A_246 : vector<1000x128xf32>
    %swap3A_248 = arith.constant 5000 : index
    %swap3A_249 = arith.constant 0 : index
    %swap3A_250 = vector.load %arg8[%swap3A_248, %swap3A_249] : memref<8000x128xf32, #tpu.memory_space<vmem>>, vector<1000x128xf32>
    tpu.vector_store %arg8[%swap3A_248, %swap3A_249], %add3A_247 {strides = array<i32>} : memref<8000x128xf32, #tpu.memory_space<vmem>>, vector<1000x128xf32>,
    %slice3A_251 = vector.extract_strided_slice %add3A_12 {offsets = [0, 768], sizes = [1000, 128], strides = [1, 1]} : vector<1000x1024xf32> to vector<1000x128xf32>
    %convert_element_type3A_252 = arith.truncf %slice3A_251 : vector<1000x128xf32> to vector<1000x128xbf16>
    %dot_general3A_253 = arith.constant dense<0.000000e+00> : vector<1000x128xf32>
    %dot_general3A_254 = tpu.matmul %convert_element_type3A_252, %convert_element_type3A_16, %dot_general3A_253 {dimension_numbers = #tpu.dot_dimension_numbers<[1], [0], [0], [1], [0, 0, 1, 1], [], []>, transpose_lhs_hint = false} : vector<1000x128xbf16>, vector<128x128xbf16>, vector<1000x128xf32> -> vector<1000x128xf32>
    %add3A_255 = vector.broadcast %get3A_19 : vector<1x128xf32> to vector<1000x128xf32>
    %add3A_256 = arith.addf %dot_general3A_254, %add3A_255 : vector<1000x128xf32>
    %max3A_257 = arith.constant 0.000000e+00 : f32
    %max3A_258 = vector.broadcast %max3A_257 : f32 to vector<1000x128xf32>
    %max3A_259 = arith.maximumf %add3A_256, %max3A_258 : vector<1000x128xf32>
    %reduce_sum3A_260 = arith.constant dense<0.000000e+00> : vector<1000xf32>
    %reduce_sum3A_261 = vector.multi_reduction <add>, %max3A_259, %reduce_sum3A_260 [1] : vector<1000x128xf32> to vector<1000xf32>
    %broadcast_in_dim3A_262 = vector.shape_cast %reduce_sum3A_261 : vector<1000xf32> to vector<1000x1xf32>
    %div3A_263 = arith.constant 1.280000e+02 : f32
    %div3A_264 = vector.broadcast %div3A_263 : f32 to vector<1000x1xf32>
    %div3A_265 = arith.divf %broadcast_in_dim3A_262, %div3A_264 : vector<1000x1xf32>
    %sub3A_266 = vector.broadcast %div3A_265 : vector<1000x1xf32> to vector<1000x128xf32>
    %sub3A_267 = arith.subf %max3A_259, %sub3A_266 : vector<1000x128xf32>
    %integer_pow3A_268 = arith.mulf %sub3A_267, %sub3A_267 : vector<1000x128xf32>
    %reduce_sum3A_269 = arith.constant dense<0.000000e+00> : vector<1000xf32>
    %reduce_sum3A_270 = vector.multi_reduction <add>, %integer_pow3A_268, %reduce_sum3A_269 [1] : vector<1000x128xf32> to vector<1000xf32>
    %broadcast_in_dim3A_271 = vector.shape_cast %reduce_sum3A_270 : vector<1000xf32> to vector<1000x1xf32>
    %div3A_272 = arith.constant 1.280000e+02 : f32
    %div3A_273 = vector.broadcast %div3A_272 : f32 to vector<1000x1xf32>
    %div3A_274 = arith.divf %broadcast_in_dim3A_271, %div3A_273 : vector<1000x1xf32>
    %sub3A_275 = vector.broadcast %div3A_265 : vector<1000x1xf32> to vector<1000x128xf32>
    %sub3A_276 = arith.subf %max3A_259, %sub3A_275 : vector<1000x128xf32>
    %add3A_277 = arith.constant 9.99999974E-6 : f32
    %add3A_278 = vector.broadcast %add3A_277 : f32 to vector<1000x1xf32>
    %add3A_279 = arith.addf %div3A_274, %add3A_278 : vector<1000x1xf32>
    %sqrt3A_280 = math.sqrt %add3A_279 : vector<1000x1xf32>
    %div3A_281 = vector.broadcast %sqrt3A_280 : vector<1000x1xf32> to vector<1000x128xf32>
    %div3A_282 = arith.divf %sub3A_276, %div3A_281 : vector<1000x128xf32>
    %mul3A_283 = vector.broadcast %get3A_22 : vector<1x128xf32> to vector<1000x128xf32>
    %mul3A_284 = arith.mulf %div3A_282, %mul3A_283 : vector<1000x128xf32>
    %add3A_285 = vector.broadcast %get3A_25 : vector<1x128xf32> to vector<1000x128xf32>
    %add3A_286 = arith.addf %mul3A_284, %add3A_285 : vector<1000x128xf32>
    %swap3A_287 = arith.constant 6000 : index
    %swap3A_288 = arith.constant 0 : index
    %swap3A_289 = vector.load %arg8[%swap3A_287, %swap3A_288] : memref<8000x128xf32, #tpu.memory_space<vmem>>, vector<1000x128xf32>
    tpu.vector_store %arg8[%swap3A_287, %swap3A_288], %add3A_286 {strides = array<i32>} : memref<8000x128xf32, #tpu.memory_space<vmem>>, vector<1000x128xf32>,
    %slice3A_290 = vector.extract_strided_slice %add3A_12 {offsets = [0, 896], sizes = [1000, 128], strides = [1, 1]} : vector<1000x1024xf32> to vector<1000x128xf32>
    %convert_element_type3A_291 = arith.truncf %slice3A_290 : vector<1000x128xf32> to vector<1000x128xbf16>
    %dot_general3A_292 = arith.constant dense<0.000000e+00> : vector<1000x128xf32>
    %dot_general3A_293 = tpu.matmul %convert_element_type3A_291, %convert_element_type3A_16, %dot_general3A_292 {dimension_numbers = #tpu.dot_dimension_numbers<[1], [0], [0], [1], [0, 0, 1, 1], [], []>, transpose_lhs_hint = false} : vector<1000x128xbf16>, vector<128x128xbf16>, vector<1000x128xf32> -> vector<1000x128xf32>
    %add3A_294 = vector.broadcast %get3A_19 : vector<1x128xf32> to vector<1000x128xf32>
    %add3A_295 = arith.addf %dot_general3A_293, %add3A_294 : vector<1000x128xf32>
    %max3A_296 = arith.constant 0.000000e+00 : f32
    %max3A_297 = vector.broadcast %max3A_296 : f32 to vector<1000x128xf32>
    %max3A_298 = arith.maximumf %add3A_295, %max3A_297 : vector<1000x128xf32>
    %reduce_sum3A_299 = arith.constant dense<0.000000e+00> : vector<1000xf32>
    %reduce_sum3A_300 = vector.multi_reduction <add>, %max3A_298, %reduce_sum3A_299 [1] : vector<1000x128xf32> to vector<1000xf32>
    %broadcast_in_dim3A_301 = vector.shape_cast %reduce_sum3A_300 : vector<1000xf32> to vector<1000x1xf32>
    %div3A_302 = arith.constant 1.280000e+02 : f32
    %div3A_303 = vector.broadcast %div3A_302 : f32 to vector<1000x1xf32>
    %div3A_304 = arith.divf %broadcast_in_dim3A_301, %div3A_303 : vector<1000x1xf32>
    %sub3A_305 = vector.broadcast %div3A_304 : vector<1000x1xf32> to vector<1000x128xf32>
    %sub3A_306 = arith.subf %max3A_298, %sub3A_305 : vector<1000x128xf32>
    %integer_pow3A_307 = arith.mulf %sub3A_306, %sub3A_306 : vector<1000x128xf32>
    %reduce_sum3A_308 = arith.constant dense<0.000000e+00> : vector<1000xf32>
    %reduce_sum3A_309 = vector.multi_reduction <add>, %integer_pow3A_307, %reduce_sum3A_308 [1] : vector<1000x128xf32> to vector<1000xf32>
    %broadcast_in_dim3A_310 = vector.shape_cast %reduce_sum3A_309 : vector<1000xf32> to vector<1000x1xf32>
    %div3A_311 = arith.constant 1.280000e+02 : f32
    %div3A_312 = vector.broadcast %div3A_311 : f32 to vector<1000x1xf32>
    %div3A_313 = arith.divf %broadcast_in_dim3A_310, %div3A_312 : vector<1000x1xf32>
    %sub3A_314 = vector.broadcast %div3A_304 : vector<1000x1xf32> to vector<1000x128xf32>
    %sub3A_315 = arith.subf %max3A_298, %sub3A_314 : vector<1000x128xf32>
    %add3A_316 = arith.constant 9.99999974E-6 : f32
    %add3A_317 = vector.broadcast %add3A_316 : f32 to vector<1000x1xf32>
    %add3A_318 = arith.addf %div3A_313, %add3A_317 : vector<1000x1xf32>
    %sqrt3A_319 = math.sqrt %add3A_318 : vector<1000x1xf32>
    %div3A_320 = vector.broadcast %sqrt3A_319 : vector<1000x1xf32> to vector<1000x128xf32>
    %div3A_321 = arith.divf %sub3A_315, %div3A_320 : vector<1000x128xf32>
    %mul3A_322 = vector.broadcast %get3A_22 : vector<1x128xf32> to vector<1000x128xf32>
    %mul3A_323 = arith.mulf %div3A_321, %mul3A_322 : vector<1000x128xf32>
    %add3A_324 = vector.broadcast %get3A_25 : vector<1x128xf32> to vector<1000x128xf32>
    %add3A_325 = arith.addf %mul3A_323, %add3A_324 : vector<1000x128xf32>
    %swap3A_326 = arith.constant 7000 : index
    %swap3A_327 = arith.constant 0 : index
    %swap3A_328 = vector.load %arg8[%swap3A_326, %swap3A_327] : memref<8000x128xf32, #tpu.memory_space<vmem>>, vector<1000x128xf32>
    tpu.vector_store %arg8[%swap3A_326, %swap3A_327], %add3A_325 {strides = array<i32>} : memref<8000x128xf32, #tpu.memory_space<vmem>>, vector<1000x128xf32>,
    return
  }
  func.func @transform_0(%arg0: i32) -> (i32, i32) {
    %c0_i32 = arith.constant 0 : i32
    %c0_i32_0 = arith.constant 0 : i32
    return %arg0, %c0_i32 : i32, i32
  }
  func.func @transform_1(%arg0: i32) -> (i32, i32) {
    %c0_i32 = arith.constant 0 : i32
    %c0_i32_0 = arith.constant 0 : i32
    %c0_i32_1 = arith.constant 0 : i32
    return %c0_i32, %c0_i32_0 : i32, i32
  }
  func.func @transform_2(%arg0: i32) -> (i32, i32) {
    %c0_i32 = arith.constant 0 : i32
    %c0_i32_0 = arith.constant 0 : i32
    %c0_i32_1 = arith.constant 0 : i32
    return %c0_i32, %c0_i32_0 : i32, i32
  }
  func.func @transform_3(%arg0: i32) -> (i32, i32) {
    %c0_i32 = arith.constant 0 : i32
    %c0_i32_0 = arith.constant 0 : i32
    %c0_i32_1 = arith.constant 0 : i32
    return %c0_i32, %c0_i32_0 : i32, i32
  }
  func.func @transform_4(%arg0: i32) -> (i32, i32) {
    %c0_i32 = arith.constant 0 : i32
    %c0_i32_0 = arith.constant 0 : i32
    %c0_i32_1 = arith.constant 0 : i32
    return %c0_i32, %c0_i32_0 : i32, i32
  }
  func.func @transform_5(%arg0: i32) -> (i32, i32) {
    %c0_i32 = arith.constant 0 : i32
    %c0_i32_0 = arith.constant 0 : i32
    %c0_i32_1 = arith.constant 0 : i32
    return %c0_i32, %c0_i32_0 : i32, i32
  }
  func.func @transform_6(%arg0: i32) -> (i32, i32) {
    %c0_i32 = arith.constant 0 : i32
    %c0_i32_0 = arith.constant 0 : i32
    %c0_i32_1 = arith.constant 0 : i32
    return %c0_i32, %c0_i32_0 : i32, i32
  }
  func.func @transform_7(%arg0: i32) -> (i32, i32) {
    %c0_i32 = arith.constant 0 : i32
    %c0_i32_0 = arith.constant 0 : i32
    return %arg0, %c0_i32 : i32, i32
  }
}

module attributes {stable_mosaic.version = 14 : i64} {
  func.func @_node_mlp_kernel(%arg0: i32, %arg1: memref<1000x128xf32, #tpu.memory_space<vmem>>, %arg2: memref<1000x128xf32, #tpu.memory_space<vmem>>, %arg3: memref<128x128xf32, #tpu.memory_space<vmem>>, %arg4: memref<1x128xf32, #tpu.memory_space<vmem>>, %arg5: memref<128x128xf32, #tpu.memory_space<vmem>>, %arg6: memref<1x128xf32, #tpu.memory_space<vmem>>, %arg7: memref<1x128xf32, #tpu.memory_space<vmem>>, %arg8: memref<1x128xf32, #tpu.memory_space<vmem>>, %arg9: memref<1000x128xf32, #tpu.memory_space<vmem>>) attributes {dimension_semantics = [#tpu.dimension_semantics<arbitrary>], iteration_bounds = array<i64: 10>, scalar_prefetch = 0 : i64, scratch_operands = 0 : i64, tpu.core_type = #tpu.core_type<tc>, window_params = [{transform_indices = @transform_0, window_bounds = array<i64: 1000, 128>}, {transform_indices = @transform_1, window_bounds = array<i64: 1000, 128>}, {pipeline_mode = #tpu.pipeline_mode<synchronous>, transform_indices = @transform_2, window_bounds = array<i64: 128, 128>}, {pipeline_mode = #tpu.pipeline_mode<synchronous>, transform_indices = @transform_3, window_bounds = array<i64: 1, 128>}, {pipeline_mode = #tpu.pipeline_mode<synchronous>, transform_indices = @transform_4, window_bounds = array<i64: 128, 128>}, {pipeline_mode = #tpu.pipeline_mode<synchronous>, transform_indices = @transform_5, window_bounds = array<i64: 1, 128>}, {pipeline_mode = #tpu.pipeline_mode<synchronous>, transform_indices = @transform_6, window_bounds = array<i64: 1, 128>}, {pipeline_mode = #tpu.pipeline_mode<synchronous>, transform_indices = @transform_7, window_bounds = array<i64: 1, 128>}, {transform_indices = @transform_8, window_bounds = array<i64: 1000, 128>}]} {
    %get3A = arith.constant 0 : index
    %get3A_0 = arith.constant 0 : index
    %get3A_1 = vector.load %arg1[%get3A, %get3A_0] : memref<1000x128xf32, #tpu.memory_space<vmem>>, vector<1000x128xf32>
    %get3A_2 = arith.constant 0 : index
    %get3A_3 = arith.constant 0 : index
    %get3A_4 = vector.load %arg3[%get3A_2, %get3A_3] : memref<128x128xf32, #tpu.memory_space<vmem>>, vector<128x128xf32>
    %dot_general3A = arith.constant dense<0.000000e+00> : vector<1000x128xf32>
    %dot_general3A_5 = tpu.matmul %get3A_1, %get3A_4, %dot_general3A {dimension_numbers = #tpu.dot_dimension_numbers<[1], [0], [0], [1], [0, 0, 1, 1], [], []>, transpose_lhs_hint = false} : vector<1000x128xf32>, vector<128x128xf32>, vector<1000x128xf32> -> vector<1000x128xf32>
    %get3A_6 = arith.constant 0 : index
    %get3A_7 = arith.constant 0 : index
    %get3A_8 = vector.load %arg4[%get3A_6, %get3A_7] : memref<1x128xf32, #tpu.memory_space<vmem>>, vector<1x128xf32>
    %mul3A = arith.constant 1.700000e+01 : f32
    %mul3A_9 = vector.broadcast %mul3A : f32 to vector<1x128xf32>
    %mul3A_10 = arith.mulf %mul3A_9, %get3A_8 : vector<1x128xf32>
    %add3A = vector.broadcast %mul3A_10 : vector<1x128xf32> to vector<1000x128xf32>
    %add3A_11 = arith.addf %dot_general3A_5, %add3A : vector<1000x128xf32>
    %get3A_12 = arith.constant 0 : index
    %get3A_13 = arith.constant 0 : index
    %get3A_14 = vector.load %arg2[%get3A_12, %get3A_13] : memref<1000x128xf32, #tpu.memory_space<vmem>>, vector<1000x128xf32>
    %add3A_15 = arith.addf %add3A_11, %get3A_14 : vector<1000x128xf32>
    %get3A_16 = arith.constant 0 : index
    %get3A_17 = arith.constant 0 : index
    %get3A_18 = vector.load %arg5[%get3A_16, %get3A_17] : memref<128x128xf32, #tpu.memory_space<vmem>>, vector<128x128xf32>
    %dot_general3A_19 = arith.constant dense<0.000000e+00> : vector<1000x128xf32>
    %dot_general3A_20 = tpu.matmul %add3A_15, %get3A_18, %dot_general3A_19 {dimension_numbers = #tpu.dot_dimension_numbers<[1], [0], [0], [1], [0, 0, 1, 1], [], []>, transpose_lhs_hint = false} : vector<1000x128xf32>, vector<128x128xf32>, vector<1000x128xf32> -> vector<1000x128xf32>
    %get3A_21 = arith.constant 0 : index
    %get3A_22 = arith.constant 0 : index
    %get3A_23 = vector.load %arg6[%get3A_21, %get3A_22] : memref<1x128xf32, #tpu.memory_space<vmem>>, vector<1x128xf32>
    %add3A_24 = vector.broadcast %get3A_23 : vector<1x128xf32> to vector<1000x128xf32>
    %add3A_25 = arith.addf %dot_general3A_20, %add3A_24 : vector<1000x128xf32>
    %max3A = arith.constant 0.000000e+00 : f32
    %max3A_26 = vector.broadcast %max3A : f32 to vector<1000x128xf32>
    %max3A_27 = arith.maximumf %add3A_25, %max3A_26 : vector<1000x128xf32>
    %reduce_sum3A = arith.constant dense<0.000000e+00> : vector<1000xf32>
    %reduce_sum3A_28 = vector.multi_reduction <add>, %max3A_27, %reduce_sum3A [1] : vector<1000x128xf32> to vector<1000xf32>
    %broadcast_in_dim3A = vector.shape_cast %reduce_sum3A_28 : vector<1000xf32> to vector<1000x1xf32>
    %div3A = arith.constant 1.280000e+02 : f32
    %div3A_29 = vector.broadcast %div3A : f32 to vector<1000x1xf32>
    %div3A_30 = arith.divf %broadcast_in_dim3A, %div3A_29 : vector<1000x1xf32>
    %sub3A = vector.broadcast %div3A_30 : vector<1000x1xf32> to vector<1000x128xf32>
    %sub3A_31 = arith.subf %max3A_27, %sub3A : vector<1000x128xf32>
    %integer_pow3A = arith.mulf %sub3A_31, %sub3A_31 : vector<1000x128xf32>
    %reduce_sum3A_32 = arith.constant dense<0.000000e+00> : vector<1000xf32>
    %reduce_sum3A_33 = vector.multi_reduction <add>, %integer_pow3A, %reduce_sum3A_32 [1] : vector<1000x128xf32> to vector<1000xf32>
    %broadcast_in_dim3A_34 = vector.shape_cast %reduce_sum3A_33 : vector<1000xf32> to vector<1000x1xf32>
    %div3A_35 = arith.constant 1.280000e+02 : f32
    %div3A_36 = vector.broadcast %div3A_35 : f32 to vector<1000x1xf32>
    %div3A_37 = arith.divf %broadcast_in_dim3A_34, %div3A_36 : vector<1000x1xf32>
    %sub3A_38 = vector.broadcast %div3A_30 : vector<1000x1xf32> to vector<1000x128xf32>
    %sub3A_39 = arith.subf %max3A_27, %sub3A_38 : vector<1000x128xf32>
    %add3A_40 = arith.constant 9.99999974E-6 : f32
    %add3A_41 = vector.broadcast %add3A_40 : f32 to vector<1000x1xf32>
    %add3A_42 = arith.addf %div3A_37, %add3A_41 : vector<1000x1xf32>
    %sqrt3A = math.sqrt %add3A_42 : vector<1000x1xf32>
    %div3A_43 = vector.broadcast %sqrt3A : vector<1000x1xf32> to vector<1000x128xf32>
    %div3A_44 = arith.divf %sub3A_39, %div3A_43 : vector<1000x128xf32>
    %get3A_45 = arith.constant 0 : index
    %get3A_46 = arith.constant 0 : index
    %get3A_47 = vector.load %arg7[%get3A_45, %get3A_46] : memref<1x128xf32, #tpu.memory_space<vmem>>, vector<1x128xf32>
    %mul3A_48 = vector.broadcast %get3A_47 : vector<1x128xf32> to vector<1000x128xf32>
    %mul3A_49 = arith.mulf %div3A_44, %mul3A_48 : vector<1000x128xf32>
    %get3A_50 = arith.constant 0 : index
    %get3A_51 = arith.constant 0 : index
    %get3A_52 = vector.load %arg8[%get3A_50, %get3A_51] : memref<1x128xf32, #tpu.memory_space<vmem>>, vector<1x128xf32>
    %add3A_53 = vector.broadcast %get3A_52 : vector<1x128xf32> to vector<1000x128xf32>
    %add3A_54 = arith.addf %mul3A_49, %add3A_53 : vector<1000x128xf32>
    %swap3A = arith.constant 0 : index
    %swap3A_55 = arith.constant 0 : index
    %swap3A_56 = vector.load %arg9[%swap3A, %swap3A_55] : memref<1000x128xf32, #tpu.memory_space<vmem>>, vector<1000x128xf32>
    tpu.vector_store %arg9[%swap3A, %swap3A_55], %add3A_54 {strides = array<i32>} : memref<1000x128xf32, #tpu.memory_space<vmem>>, vector<1000x128xf32>,
    return
  }
  func.func @transform_0(%arg0: i32) -> (i32, i32) {
    %c0_i32 = arith.constant 0 : i32
    %c0_i32_0 = arith.constant 0 : i32
    return %arg0, %c0_i32 : i32, i32
  }
  func.func @transform_1(%arg0: i32) -> (i32, i32) {
    %c0_i32 = arith.constant 0 : i32
    %c0_i32_0 = arith.constant 0 : i32
    return %arg0, %c0_i32 : i32, i32
  }
  func.func @transform_2(%arg0: i32) -> (i32, i32) {
    %c0_i32 = arith.constant 0 : i32
    %c0_i32_0 = arith.constant 0 : i32
    %c0_i32_1 = arith.constant 0 : i32
    return %c0_i32, %c0_i32_0 : i32, i32
  }
  func.func @transform_3(%arg0: i32) -> (i32, i32) {
    %c0_i32 = arith.constant 0 : i32
    %c0_i32_0 = arith.constant 0 : i32
    %c0_i32_1 = arith.constant 0 : i32
    return %c0_i32, %c0_i32_0 : i32, i32
  }
  func.func @transform_4(%arg0: i32) -> (i32, i32) {
    %c0_i32 = arith.constant 0 : i32
    %c0_i32_0 = arith.constant 0 : i32
    %c0_i32_1 = arith.constant 0 : i32
    return %c0_i32, %c0_i32_0 : i32, i32
  }
  func.func @transform_5(%arg0: i32) -> (i32, i32) {
    %c0_i32 = arith.constant 0 : i32
    %c0_i32_0 = arith.constant 0 : i32
    %c0_i32_1 = arith.constant 0 : i32
    return %c0_i32, %c0_i32_0 : i32, i32
  }
  func.func @transform_6(%arg0: i32) -> (i32, i32) {
    %c0_i32 = arith.constant 0 : i32
    %c0_i32_0 = arith.constant 0 : i32
    %c0_i32_1 = arith.constant 0 : i32
    return %c0_i32, %c0_i32_0 : i32, i32
  }
  func.func @transform_7(%arg0: i32) -> (i32, i32) {
    %c0_i32 = arith.constant 0 : i32
    %c0_i32_0 = arith.constant 0 : i32
    %c0_i32_1 = arith.constant 0 : i32
    return %c0_i32, %c0_i32_0 : i32, i32
  }
  func.func @transform_8(%arg0: i32) -> (i32, i32) {
    %c0_i32 = arith.constant 0 : i32
    %c0_i32_0 = arith.constant 0 : i32
    return %arg0, %c0_i32 : i32, i32
  }
}

</mosaic_0001>

<sc_bundles>
// kernel: kernel.6.cloned.1.call-start
scs
__scs_entry_jumppad:
0x0: {  	(pc) =	sbr.rel $0x88, $3  }
0x1: {  	(tag) =	ssettag $0x0;
	lr =	simm.s32 $0x1  }
0x2: {  	[smem:$0x3F93] =	sst lr;
	_ =	strace $0xD0000000  }
0x3: {  	_ = 	snop  }
0x4: {  	_ = 	snop  }
0x5: {  	_ = 	snop  }
0x6: {  	_ = 	snop  }
0x7: {  	_ = 	snop  }
__scs_overlays_trampoline_lowered:
0x8: {  	[smem:$0x3FA2] =	sst s0  }
0x9: {  	[smem:$0x3FA3] =	sst s1  }
0xa: {  	[smem:$0x3FA4] =	sst s2  }
0xb: {  	[smem:$0x3FA5] =	sst s3  }
0xc: {  	[smem:$0x3FA6] =	sst s4  }
0xd: {  	[smem:$0x3FA7] =	sst s5  }
0xe: {  	[smem:$0x3FA8] =	sst s6  }
0xf: {  	[smem:$0x3FA9] =	sst s7  }
0x10: {  	[smem:$0x3FAA] =	sst s8  }
0x11: {  	[smem:$0x3FAB] =	sst s9;
	s0 =	simm.s32 @!p0 $0x0  }
0x12: {  	s1 =	sld [smem:$0x3F91];
	s0 =	simm.s32 @p0 $0x1  }
0x13: {  	[smem:$0x3FAC] =	sst s0;
	s0 =	simm.s32 @!p1 $0x0  }
0x14: {  	s2 =	sld [smem:$0x3F90];
	s0 =	simm.s32 @p1 $0x1  }
0x15: {  	[smem:$0x3FAD] =	sst s0;
	s0 =	simm.s32 @!p2 $0x0  }
0x16: {  	s3 =	sld [smem:$0x3FDB];
	s0 =	simm.s32 @p2 $0x1  }
0x17: {  	s4 =	simm.s32 $0x1BF5;
	[smem:$0x3FAF] =	sst s0  }
0x18: {  	s0 =	sld [smem:$0x3F92];
	_ =	swait.ge [sflag:s4], $0x0  }
0x19: {  	s7 =	sld [smem:$0x3F93]  }
0x1a: {  	s8 =	sadd.s32 $0xFFFFE003, lr  }
0x1b: {  	s9 =	sadd.s32 $0xFFFFFEF7, lr;
	s5 =	simm.s32 $0xFFFFFFFF;
	p2 =	slt.u32 s8, $0xFFFFF086  }
0x1c: {  	p1 =	slt.u32 s9, $0xF7A;
	s5 =	simm.s32 @!p2 $0x0  }
0x1d: {  	s5 =	simm.s32 @p1 $0x1;
	p0 =	seq.s32 s7, s2  }
0x1e: {  	s7 =	smul.u32 @!p0 $0xF7A, s2;
	p2 =	seq.s32 @!p0 s5, $0x0  }
0x1f: {  	s9 =	smul.u32 $0xF7A, s1;
	s8 =	simm.s32 @!p0 $0x1BF5;
	p2 =	por !p2, p0  }
0x20: {  	[sflag:s8] =	ssyncset.s32 @!p0 $0xFFFFF086;
	s6 =	sadd.s32 @!p0 s3, s7;
	s7 =	simm.s32 @!p0 $0x108  }
0x21: {  	s3 =	sadd.s32 s3, s9;
	s6 =	sadd.s32 @!p0 $0x88, s6;
	s7 =	simm.s32 @p2 $0x1082  }
0x22: {  	[simem:s7], [sflag:s8] =	dma.local @!p0 [hbm:s6], $0xF7A  }
0x23: {  	s9 =	sor.u32 $0xD0000000, s2;
	s6 =	simm.s32 $0x108;
	_ =	swait.ge @!p0 [sflag:s8], $0x0  }
0x24: {  	s3 =	sadd.s32 $0x88, s3;
	s6 =	simm.s32 @!p1 $0x1082;
	[sflag:s4] =	ssyncset.s32 $0xFFFFF086  }
0x25: {  	[simem:s6], [sflag:s4] =	dma.local [hbm:s3], $0xF7A  }
0x26: {  	[smem:$0x3F93] =	sst s1;
	(tag) =	ssettag s2;
	_ =	strace s9  }
0x27: {  	s1 =	sld [smem:$0x3FA3]  }
0x28: {  	s2 =	sld [smem:$0x3FA4]  }
0x29: {  	s4 =	sld [smem:$0x3FA6]  }
0x2a: {  	p0 =	seq.s32 s5, $0x0;
	s5 =	sld [smem:$0x3FA7]  }
0x2b: {  	s6 =	sld [smem:$0x3FA8]  }
0x2c: {  	s7 =	sld [smem:$0x3FA9]  }
0x2d: {  	s3 =	simm.s32 $0x108;
	s8 =	sld [smem:$0x3FAA]  }
0x2e: {  	s3 =	simm.s32 @!p0 $0x1082;
	s9 =	sld [smem:$0x3FAB]  }
0x2f: {  	lr =	sadd.s32 s0, s3;
	s0 =	sld [smem:$0x3FA2]  }
0x30: {  	s3 =	sld [smem:$0x3FA5]  }
0x31: {  	[smem:$0x3FAE] =	sst s10  }
0x32: {  	s10 =	sld [smem:$0x3FAC];
	_ =	sdelay $0x3  }
0x33: {  	p0 =	seq.s32 s10, $0x1;
	s10 =	sld [smem:$0x3FAE];
	_ =	sdelay $0x3  }
0x34: {  	[smem:$0x3FAE] =	sst s10  }
0x35: {  	s10 =	sld [smem:$0x3FAD];
	_ =	sdelay $0x3  }
0x36: {  	p1 =	seq.s32 s10, $0x1;
	s10 =	sld [smem:$0x3FAE];
	_ =	sdelay $0x3  }
0x37: {  	[smem:$0x3FAE] =	sst s10  }
0x38: {  	s10 =	sld [smem:$0x3FAF]  }
0x39: {  	_ = 	snop;
	(pc) =	sbr.ind lr, $3  }
0x3a: {  	_ = 	snop  }
0x3b: {  	_ = 	snop  }
0x3c: {  	p2 =	seq.s32 s10, $0x1;
	s10 =	sld [smem:$0x3FAE]  }
0x3d: {  	_ =	shalt  }
0x3e: {  	_ =	shalt  }
0x3f: {  	_ =	shalt  }
0x40: {  	_ =	shalt  }
0x41: {  	_ =	shalt  }
0x42: {  	_ =	shalt  }
0x43: {  	_ =	shalt  }
0x44: {  	_ =	shalt  }
0x45: {  	_ =	shalt  }
0x46: {  	_ =	shalt  }
0x47: {  	_ =	shalt  }
0x48: {  	_ =	shalt  }
0x49: {  	_ =	shalt  }
0x4a: {  	_ =	shalt  }
0x4b: {  	_ =	shalt  }
0x4c: {  	_ =	shalt  }
0x4d: {  	_ =	shalt  }
0x4e: {  	_ =	shalt  }
0x4f: {  	_ =	shalt  }
0x50: {  	_ =	shalt  }
0x51: {  	_ =	shalt  }
0x52: {  	_ =	shalt  }
0x53: {  	_ =	shalt  }
0x54: {  	_ =	shalt  }
0x55: {  	_ =	shalt  }
0x56: {  	_ =	shalt  }
0x57: {  	_ =	shalt  }
0x58: {  	_ =	shalt  }
0x59: {  	_ =	shalt  }
0x5a: {  	_ =	shalt  }
0x5b: {  	_ =	shalt  }
0x5c: {  	_ =	shalt  }
0x5d: {  	_ =	shalt  }
0x5e: {  	_ =	shalt  }
0x5f: {  	_ =	shalt  }
0x60: {  	_ =	shalt  }
0x61: {  	_ =	shalt  }
0x62: {  	_ =	shalt  }
0x63: {  	_ =	shalt  }
0x64: {  	_ =	shalt  }
0x65: {  	_ =	shalt  }
0x66: {  	_ =	shalt  }
0x67: {  	_ =	shalt  }
0x68: {  	_ =	shalt  }
0x69: {  	_ =	shalt  }
0x6a: {  	_ =	shalt  }
0x6b: {  	_ =	shalt  }
0x6c: {  	_ =	shalt  }
0x6d: {  	_ =	shalt  }
0x6e: {  	_ =	shalt  }
0x6f: {  	_ =	shalt  }
0x70: {  	_ =	shalt  }
0x71: {  	_ =	shalt  }
0x72: {  	_ =	shalt  }
0x73: {  	_ =	shalt  }
0x74: {  	_ =	shalt  }
0x75: {  	_ =	shalt  }
0x76: {  	_ =	shalt  }
0x77: {  	_ =	shalt  }
0x78: {  	_ =	shalt  }
0x79: {  	_ =	shalt  }
0x7a: {  	_ =	shalt  }
0x7b: {  	_ =	shalt  }
0x7c: {  	_ =	shalt  }
0x7d: {  	_ =	shalt  }
0x7e: {  	_ =	shalt  }
0x7f: {  	_ =	shalt  }
0x80: {  	_ =	shalt  }
0x81: {  	_ =	shalt  }
0x82: {  	_ =	shalt  }
0x83: {  	_ =	shalt  }
0x84: {  	_ =	shalt  }
0x85: {  	_ =	shalt  }
0x86: {  	_ =	shalt  }
0x87: {  	_ =	shalt  }
.Lfunc_end0:
.L_simem_size_0:
called_computation_lowered:
.L_overlay_start_0:
0x88: {  	s2 =	sld [smem:$0x3FD9]  }
0x89: {  	s3 =	sld [smem:$0x3FFE];
	_ =	sdelay $0x1  }
0x8a: {  	s1 =	srdreg.scid  }
0x8b: {  	s0 =	sand.u32 $0x1, s1  }
0x8c: {  	s14 =	sshll.u32 s0, $0xA;
	s2 =	sadd.s32 s3, s2  }
0x8d: {  	s2 =	sadd.s32 s2, s14  }
0x8e: {  	[smem:$0x3FBA] =	sst s2  }
0x8f: {  	_ = 	snop  }
0x90: {  	s2 =	sld [smem:$0x3FD0];
	_ =	sdelay $0x2  }
0x91: {  	s15 =	simm.s32 $0xA;
	s4 =	simm.s32 $0x10  }
0x92: {  	[smem:s4], [sflag:s15] =	dma.local [hbm:s2], $0x1  }
0x93: {  	_ =	swait.eq [sflag:s15], $0x1  }
0x94: {  	[sflag:s15] =	ssyncset.done $0x0  }
0x95: {  	s16 =	sld [smem:$0x10];
	[sflag:s15] =	ssyncadd.s32 $0xFFFFFFFF  }
0x96: {  	s17 =	sld [smem:$0x11];
	(tm) =	ssettm $0x1  }
0x97: {  	s18 =	sld [smem:$0x3FFB];
	_ =	sdelay $0x3  }
0x98: {  	_ =	strace s18  }
0x99: {  	s4 =	sld [smem:$0x3FFC];
	_ =	sdelay $0x3  }
0x9a: {  	_ =	strace s4  }
0x9b: {  	s4 =	sld [smem:$0x3FFD];
	_ =	sdelay $0x3  }
0x9c: {  	_ =	strace s4  }
0x9d: {  	_ =	strace $0x8FFFFFFF  }
0x9e: {  	s19 =	sld [smem:$0x3FDB];
	_ =	sdelay $0x1  }
0x9f: {  	s5 =	simm.s32 $_scs_section_size  }
0xa0: {  	s6 =	simm.s32 $_size__tile_overlayer_lowered;
	s7 =	simm.s32 $_tile_overlayer_lowered  }
0xa1: {  	s22 =	simm.s32 $0x1BFF;
	s21 =	sshll.u32 s7, $0x1;
	s4 =	sadd.s32 s5, s19  }
0xa2: {  	s8 =	simm.s32 $0x0;
	s20 =	sshll.u32 s6, $0x1;
	s6 =	sadd.s32 s21, s4  }
0xa3: {  	[timem:s8], [sflag:s22] =	dma.local [hbm:s6], s20  }
0xa4: {  	_ =	swait.ge [sflag:s22], s20  }
0xa5: {  	s5 =	ssub.s32 $0x0, s20;
	[sflag:s22] =	ssyncset.done $0x0  }
0xa6: {  	[sflag:s22] =	ssyncadd.s32 s5;
	_ =	sdelay $0x1  }
0xa7: {  	s23 =	simm.s32 $0x1B8B  }
0xa8: {  	_ =	swait.ge [sflag:s23], $0x1  }
0xa9: {  	[sflag:s23] =	ssyncset.done $0x0  }
0xaa: {  	s25 =	simm.s32 $0x1B8E;
	s24 =	sld [smem:$0x3FFE];
	[sflag:s23] =	ssyncadd.s32 $0xFFFFFFFF  }
0xab: {  	s26 =	simm.s32 $execute0_lowered;
	[smem:$0x3FD2] =	sst s25  }
0xac: {  	s6 =	sshll.u32 s26, $0x1;
	_ =	strace $0x80000046;
	[dreg:$0x1] =	wrdreg $0xFFFFFFFF  }
0xad: {  	s28 =	simm.s32 $_size_execute0_lowered;
	s4 =	sadd.s32 s4, s6;
	[dreg:$0x0] =	wrdreg $0x0  }
0xae: {  	s6 =	sshll.u32 s28, $0x1;
	[dreg:$0x2] =	wrdreg s4  }
0xaf: {  	[dreg:$0x3] =	wrdreg s6  }
0xb0: {  	[dreg:$0x4] =	wrdreg $0xC0  }
0xb1: {  	_ =	task [dreg:s8], $0x5FFFF  }
0xb2: {  	[dreg:$0x1] =	wrdreg $0xFFFFFFFF  }
0xb3: {  	[dreg:$0x0] =	wrdreg $0x60  }
0xb4: {  	[dreg:$0x2] =	wrdreg s24  }
0xb5: {  	[dreg:$0x3] =	wrdreg s16  }
0xb6: {  	[dreg:$0x4] =	wrdreg s17  }
0xb7: {  	[dreg:$0x5] =	wrdreg $0x9  }
0xb8: {  	_ =	task.clear_ibuf [dreg:s8], $0x6FFFF;
	_ =	strace $0x90000046  }
0xb9: {  	s29 =	simm.s32 $0x9;
	_ =	strace $0x80000048  }
0xba: {  	_ =	swait.ge [sflag:s29], $0x1  }
0xbb: {  	[sflag:s29] =	ssyncadd.s32 $0xFFFFFFFF  }
0xbc: {  	_ =	strace $0x90000048  }
0xbd: {  	_ =	sfence  }
0xbe: {  	s30 =	sld [smem:$0x0];
	_ =	sdelay $0x2  }
0xbf: {  	s31 =	sshll.u32 s1, $0xD;
	s1 =	sshrl.u32 s1, $0x2  }
0xc0: {  	s3 =	sand.u32 $0x4000, s31;
	s1 =	sadd.s32 s1, s30  }
0xc1: {  	s0 =	sor.u32 s3, s0;
	s1 =	sshll.u32 s1, $0x11  }
0xc2: {  	s0 =	sor.u32 s1, s0  }
0xc3: {  	s0 =	sadd.s32 $0x8F2B, s0  }
0xc4: {  	[sflag:s0] =	ssyncadd.remote.s32 $0x1  }
0xc5: {  	_ =	sfence.sel $0xFFFF  }
0xc6: {  	[dreg:$0x0] =	wrdreg $0xFFFFFFFF;
	(pc) =	sbr.abs _section_cstart, $3  }
0xc7: {  	[dreg:$0x1] =	wrdreg $0xFFFFFFFF  }
0xc8: {  	_ =	task.clear_ibuf [dreg:s8], $0x2FFFF;
	_ =	strace $0x9FFFFFFF  }
0xc9: {  	(tm) =	ssettm $0x7FFFFFFF  }
tec
execute0_lowered:
.L_overlay_start_1:
0x0: {  	(tag) =	ssettag $0x1  }
0x1: {  	s0 =	rddreg [dreg:$0x0]  }
0x2: {  	s1 =	srdreg.scid;
	s5 =	rddreg [dreg:$0x1]  }
0x3: {  	s2 =	rddreg [dreg:$0x2];
	s6 =	stileid.u32;
	s3 =	simm.s32 $0x0  }
0x4: {  	s12 =	simm.s32 $0xFA0;
	s14 =	simm.s32 $0x2EE0;
	s15 =	simm.s32 $0x3E80  }
0x5: {  	s16 =	simm.s32 $0x1;
	s17 =	simm.s32 $0x14820;
	s18 =	simm.s32 $0x4E20  }
0x6: {  	s19 =	simm.s32 $0x2;
	s20 =	simm.s32 $0x4;
	s1 =	sand.u32 $0x1, s1  }
0x7: {  	s21 =	simm.s32 $0x10;
	s22 =	simm.s32 $0x80;
	s4 =	sshll.u32 s1, $0x4  }
0x8: {  	s23 =	simm.s32 $0x186A0;
	s24 =	simm.s32 $0x3;
	s6 =	sor.u32 s6, s4  }
0x9: {  	[smem:$0x7FF] =	sst s3;
	s1 =	ssub.s32 $0x2, s1;
	s4 =	smul.u32 $0x4E20, s6  }
0xa: {  	s25 =	simm.s32 $0x0;
	_ =	strace $0x80000047;
	s7 =	sshrl.u32 s1, $0x1  }
0xb: {  	s8 =	smul.u32 $0x9C4, s6;
	s30 =	ssub.s32 s1, s7;
	s9 =	sshrl.u32 s4, $0x3  }
0xc: {  	s6 =	smul.u32 $0x5, s6;
	s11 =	smax.u32 s30, $0x1;
	s31 =	sadd.s32 s5, s9  }
0xd: {  	s4 =	sadd.s32 $0x3E00, s0;
	s5 =	sadd.s32 s5, s8;
	s7 =	sadd.s32 $0x1F4, s31  }
0xe: {  	s8 =	sadd.s32 $0x3E8, s31;
	s9 =	sadd.s32 $0x5DC, s31;
	s10 =	sadd.s32 $0x7D0, s31  }
.LBB2_1:
0xf: {  	[tilespmem:s3], [sflag:$0x1] =	stream.linear.gather [hbm4b:s5+s3], $0xFA0, $0x38;
	[tilespmem:$0x1C520] =	vst v63  }
0x10: {  	_ = 	snop  }
0x11: {  	[tilespmem:s12], [sflag:$0x1] =	stream.linear.gather [hbm4b:s7+s3], $0xFA0, $0x38;
	[tilespmem:$0x1C520] =	vst v63  }
0x12: {  	s0 =	simm.s32 $0x1F40  }
0x13: {  	[tilespmem:s0], [sflag:$0x1] =	stream.linear.gather [hbm4b:s8+s3], $0xFA0, $0x38;
	[tilespmem:$0x1C520] =	vst v63  }
0x14: {  	_ = 	snop  }
0x15: {  	[tilespmem:s14], [sflag:$0x1] =	stream.linear.gather [hbm4b:s9+s3], $0xFA0, $0x38;
	[tilespmem:$0x1C520] =	vst v63  }
0x16: {  	s26 =	simm.s32 $0x0  }
0x17: {  	[tilespmem:s15], [sflag:$0x1] =	stream.linear.gather [hbm4b:s10+s3], $0xFA0, $0x38;
	[tilespmem:$0x1C520] =	vst v63  }
.LBB2_2:
0x18: {  	s28 =	sadd.s32 s6, s26;
	p0 =	sgt.s32 s26, $0x1  }
0x19: {  	_ =	swait.ge [sflag:s16], $0xFA0;
	s0 =	smul.u32 $0x7D0, s28;
	p1 =	seq.s32 @p0 s26, $0x2  }
0x1a: {  	[sflag:s16] =	ssyncset.done $0x0;
	p2 =	por p1, !p0  }
0x1b: {  	[sflag:s16] =	ssyncadd.s32 $0xFFFFF060;
	s0 =	sadd.s32 s4, s0;
	p2 =	seq.s32 @!p2 s26, $0x3  }
0x1c: {  	[tilespmem:s17], [sflag:$0x4] =	stream.linear.gather [hbm4b:s0+s3], $0x3E80, $0x38;
	[tilespmem:$0x1C520] =	vst v63  }
0x1d: {  	p3 =	por @p0 p2, p1  }
0x1e: {  	p4 =	por !p1, !p0;
	p1 =	por @p0 !p2, p1;
	p2 =	por p3, !p0  }
0x1f: {  	p1 =	por !p1, !p0;
	s1 =	simm.s32 @!p2 $0x3E80;
	p2 =	seq.s32 @!p0 s26, $0x0  }
0x20: {  	s0 =	simm.s32 $0x0;
	s1 =	simm.s32 @p1 $0x2EE0;
	p1 =	por !p2, p0  }
0x21: {  	s1 =	simm.s32 @!p4 $0x1F40;
	s0 =	simm.s32 @p1 $0xFA0  }
0x22: {  	s0 =	smov.u32 @p0 s1  }
0x23: {  	[tilespmem:s18], [sflag:$0x2] =	stream.indirect.gather [hbm4b:s4+s12], $0x10, s0, s12, $0xb8;
	[tilespmem:$0x1C520] =	vst v63  }
0x24: {  	_ =	swait.ge [sflag:s19], $0xFA00  }
0x25: {  	[sflag:s19] =	ssyncset.done $0x0  }
0x26: {  	[sflag:s19] =	ssyncadd.s32 $0xFFFF0600  }
0x27: {  	_ =	swait.ge [sflag:s20], $0x3E80  }
0x28: {  	[sflag:s20] =	ssyncset.done $0x0  }
0x29: {  	s29 =	simm.s32 $0x0;
	[sflag:s20] =	ssyncadd.s32 $0xFFFFC180  }
0x2a: {  	s30 =	simm.s32 $0x4F20;
	v0 =	vld [tilespmem:s29+$0x14820]  }
0x2b: {  	v1 =	vld [tilespmem:s30+$0xFFFFFF00];
	_ =	sdelay $0x1  }
0x2c: {  	v2 =	vld [tilespmem:s30+$0xFFFFFF10];
	_ =	sdelay $0x1  }
0x2d: {  	v3 =	vld [tilespmem:s30+$0xFFFFFF20]  }
0x2e: {  	v0 =	vadd.f32 v1, v0  }
0x2f: {  	v1 =	vld [tilespmem:s30+$0xFFFFFF30]  }
0x30: {  	v0 =	vadd.f32 v2, v0;
	_ =	sdelay $0x1  }
0x31: {  	v0 =	vadd.f32 v3, v0;
	_ =	sdelay $0x1  }
0x32: {  	v0 =	vadd.f32 v1, v0;
	_ =	sdelay $0x1  }
0x33: {  	[tilespmem:s29+$0x186A0] =	vst v0;
	v0 =	vld [tilespmem:s29+$0x14830]  }
0x34: {  	v1 =	vld [tilespmem:s30+$0xFFFFFF40];
	_ =	sdelay $0x1  }
0x35: {  	v2 =	vld [tilespmem:s30+$0xFFFFFF50];
	_ =	sdelay $0x1  }
0x36: {  	v3 =	vld [tilespmem:s30+$0xFFFFFF60]  }
0x37: {  	v0 =	vadd.f32 v1, v0  }
0x38: {  	v1 =	vld [tilespmem:s30+$0xFFFFFF70]  }
0x39: {  	v0 =	vadd.f32 v2, v0;
	_ =	sdelay $0x1  }
0x3a: {  	v0 =	vadd.f32 v3, v0;
	_ =	sdelay $0x1  }
0x3b: {  	v0 =	vadd.f32 v1, v0;
	_ =	sdelay $0x1  }
0x3c: {  	[tilespmem:s29+$0x186B0] =	vst v0;
	v0 =	vld [tilespmem:s29+$0x14840]  }
0x3d: {  	v1 =	vld [tilespmem:s30+$0xFFFFFF80];
	_ =	sdelay $0x1  }
0x3e: {  	v2 =	vld [tilespmem:s30+$0xFFFFFF90];
	_ =	sdelay $0x1  }
0x3f: {  	v3 =	vld [tilespmem:s30+$0xFFFFFFA0]  }
0x40: {  	v0 =	vadd.f32 v1, v0  }
0x41: {  	v1 =	vld [tilespmem:s30+$0xFFFFFFB0]  }
0x42: {  	v0 =	vadd.f32 v2, v0;
	_ =	sdelay $0x1  }
0x43: {  	v0 =	vadd.f32 v3, v0;
	_ =	sdelay $0x1  }
0x44: {  	v0 =	vadd.f32 v1, v0;
	_ =	sdelay $0x1  }
0x45: {  	[tilespmem:s29+$0x186C0] =	vst v0;
	v0 =	vld [tilespmem:s29+$0x14850]  }
0x46: {  	v1 =	vld [tilespmem:s30+$0xFFFFFFC0];
	_ =	sdelay $0x1  }
0x47: {  	v2 =	vld [tilespmem:s30+$0xFFFFFFD0];
	_ =	sdelay $0x1  }
0x48: {  	v3 =	vld [tilespmem:s30+$0xFFFFFFE0]  }
0x49: {  	v0 =	vadd.f32 v1, v0  }
0x4a: {  	v1 =	vld [tilespmem:s30+$0xFFFFFFF0]  }
0x4b: {  	v0 =	vadd.f32 v2, v0;
	_ =	sdelay $0x1  }
0x4c: {  	v0 =	vadd.f32 v3, v0;
	_ =	sdelay $0x1  }
0x4d: {  	v0 =	vadd.f32 v1, v0;
	_ =	sdelay $0x1  }
0x4e: {  	[tilespmem:s29+$0x186D0] =	vst v0;
	v0 =	vld [tilespmem:s29+$0x14860]  }
0x4f: {  	v1 =	vld [tilespmem:s30+$0x0];
	_ =	sdelay $0x1  }
0x50: {  	v2 =	vld [tilespmem:s30+$0x10];
	_ =	sdelay $0x1  }
0x51: {  	v3 =	vld [tilespmem:s30+$0x20]  }
0x52: {  	v0 =	vadd.f32 v1, v0  }
0x53: {  	v1 =	vld [tilespmem:s30+$0x30]  }
0x54: {  	v0 =	vadd.f32 v2, v0;
	_ =	sdelay $0x1  }
0x55: {  	v0 =	vadd.f32 v3, v0;
	_ =	sdelay $0x1  }
0x56: {  	v0 =	vadd.f32 v1, v0;
	_ =	sdelay $0x1  }
0x57: {  	[tilespmem:s29+$0x186E0] =	vst v0;
	v0 =	vld [tilespmem:s29+$0x14870]  }
0x58: {  	v1 =	vld [tilespmem:s30+$0x40];
	_ =	sdelay $0x1  }
0x59: {  	v2 =	vld [tilespmem:s30+$0x50];
	_ =	sdelay $0x1  }
0x5a: {  	v3 =	vld [tilespmem:s30+$0x60]  }
0x5b: {  	v0 =	vadd.f32 v1, v0  }
0x5c: {  	v1 =	vld [tilespmem:s30+$0x70]  }
0x5d: {  	v0 =	vadd.f32 v2, v0;
	_ =	sdelay $0x1  }
0x5e: {  	v0 =	vadd.f32 v3, v0;
	_ =	sdelay $0x1  }
0x5f: {  	v0 =	vadd.f32 v1, v0;
	_ =	sdelay $0x1  }
0x60: {  	[tilespmem:s29+$0x186F0] =	vst v0;
	v0 =	vld [tilespmem:s29+$0x14880]  }
0x61: {  	v1 =	vld [tilespmem:s30+$0x80];
	_ =	sdelay $0x1  }
0x62: {  	v2 =	vld [tilespmem:s30+$0x90];
	_ =	sdelay $0x1  }
0x63: {  	v3 =	vld [tilespmem:s30+$0xA0]  }
0x64: {  	v0 =	vadd.f32 v1, v0  }
0x65: {  	v1 =	vld [tilespmem:s30+$0xB0]  }
0x66: {  	v0 =	vadd.f32 v2, v0;
	_ =	sdelay $0x1  }
0x67: {  	v0 =	vadd.f32 v3, v0;
	_ =	sdelay $0x1  }
0x68: {  	v0 =	vadd.f32 v1, v0;
	_ =	sdelay $0x1  }
0x69: {  	[tilespmem:s29+$0x18700] =	vst v0;
	v0 =	vld [tilespmem:s29+$0x14890]  }
0x6a: {  	v1 =	vld [tilespmem:s30+$0xC0];
	_ =	sdelay $0x1  }
0x6b: {  	v2 =	vld [tilespmem:s30+$0xD0];
	_ =	sdelay $0x1  }
0x6c: {  	v3 =	vld [tilespmem:s30+$0xE0]  }
0x6d: {  	v0 =	vadd.f32 v1, v0  }
0x6e: {  	v1 =	vld [tilespmem:s30+$0xF0]  }
0x6f: {  	v0 =	vadd.f32 v2, v0;
	_ =	sdelay $0x1  }
0x70: {  	v0 =	vadd.f32 v3, v0;
	_ =	sdelay $0x1  }
0x71: {  	s31 =	simm.s32 $0x200;
	s0 =	simm.s32 $0x400;
	v0 =	vadd.f32 v1, v0  }
.LBB2_3:
0x72: {  	s13 =	sshra.s32 s31, $0x2  }
0x73: {  	s30 =	sadd.s32 $0x200, s30;
	s31 =	smov.u32 s0;
	s1 =	sadd.s32 $0x200, s0  }
0x74: {  	p0 =	sne.s32 s0, $0xF800;
	v1 =	vld [tilespmem:s13+$0x14820];
	[tilespmem:s29+$0x18710] =	vst v0;
	s29 =	smov.u32 s13  }
0x75: {  	v0 =	vld [tilespmem:s30+$0xFFFFFF00]  }
0x76: {  	v2 =	vld [tilespmem:s30+$0xFFFFFF10];
	_ =	sdelay $0x1  }
0x77: {  	v3 =	vld [tilespmem:s30+$0xFFFFFF20];
	_ =	sdelay $0x1  }
0x78: {  	v0 =	vadd.f32 v0, v1;
	v1 =	vld [tilespmem:s30+$0xFFFFFF30];
	_ =	sdelay $0x1  }
0x79: {  	v0 =	vadd.f32 v2, v0;
	_ =	sdelay $0x1  }
0x7a: {  	v0 =	vadd.f32 v3, v0;
	_ =	sdelay $0x1  }
0x7b: {  	v0 =	vadd.f32 v1, v0;
	_ =	sdelay $0x1  }
0x7c: {  	[tilespmem:s29+$0x186A0] =	vst v0;
	v0 =	vld [tilespmem:s29+$0x14830]  }
0x7d: {  	v1 =	vld [tilespmem:s30+$0xFFFFFF40]  }
0x7e: {  	v2 =	vld [tilespmem:s30+$0xFFFFFF50];
	_ =	sdelay $0x1  }
0x7f: {  	v3 =	vld [tilespmem:s30+$0xFFFFFF60];
	_ =	sdelay $0x1  }
0x80: {  	v0 =	vadd.f32 v1, v0;
	v1 =	vld [tilespmem:s30+$0xFFFFFF70];
	_ =	sdelay $0x1  }
0x81: {  	v0 =	vadd.f32 v2, v0;
	_ =	sdelay $0x1  }
0x82: {  	v0 =	vadd.f32 v3, v0;
	_ =	sdelay $0x1  }
0x83: {  	v0 =	vadd.f32 v1, v0;
	_ =	sdelay $0x1  }
0x84: {  	[tilespmem:s29+$0x186B0] =	vst v0;
	v0 =	vld [tilespmem:s29+$0x14840]  }
0x85: {  	v1 =	vld [tilespmem:s30+$0xFFFFFF80]  }
0x86: {  	v2 =	vld [tilespmem:s30+$0xFFFFFF90];
	_ =	sdelay $0x1  }
0x87: {  	v3 =	vld [tilespmem:s30+$0xFFFFFFA0];
	_ =	sdelay $0x1  }
0x88: {  	v0 =	vadd.f32 v1, v0;
	v1 =	vld [tilespmem:s30+$0xFFFFFFB0];
	_ =	sdelay $0x1  }
0x89: {  	v0 =	vadd.f32 v2, v0;
	_ =	sdelay $0x1  }
0x8a: {  	v0 =	vadd.f32 v3, v0;
	_ =	sdelay $0x1  }
0x8b: {  	v0 =	vadd.f32 v1, v0;
	_ =	sdelay $0x1  }
0x8c: {  	[tilespmem:s29+$0x186C0] =	vst v0;
	v0 =	vld [tilespmem:s29+$0x14850]  }
0x8d: {  	v1 =	vld [tilespmem:s30+$0xFFFFFFC0]  }
0x8e: {  	v2 =	vld [tilespmem:s30+$0xFFFFFFD0];
	_ =	sdelay $0x1  }
0x8f: {  	v3 =	vld [tilespmem:s30+$0xFFFFFFE0];
	_ =	sdelay $0x1  }
0x90: {  	v0 =	vadd.f32 v1, v0;
	v1 =	vld [tilespmem:s30+$0xFFFFFFF0];
	_ =	sdelay $0x1  }
0x91: {  	v0 =	vadd.f32 v2, v0;
	_ =	sdelay $0x1  }
0x92: {  	v0 =	vadd.f32 v3, v0;
	_ =	sdelay $0x1  }
0x93: {  	v0 =	vadd.f32 v1, v0;
	_ =	sdelay $0x1  }
0x94: {  	[tilespmem:s29+$0x186D0] =	vst v0;
	v0 =	vld [tilespmem:s29+$0x14860]  }
0x95: {  	v1 =	vld [tilespmem:s30+$0x0]  }
0x96: {  	v2 =	vld [tilespmem:s30+$0x10];
	_ =	sdelay $0x1  }
0x97: {  	v3 =	vld [tilespmem:s30+$0x20];
	_ =	sdelay $0x1  }
0x98: {  	v0 =	vadd.f32 v1, v0;
	v1 =	vld [tilespmem:s30+$0x30];
	_ =	sdelay $0x1  }
0x99: {  	v0 =	vadd.f32 v2, v0;
	_ =	sdelay $0x1  }
0x9a: {  	v0 =	vadd.f32 v3, v0;
	_ =	sdelay $0x1  }
0x9b: {  	v0 =	vadd.f32 v1, v0;
	_ =	sdelay $0x1  }
0x9c: {  	[tilespmem:s29+$0x186E0] =	vst v0;
	v0 =	vld [tilespmem:s29+$0x14870]  }
0x9d: {  	v1 =	vld [tilespmem:s30+$0x40]  }
0x9e: {  	v2 =	vld [tilespmem:s30+$0x50]  }
0x9f: {  	v3 =	vld [tilespmem:s30+$0x60]  }
0xa0: {  	v4 =	vld [tilespmem:s30+$0x70];
	_ =	sdelay $0x1  }
0xa1: {  	v0 =	vadd.f32 v1, v0;
	_ =	sdelay $0x1  }
0xa2: {  	v0 =	vadd.f32 v2, v0;
	_ =	sdelay $0x1  }
0xa3: {  	v0 =	vadd.f32 v3, v0;
	_ =	sdelay $0x1  }
0xa4: {  	v0 =	vadd.f32 v4, v0;
	_ =	sdelay $0x1  }
0xa5: {  	[tilespmem:s29+$0x186F0] =	vst v0;
	v0 =	vld [tilespmem:s29+$0x14880]  }
0xa6: {  	v1 =	vld [tilespmem:s30+$0x80]  }
0xa7: {  	v2 =	vld [tilespmem:s30+$0x90]  }
0xa8: {  	v3 =	vld [tilespmem:s30+$0xA0]  }
0xa9: {  	v4 =	vld [tilespmem:s30+$0xB0];
	_ =	sdelay $0x1  }
0xaa: {  	v0 =	vadd.f32 v1, v0;
	_ =	sdelay $0x1  }
0xab: {  	v0 =	vadd.f32 v2, v0;
	_ =	sdelay $0x1  }
0xac: {  	v0 =	vadd.f32 v3, v0;
	_ =	sdelay $0x1  }
0xad: {  	v0 =	vadd.f32 v4, v0;
	_ =	sdelay $0x1  }
0xae: {  	[tilespmem:s29+$0x18700] =	vst v0;
	v0 =	vld [tilespmem:s29+$0x14890]  }
0xaf: {  	v1 =	vld [tilespmem:s30+$0xC0]  }
0xb0: {  	v2 =	vld [tilespmem:s30+$0xD0]  }
0xb1: {  	v3 =	vld [tilespmem:s30+$0xE0]  }
0xb2: {  	v4 =	vld [tilespmem:s30+$0xF0];
	_ =	sdelay $0x1  }
0xb3: {  	v0 =	vadd.f32 v1, v0;
	_ =	sdelay $0x1  }
.Ltmp0:
0xb4: {  	v0 =	vadd.f32 v2, v0;
	(pc) =	sbr.rel @p0 .LBB2_3-.Ltmp0, $3  }
0xb5: {  	_ = 	snop  }
0xb6: {  	v0 =	vadd.f32 v3, v0;
	_ =	sdelay $0x1  }
0xb7: {  	s0 =	smov.u32 s1;
	v0 =	vadd.f32 v4, v0  }
0xb8: {  	s0 =	sshra.s32 s31, $0x2  }
0xb9: {  	s30 =	sadd.s32 $0x200, s30;
	v1 =	vld [tilespmem:s0+$0x14820];
	[tilespmem:s29+$0x18710] =	vst v0  }
0xba: {  	v0 =	vld [tilespmem:s30+$0xFFFFFF00];
	_ =	sdelay $0x1  }
0xbb: {  	v2 =	vld [tilespmem:s30+$0xFFFFFF10];
	_ =	sdelay $0x1  }
0xbc: {  	v3 =	vld [tilespmem:s30+$0xFFFFFF20]  }
0xbd: {  	v0 =	vadd.f32 v0, v1  }
0xbe: {  	v28 =	vld [tilespmem:s30+$0xFFFFFF30]  }
0xbf: {  	v0 =	vadd.f32 v2, v0;
	_ =	sdelay $0x1  }
0xc0: {  	v0 =	vadd.f32 v3, v0;
	_ =	sdelay $0x1  }
0xc1: {  	v0 =	vadd.f32 v28, v0;
	_ =	sdelay $0x1  }
0xc2: {  	v29 =	vld [tilespmem:s0+$0x14830];
	[tilespmem:s0+$0x186A0] =	vst v0  }
0xc3: {  	v30 =	vld [tilespmem:s30+$0xFFFFFF40];
	_ =	sdelay $0x1  }
0xc4: {  	v31 =	vld [tilespmem:s30+$0xFFFFFF50];
	_ =	sdelay $0x1  }
0xc5: {  	v32 =	vld [tilespmem:s30+$0xFFFFFF60]  }
0xc6: {  	v0 =	vadd.f32 v30, v29  }
0xc7: {  	v33 =	vld [tilespmem:s30+$0xFFFFFF70]  }
0xc8: {  	v0 =	vadd.f32 v31, v0;
	_ =	sdelay $0x1  }
0xc9: {  	v0 =	vadd.f32 v32, v0;
	_ =	sdelay $0x1  }
0xca: {  	v0 =	vadd.f32 v33, v0;
	_ =	sdelay $0x1  }
0xcb: {  	v34 =	vld [tilespmem:s0+$0x14840];
	[tilespmem:s0+$0x186B0] =	vst v0  }
0xcc: {  	v35 =	vld [tilespmem:s30+$0xFFFFFF80];
	_ =	sdelay $0x1  }
0xcd: {  	v36 =	vld [tilespmem:s30+$0xFFFFFF90];
	_ =	sdelay $0x1  }
0xce: {  	v37 =	vld [tilespmem:s30+$0xFFFFFFA0]  }
0xcf: {  	v0 =	vadd.f32 v35, v34  }
0xd0: {  	v38 =	vld [tilespmem:s30+$0xFFFFFFB0]  }
0xd1: {  	v0 =	vadd.f32 v36, v0;
	_ =	sdelay $0x1  }
0xd2: {  	v0 =	vadd.f32 v37, v0;
	_ =	sdelay $0x1  }
0xd3: {  	v0 =	vadd.f32 v38, v0;
	_ =	sdelay $0x1  }
0xd4: {  	v39 =	vld [tilespmem:s0+$0x14850];
	[tilespmem:s0+$0x186C0] =	vst v0  }
0xd5: {  	v40 =	vld [tilespmem:s30+$0xFFFFFFC0];
	_ =	sdelay $0x1  }
0xd6: {  	v41 =	vld [tilespmem:s30+$0xFFFFFFD0];
	_ =	sdelay $0x1  }
0xd7: {  	v42 =	vld [tilespmem:s30+$0xFFFFFFE0]  }
0xd8: {  	v0 =	vadd.f32 v40, v39  }
0xd9: {  	v43 =	vld [tilespmem:s30+$0xFFFFFFF0]  }
0xda: {  	v0 =	vadd.f32 v41, v0;
	_ =	sdelay $0x1  }
0xdb: {  	v0 =	vadd.f32 v42, v0;
	_ =	sdelay $0x1  }
0xdc: {  	v0 =	vadd.f32 v43, v0;
	_ =	sdelay $0x1  }
0xdd: {  	v44 =	vld [tilespmem:s0+$0x14860];
	[tilespmem:s0+$0x186D0] =	vst v0  }
0xde: {  	v45 =	vld [tilespmem:s30+$0x0];
	_ =	sdelay $0x1  }
0xdf: {  	v46 =	vld [tilespmem:s30+$0x10];
	_ =	sdelay $0x1  }
0xe0: {  	v47 =	vld [tilespmem:s30+$0x20]  }
0xe1: {  	v0 =	vadd.f32 v45, v44  }
0xe2: {  	v48 =	vld [tilespmem:s30+$0x30]  }
0xe3: {  	v0 =	vadd.f32 v46, v0;
	_ =	sdelay $0x1  }
0xe4: {  	v0 =	vadd.f32 v47, v0;
	_ =	sdelay $0x1  }
0xe5: {  	v0 =	vadd.f32 v48, v0;
	_ =	sdelay $0x1  }
0xe6: {  	v49 =	vld [tilespmem:s0+$0x14870];
	[tilespmem:s0+$0x186E0] =	vst v0  }
0xe7: {  	v50 =	vld [tilespmem:s30+$0x40];
	_ =	sdelay $0x1  }
0xe8: {  	v51 =	vld [tilespmem:s30+$0x50];
	_ =	sdelay $0x1  }
0xe9: {  	v52 =	vld [tilespmem:s30+$0x60]  }
0xea: {  	v0 =	vadd.f32 v50, v49  }
0xeb: {  	v53 =	vld [tilespmem:s30+$0x70]  }
0xec: {  	v0 =	vadd.f32 v51, v0;
	_ =	sdelay $0x1  }
0xed: {  	v0 =	vadd.f32 v52, v0;
	_ =	sdelay $0x1  }
0xee: {  	v0 =	vadd.f32 v53, v0;
	_ =	sdelay $0x1  }
0xef: {  	v54 =	vld [tilespmem:s0+$0x14880];
	[tilespmem:s0+$0x186F0] =	vst v0  }
0xf0: {  	v55 =	vld [tilespmem:s30+$0x80];
	_ =	sdelay $0x1  }
0xf1: {  	v56 =	vld [tilespmem:s30+$0x90];
	_ =	sdelay $0x1  }
0xf2: {  	v57 =	vld [tilespmem:s30+$0xA0]  }
0xf3: {  	v0 =	vadd.f32 v55, v54  }
0xf4: {  	v58 =	vld [tilespmem:s30+$0xB0]  }
0xf5: {  	v0 =	vadd.f32 v56, v0;
	_ =	sdelay $0x1  }
0xf6: {  	v0 =	vadd.f32 v57, v0;
	_ =	sdelay $0x1  }
0xf7: {  	v0 =	vadd.f32 v58, v0;
	_ =	sdelay $0x1  }
0xf8: {  	v59 =	vld [tilespmem:s0+$0x14890];
	[tilespmem:s0+$0x18700] =	vst v0  }
0xf9: {  	v60 =	vld [tilespmem:s30+$0xC0];
	_ =	sdelay $0x1  }
0xfa: {  	v61 =	vld [tilespmem:s30+$0xD0];
	_ =	sdelay $0x1  }
0xfb: {  	v62 =	vld [tilespmem:s30+$0xE0]  }
0xfc: {  	v0 =	vadd.f32 v60, v59  }
0xfd: {  	v63 =	vld [tilespmem:s30+$0xF0]  }
0xfe: {  	v0 =	vadd.f32 v61, v0  }
0xff: {  	s1 =	sshrl.u32 s28, $0x3  }
0x100: {  	s13 =	sshll.u32 s28, $0x4;
	s1 =	smul.u32 $0x1F400, s1;
	v0 =	vadd.f32 v62, v0  }
0x101: {  	s13 =	sand.u32 $0x70, s13  }
0x102: {  	s26 =	sadd.s32 $0x1, s26;
	s1 =	sor.u32 s13, s1;
	v0 =	vadd.f32 v63, v0  }
0x103: {  	p0 =	sne.s32 s26, $0x5;
	s1 =	sshrl.u32 s1, $0x3  }
.Ltmp1:
0x104: {  	s31 =	sadd.s32 s2, s1;
	[tilespmem:s0+$0x18710] =	vst v0;
	(pc) =	sbr.rel @p0 .LBB2_2-.Ltmp1, $4  }
0x105: {  	[hbm4b:s31+s21] =	stream.strided.scatter [tilespmem:s23], [sflag:$0x3], $0x3E80, s22, s21, $0x38;
	[tilespmem:$0x1C520] =	vst v63  }
0x106: {  	_ =	swait.ge [sflag:s24], $0x3E80  }
0x107: {  	[sflag:s24] =	ssyncset.done $0x0  }
0x108: {  	[sflag:s24] =	ssyncadd.s32 $0xFFFFC180  }
0x109: {  	s25 =	sadd.s32 $0x1, s25  }
0x10a: {  	p0 =	sne.s32 s25, s11  }
.Ltmp2:
0x10b: {  	_ = 	snop;
	(pc) =	sbr.rel @p0 .LBB2_1-.Ltmp2, $1  }
0x10c: {  	_ =	sdelay $0x3  }
0x10d: {  	_ =	sfence.sel $0x180000  }
0x10e: {  	[bflag:$0x0] =	sbarrier.arrive $0xFFFF  }
0x10f: {  	_ =	strace $0x90000047  }
0x110: {  	s0 =	stileid.u32;
	[bflag:$0x2] =	sbarrier.arrive $0xFFFF  }
0x111: {  	p0 =	sne.s32 s0, $0x0;
	s0 =	rddreg [dreg:$0x3]  }
0x112: {  	s0 =	sadd.s32 @!p0 $0x100000, s0  }
0x113: {  	[sflag:s0] =	ssyncadd.tile.s32 @!p0 $0x1;
	_ =	shalt  }
.Lfunc_end2:
_tile_overlayer_lowered:
.L_overlay_start_2:
0x114: {  	(tag) =	ssettag $0x2  }
0x115: {  	s0 =	rddreg [dreg:$0x0];
	s2 =	stileid.u32  }
0x116: {  	s1 =	rddreg [dreg:$0x1];
	p0 =	sne.s32 s2, $0x0  }
0x117: {  	s3 =	rddreg [dreg:$0x2];
	[bflag:$0x3] =	sbarrier.arrive $0xFFFF;
	s2 =	simm.s32 @!p0 $0x1C05  }
0x118: {  	[timem:s3], [sflag:s2] =	dma.local @!p0 [hbm:s0], s1  }
0x119: {  	s0 =	simm.s32 @!p0 $0x5  }
0x11a: {  	_ =	swait.ge @!p0 [sflag:s0], s1  }
0x11b: {  	s1 =	ssub.s32 @!p0 $0x0, s1;
	[sflag:s0] =	ssyncset.done @!p0 $0x0  }
0x11c: {  	[sflag:s0] =	ssyncadd.s32 @!p0 s1  }
0x11d: {  	[bflag:$0x3] =	sbarrier.arrive $0xFFFF  }
0x11e: {  	_ =	shalt  }

// kernel: kernel.9.cloned.1.call-start
scs
__scs_entry_jumppad:
0x0: {  	(pc) =	sbr.rel $0x88, $3  }
0x1: {  	(tag) =	ssettag $0x0;
	lr =	simm.s32 $0x1  }
0x2: {  	[smem:$0x3F93] =	sst lr;
	_ =	strace $0xD0000000  }
0x3: {  	_ = 	snop  }
0x4: {  	_ = 	snop  }
0x5: {  	_ = 	snop  }
0x6: {  	_ = 	snop  }
0x7: {  	_ = 	snop  }
__scs_overlays_trampoline_lowered:
0x8: {  	[smem:$0x3FA2] =	sst s0  }
0x9: {  	[smem:$0x3FA3] =	sst s1  }
0xa: {  	[smem:$0x3FA4] =	sst s2  }
0xb: {  	[smem:$0x3FA5] =	sst s3  }
0xc: {  	[smem:$0x3FA6] =	sst s4  }
0xd: {  	[smem:$0x3FA7] =	sst s5  }
0xe: {  	[smem:$0x3FA8] =	sst s6  }
0xf: {  	[smem:$0x3FA9] =	sst s7  }
0x10: {  	[smem:$0x3FAA] =	sst s8  }
0x11: {  	[smem:$0x3FAB] =	sst s9;
	s0 =	simm.s32 @!p0 $0x0  }
0x12: {  	s1 =	sld [smem:$0x3F91];
	s0 =	simm.s32 @p0 $0x1  }
0x13: {  	[smem:$0x3FAC] =	sst s0;
	s0 =	simm.s32 @!p1 $0x0  }
0x14: {  	s2 =	sld [smem:$0x3F90];
	s0 =	simm.s32 @p1 $0x1  }
0x15: {  	[smem:$0x3FAD] =	sst s0;
	s0 =	simm.s32 @!p2 $0x0  }
0x16: {  	s3 =	sld [smem:$0x3FDB];
	s0 =	simm.s32 @p2 $0x1  }
0x17: {  	s4 =	simm.s32 $0x1BF5;
	[smem:$0x3FAF] =	sst s0  }
0x18: {  	s0 =	sld [smem:$0x3F92];
	_ =	swait.ge [sflag:s4], $0x0  }
0x19: {  	s7 =	sld [smem:$0x3F93]  }
0x1a: {  	s8 =	sadd.s32 $0xFFFFE003, lr  }
0x1b: {  	s9 =	sadd.s32 $0xFFFFFEF7, lr;
	s5 =	simm.s32 $0xFFFFFFFF;
	p2 =	slt.u32 s8, $0xFFFFF086  }
0x1c: {  	p1 =	slt.u32 s9, $0xF7A;
	s5 =	simm.s32 @!p2 $0x0  }
0x1d: {  	s5 =	simm.s32 @p1 $0x1;
	p0 =	seq.s32 s7, s2  }
0x1e: {  	s7 =	smul.u32 @!p0 $0xF7A, s2;
	p2 =	seq.s32 @!p0 s5, $0x0  }
0x1f: {  	s9 =	smul.u32 $0xF7A, s1;
	s8 =	simm.s32 @!p0 $0x1BF5;
	p2 =	por !p2, p0  }
0x20: {  	[sflag:s8] =	ssyncset.s32 @!p0 $0xFFFFF086;
	s6 =	sadd.s32 @!p0 s3, s7;
	s7 =	simm.s32 @!p0 $0x108  }
0x21: {  	s3 =	sadd.s32 s3, s9;
	s6 =	sadd.s32 @!p0 $0x88, s6;
	s7 =	simm.s32 @p2 $0x1082  }
0x22: {  	[simem:s7], [sflag:s8] =	dma.local @!p0 [hbm:s6], $0xF7A  }
0x23: {  	s9 =	sor.u32 $0xD0000000, s2;
	s6 =	simm.s32 $0x108;
	_ =	swait.ge @!p0 [sflag:s8], $0x0  }
0x24: {  	s3 =	sadd.s32 $0x88, s3;
	s6 =	simm.s32 @!p1 $0x1082;
	[sflag:s4] =	ssyncset.s32 $0xFFFFF086  }
0x25: {  	[simem:s6], [sflag:s4] =	dma.local [hbm:s3], $0xF7A  }
0x26: {  	[smem:$0x3F93] =	sst s1;
	(tag) =	ssettag s2;
	_ =	strace s9  }
0x27: {  	s1 =	sld [smem:$0x3FA3]  }
0x28: {  	s2 =	sld [smem:$0x3FA4]  }
0x29: {  	s4 =	sld [smem:$0x3FA6]  }
0x2a: {  	p0 =	seq.s32 s5, $0x0;
	s5 =	sld [smem:$0x3FA7]  }
0x2b: {  	s6 =	sld [smem:$0x3FA8]  }
0x2c: {  	s7 =	sld [smem:$0x3FA9]  }
0x2d: {  	s3 =	simm.s32 $0x108;
	s8 =	sld [smem:$0x3FAA]  }
0x2e: {  	s3 =	simm.s32 @!p0 $0x1082;
	s9 =	sld [smem:$0x3FAB]  }
0x2f: {  	lr =	sadd.s32 s0, s3;
	s0 =	sld [smem:$0x3FA2]  }
0x30: {  	s3 =	sld [smem:$0x3FA5]  }
0x31: {  	[smem:$0x3FAE] =	sst s10  }
0x32: {  	s10 =	sld [smem:$0x3FAC];
	_ =	sdelay $0x3  }
0x33: {  	p0 =	seq.s32 s10, $0x1;
	s10 =	sld [smem:$0x3FAE];
	_ =	sdelay $0x3  }
0x34: {  	[smem:$0x3FAE] =	sst s10  }
0x35: {  	s10 =	sld [smem:$0x3FAD];
	_ =	sdelay $0x3  }
0x36: {  	p1 =	seq.s32 s10, $0x1;
	s10 =	sld [smem:$0x3FAE];
	_ =	sdelay $0x3  }
0x37: {  	[smem:$0x3FAE] =	sst s10  }
0x38: {  	s10 =	sld [smem:$0x3FAF]  }
0x39: {  	_ = 	snop;
	(pc) =	sbr.ind lr, $3  }
0x3a: {  	_ = 	snop  }
0x3b: {  	_ = 	snop  }
0x3c: {  	p2 =	seq.s32 s10, $0x1;
	s10 =	sld [smem:$0x3FAE]  }
0x3d: {  	_ =	shalt  }
0x3e: {  	_ =	shalt  }
0x3f: {  	_ =	shalt  }
0x40: {  	_ =	shalt  }
0x41: {  	_ =	shalt  }
0x42: {  	_ =	shalt  }
0x43: {  	_ =	shalt  }
0x44: {  	_ =	shalt  }
0x45: {  	_ =	shalt  }
0x46: {  	_ =	shalt  }
0x47: {  	_ =	shalt  }
0x48: {  	_ =	shalt  }
0x49: {  	_ =	shalt  }
0x4a: {  	_ =	shalt  }
0x4b: {  	_ =	shalt  }
0x4c: {  	_ =	shalt  }
0x4d: {  	_ =	shalt  }
0x4e: {  	_ =	shalt  }
0x4f: {  	_ =	shalt  }
0x50: {  	_ =	shalt  }
0x51: {  	_ =	shalt  }
0x52: {  	_ =	shalt  }
0x53: {  	_ =	shalt  }
0x54: {  	_ =	shalt  }
0x55: {  	_ =	shalt  }
0x56: {  	_ =	shalt  }
0x57: {  	_ =	shalt  }
0x58: {  	_ =	shalt  }
0x59: {  	_ =	shalt  }
0x5a: {  	_ =	shalt  }
0x5b: {  	_ =	shalt  }
0x5c: {  	_ =	shalt  }
0x5d: {  	_ =	shalt  }
0x5e: {  	_ =	shalt  }
0x5f: {  	_ =	shalt  }
0x60: {  	_ =	shalt  }
0x61: {  	_ =	shalt  }
0x62: {  	_ =	shalt  }
0x63: {  	_ =	shalt  }
0x64: {  	_ =	shalt  }
0x65: {  	_ =	shalt  }
0x66: {  	_ =	shalt  }
0x67: {  	_ =	shalt  }
0x68: {  	_ =	shalt  }
0x69: {  	_ =	shalt  }
0x6a: {  	_ =	shalt  }
0x6b: {  	_ =	shalt  }
0x6c: {  	_ =	shalt  }
0x6d: {  	_ =	shalt  }
0x6e: {  	_ =	shalt  }
0x6f: {  	_ =	shalt  }
0x70: {  	_ =	shalt  }
0x71: {  	_ =	shalt  }
0x72: {  	_ =	shalt  }
0x73: {  	_ =	shalt  }
0x74: {  	_ =	shalt  }
0x75: {  	_ =	shalt  }
0x76: {  	_ =	shalt  }
0x77: {  	_ =	shalt  }
0x78: {  	_ =	shalt  }
0x79: {  	_ =	shalt  }
0x7a: {  	_ =	shalt  }
0x7b: {  	_ =	shalt  }
0x7c: {  	_ =	shalt  }
0x7d: {  	_ =	shalt  }
0x7e: {  	_ =	shalt  }
0x7f: {  	_ =	shalt  }
0x80: {  	_ =	shalt  }
0x81: {  	_ =	shalt  }
0x82: {  	_ =	shalt  }
0x83: {  	_ =	shalt  }
0x84: {  	_ =	shalt  }
0x85: {  	_ =	shalt  }
0x86: {  	_ =	shalt  }
0x87: {  	_ =	shalt  }
.Lfunc_end0:
.L_simem_size_0:
called_computation.1_lowered:
.L_overlay_start_0:
0x88: {  	s2 =	sld [smem:$0x3FD9]  }
0x89: {  	s3 =	sld [smem:$0x3FFE];
	_ =	sdelay $0x1  }
0x8a: {  	s1 =	srdreg.scid  }
0x8b: {  	s0 =	sand.u32 $0x1, s1  }
0x8c: {  	s16 =	sshll.u32 s0, $0xA;
	s2 =	sadd.s32 s3, s2  }
0x8d: {  	s2 =	sadd.s32 s2, s16  }
0x8e: {  	[smem:$0x3FBA] =	sst s2  }
0x8f: {  	_ = 	snop  }
0x90: {  	(tm) =	ssettm $0x1  }
0x91: {  	s17 =	sld [smem:$0x3FFB];
	_ =	sdelay $0x3  }
0x92: {  	_ =	strace s17  }
0x93: {  	s2 =	sld [smem:$0x3FFC];
	_ =	sdelay $0x3  }
0x94: {  	_ =	strace s2  }
0x95: {  	s2 =	sld [smem:$0x3FFD];
	_ =	sdelay $0x3  }
0x96: {  	_ =	strace s2  }
0x97: {  	_ =	strace $0x8FFFFFFF  }
0x98: {  	s18 =	sld [smem:$0x3FDB];
	_ =	sdelay $0x1  }
0x99: {  	s19 =	simm.s32 $_scs_section_size  }
0x9a: {  	s4 =	simm.s32 $_size__tile_overlayer_lowered;
	s5 =	simm.s32 $_tile_overlayer_lowered  }
0x9b: {  	s22 =	simm.s32 $0x1BFF;
	s21 =	sshll.u32 s5, $0x1;
	s2 =	sadd.s32 s19, s18  }
0x9c: {  	s6 =	simm.s32 $0x0;
	s20 =	sshll.u32 s4, $0x1;
	s4 =	sadd.s32 s21, s2  }
0x9d: {  	[timem:s6], [sflag:s22] =	dma.local [hbm:s4], s20  }
0x9e: {  	_ =	swait.ge [sflag:s22], s20  }
0x9f: {  	s3 =	ssub.s32 $0x0, s20;
	[sflag:s22] =	ssyncset.done $0x0  }
0xa0: {  	[sflag:s22] =	ssyncadd.s32 s3;
	_ =	sdelay $0x1  }
0xa1: {  	s23 =	simm.s32 $0x1B8B  }
0xa2: {  	_ =	swait.ge [sflag:s23], $0x1  }
0xa3: {  	[sflag:s23] =	ssyncset.done $0x0  }
0xa4: {  	s25 =	simm.s32 $0x1B8E;
	s24 =	sld [smem:$0x3FFE];
	[sflag:s23] =	ssyncadd.s32 $0xFFFFFFFF  }
0xa5: {  	s26 =	simm.s32 $execute0_lowered;
	[smem:$0x3FD2] =	sst s25  }
0xa6: {  	s4 =	sshll.u32 s26, $0x1;
	_ =	strace $0x80000049;
	[dreg:$0x1] =	wrdreg $0xFFFFFFFF  }
0xa7: {  	s28 =	simm.s32 $_size_execute0_lowered;
	s2 =	sadd.s32 s2, s4;
	[dreg:$0x0] =	wrdreg $0x0  }
0xa8: {  	s4 =	sshll.u32 s28, $0x1;
	[dreg:$0x2] =	wrdreg s2  }
0xa9: {  	[dreg:$0x3] =	wrdreg s4  }
0xaa: {  	[dreg:$0x4] =	wrdreg $0xC0  }
0xab: {  	_ =	task [dreg:s6], $0x5FFFF  }
0xac: {  	[dreg:$0x1] =	wrdreg $0xFFFFFFFF  }
0xad: {  	[dreg:$0x0] =	wrdreg $0x60  }
0xae: {  	[dreg:$0x2] =	wrdreg s24  }
0xaf: {  	[dreg:$0x3] =	wrdreg $0x9  }
0xb0: {  	_ =	task.clear_ibuf [dreg:s6], $0x4FFFF;
	_ =	strace $0x90000049  }
0xb1: {  	s29 =	simm.s32 $0x9;
	_ =	strace $0x8000004B  }
0xb2: {  	_ =	swait.ge [sflag:s29], $0x1  }
0xb3: {  	[sflag:s29] =	ssyncadd.s32 $0xFFFFFFFF  }
0xb4: {  	_ =	strace $0x9000004B  }
0xb5: {  	_ =	sfence  }
0xb6: {  	s30 =	sld [smem:$0x0];
	_ =	sdelay $0x2  }
0xb7: {  	s31 =	sshll.u32 s1, $0xD;
	s1 =	sshrl.u32 s1, $0x2  }
0xb8: {  	s3 =	sand.u32 $0x4000, s31;
	s1 =	sadd.s32 s1, s30  }
0xb9: {  	s0 =	sor.u32 s3, s0;
	s1 =	sshll.u32 s1, $0x11  }
0xba: {  	s0 =	sor.u32 s1, s0  }
0xbb: {  	s0 =	sadd.s32 $0x8F2B, s0  }
0xbc: {  	[sflag:s0] =	ssyncadd.remote.s32 $0x1  }
0xbd: {  	_ =	sfence.sel $0xFFFF  }
0xbe: {  	[dreg:$0x0] =	wrdreg $0xFFFFFFFF;
	(pc) =	sbr.abs _section_cstart, $3  }
0xbf: {  	[dreg:$0x1] =	wrdreg $0xFFFFFFFF  }
0xc0: {  	_ =	task.clear_ibuf [dreg:s6], $0x2FFFF;
	_ =	strace $0x9FFFFFFF  }
0xc1: {  	(tm) =	ssettm $0x7FFFFFFF  }
tec
execute0_lowered:
.L_overlay_start_1:
0x0: {  	(tag) =	ssettag $0x1  }
0x1: {  	s0 =	rddreg [dreg:$0x0]  }
0x2: {  	s1 =	simm.s32 $0x0;
	s4 =	srdreg.scid;
	s24 =	stileid.u32  }
0x3: {  	s18 =	simm.s32 $0x1980;
	s19 =	simm.s32 $0x880;
	s20 =	simm.s32 $0x2180  }
0x4: {  	s21 =	simm.s32 $0x1;
	s30 =	simm.s32 $0xF180;
	s29 =	simm.s32 $0x1100  }
0x5: {  	s31 =	simm.s32 $0x5;
	[smem:$0x7FF] =	sst s1;
	s2 =	sadd.s32 $0x5C600, s0  }
0x6: {  	s3 =	sadd.s32 $0xAC600, s0;
	s11 =	sadd.s32 $0x52000, s0;
	s12 =	sadd.s32 $0x57600, s0  }
0x7: {  	s4 =	sand.u32 $0x1, s4;
	s15 =	sadd.s32 $0x3E00, s0;
	s0 =	sadd.s32 $0xFC600, s0  }
0x8: {  	p0 =	sgt.u32 s24, $0x7;
	_ =	strace $0x8000004A;
	s5 =	sshll.u32 s4, $0x4  }
0x9: {  	s6 =	ssub.s32 $0x2, s4;
	s4 =	sshll.u32 s4, $0x3;
	s8 =	sor.u32 s24, s5  }
0xa: {  	s7 =	sshrl.u32 s6, $0x1;
	s4 =	sadd.s32 s24, s4;
	s24 =	simm.s32 $0x7180  }
0xb: {  	s13 =	sshllo.u32 s8, $0x1;
	s5 =	smul.u32 $0x220, s8;
	s16 =	ssub.s32 s6, s7  }
0xc: {  	s4 =	sor.u32 $0x40, s4;
	s22 =	sshll.u32 s8, $0x9;
	s10 =	sshll.u32 s8, $0xC  }
0xd: {  	s9 =	smul.u32 $0x110, s13;
	s6 =	sadd.s32 s12, s22;
	s23 =	sshll.u32 s13, $0x8  }
0xe: {  	s14 =	smul.u32 $0x110, s4;
	s25 =	sshll.u32 s4, $0x8;
	s26 =	sshll.u32 s13, $0xB  }
0xf: {  	s4 =	sshll.u32 s4, $0xB;
	s17 =	smax.u32 s16, $0x1;
	s22 =	simm.s32 $0x80  }
0x10: {  	s16 =	simm.s32 $0x2980;
	s5 =	sadd.s32 s11, s5;
	s8 =	sadd.s32 s12, s23  }
0x11: {  	s13 =	sadd.s32 s15, s26;
	s28 =	sadd.s32 s15, s4;
	s23 =	simm.s32 $0x3180  }
0x12: {  	s7 =	sadd.s32 s11, s9;
	s9 =	sadd.s32 s15, s10;
	s10 =	sadd.s32 s0, s10  }
.Ltmp0:
0x13: {  	s11 =	sadd.s32 s11, s14;
	s14 =	sadd.s32 s0, s26;
	(pc) =	sbr.rel .LBB2_1-.Ltmp0, $4  }
0x14: {  	[dreg:$0x4] =	wrdreg s28;
	s0 =	sadd.s32 s0, s4;
	s15 =	simm.s32 $0x3  }
0x15: {  	s4 =	simm.s32 $0x6;
	[dreg:$0x2] =	wrdreg s11;
	s11 =	sadd.s32 s12, s25  }
0x16: {  	[dreg:$0x5] =	wrdreg s0;
	s12 =	simm.s32 $0x2;
	s0 =	simm.s32 $0x4  }
0x17: {  	v0 =	vimm.f32 $0.0e+00;
	s25 =	simm.s32 $0x0;
	[dreg:$0x3] =	wrdreg s11;
	s11 =	simm.s32 $0xB180  }
.LBB2_11:
0x18: {  	s25 =	sadd.s32 $0x1, s25  }
0x19: {  	_ =	swait.ge [sflag:s4], $0x4000;
	p1 =	sne.s32 s25, s17  }
.Ltmp1:
0x1a: {  	[sflag:s4] =	ssyncset.done $0x0;
	(pc) =	sbr.rel @!p1 .LBB2_12-.Ltmp1, $4  }
0x1b: {  	[sflag:s4] =	ssyncadd.s32 $0xFFFFC000  }
0x1c: {  	_ =	swait.ge [sflag:s4], $0x4000  }
0x1d: {  	[sflag:s4] =	ssyncset.done $0x0  }
0x1e: {  	[sflag:s4] =	ssyncadd.s32 $0xFFFFC000  }
.LBB2_1:
0x1f: {  	[tilespmem:s1], [sflag:$0x1] =	stream.linear.gather [hbm4b:s5+s1], $0x880, $0x38;
	[tilespmem:$0x13180] =	vst v63  }
0x20: {  	_ = 	snop  }
0x21: {  	[tilespmem:s18], [sflag:$0x1] =	stream.linear.gather [hbm4b:s6+s1], $0x800, $0x38;
	[tilespmem:$0x13180] =	vst v63  }
0x22: {  	_ = 	snop  }
0x23: {  	[tilespmem:s19], [sflag:$0x2] =	stream.linear.gather [hbm4b:s7+s1], $0x880, $0x38;
	[tilespmem:$0x13180] =	vst v63  }
0x24: {  	s26 =	simm.s32 $0x0;
	s28 =	simm.s32 $0x200  }
0x25: {  	[tilespmem:s20], [sflag:$0x2] =	stream.linear.gather [hbm4b:s8+s1], $0x800, $0x38;
	[tilespmem:$0x13180] =	vst v63  }
.LBB2_2:
0x26: {  	p1 =	sne.s32 s28, $0xFE00;
	[tilespmem:s26+$0xB1F0] =	vst v0  }
0x27: {  	[tilespmem:s26+$0x3180] =	vst v0  }
0x28: {  	[tilespmem:s26+$0xB180] =	vst v0  }
0x29: {  	[tilespmem:s26+$0x3190] =	vst v0  }
0x2a: {  	[tilespmem:s26+$0xB190] =	vst v0  }
0x2b: {  	[tilespmem:s26+$0x31A0] =	vst v0  }
0x2c: {  	[tilespmem:s26+$0xB1A0] =	vst v0  }
0x2d: {  	[tilespmem:s26+$0x31B0] =	vst v0  }
0x2e: {  	[tilespmem:s26+$0xB1B0] =	vst v0  }
0x2f: {  	[tilespmem:s26+$0x31C0] =	vst v0  }
0x30: {  	[tilespmem:s26+$0xB1C0] =	vst v0  }
.Ltmp2:
0x31: {  	[tilespmem:s26+$0x31D0] =	vst v0;
	(pc) =	sbr.rel @p1 .LBB2_2-.Ltmp2, $4  }
0x32: {  	[tilespmem:s26+$0xB1D0] =	vst v0  }
0x33: {  	[tilespmem:s26+$0x31E0] =	vst v0  }
0x34: {  	[tilespmem:s26+$0xB1E0] =	vst v0  }
0x35: {  	[tilespmem:s26+$0x31F0] =	vst v0;
	s26 =	sshra.s32 s28, $0x2;
	s28 =	sadd.s32 $0x200, s28  }
0x36: {  	[tilespmem:s26+$0xB1F0] =	vst v0  }
0x37: {  	[tilespmem:s26+$0x3180] =	vst v0  }
0x38: {  	[tilespmem:s26+$0xB180] =	vst v0  }
0x39: {  	[tilespmem:s26+$0x3190] =	vst v0  }
0x3a: {  	[tilespmem:s26+$0xB190] =	vst v0  }
0x3b: {  	[tilespmem:s26+$0x31A0] =	vst v0  }
0x3c: {  	[tilespmem:s26+$0xB1A0] =	vst v0  }
0x3d: {  	[tilespmem:s26+$0x31B0] =	vst v0  }
0x3e: {  	[tilespmem:s26+$0xB1B0] =	vst v0  }
0x3f: {  	[tilespmem:s26+$0x31C0] =	vst v0  }
0x40: {  	[tilespmem:s26+$0xB1C0] =	vst v0  }
0x41: {  	[tilespmem:s26+$0x31D0] =	vst v0  }
0x42: {  	[tilespmem:s26+$0xB1D0] =	vst v0  }
0x43: {  	[tilespmem:s26+$0x31E0] =	vst v0  }
0x44: {  	[tilespmem:s26+$0xB1E0] =	vst v0  }
0x45: {  	[tilespmem:s26+$0x31F0] =	vst v0  }
0x46: {  	_ =	swait.ge [sflag:s21], $0x880  }
0x47: {  	[sflag:s21] =	ssyncset.done $0x0  }
0x48: {  	[sflag:s21] =	ssyncadd.s32 $0xFFFFF780  }
0x49: {  	_ =	swait.ge [sflag:s21], $0x800  }
0x4a: {  	[sflag:s21] =	ssyncset.done $0x0  }
0x4b: {  	s26 =	simm.s32 $0x0;
	[sflag:s21] =	ssyncadd.s32 $0xFFFFF800  }
0x4c: {  	[tilespmem:s23], [sflag:$0x3] =	stream.indirect.gather.add.f32 [hbm:s2], $0x80, s26, s22, $0xb8;
	[tilespmem:$0x13180] =	vst v63  }
0x4d: {  	_ = 	snop  }
0x4e: {  	[tilespmem:s23], [sflag:$0x3] =	stream.indirect.gather.add.f32 [hbm:s2], $0x80, s22, s22, $0xb8;
	[tilespmem:$0x13180] =	vst v63  }
0x4f: {  	s26 =	simm.s32 $0x100  }
0x50: {  	[tilespmem:s23], [sflag:$0x3] =	stream.indirect.gather.add.f32 [hbm:s2], $0x80, s26, s22, $0xb8;
	[tilespmem:$0x13180] =	vst v63  }
0x51: {  	s26 =	simm.s32 $0x180  }
0x52: {  	[tilespmem:s23], [sflag:$0x3] =	stream.indirect.gather.add.f32 [hbm:s2], $0x80, s26, s22, $0xb8;
	[tilespmem:$0x13180] =	vst v63  }
0x53: {  	s26 =	simm.s32 $0x200  }
0x54: {  	[tilespmem:s23], [sflag:$0x3] =	stream.indirect.gather.add.f32 [hbm:s2], $0x80, s26, s22, $0xb8;
	[tilespmem:$0x13180] =	vst v63  }
0x55: {  	s26 =	simm.s32 $0x280  }
0x56: {  	[tilespmem:s23], [sflag:$0x3] =	stream.indirect.gather.add.f32 [hbm:s2], $0x80, s26, s22, $0xb8;
	[tilespmem:$0x13180] =	vst v63  }
0x57: {  	s26 =	simm.s32 $0x300  }
0x58: {  	[tilespmem:s23], [sflag:$0x3] =	stream.indirect.gather.add.f32 [hbm:s2], $0x80, s26, s22, $0xb8;
	[tilespmem:$0x13180] =	vst v63  }
0x59: {  	s26 =	simm.s32 $0x380  }
0x5a: {  	[tilespmem:s23], [sflag:$0x3] =	stream.indirect.gather.add.f32 [hbm:s2], $0x80, s26, s22, $0xb8;
	[tilespmem:$0x13180] =	vst v63  }
0x5b: {  	s26 =	simm.s32 $0x400  }
0x5c: {  	[tilespmem:s23], [sflag:$0x3] =	stream.indirect.gather.add.f32 [hbm:s2], $0x80, s26, s22, $0xb8;
	[tilespmem:$0x13180] =	vst v63  }
0x5d: {  	s26 =	simm.s32 $0x480  }
0x5e: {  	[tilespmem:s23], [sflag:$0x3] =	stream.indirect.gather.add.f32 [hbm:s2], $0x80, s26, s22, $0xb8;
	[tilespmem:$0x13180] =	vst v63  }
0x5f: {  	s26 =	simm.s32 $0x500  }
0x60: {  	[tilespmem:s23], [sflag:$0x3] =	stream.indirect.gather.add.f32 [hbm:s2], $0x80, s26, s22, $0xb8;
	[tilespmem:$0x13180] =	vst v63  }
0x61: {  	s26 =	simm.s32 $0x580  }
0x62: {  	[tilespmem:s23], [sflag:$0x3] =	stream.indirect.gather.add.f32 [hbm:s2], $0x80, s26, s22, $0xb8;
	[tilespmem:$0x13180] =	vst v63  }
0x63: {  	s26 =	simm.s32 $0x600  }
0x64: {  	[tilespmem:s23], [sflag:$0x3] =	stream.indirect.gather.add.f32 [hbm:s2], $0x80, s26, s22, $0xb8;
	[tilespmem:$0x13180] =	vst v63  }
0x65: {  	s26 =	simm.s32 $0x680  }
0x66: {  	[tilespmem:s23], [sflag:$0x3] =	stream.indirect.gather.add.f32 [hbm:s2], $0x80, s26, s22, $0xb8;
	[tilespmem:$0x13180] =	vst v63  }
0x67: {  	s26 =	simm.s32 $0x700  }
0x68: {  	[tilespmem:s23], [sflag:$0x3] =	stream.indirect.gather.add.f32 [hbm:s2], $0x80, s26, s22, $0xb8;
	[tilespmem:$0x13180] =	vst v63  }
0x69: {  	s26 =	simm.s32 $0x780  }
0x6a: {  	[tilespmem:s23], [sflag:$0x3] =	stream.indirect.gather.add.f32 [hbm:s2], $0x80, s26, s22, $0xb8;
	[tilespmem:$0x13180] =	vst v63  }
0x6b: {  	s26 =	simm.s32 $0x800  }
0x6c: {  	[tilespmem:s23], [sflag:$0x3] =	stream.indirect.gather.add.f32 [hbm:s2], $0x80, s26, s22, $0xb8;
	[tilespmem:$0x13180] =	vst v63  }
0x6d: {  	_ = 	snop  }
0x6e: {  	[tilespmem:s11], [sflag:$0x3] =	stream.indirect.gather.add.f32 [hbm:s3], $0x80, s18, s22, $0xb8;
	[tilespmem:$0x13180] =	vst v63  }
0x6f: {  	s26 =	simm.s32 $0x1A00  }
0x70: {  	[tilespmem:s11], [sflag:$0x3] =	stream.indirect.gather.add.f32 [hbm:s3], $0x80, s26, s22, $0xb8;
	[tilespmem:$0x13180] =	vst v63  }
0x71: {  	s26 =	simm.s32 $0x1A80  }
0x72: {  	[tilespmem:s11], [sflag:$0x3] =	stream.indirect.gather.add.f32 [hbm:s3], $0x80, s26, s22, $0xb8;
	[tilespmem:$0x13180] =	vst v63  }
0x73: {  	s26 =	simm.s32 $0x1B00  }
0x74: {  	[tilespmem:s11], [sflag:$0x3] =	stream.indirect.gather.add.f32 [hbm:s3], $0x80, s26, s22, $0xb8;
	[tilespmem:$0x13180] =	vst v63  }
0x75: {  	s26 =	simm.s32 $0x1B80  }
0x76: {  	[tilespmem:s11], [sflag:$0x3] =	stream.indirect.gather.add.f32 [hbm:s3], $0x80, s26, s22, $0xb8;
	[tilespmem:$0x13180] =	vst v63  }
0x77: {  	s26 =	simm.s32 $0x1C00  }
0x78: {  	[tilespmem:s11], [sflag:$0x3] =	stream.indirect.gather.add.f32 [hbm:s3], $0x80, s26, s22, $0xb8;
	[tilespmem:$0x13180] =	vst v63  }
0x79: {  	s26 =	simm.s32 $0x1C80  }
0x7a: {  	[tilespmem:s11], [sflag:$0x3] =	stream.indirect.gather.add.f32 [hbm:s3], $0x80, s26, s22, $0xb8;
	[tilespmem:$0x13180] =	vst v63  }
0x7b: {  	s26 =	simm.s32 $0x1D00  }
0x7c: {  	[tilespmem:s11], [sflag:$0x3] =	stream.indirect.gather.add.f32 [hbm:s3], $0x80, s26, s22, $0xb8;
	[tilespmem:$0x13180] =	vst v63  }
0x7d: {  	s26 =	simm.s32 $0x1D80  }
0x7e: {  	[tilespmem:s11], [sflag:$0x3] =	stream.indirect.gather.add.f32 [hbm:s3], $0x80, s26, s22, $0xb8;
	[tilespmem:$0x13180] =	vst v63  }
0x7f: {  	s26 =	simm.s32 $0x1E00  }
0x80: {  	[tilespmem:s11], [sflag:$0x3] =	stream.indirect.gather.add.f32 [hbm:s3], $0x80, s26, s22, $0xb8;
	[tilespmem:$0x13180] =	vst v63  }
0x81: {  	s26 =	simm.s32 $0x1E80  }
0x82: {  	[tilespmem:s11], [sflag:$0x3] =	stream.indirect.gather.add.f32 [hbm:s3], $0x80, s26, s22, $0xb8;
	[tilespmem:$0x13180] =	vst v63  }
0x83: {  	s26 =	simm.s32 $0x1F00  }
0x84: {  	[tilespmem:s11], [sflag:$0x3] =	stream.indirect.gather.add.f32 [hbm:s3], $0x80, s26, s22, $0xb8;
	[tilespmem:$0x13180] =	vst v63  }
0x85: {  	s26 =	simm.s32 $0x1F80  }
0x86: {  	[tilespmem:s11], [sflag:$0x3] =	stream.indirect.gather.add.f32 [hbm:s3], $0x80, s26, s22, $0xb8;
	[tilespmem:$0x13180] =	vst v63  }
0x87: {  	s26 =	simm.s32 $0x2000  }
0x88: {  	[tilespmem:s11], [sflag:$0x3] =	stream.indirect.gather.add.f32 [hbm:s3], $0x80, s26, s22, $0xb8;
	[tilespmem:$0x13180] =	vst v63  }
0x89: {  	s26 =	simm.s32 $0x2080  }
0x8a: {  	[tilespmem:s11], [sflag:$0x3] =	stream.indirect.gather.add.f32 [hbm:s3], $0x80, s26, s22, $0xb8;
	[tilespmem:$0x13180] =	vst v63  }
0x8b: {  	s26 =	simm.s32 $0x2100  }
0x8c: {  	[tilespmem:s11], [sflag:$0x3] =	stream.indirect.gather.add.f32 [hbm:s3], $0x80, s26, s22, $0xb8;
	[tilespmem:$0x13180] =	vst v63  }
0x8d: {  	s28 =	simm.s32 $0x200;
	s26 =	simm.s32 $0x0  }
.LBB2_4:
0x8e: {  	p1 =	sne.s32 s28, $0xFE00;
	[tilespmem:s26+$0xF1F0] =	vst v0  }
0x8f: {  	[tilespmem:s26+$0x7180] =	vst v0  }
0x90: {  	[tilespmem:s26+$0xF180] =	vst v0  }
0x91: {  	[tilespmem:s26+$0x7190] =	vst v0  }
0x92: {  	[tilespmem:s26+$0xF190] =	vst v0  }
0x93: {  	[tilespmem:s26+$0x71A0] =	vst v0  }
0x94: {  	[tilespmem:s26+$0xF1A0] =	vst v0  }
0x95: {  	[tilespmem:s26+$0x71B0] =	vst v0  }
0x96: {  	[tilespmem:s26+$0xF1B0] =	vst v0  }
0x97: {  	[tilespmem:s26+$0x71C0] =	vst v0  }
0x98: {  	[tilespmem:s26+$0xF1C0] =	vst v0  }
.Ltmp3:
0x99: {  	[tilespmem:s26+$0x71D0] =	vst v0;
	(pc) =	sbr.rel @p1 .LBB2_4-.Ltmp3, $4  }
0x9a: {  	[tilespmem:s26+$0xF1D0] =	vst v0  }
0x9b: {  	[tilespmem:s26+$0x71E0] =	vst v0  }
0x9c: {  	[tilespmem:s26+$0xF1E0] =	vst v0  }
0x9d: {  	[tilespmem:s26+$0x71F0] =	vst v0;
	s26 =	sshra.s32 s28, $0x2;
	s28 =	sadd.s32 $0x200, s28  }
0x9e: {  	[tilespmem:s26+$0xF1F0] =	vst v0  }
0x9f: {  	[tilespmem:s26+$0x7180] =	vst v0  }
0xa0: {  	[tilespmem:s26+$0xF180] =	vst v0  }
0xa1: {  	[tilespmem:s26+$0x7190] =	vst v0  }
0xa2: {  	[tilespmem:s26+$0xF190] =	vst v0  }
0xa3: {  	[tilespmem:s26+$0x71A0] =	vst v0  }
0xa4: {  	[tilespmem:s26+$0xF1A0] =	vst v0  }
0xa5: {  	[tilespmem:s26+$0x71B0] =	vst v0  }
0xa6: {  	[tilespmem:s26+$0xF1B0] =	vst v0  }
0xa7: {  	[tilespmem:s26+$0x71C0] =	vst v0  }
0xa8: {  	[tilespmem:s26+$0xF1C0] =	vst v0  }
0xa9: {  	[tilespmem:s26+$0x71D0] =	vst v0  }
0xaa: {  	[tilespmem:s26+$0xF1D0] =	vst v0  }
0xab: {  	[tilespmem:s26+$0x71E0] =	vst v0  }
0xac: {  	[tilespmem:s26+$0xF1E0] =	vst v0  }
0xad: {  	[tilespmem:s26+$0x71F0] =	vst v0  }
0xae: {  	_ =	swait.ge [sflag:s12], $0x880  }
0xaf: {  	[sflag:s12] =	ssyncset.done $0x0  }
0xb0: {  	[sflag:s12] =	ssyncadd.s32 $0xFFFFF780  }
0xb1: {  	_ =	swait.ge [sflag:s12], $0x800  }
0xb2: {  	[sflag:s12] =	ssyncset.done $0x0  }
0xb3: {  	[sflag:s12] =	ssyncadd.s32 $0xFFFFF800  }
0xb4: {  	[tilespmem:s24], [sflag:$0x4] =	stream.indirect.gather.add.f32 [hbm:s2], $0x80, s19, s22, $0xb8;
	[tilespmem:$0x13180] =	vst v63  }
0xb5: {  	s28 =	simm.s32 $0x900  }
0xb6: {  	[tilespmem:s24], [sflag:$0x4] =	stream.indirect.gather.add.f32 [hbm:s2], $0x80, s28, s22, $0xb8;
	[tilespmem:$0x13180] =	vst v63  }
0xb7: {  	s28 =	simm.s32 $0x980  }
0xb8: {  	[tilespmem:s24], [sflag:$0x4] =	stream.indirect.gather.add.f32 [hbm:s2], $0x80, s28, s22, $0xb8;
	[tilespmem:$0x13180] =	vst v63  }
0xb9: {  	s28 =	simm.s32 $0xA00  }
0xba: {  	[tilespmem:s24], [sflag:$0x4] =	stream.indirect.gather.add.f32 [hbm:s2], $0x80, s28, s22, $0xb8;
	[tilespmem:$0x13180] =	vst v63  }
0xbb: {  	s28 =	simm.s32 $0xA80  }
0xbc: {  	[tilespmem:s24], [sflag:$0x4] =	stream.indirect.gather.add.f32 [hbm:s2], $0x80, s28, s22, $0xb8;
	[tilespmem:$0x13180] =	vst v63  }
0xbd: {  	s28 =	simm.s32 $0xB00  }
0xbe: {  	[tilespmem:s24], [sflag:$0x4] =	stream.indirect.gather.add.f32 [hbm:s2], $0x80, s28, s22, $0xb8;
	[tilespmem:$0x13180] =	vst v63  }
0xbf: {  	s28 =	simm.s32 $0xB80  }
0xc0: {  	[tilespmem:s24], [sflag:$0x4] =	stream.indirect.gather.add.f32 [hbm:s2], $0x80, s28, s22, $0xb8;
	[tilespmem:$0x13180] =	vst v63  }
0xc1: {  	s28 =	simm.s32 $0xC00  }
0xc2: {  	[tilespmem:s24], [sflag:$0x4] =	stream.indirect.gather.add.f32 [hbm:s2], $0x80, s28, s22, $0xb8;
	[tilespmem:$0x13180] =	vst v63  }
0xc3: {  	s28 =	simm.s32 $0xC80  }
0xc4: {  	[tilespmem:s24], [sflag:$0x4] =	stream.indirect.gather.add.f32 [hbm:s2], $0x80, s28, s22, $0xb8;
	[tilespmem:$0x13180] =	vst v63  }
0xc5: {  	s28 =	simm.s32 $0xD00  }
0xc6: {  	[tilespmem:s24], [sflag:$0x4] =	stream.indirect.gather.add.f32 [hbm:s2], $0x80, s28, s22, $0xb8;
	[tilespmem:$0x13180] =	vst v63  }
0xc7: {  	s28 =	simm.s32 $0xD80  }
0xc8: {  	[tilespmem:s24], [sflag:$0x4] =	stream.indirect.gather.add.f32 [hbm:s2], $0x80, s28, s22, $0xb8;
	[tilespmem:$0x13180] =	vst v63  }
0xc9: {  	s28 =	simm.s32 $0xE00  }
0xca: {  	[tilespmem:s24], [sflag:$0x4] =	stream.indirect.gather.add.f32 [hbm:s2], $0x80, s28, s22, $0xb8;
	[tilespmem:$0x13180] =	vst v63  }
0xcb: {  	s28 =	simm.s32 $0xE80  }
0xcc: {  	[tilespmem:s24], [sflag:$0x4] =	stream.indirect.gather.add.f32 [hbm:s2], $0x80, s28, s22, $0xb8;
	[tilespmem:$0x13180] =	vst v63  }
0xcd: {  	s28 =	simm.s32 $0xF00  }
0xce: {  	[tilespmem:s24], [sflag:$0x4] =	stream.indirect.gather.add.f32 [hbm:s2], $0x80, s28, s22, $0xb8;
	[tilespmem:$0x13180] =	vst v63  }
0xcf: {  	s28 =	simm.s32 $0xF80  }
0xd0: {  	[tilespmem:s24], [sflag:$0x4] =	stream.indirect.gather.add.f32 [hbm:s2], $0x80, s28, s22, $0xb8;
	[tilespmem:$0x13180] =	vst v63  }
0xd1: {  	s28 =	simm.s32 $0x1000  }
0xd2: {  	[tilespmem:s24], [sflag:$0x4] =	stream.indirect.gather.add.f32 [hbm:s2], $0x80, s28, s22, $0xb8;
	[tilespmem:$0x13180] =	vst v63  }
0xd3: {  	s28 =	simm.s32 $0x1080  }
0xd4: {  	[tilespmem:s24], [sflag:$0x4] =	stream.indirect.gather.add.f32 [hbm:s2], $0x80, s28, s22, $0xb8;
	[tilespmem:$0x13180] =	vst v63  }
0xd5: {  	_ = 	snop  }
0xd6: {  	[tilespmem:s30], [sflag:$0x4] =	stream.indirect.gather.add.f32 [hbm:s3], $0x80, s20, s22, $0xb8;
	[tilespmem:$0x13180] =	vst v63  }
0xd7: {  	s28 =	simm.s32 $0x2200  }
0xd8: {  	[tilespmem:s30], [sflag:$0x4] =	stream.indirect.gather.add.f32 [hbm:s3], $0x80, s28, s22, $0xb8;
	[tilespmem:$0x13180] =	vst v63  }
0xd9: {  	s28 =	simm.s32 $0x2280  }
0xda: {  	[tilespmem:s30], [sflag:$0x4] =	stream.indirect.gather.add.f32 [hbm:s3], $0x80, s28, s22, $0xb8;
	[tilespmem:$0x13180] =	vst v63  }
0xdb: {  	s28 =	simm.s32 $0x2300  }
0xdc: {  	[tilespmem:s30], [sflag:$0x4] =	stream.indirect.gather.add.f32 [hbm:s3], $0x80, s28, s22, $0xb8;
	[tilespmem:$0x13180] =	vst v63  }
0xdd: {  	s28 =	simm.s32 $0x2380  }
0xde: {  	[tilespmem:s30], [sflag:$0x4] =	stream.indirect.gather.add.f32 [hbm:s3], $0x80, s28, s22, $0xb8;
	[tilespmem:$0x13180] =	vst v63  }
0xdf: {  	s28 =	simm.s32 $0x2400  }
0xe0: {  	[tilespmem:s30], [sflag:$0x4] =	stream.indirect.gather.add.f32 [hbm:s3], $0x80, s28, s22, $0xb8;
	[tilespmem:$0x13180] =	vst v63  }
0xe1: {  	s28 =	simm.s32 $0x2480  }
0xe2: {  	[tilespmem:s30], [sflag:$0x4] =	stream.indirect.gather.add.f32 [hbm:s3], $0x80, s28, s22, $0xb8;
	[tilespmem:$0x13180] =	vst v63  }
0xe3: {  	s28 =	simm.s32 $0x2500  }
0xe4: {  	[tilespmem:s30], [sflag:$0x4] =	stream.indirect.gather.add.f32 [hbm:s3], $0x80, s28, s22, $0xb8;
	[tilespmem:$0x13180] =	vst v63  }
0xe5: {  	s28 =	simm.s32 $0x2580  }
0xe6: {  	[tilespmem:s30], [sflag:$0x4] =	stream.indirect.gather.add.f32 [hbm:s3], $0x80, s28, s22, $0xb8;
	[tilespmem:$0x13180] =	vst v63  }
0xe7: {  	s28 =	simm.s32 $0x2600  }
0xe8: {  	[tilespmem:s30], [sflag:$0x4] =	stream.indirect.gather.add.f32 [hbm:s3], $0x80, s28, s22, $0xb8;
	[tilespmem:$0x13180] =	vst v63  }
0xe9: {  	s28 =	simm.s32 $0x2680  }
0xea: {  	[tilespmem:s30], [sflag:$0x4] =	stream.indirect.gather.add.f32 [hbm:s3], $0x80, s28, s22, $0xb8;
	[tilespmem:$0x13180] =	vst v63  }
0xeb: {  	s28 =	simm.s32 $0x2700  }
0xec: {  	[tilespmem:s30], [sflag:$0x4] =	stream.indirect.gather.add.f32 [hbm:s3], $0x80, s28, s22, $0xb8;
	[tilespmem:$0x13180] =	vst v63  }
0xed: {  	s28 =	simm.s32 $0x2780  }
0xee: {  	[tilespmem:s30], [sflag:$0x4] =	stream.indirect.gather.add.f32 [hbm:s3], $0x80, s28, s22, $0xb8;
	[tilespmem:$0x13180] =	vst v63  }
0xef: {  	s28 =	simm.s32 $0x2800  }
0xf0: {  	[tilespmem:s30], [sflag:$0x4] =	stream.indirect.gather.add.f32 [hbm:s3], $0x80, s28, s22, $0xb8;
	[tilespmem:$0x13180] =	vst v63  }
0xf1: {  	s28 =	simm.s32 $0x2880  }
0xf2: {  	[tilespmem:s30], [sflag:$0x4] =	stream.indirect.gather.add.f32 [hbm:s3], $0x80, s28, s22, $0xb8;
	[tilespmem:$0x13180] =	vst v63  }
0xf3: {  	s28 =	simm.s32 $0x2900  }
0xf4: {  	[tilespmem:s30], [sflag:$0x4] =	stream.indirect.gather.add.f32 [hbm:s3], $0x80, s28, s22, $0xb8;
	[tilespmem:$0x13180] =	vst v63  }
0xf5: {  	_ =	swait.ge [sflag:s15], $0x4000  }
0xf6: {  	[sflag:s15] =	ssyncset.done $0x0  }
0xf7: {  	[sflag:s15] =	ssyncadd.s32 $0xFFFFC000  }
0xf8: {  	_ =	swait.ge [sflag:s15], $0x4000  }
0xf9: {  	[sflag:s15] =	ssyncset.done $0x0  }
0xfa: {  	[sflag:s15] =	ssyncadd.s32 $0xFFFFC000  }
0xfb: {  	_ =	swait.ge [sflag:s15], $0x4000  }
0xfc: {  	[sflag:s15] =	ssyncset.done $0x0  }
0xfd: {  	[sflag:s15] =	ssyncadd.s32 $0xFFFFC000  }
0xfe: {  	_ =	swait.ge [sflag:s15], $0x4000  }
0xff: {  	[sflag:s15] =	ssyncset.done $0x0  }
0x100: {  	[sflag:s15] =	ssyncadd.s32 $0xFFFFC000  }
0x101: {  	_ =	swait.ge [sflag:s15], $0x4000  }
0x102: {  	[sflag:s15] =	ssyncset.done $0x0  }
0x103: {  	[sflag:s15] =	ssyncadd.s32 $0xFFFFC000  }
0x104: {  	_ =	swait.ge [sflag:s15], $0x4000  }
0x105: {  	[sflag:s15] =	ssyncset.done $0x0  }
0x106: {  	[sflag:s15] =	ssyncadd.s32 $0xFFFFC000  }
0x107: {  	_ =	swait.ge [sflag:s15], $0x4000  }
0x108: {  	[sflag:s15] =	ssyncset.done $0x0  }
0x109: {  	[sflag:s15] =	ssyncadd.s32 $0xFFFFC000  }
0x10a: {  	_ =	swait.ge [sflag:s15], $0x4000  }
0x10b: {  	[sflag:s15] =	ssyncset.done $0x0  }
0x10c: {  	[sflag:s15] =	ssyncadd.s32 $0xFFFFC000  }
0x10d: {  	_ =	swait.ge [sflag:s15], $0x4000  }
0x10e: {  	[sflag:s15] =	ssyncset.done $0x0  }
0x10f: {  	[sflag:s15] =	ssyncadd.s32 $0xFFFFC000  }
0x110: {  	_ =	swait.ge [sflag:s15], $0x4000  }
0x111: {  	[sflag:s15] =	ssyncset.done $0x0  }
0x112: {  	[sflag:s15] =	ssyncadd.s32 $0xFFFFC000  }
0x113: {  	_ =	swait.ge [sflag:s15], $0x4000  }
0x114: {  	[sflag:s15] =	ssyncset.done $0x0  }
0x115: {  	[sflag:s15] =	ssyncadd.s32 $0xFFFFC000  }
0x116: {  	_ =	swait.ge [sflag:s15], $0x4000  }
0x117: {  	[sflag:s15] =	ssyncset.done $0x0  }
0x118: {  	[sflag:s15] =	ssyncadd.s32 $0xFFFFC000  }
0x119: {  	_ =	swait.ge [sflag:s15], $0x4000  }
0x11a: {  	[sflag:s15] =	ssyncset.done $0x0  }
0x11b: {  	[sflag:s15] =	ssyncadd.s32 $0xFFFFC000  }
0x11c: {  	_ =	swait.ge [sflag:s15], $0x4000  }
0x11d: {  	[sflag:s15] =	ssyncset.done $0x0  }
0x11e: {  	[sflag:s15] =	ssyncadd.s32 $0xFFFFC000  }
0x11f: {  	_ =	swait.ge [sflag:s15], $0x4000  }
0x120: {  	[sflag:s15] =	ssyncset.done $0x0  }
0x121: {  	[sflag:s15] =	ssyncadd.s32 $0xFFFFC000  }
0x122: {  	_ =	swait.ge [sflag:s15], $0x4000  }
0x123: {  	[sflag:s15] =	ssyncset.done $0x0  }
0x124: {  	[sflag:s15] =	ssyncadd.s32 $0xFFFFC000  }
0x125: {  	_ =	swait.ge [sflag:s15], $0x4000  }
0x126: {  	[sflag:s15] =	ssyncset.done $0x0  }
0x127: {  	[sflag:s15] =	ssyncadd.s32 $0xFFFFC000  }
0x128: {  	_ =	swait.ge [sflag:s15], $0x4000  }
0x129: {  	[sflag:s15] =	ssyncset.done $0x0  }
0x12a: {  	[sflag:s15] =	ssyncadd.s32 $0xFFFFC000  }
0x12b: {  	_ =	swait.ge [sflag:s15], $0x4000  }
0x12c: {  	[sflag:s15] =	ssyncset.done $0x0  }
0x12d: {  	[sflag:s15] =	ssyncadd.s32 $0xFFFFC000  }
0x12e: {  	_ =	swait.ge [sflag:s15], $0x4000  }
0x12f: {  	[sflag:s15] =	ssyncset.done $0x0  }
0x130: {  	[sflag:s15] =	ssyncadd.s32 $0xFFFFC000  }
0x131: {  	_ =	swait.ge [sflag:s15], $0x4000  }
0x132: {  	[sflag:s15] =	ssyncset.done $0x0  }
0x133: {  	[sflag:s15] =	ssyncadd.s32 $0xFFFFC000  }
0x134: {  	_ =	swait.ge [sflag:s15], $0x4000  }
0x135: {  	[sflag:s15] =	ssyncset.done $0x0  }
0x136: {  	[sflag:s15] =	ssyncadd.s32 $0xFFFFC000  }
0x137: {  	_ =	swait.ge [sflag:s15], $0x4000  }
0x138: {  	[sflag:s15] =	ssyncset.done $0x0  }
0x139: {  	[sflag:s15] =	ssyncadd.s32 $0xFFFFC000  }
0x13a: {  	_ =	swait.ge [sflag:s15], $0x4000  }
0x13b: {  	[sflag:s15] =	ssyncset.done $0x0  }
0x13c: {  	[sflag:s15] =	ssyncadd.s32 $0xFFFFC000  }
0x13d: {  	_ =	swait.ge [sflag:s15], $0x4000  }
0x13e: {  	[sflag:s15] =	ssyncset.done $0x0  }
0x13f: {  	[sflag:s15] =	ssyncadd.s32 $0xFFFFC000  }
0x140: {  	_ =	swait.ge [sflag:s15], $0x4000  }
0x141: {  	[sflag:s15] =	ssyncset.done $0x0  }
0x142: {  	[sflag:s15] =	ssyncadd.s32 $0xFFFFC000  }
0x143: {  	_ =	swait.ge [sflag:s15], $0x4000  }
0x144: {  	[sflag:s15] =	ssyncset.done $0x0  }
0x145: {  	[sflag:s15] =	ssyncadd.s32 $0xFFFFC000  }
0x146: {  	_ =	swait.ge [sflag:s15], $0x4000  }
0x147: {  	[sflag:s15] =	ssyncset.done $0x0  }
0x148: {  	[sflag:s15] =	ssyncadd.s32 $0xFFFFC000  }
0x149: {  	_ =	swait.ge [sflag:s15], $0x4000  }
0x14a: {  	[sflag:s15] =	ssyncset.done $0x0  }
0x14b: {  	[sflag:s15] =	ssyncadd.s32 $0xFFFFC000  }
0x14c: {  	_ =	swait.ge [sflag:s15], $0x4000  }
0x14d: {  	[sflag:s15] =	ssyncset.done $0x0  }
0x14e: {  	[sflag:s15] =	ssyncadd.s32 $0xFFFFC000  }
0x14f: {  	_ =	swait.ge [sflag:s15], $0x4000  }
0x150: {  	[sflag:s15] =	ssyncset.done $0x0  }
0x151: {  	[sflag:s15] =	ssyncadd.s32 $0xFFFFC000  }
0x152: {  	_ =	swait.ge [sflag:s15], $0x4000  }
0x153: {  	[sflag:s15] =	ssyncset.done $0x0  }
0x154: {  	[sflag:s15] =	ssyncadd.s32 $0xFFFFC000  }
0x155: {  	_ =	swait.ge [sflag:s15], $0x4000  }
.Ltmp4:
0x156: {  	[sflag:s15] =	ssyncset.done $0x0;
	(pc) =	sbr.rel @p0 .LBB2_9-.Ltmp4, $4  }
0x157: {  	[sflag:s15] =	ssyncadd.s32 $0xFFFFC000  }
0x158: {  	[hbm4b:s9+s1] =	stream.linear.scatter [tilespmem:s23], [sflag:$0x5], $0x4000, $0x38;
	[tilespmem:$0x13180] =	vst v63  }
0x159: {  	_ = 	snop  }
0x15a: {  	[hbm4b:s10+s1] =	stream.linear.scatter [tilespmem:s11], [sflag:$0x5], $0x4000, $0x38;
	[tilespmem:$0x13180] =	vst v63  }
0x15b: {  	s26 =	simm.s32 $0x0;
	s28 =	rddreg [dreg:$0x2]  }
0x15c: {  	[tilespmem:s29], [sflag:$0x1] =	stream.linear.gather [hbm4b:s28+s26], $0x880, $0x38;
	[tilespmem:$0x13180] =	vst v63  }
0x15d: {  	s28 =	rddreg [dreg:$0x3]  }
0x15e: {  	[tilespmem:s16], [sflag:$0x1] =	stream.linear.gather [hbm4b:s28+s26], $0x800, $0x38;
	[tilespmem:$0x13180] =	vst v63  }
0x15f: {  	_ =	swait.ge [sflag:s31], $0x4000  }
0x160: {  	[sflag:s31] =	ssyncset.done $0x0  }
0x161: {  	[sflag:s31] =	ssyncadd.s32 $0xFFFFC000  }
0x162: {  	_ =	swait.ge [sflag:s31], $0x4000  }
0x163: {  	[sflag:s31] =	ssyncset.done $0x0  }
0x164: {  	s26 =	simm.s32 $0x0;
	s28 =	simm.s32 $0x200;
	[sflag:s31] =	ssyncadd.s32 $0xFFFFC000  }
.LBB2_7:
0x165: {  	p1 =	sne.s32 s28, $0xFE00;
	[tilespmem:s26+$0xB1F0] =	vst v0  }
0x166: {  	[tilespmem:s26+$0x3180] =	vst v0  }
0x167: {  	[tilespmem:s26+$0xB180] =	vst v0  }
0x168: {  	[tilespmem:s26+$0x3190] =	vst v0  }
0x169: {  	[tilespmem:s26+$0xB190] =	vst v0  }
0x16a: {  	[tilespmem:s26+$0x31A0] =	vst v0  }
0x16b: {  	[tilespmem:s26+$0xB1A0] =	vst v0  }
0x16c: {  	[tilespmem:s26+$0x31B0] =	vst v0  }
0x16d: {  	[tilespmem:s26+$0xB1B0] =	vst v0  }
0x16e: {  	[tilespmem:s26+$0x31C0] =	vst v0  }
0x16f: {  	[tilespmem:s26+$0xB1C0] =	vst v0  }
.Ltmp5:
0x170: {  	[tilespmem:s26+$0x31D0] =	vst v0;
	(pc) =	sbr.rel @p1 .LBB2_7-.Ltmp5, $4  }
0x171: {  	[tilespmem:s26+$0xB1D0] =	vst v0  }
0x172: {  	[tilespmem:s26+$0x31E0] =	vst v0  }
0x173: {  	[tilespmem:s26+$0xB1E0] =	vst v0  }
0x174: {  	[tilespmem:s26+$0x31F0] =	vst v0;
	s26 =	sshra.s32 s28, $0x2;
	s28 =	sadd.s32 $0x200, s28  }
0x175: {  	[tilespmem:s26+$0xB1F0] =	vst v0  }
0x176: {  	[tilespmem:s26+$0x3180] =	vst v0  }
0x177: {  	[tilespmem:s26+$0xB180] =	vst v0  }
0x178: {  	[tilespmem:s26+$0x3190] =	vst v0  }
0x179: {  	[tilespmem:s26+$0xB190] =	vst v0  }
0x17a: {  	[tilespmem:s26+$0x31A0] =	vst v0  }
0x17b: {  	[tilespmem:s26+$0xB1A0] =	vst v0  }
0x17c: {  	[tilespmem:s26+$0x31B0] =	vst v0  }
0x17d: {  	[tilespmem:s26+$0xB1B0] =	vst v0  }
0x17e: {  	[tilespmem:s26+$0x31C0] =	vst v0  }
0x17f: {  	[tilespmem:s26+$0xB1C0] =	vst v0  }
0x180: {  	[tilespmem:s26+$0x31D0] =	vst v0  }
0x181: {  	[tilespmem:s26+$0xB1D0] =	vst v0  }
0x182: {  	[tilespmem:s26+$0x31E0] =	vst v0  }
0x183: {  	[tilespmem:s26+$0xB1E0] =	vst v0  }
0x184: {  	[tilespmem:s26+$0x31F0] =	vst v0  }
0x185: {  	_ =	swait.ge [sflag:s21], $0x880  }
0x186: {  	[sflag:s21] =	ssyncset.done $0x0  }
0x187: {  	[sflag:s21] =	ssyncadd.s32 $0xFFFFF780  }
0x188: {  	_ =	swait.ge [sflag:s21], $0x800  }
0x189: {  	[sflag:s21] =	ssyncset.done $0x0  }
0x18a: {  	[sflag:s21] =	ssyncadd.s32 $0xFFFFF800  }
0x18b: {  	[tilespmem:s23], [sflag:$0x3] =	stream.indirect.gather.add.f32 [hbm:s2], $0x80, s29, s22, $0xb8;
	[tilespmem:$0x13180] =	vst v63  }
0x18c: {  	s28 =	simm.s32 $0x1180  }
0x18d: {  	[tilespmem:s23], [sflag:$0x3] =	stream.indirect.gather.add.f32 [hbm:s2], $0x80, s28, s22, $0xb8;
	[tilespmem:$0x13180] =	vst v63  }
0x18e: {  	s28 =	simm.s32 $0x1200  }
0x18f: {  	[tilespmem:s23], [sflag:$0x3] =	stream.indirect.gather.add.f32 [hbm:s2], $0x80, s28, s22, $0xb8;
	[tilespmem:$0x13180] =	vst v63  }
0x190: {  	s28 =	simm.s32 $0x1280  }
0x191: {  	[tilespmem:s23], [sflag:$0x3] =	stream.indirect.gather.add.f32 [hbm:s2], $0x80, s28, s22, $0xb8;
	[tilespmem:$0x13180] =	vst v63  }
0x192: {  	s28 =	simm.s32 $0x1300  }
0x193: {  	[tilespmem:s23], [sflag:$0x3] =	stream.indirect.gather.add.f32 [hbm:s2], $0x80, s28, s22, $0xb8;
	[tilespmem:$0x13180] =	vst v63  }
0x194: {  	s28 =	simm.s32 $0x1380  }
0x195: {  	[tilespmem:s23], [sflag:$0x3] =	stream.indirect.gather.add.f32 [hbm:s2], $0x80, s28, s22, $0xb8;
	[tilespmem:$0x13180] =	vst v63  }
0x196: {  	s28 =	simm.s32 $0x1400  }
0x197: {  	[tilespmem:s23], [sflag:$0x3] =	stream.indirect.gather.add.f32 [hbm:s2], $0x80, s28, s22, $0xb8;
	[tilespmem:$0x13180] =	vst v63  }
0x198: {  	s28 =	simm.s32 $0x1480  }
0x199: {  	[tilespmem:s23], [sflag:$0x3] =	stream.indirect.gather.add.f32 [hbm:s2], $0x80, s28, s22, $0xb8;
	[tilespmem:$0x13180] =	vst v63  }
0x19a: {  	s28 =	simm.s32 $0x1500  }
0x19b: {  	[tilespmem:s23], [sflag:$0x3] =	stream.indirect.gather.add.f32 [hbm:s2], $0x80, s28, s22, $0xb8;
	[tilespmem:$0x13180] =	vst v63  }
0x19c: {  	s28 =	simm.s32 $0x1580  }
0x19d: {  	[tilespmem:s23], [sflag:$0x3] =	stream.indirect.gather.add.f32 [hbm:s2], $0x80, s28, s22, $0xb8;
	[tilespmem:$0x13180] =	vst v63  }
0x19e: {  	s28 =	simm.s32 $0x1600  }
0x19f: {  	[tilespmem:s23], [sflag:$0x3] =	stream.indirect.gather.add.f32 [hbm:s2], $0x80, s28, s22, $0xb8;
	[tilespmem:$0x13180] =	vst v63  }
0x1a0: {  	s28 =	simm.s32 $0x1680  }
0x1a1: {  	[tilespmem:s23], [sflag:$0x3] =	stream.indirect.gather.add.f32 [hbm:s2], $0x80, s28, s22, $0xb8;
	[tilespmem:$0x13180] =	vst v63  }
0x1a2: {  	s28 =	simm.s32 $0x1700  }
0x1a3: {  	[tilespmem:s23], [sflag:$0x3] =	stream.indirect.gather.add.f32 [hbm:s2], $0x80, s28, s22, $0xb8;
	[tilespmem:$0x13180] =	vst v63  }
0x1a4: {  	s28 =	simm.s32 $0x1780  }
0x1a5: {  	[tilespmem:s23], [sflag:$0x3] =	stream.indirect.gather.add.f32 [hbm:s2], $0x80, s28, s22, $0xb8;
	[tilespmem:$0x13180] =	vst v63  }
0x1a6: {  	s28 =	simm.s32 $0x1800  }
0x1a7: {  	[tilespmem:s23], [sflag:$0x3] =	stream.indirect.gather.add.f32 [hbm:s2], $0x80, s28, s22, $0xb8;
	[tilespmem:$0x13180] =	vst v63  }
0x1a8: {  	s28 =	simm.s32 $0x1880  }
0x1a9: {  	[tilespmem:s23], [sflag:$0x3] =	stream.indirect.gather.add.f32 [hbm:s2], $0x80, s28, s22, $0xb8;
	[tilespmem:$0x13180] =	vst v63  }
0x1aa: {  	s28 =	simm.s32 $0x1900  }
0x1ab: {  	[tilespmem:s23], [sflag:$0x3] =	stream.indirect.gather.add.f32 [hbm:s2], $0x80, s28, s22, $0xb8;
	[tilespmem:$0x13180] =	vst v63  }
0x1ac: {  	_ = 	snop  }
0x1ad: {  	[tilespmem:s11], [sflag:$0x3] =	stream.indirect.gather.add.f32 [hbm:s3], $0x80, s16, s22, $0xb8;
	[tilespmem:$0x13180] =	vst v63  }
0x1ae: {  	s28 =	simm.s32 $0x2A00  }
0x1af: {  	[tilespmem:s11], [sflag:$0x3] =	stream.indirect.gather.add.f32 [hbm:s3], $0x80, s28, s22, $0xb8;
	[tilespmem:$0x13180] =	vst v63  }
0x1b0: {  	s28 =	simm.s32 $0x2A80  }
0x1b1: {  	[tilespmem:s11], [sflag:$0x3] =	stream.indirect.gather.add.f32 [hbm:s3], $0x80, s28, s22, $0xb8;
	[tilespmem:$0x13180] =	vst v63  }
0x1b2: {  	s28 =	simm.s32 $0x2B00  }
0x1b3: {  	[tilespmem:s11], [sflag:$0x3] =	stream.indirect.gather.add.f32 [hbm:s3], $0x80, s28, s22, $0xb8;
	[tilespmem:$0x13180] =	vst v63  }
0x1b4: {  	s28 =	simm.s32 $0x2B80  }
0x1b5: {  	[tilespmem:s11], [sflag:$0x3] =	stream.indirect.gather.add.f32 [hbm:s3], $0x80, s28, s22, $0xb8;
	[tilespmem:$0x13180] =	vst v63  }
0x1b6: {  	s28 =	simm.s32 $0x2C00  }
0x1b7: {  	[tilespmem:s11], [sflag:$0x3] =	stream.indirect.gather.add.f32 [hbm:s3], $0x80, s28, s22, $0xb8;
	[tilespmem:$0x13180] =	vst v63  }
0x1b8: {  	s28 =	simm.s32 $0x2C80  }
0x1b9: {  	[tilespmem:s11], [sflag:$0x3] =	stream.indirect.gather.add.f32 [hbm:s3], $0x80, s28, s22, $0xb8;
	[tilespmem:$0x13180] =	vst v63  }
0x1ba: {  	s28 =	simm.s32 $0x2D00  }
0x1bb: {  	[tilespmem:s11], [sflag:$0x3] =	stream.indirect.gather.add.f32 [hbm:s3], $0x80, s28, s22, $0xb8;
	[tilespmem:$0x13180] =	vst v63  }
0x1bc: {  	s28 =	simm.s32 $0x2D80  }
0x1bd: {  	[tilespmem:s11], [sflag:$0x3] =	stream.indirect.gather.add.f32 [hbm:s3], $0x80, s28, s22, $0xb8;
	[tilespmem:$0x13180] =	vst v63  }
0x1be: {  	s28 =	simm.s32 $0x2E00  }
0x1bf: {  	[tilespmem:s11], [sflag:$0x3] =	stream.indirect.gather.add.f32 [hbm:s3], $0x80, s28, s22, $0xb8;
	[tilespmem:$0x13180] =	vst v63  }
0x1c0: {  	s28 =	simm.s32 $0x2E80  }
0x1c1: {  	[tilespmem:s11], [sflag:$0x3] =	stream.indirect.gather.add.f32 [hbm:s3], $0x80, s28, s22, $0xb8;
	[tilespmem:$0x13180] =	vst v63  }
0x1c2: {  	s28 =	simm.s32 $0x2F00  }
0x1c3: {  	[tilespmem:s11], [sflag:$0x3] =	stream.indirect.gather.add.f32 [hbm:s3], $0x80, s28, s22, $0xb8;
	[tilespmem:$0x13180] =	vst v63  }
0x1c4: {  	s28 =	simm.s32 $0x2F80  }
0x1c5: {  	[tilespmem:s11], [sflag:$0x3] =	stream.indirect.gather.add.f32 [hbm:s3], $0x80, s28, s22, $0xb8;
	[tilespmem:$0x13180] =	vst v63  }
0x1c6: {  	s28 =	simm.s32 $0x3000  }
0x1c7: {  	[tilespmem:s11], [sflag:$0x3] =	stream.indirect.gather.add.f32 [hbm:s3], $0x80, s28, s22, $0xb8;
	[tilespmem:$0x13180] =	vst v63  }
0x1c8: {  	s28 =	simm.s32 $0x3080  }
0x1c9: {  	[tilespmem:s11], [sflag:$0x3] =	stream.indirect.gather.add.f32 [hbm:s3], $0x80, s28, s22, $0xb8;
	[tilespmem:$0x13180] =	vst v63  }
0x1ca: {  	s28 =	simm.s32 $0x3100  }
0x1cb: {  	[tilespmem:s11], [sflag:$0x3] =	stream.indirect.gather.add.f32 [hbm:s3], $0x80, s28, s22, $0xb8;
	[tilespmem:$0x13180] =	vst v63  }
.LBB2_9:
0x1cc: {  	_ =	swait.ge [sflag:s0], $0x4000  }
0x1cd: {  	[sflag:s0] =	ssyncset.done $0x0  }
0x1ce: {  	[sflag:s0] =	ssyncadd.s32 $0xFFFFC000  }
0x1cf: {  	_ =	swait.ge [sflag:s0], $0x4000  }
0x1d0: {  	[sflag:s0] =	ssyncset.done $0x0  }
0x1d1: {  	[sflag:s0] =	ssyncadd.s32 $0xFFFFC000  }
0x1d2: {  	_ =	swait.ge [sflag:s0], $0x4000  }
0x1d3: {  	[sflag:s0] =	ssyncset.done $0x0  }
0x1d4: {  	[sflag:s0] =	ssyncadd.s32 $0xFFFFC000  }
0x1d5: {  	_ =	swait.ge [sflag:s0], $0x4000  }
0x1d6: {  	[sflag:s0] =	ssyncset.done $0x0  }
0x1d7: {  	[sflag:s0] =	ssyncadd.s32 $0xFFFFC000  }
0x1d8: {  	_ =	swait.ge [sflag:s0], $0x4000  }
0x1d9: {  	[sflag:s0] =	ssyncset.done $0x0  }
0x1da: {  	[sflag:s0] =	ssyncadd.s32 $0xFFFFC000  }
0x1db: {  	_ =	swait.ge [sflag:s0], $0x4000  }
0x1dc: {  	[sflag:s0] =	ssyncset.done $0x0  }
0x1dd: {  	[sflag:s0] =	ssyncadd.s32 $0xFFFFC000  }
0x1de: {  	_ =	swait.ge [sflag:s0], $0x4000  }
0x1df: {  	[sflag:s0] =	ssyncset.done $0x0  }
0x1e0: {  	[sflag:s0] =	ssyncadd.s32 $0xFFFFC000  }
0x1e1: {  	_ =	swait.ge [sflag:s0], $0x4000  }
0x1e2: {  	[sflag:s0] =	ssyncset.done $0x0  }
0x1e3: {  	[sflag:s0] =	ssyncadd.s32 $0xFFFFC000  }
0x1e4: {  	_ =	swait.ge [sflag:s0], $0x4000  }
0x1e5: {  	[sflag:s0] =	ssyncset.done $0x0  }
0x1e6: {  	[sflag:s0] =	ssyncadd.s32 $0xFFFFC000  }
0x1e7: {  	_ =	swait.ge [sflag:s0], $0x4000  }
0x1e8: {  	[sflag:s0] =	ssyncset.done $0x0  }
0x1e9: {  	[sflag:s0] =	ssyncadd.s32 $0xFFFFC000  }
0x1ea: {  	_ =	swait.ge [sflag:s0], $0x4000  }
0x1eb: {  	[sflag:s0] =	ssyncset.done $0x0  }
0x1ec: {  	[sflag:s0] =	ssyncadd.s32 $0xFFFFC000  }
0x1ed: {  	_ =	swait.ge [sflag:s0], $0x4000  }
0x1ee: {  	[sflag:s0] =	ssyncset.done $0x0  }
0x1ef: {  	[sflag:s0] =	ssyncadd.s32 $0xFFFFC000  }
0x1f0: {  	_ =	swait.ge [sflag:s0], $0x4000  }
0x1f1: {  	[sflag:s0] =	ssyncset.done $0x0  }
0x1f2: {  	[sflag:s0] =	ssyncadd.s32 $0xFFFFC000  }
0x1f3: {  	_ =	swait.ge [sflag:s0], $0x4000  }
0x1f4: {  	[sflag:s0] =	ssyncset.done $0x0  }
0x1f5: {  	[sflag:s0] =	ssyncadd.s32 $0xFFFFC000  }
0x1f6: {  	_ =	swait.ge [sflag:s0], $0x4000  }
0x1f7: {  	[sflag:s0] =	ssyncset.done $0x0  }
0x1f8: {  	[sflag:s0] =	ssyncadd.s32 $0xFFFFC000  }
0x1f9: {  	_ =	swait.ge [sflag:s0], $0x4000  }
0x1fa: {  	[sflag:s0] =	ssyncset.done $0x0  }
0x1fb: {  	[sflag:s0] =	ssyncadd.s32 $0xFFFFC000  }
0x1fc: {  	_ =	swait.ge [sflag:s0], $0x4000  }
0x1fd: {  	[sflag:s0] =	ssyncset.done $0x0  }
0x1fe: {  	[sflag:s0] =	ssyncadd.s32 $0xFFFFC000  }
0x1ff: {  	_ =	swait.ge [sflag:s0], $0x4000  }
0x200: {  	[sflag:s0] =	ssyncset.done $0x0  }
0x201: {  	[sflag:s0] =	ssyncadd.s32 $0xFFFFC000  }
0x202: {  	_ =	swait.ge [sflag:s0], $0x4000  }
0x203: {  	[sflag:s0] =	ssyncset.done $0x0  }
0x204: {  	[sflag:s0] =	ssyncadd.s32 $0xFFFFC000  }
0x205: {  	_ =	swait.ge [sflag:s0], $0x4000  }
0x206: {  	[sflag:s0] =	ssyncset.done $0x0  }
0x207: {  	[sflag:s0] =	ssyncadd.s32 $0xFFFFC000  }
0x208: {  	_ =	swait.ge [sflag:s0], $0x4000  }
0x209: {  	[sflag:s0] =	ssyncset.done $0x0  }
0x20a: {  	[sflag:s0] =	ssyncadd.s32 $0xFFFFC000  }
0x20b: {  	_ =	swait.ge [sflag:s0], $0x4000  }
0x20c: {  	[sflag:s0] =	ssyncset.done $0x0  }
0x20d: {  	[sflag:s0] =	ssyncadd.s32 $0xFFFFC000  }
0x20e: {  	_ =	swait.ge [sflag:s0], $0x4000  }
0x20f: {  	[sflag:s0] =	ssyncset.done $0x0  }
0x210: {  	[sflag:s0] =	ssyncadd.s32 $0xFFFFC000  }
0x211: {  	_ =	swait.ge [sflag:s0], $0x4000  }
0x212: {  	[sflag:s0] =	ssyncset.done $0x0  }
0x213: {  	[sflag:s0] =	ssyncadd.s32 $0xFFFFC000  }
0x214: {  	_ =	swait.ge [sflag:s0], $0x4000  }
0x215: {  	[sflag:s0] =	ssyncset.done $0x0  }
0x216: {  	[sflag:s0] =	ssyncadd.s32 $0xFFFFC000  }
0x217: {  	_ =	swait.ge [sflag:s0], $0x4000  }
0x218: {  	[sflag:s0] =	ssyncset.done $0x0  }
0x219: {  	[sflag:s0] =	ssyncadd.s32 $0xFFFFC000  }
0x21a: {  	_ =	swait.ge [sflag:s0], $0x4000  }
0x21b: {  	[sflag:s0] =	ssyncset.done $0x0  }
0x21c: {  	[sflag:s0] =	ssyncadd.s32 $0xFFFFC000  }
0x21d: {  	_ =	swait.ge [sflag:s0], $0x4000  }
0x21e: {  	[sflag:s0] =	ssyncset.done $0x0  }
0x21f: {  	[sflag:s0] =	ssyncadd.s32 $0xFFFFC000  }
0x220: {  	_ =	swait.ge [sflag:s0], $0x4000  }
0x221: {  	[sflag:s0] =	ssyncset.done $0x0  }
0x222: {  	[sflag:s0] =	ssyncadd.s32 $0xFFFFC000  }
0x223: {  	_ =	swait.ge [sflag:s0], $0x4000  }
0x224: {  	[sflag:s0] =	ssyncset.done $0x0  }
0x225: {  	[sflag:s0] =	ssyncadd.s32 $0xFFFFC000  }
0x226: {  	_ =	swait.ge [sflag:s0], $0x4000  }
0x227: {  	[sflag:s0] =	ssyncset.done $0x0  }
0x228: {  	[sflag:s0] =	ssyncadd.s32 $0xFFFFC000  }
0x229: {  	_ =	swait.ge [sflag:s0], $0x4000  }
0x22a: {  	[sflag:s0] =	ssyncset.done $0x0  }
0x22b: {  	[sflag:s0] =	ssyncadd.s32 $0xFFFFC000  }
0x22c: {  	_ =	swait.ge [sflag:s0], $0x4000  }
.Ltmp6:
0x22d: {  	[sflag:s0] =	ssyncset.done $0x0;
	(pc) =	sbr.rel @p0 .LBB2_11-.Ltmp6, $4  }
0x22e: {  	[sflag:s0] =	ssyncadd.s32 $0xFFFFC000  }
0x22f: {  	[hbm4b:s13+s1] =	stream.linear.scatter [tilespmem:s24], [sflag:$0x6], $0x4000, $0x38;
	[tilespmem:$0x13180] =	vst v63  }
0x230: {  	_ = 	snop  }
0x231: {  	[hbm4b:s14+s1] =	stream.linear.scatter [tilespmem:s30], [sflag:$0x6], $0x4000, $0x38;
	[tilespmem:$0x13180] =	vst v63  }
0x232: {  	_ =	swait.ge [sflag:s15], $0x4000  }
0x233: {  	[sflag:s15] =	ssyncset.done $0x0  }
0x234: {  	[sflag:s15] =	ssyncadd.s32 $0xFFFFC000  }
0x235: {  	_ =	swait.ge [sflag:s15], $0x4000  }
0x236: {  	[sflag:s15] =	ssyncset.done $0x0  }
0x237: {  	[sflag:s15] =	ssyncadd.s32 $0xFFFFC000  }
0x238: {  	_ =	swait.ge [sflag:s15], $0x4000  }
0x239: {  	[sflag:s15] =	ssyncset.done $0x0  }
0x23a: {  	[sflag:s15] =	ssyncadd.s32 $0xFFFFC000  }
0x23b: {  	_ =	swait.ge [sflag:s15], $0x4000  }
0x23c: {  	[sflag:s15] =	ssyncset.done $0x0  }
0x23d: {  	[sflag:s15] =	ssyncadd.s32 $0xFFFFC000  }
0x23e: {  	_ =	swait.ge [sflag:s15], $0x4000  }
0x23f: {  	[sflag:s15] =	ssyncset.done $0x0  }
0x240: {  	[sflag:s15] =	ssyncadd.s32 $0xFFFFC000  }
0x241: {  	_ =	swait.ge [sflag:s15], $0x4000  }
0x242: {  	[sflag:s15] =	ssyncset.done $0x0  }
0x243: {  	[sflag:s15] =	ssyncadd.s32 $0xFFFFC000  }
0x244: {  	_ =	swait.ge [sflag:s15], $0x4000  }
0x245: {  	[sflag:s15] =	ssyncset.done $0x0  }
0x246: {  	[sflag:s15] =	ssyncadd.s32 $0xFFFFC000  }
0x247: {  	_ =	swait.ge [sflag:s15], $0x4000  }
0x248: {  	[sflag:s15] =	ssyncset.done $0x0  }
0x249: {  	[sflag:s15] =	ssyncadd.s32 $0xFFFFC000  }
0x24a: {  	_ =	swait.ge [sflag:s15], $0x4000  }
0x24b: {  	[sflag:s15] =	ssyncset.done $0x0  }
0x24c: {  	[sflag:s15] =	ssyncadd.s32 $0xFFFFC000  }
0x24d: {  	_ =	swait.ge [sflag:s15], $0x4000  }
0x24e: {  	[sflag:s15] =	ssyncset.done $0x0  }
0x24f: {  	[sflag:s15] =	ssyncadd.s32 $0xFFFFC000  }
0x250: {  	_ =	swait.ge [sflag:s15], $0x4000  }
0x251: {  	[sflag:s15] =	ssyncset.done $0x0  }
0x252: {  	[sflag:s15] =	ssyncadd.s32 $0xFFFFC000  }
0x253: {  	_ =	swait.ge [sflag:s15], $0x4000  }
0x254: {  	[sflag:s15] =	ssyncset.done $0x0  }
0x255: {  	[sflag:s15] =	ssyncadd.s32 $0xFFFFC000  }
0x256: {  	_ =	swait.ge [sflag:s15], $0x4000  }
0x257: {  	[sflag:s15] =	ssyncset.done $0x0  }
0x258: {  	[sflag:s15] =	ssyncadd.s32 $0xFFFFC000  }
0x259: {  	_ =	swait.ge [sflag:s15], $0x4000  }
0x25a: {  	[sflag:s15] =	ssyncset.done $0x0  }
0x25b: {  	[sflag:s15] =	ssyncadd.s32 $0xFFFFC000  }
0x25c: {  	_ =	swait.ge [sflag:s15], $0x4000  }
0x25d: {  	[sflag:s15] =	ssyncset.done $0x0  }
0x25e: {  	[sflag:s15] =	ssyncadd.s32 $0xFFFFC000  }
0x25f: {  	_ =	swait.ge [sflag:s15], $0x4000  }
0x260: {  	[sflag:s15] =	ssyncset.done $0x0  }
0x261: {  	[sflag:s15] =	ssyncadd.s32 $0xFFFFC000  }
0x262: {  	_ =	swait.ge [sflag:s15], $0x4000  }
0x263: {  	[sflag:s15] =	ssyncset.done $0x0  }
0x264: {  	[sflag:s15] =	ssyncadd.s32 $0xFFFFC000  }
0x265: {  	_ =	swait.ge [sflag:s15], $0x4000  }
0x266: {  	[sflag:s15] =	ssyncset.done $0x0  }
0x267: {  	[sflag:s15] =	ssyncadd.s32 $0xFFFFC000  }
0x268: {  	_ =	swait.ge [sflag:s15], $0x4000  }
0x269: {  	[sflag:s15] =	ssyncset.done $0x0  }
0x26a: {  	[sflag:s15] =	ssyncadd.s32 $0xFFFFC000  }
0x26b: {  	_ =	swait.ge [sflag:s15], $0x4000  }
0x26c: {  	[sflag:s15] =	ssyncset.done $0x0  }
0x26d: {  	[sflag:s15] =	ssyncadd.s32 $0xFFFFC000  }
0x26e: {  	_ =	swait.ge [sflag:s15], $0x4000  }
0x26f: {  	[sflag:s15] =	ssyncset.done $0x0  }
0x270: {  	[sflag:s15] =	ssyncadd.s32 $0xFFFFC000  }
0x271: {  	_ =	swait.ge [sflag:s15], $0x4000  }
0x272: {  	[sflag:s15] =	ssyncset.done $0x0  }
0x273: {  	[sflag:s15] =	ssyncadd.s32 $0xFFFFC000  }
0x274: {  	_ =	swait.ge [sflag:s15], $0x4000  }
0x275: {  	[sflag:s15] =	ssyncset.done $0x0  }
0x276: {  	[sflag:s15] =	ssyncadd.s32 $0xFFFFC000  }
0x277: {  	_ =	swait.ge [sflag:s15], $0x4000  }
0x278: {  	[sflag:s15] =	ssyncset.done $0x0  }
0x279: {  	[sflag:s15] =	ssyncadd.s32 $0xFFFFC000  }
0x27a: {  	_ =	swait.ge [sflag:s15], $0x4000  }
0x27b: {  	[sflag:s15] =	ssyncset.done $0x0  }
0x27c: {  	[sflag:s15] =	ssyncadd.s32 $0xFFFFC000  }
0x27d: {  	_ =	swait.ge [sflag:s15], $0x4000  }
0x27e: {  	[sflag:s15] =	ssyncset.done $0x0  }
0x27f: {  	[sflag:s15] =	ssyncadd.s32 $0xFFFFC000  }
0x280: {  	_ =	swait.ge [sflag:s15], $0x4000  }
0x281: {  	[sflag:s15] =	ssyncset.done $0x0  }
0x282: {  	[sflag:s15] =	ssyncadd.s32 $0xFFFFC000  }
0x283: {  	_ =	swait.ge [sflag:s15], $0x4000  }
0x284: {  	[sflag:s15] =	ssyncset.done $0x0  }
0x285: {  	[sflag:s15] =	ssyncadd.s32 $0xFFFFC000  }
0x286: {  	_ =	swait.ge [sflag:s15], $0x4000  }
0x287: {  	[sflag:s15] =	ssyncset.done $0x0  }
0x288: {  	[sflag:s15] =	ssyncadd.s32 $0xFFFFC000  }
0x289: {  	_ =	swait.ge [sflag:s15], $0x4000  }
0x28a: {  	[sflag:s15] =	ssyncset.done $0x0  }
0x28b: {  	[sflag:s15] =	ssyncadd.s32 $0xFFFFC000  }
0x28c: {  	_ =	swait.ge [sflag:s15], $0x4000  }
0x28d: {  	[sflag:s15] =	ssyncset.done $0x0  }
0x28e: {  	[sflag:s15] =	ssyncadd.s32 $0xFFFFC000  }
0x28f: {  	_ =	swait.ge [sflag:s15], $0x4000  }
0x290: {  	[sflag:s15] =	ssyncset.done $0x0  }
0x291: {  	[sflag:s15] =	ssyncadd.s32 $0xFFFFC000  }
0x292: {  	_ =	swait.ge [sflag:s15], $0x4000  }
0x293: {  	[sflag:s15] =	ssyncset.done $0x0  }
0x294: {  	s26 =	rddreg [dreg:$0x4];
	[sflag:s15] =	ssyncadd.s32 $0xFFFFC000  }
0x295: {  	[hbm4b:s26+s1] =	stream.linear.scatter [tilespmem:s23], [sflag:$0x5], $0x4000, $0x38;
	[tilespmem:$0x13180] =	vst v63  }
0x296: {  	s28 =	rddreg [dreg:$0x5]  }
0x297: {  	[hbm4b:s28+s1] =	stream.linear.scatter [tilespmem:s11], [sflag:$0x5], $0x4000, $0x38;
	[tilespmem:$0x13180] =	vst v63  }
0x298: {  	_ =	swait.ge [sflag:s31], $0x4000  }
.Ltmp7:
0x299: {  	[sflag:s31] =	ssyncset.done $0x0;
	(pc) =	sbr.rel .LBB2_11-.Ltmp7, $4  }
0x29a: {  	[sflag:s31] =	ssyncadd.s32 $0xFFFFC000  }
0x29b: {  	_ =	swait.ge [sflag:s31], $0x4000  }
0x29c: {  	[sflag:s31] =	ssyncset.done $0x0  }
0x29d: {  	[sflag:s31] =	ssyncadd.s32 $0xFFFFC000  }
.LBB2_12:
0x29e: {  	_ =	sfence.sel $0x180000  }
0x29f: {  	[bflag:$0x0] =	sbarrier.arrive $0xFFFF  }
0x2a0: {  	_ =	strace $0x9000004A  }
0x2a1: {  	s0 =	stileid.u32;
	[bflag:$0x2] =	sbarrier.arrive $0xFFFF  }
0x2a2: {  	p0 =	sne.s32 s0, $0x0;
	s0 =	rddreg [dreg:$0x1]  }
0x2a3: {  	s0 =	sadd.s32 @!p0 $0x100000, s0  }
0x2a4: {  	[sflag:s0] =	ssyncadd.tile.s32 @!p0 $0x1;
	_ =	shalt  }
.Lfunc_end2:
_tile_overlayer_lowered:
.L_overlay_start_2:
0x2a5: {  	(tag) =	ssettag $0x2  }
0x2a6: {  	s0 =	rddreg [dreg:$0x0];
	s2 =	stileid.u32  }
0x2a7: {  	s1 =	rddreg [dreg:$0x1];
	p0 =	sne.s32 s2, $0x0  }
0x2a8: {  	s3 =	rddreg [dreg:$0x2];
	[bflag:$0x3] =	sbarrier.arrive $0xFFFF;
	s2 =	simm.s32 @!p0 $0x1C07  }
0x2a9: {  	[timem:s3], [sflag:s2] =	dma.local @!p0 [hbm:s0], s1  }
0x2aa: {  	s0 =	simm.s32 @!p0 $0x7  }
0x2ab: {  	_ =	swait.ge @!p0 [sflag:s0], s1  }
0x2ac: {  	s1 =	ssub.s32 @!p0 $0x0, s1;
	[sflag:s0] =	ssyncset.done @!p0 $0x0  }
0x2ad: {  	[sflag:s0] =	ssyncadd.s32 @!p0 s1  }
0x2ae: {  	[bflag:$0x3] =	sbarrier.arrive $0xFFFF  }
0x2af: {  	_ =	shalt  }

</sc_bundles>
